<compile_context>
chip_gen: v7x
topology: tpu7x:2x2x1
jax: 0.10.2.dev20260603
libtpu: 0.0.44.dev20260713+nightly
codegen_flags: <defaults>
</compile_context>

<pallas_src>
import functools

import jax
import jax.numpy as jnp
from jax import lax
from jax.experimental import pallas as pl
from jax.experimental.pallas import tpu as pltpu
from jax.experimental.pallas import tpu_sc as plsc

N = 10000
E = 160000
D_FEAT = 128
D_EDGE = 16
DH = 64
STEPS = 3

NC, NS = 2, 16
NW = NC * NS
CH = 128
EP = 163840
CPW = EP // NW
NCHUNK = CPW // CH
NACC = 10240
RPS = NACC // NS

BE = 4096
BN = 2000

def _dot(a, b):
    return jnp.dot(a, b, preferred_element_type=jnp.float32)



@functools.cache
def _build_sc_gather():
    mesh = plsc.VectorSubcoreMesh(core_axis_name="c", subcore_axis_name="s")

    @functools.partial(
        pl.kernel,
        mesh=mesh,
        out_type=jax.ShapeDtypeStruct((EP, DH), jnp.float32),
        scratch_types=[
            pltpu.VMEM((CH,), jnp.int32),
            pltpu.VMEM((CH,), jnp.int32),
            pltpu.VMEM((CH,), jnp.int32),
            pltpu.VMEM((CH,), jnp.int32),
            pltpu.VMEM((CH, 2 * DH), jnp.float32),
            pltpu.VMEM((CH, 2 * DH), jnp.float32),
            pltpu.VMEM((CH, 2 * DH), jnp.float32),
            pltpu.VMEM((CH, 2 * DH), jnp.float32),
            pltpu.VMEM((CH, DH), jnp.float32),
            pltpu.VMEM((CH, DH), jnp.float32),
            pltpu.SemaphoreType.DMA,
            pltpu.SemaphoreType.DMA,
        ],
    )
    def k(t_hbm, s_hbm, r_hbm, o_hbm,
          si_a, ri_a, si_b, ri_b, ps_a, qr_a, ps_b, qr_b, o_a, o_b, sga, sgb):
        wid = lax.axis_index("s") * jnp.int32(NC) + lax.axis_index("c")
        base = wid * jnp.int32(CPW)

        def start(cidx, si_v, ri_v, ps_v, qr_v, sem):
            off = base + cidx * jnp.int32(CH)
            pltpu.sync_copy(s_hbm.at[pl.ds(off, CH)], si_v)
            pltpu.sync_copy(r_hbm.at[pl.ds(off, CH)], ri_v)
            pltpu.async_copy(t_hbm.at[si_v], ps_v, sem)
            pltpu.async_copy(t_hbm.at[ri_v], qr_v, sem)

        def finish(cidx, ps_v, qr_v, o_v, sem):
            pltpu.make_async_copy(t_hbm.at[pl.ds(0, CH)], ps_v, sem).wait()
            pltpu.make_async_copy(t_hbm.at[pl.ds(0, CH)], qr_v, sem).wait()

            @pl.loop(0, CH)
            def _(r):
                @pl.loop(0, DH // 16)
                def _(c):
                    cc = c * jnp.int32(16)
                    o_v[r, pl.ds(cc, 16)] = (
                        ps_v[r, pl.ds(cc, 16)]
                        + qr_v[r, pl.ds(cc + jnp.int32(DH), 16)])

            off = base + cidx * jnp.int32(CH)
            pltpu.sync_copy(o_v, o_hbm.at[pl.ds(off, CH)])

        start(jnp.int32(0), si_a, ri_a, ps_a, qr_a, sga)

        @pl.loop(0, NCHUNK // 2)
        def _(j):
            c0 = j * jnp.int32(2)
            start(c0 + jnp.int32(1), si_b, ri_b, ps_b, qr_b, sgb)
            finish(c0, ps_a, qr_a, o_a, sga)

            @pl.when(j < jnp.int32(NCHUNK // 2 - 1))
            def _():
                start(c0 + jnp.int32(2), si_a, ri_a, ps_a, qr_a, sga)

            finish(c0 + jnp.int32(1), ps_b, qr_b, o_b, sgb)

    return k


def _sc_gather(t_tab, sidx, ridx):
    return _build_sc_gather()(t_tab, sidx, ridx)


@functools.cache
def _build_sc_scatter():
    mesh = plsc.VectorSubcoreMesh(core_axis_name="c", subcore_axis_name="s")

    WD = 2 * DH

    @functools.partial(
        pl.kernel,
        mesh=mesh,
        out_type=jax.ShapeDtypeStruct((NC, NACC, WD), jnp.float32),
        scratch_types=[
            pltpu.VMEM((CH,), jnp.int32),
            pltpu.VMEM((CH, WD), jnp.float32),
            pltpu.VMEM_SHARED((NACC, WD), jnp.float32),
        ],
    )
    def k(e_hbm, r2_hbm, z_hbm, out_hbm, ri_v, e_v, acc_sh):
        cid = lax.axis_index("c")
        sid = lax.axis_index("s")
        wid = sid * jnp.int32(NC) + cid
        accbase = sid * jnp.int32(RPS)

        pltpu.sync_copy(z_hbm, acc_sh.at[pl.ds(accbase, RPS)])

        plsc.subcore_barrier()

        @pl.loop(0, NCHUNK)
        def _(i):
            row = wid * jnp.int32(NCHUNK) + i
            off = wid * jnp.int32(CPW) + i * jnp.int32(CH)
            pltpu.sync_copy(r2_hbm.at[row], ri_v)
            pltpu.sync_copy(e_hbm.at[pl.ds(off, CH)], e_v)
            pltpu.sync_copy(e_v, acc_sh.at[ri_v], add=True)

        plsc.subcore_barrier()
        pltpu.sync_copy(acc_sh.at[pl.ds(accbase, RPS)],
                        out_hbm.at[cid, pl.ds(accbase, RPS)])

    return k


def _sc_scatter(edges, ridx):
    zeros = jnp.zeros((RPS, 2 * DH), jnp.float32)
    r2 = ridx.reshape(EP // CH, CH)
    return _build_sc_scatter()(edges, r2, zeros)



def _pq_call(nodes, wpq):
    n, dn = nodes.shape

    def body(x_ref, w_ref, t_ref):
        t_ref[...] = _dot(x_ref[...], w_ref[...])

    return pl.pallas_call(
        body,
        grid=(n // BN,),
        in_specs=[
            pl.BlockSpec((BN, dn), lambda i: (i, 0)),
            pl.BlockSpec((dn, 2 * DH), lambda i: (0, 0)),
        ],
        out_specs=pl.BlockSpec((BN, 2 * DH), lambda i: (i, 0)),
        out_shape=jax.ShapeDtypeStruct((n, 2 * DH), jnp.float32),
    )(nodes, wpq)


def _edge_call(edges, spq, w0e, b0, w1, b1, w2, b2, ln_s, ln_b):
    de = edges.shape[1]
    has_ln = ln_s is not None

    def body(e_ref, p_ref, w0_ref, b0_ref, w1_ref, b1_ref,
             w2_ref, b2_ref, *rest):
        if has_ln:
            ls_ref, lb_ref, o_ref = rest
        else:
            (o_ref,) = rest
        e = e_ref[...]
        if has_ln:
            e = e[:, :DH]
            mu = jnp.mean(e, axis=1, keepdims=True)
            var = jnp.mean((e - mu) ** 2, axis=1, keepdims=True)
            e = (e - mu) * lax.rsqrt(var + 1e-6) * ls_ref[...] + lb_ref[...]
        h = _dot(e, w0_ref[...]) + p_ref[...] + b0_ref[...]
        h = jax.nn.gelu(h)
        h = jax.nn.gelu(_dot(h, w1_ref[...]) + b1_ref[...])
        out = _dot(h, w2_ref[...]) + b2_ref[...]
        o_ref[...] = jnp.concatenate([out, jnp.zeros_like(out)], axis=1)

    args = [edges, spq, w0e, b0.reshape(1, DH), w1, b1.reshape(1, DH),
            w2, b2.reshape(1, DH)]
    dw = w0e.shape[0]
    in_specs = [
        pl.BlockSpec((BE, de), lambda i: (i, 0)),
        pl.BlockSpec((BE, DH), lambda i: (i, 0)),
        pl.BlockSpec((dw, DH), lambda i: (0, 0)),
        pl.BlockSpec((1, DH), lambda i: (0, 0)),
        pl.BlockSpec((DH, DH), lambda i: (0, 0)),
        pl.BlockSpec((1, DH), lambda i: (0, 0)),
        pl.BlockSpec((DH, DH), lambda i: (0, 0)),
        pl.BlockSpec((1, DH), lambda i: (0, 0)),
    ]
    if has_ln:
        args += [ln_s.reshape(1, DH), ln_b.reshape(1, DH)]
        in_specs += [pl.BlockSpec((1, DH), lambda i: (0, 0)),
                     pl.BlockSpec((1, DH), lambda i: (0, 0))]

    return pl.pallas_call(
        body,
        grid=(EP // BE,),
        in_specs=in_specs,
        out_specs=pl.BlockSpec((BE, 2 * DH), lambda i: (i, 0)),
        out_shape=jax.ShapeDtypeStruct((EP, 2 * DH), jnp.float32),
    )(*args)


def _node_call(nodes, acc, wa, wb, b0, w1, b1, w2, b2, ln_s, ln_b, wpq_next):
    n, dn = nodes.shape
    has_pq = wpq_next is not None

    def body(x_ref, a_ref, wa_ref, wb_ref, b0_ref, w1_ref, b1_ref,
             w2_ref, b2_ref, ls_ref, lb_ref, *rest):
        if has_pq:
            wpq_ref, o_ref, t_ref = rest
        else:
            (o_ref,) = rest
        rec = a_ref[0][:, :DH] + a_ref[1][:, :DH]
        h = _dot(x_ref[...], wa_ref[...]) + _dot(rec, wb_ref[...]) + b0_ref[...]
        h = jax.nn.gelu(h)
        h = jax.nn.gelu(_dot(h, w1_ref[...]) + b1_ref[...])
        h = _dot(h, w2_ref[...]) + b2_ref[...]
        mu = jnp.mean(h, axis=1, keepdims=True)
        var = jnp.mean((h - mu) ** 2, axis=1, keepdims=True)
        h = (h - mu) * lax.rsqrt(var + 1e-6) * ls_ref[...] + lb_ref[...]
        o_ref[...] = h
        if has_pq:
            t_ref[...] = _dot(h, wpq_ref[...])

    args = [nodes, acc, wa, wb, b0.reshape(1, DH), w1, b1.reshape(1, DH),
            w2, b2.reshape(1, DH), ln_s.reshape(1, DH), ln_b.reshape(1, DH)]
    in_specs = [
        pl.BlockSpec((BN, dn), lambda i: (i, 0)),
        pl.BlockSpec((NC, BN, 2 * DH), lambda i: (0, i, 0)),
        pl.BlockSpec((dn, DH), lambda i: (0, 0)),
        pl.BlockSpec((DH, DH), lambda i: (0, 0)),
        pl.BlockSpec((1, DH), lambda i: (0, 0)),
        pl.BlockSpec((DH, DH), lambda i: (0, 0)),
        pl.BlockSpec((1, DH), lambda i: (0, 0)),
        pl.BlockSpec((DH, DH), lambda i: (0, 0)),
        pl.BlockSpec((1, DH), lambda i: (0, 0)),
        pl.BlockSpec((1, DH), lambda i: (0, 0)),
        pl.BlockSpec((1, DH), lambda i: (0, 0)),
    ]
    out_specs = [pl.BlockSpec((BN, DH), lambda i: (i, 0))]
    out_shape = [jax.ShapeDtypeStruct((n, DH), jnp.float32)]
    if has_pq:
        args += [wpq_next]
        in_specs += [pl.BlockSpec((DH, 2 * DH), lambda i: (0, 0))]
        out_specs += [pl.BlockSpec((BN, 2 * DH), lambda i: (i, 0))]
        out_shape += [jax.ShapeDtypeStruct((n, 2 * DH), jnp.float32)]

    res = pl.pallas_call(
        body,
        grid=(n // BN,),
        in_specs=in_specs,
        out_specs=out_specs,
        out_shape=out_shape,
    )(*args)
    return res if has_pq else (res[0], None)


def _readout_call(nodes, ws, bs):
    def body(x_ref, w0_ref, b0_ref, w1_ref, b1_ref, w2_ref, b2_ref, o_ref):
        agg = jnp.sum(x_ref[...], axis=0, keepdims=True) * (1.0 / N)
        h = jax.nn.gelu(_dot(agg, w0_ref[...]) + b0_ref[...])
        h = jax.nn.gelu(_dot(h, w1_ref[...]) + b1_ref[...])
        o_ref[...] = _dot(h, w2_ref[...]) + b2_ref[...]

    return pl.pallas_call(
        body,
        out_shape=jax.ShapeDtypeStruct((1, 1), jnp.float32),
    )(nodes, ws[0], bs[0].reshape(1, -1), ws[1], bs[1].reshape(1, -1),
      ws[2], bs[2].reshape(1, 1))



def kernel(x, edge_index, edge_attr, params):
    with jax.enable_x64(False):
        return _kernel_x32(x, edge_index, edge_attr, params)


def _kernel_x32(x, edge_index, edge_attr, params):
    x = x.astype(jnp.float32)
    senders = edge_index[0].astype(jnp.int32)
    receivers = edge_index[1].astype(jnp.int32)
    pad = EP - E
    sidx = jnp.concatenate([senders, jnp.zeros((pad,), jnp.int32)])
    ridx_g = jnp.concatenate([receivers, jnp.zeros((pad,), jnp.int32)])
    ridx_s = jnp.concatenate([receivers, jnp.full((pad,), N, jnp.int32)])
    edges = jnp.concatenate(
        [edge_attr.astype(jnp.float32), jnp.zeros((pad, D_EDGE), jnp.float32)])

    nodes = x
    t_tab = None
    for s in range(STEPS):
        w0 = params["edge_W"][s][0]
        de = D_EDGE if s == 0 else DH
        dn = D_FEAT if s == 0 else DH
        w0e = w0[:de]
        if s == 0:
            t_tab = _pq_call(
                x, jnp.concatenate([w0[de:de + dn], w0[de + dn:]], axis=1))
        spq = _sc_gather(t_tab, sidx, ridx_g)
        ln_s = params["ln_e_scale"][s - 1] if s > 0 else None
        ln_b = params["ln_e_bias"][s - 1] if s > 0 else None
        edges = _edge_call(
            edges, spq, w0e,
            params["edge_b"][s][0], params["edge_W"][s][1],
            params["edge_b"][s][1], params["edge_W"][s][2],
            params["edge_b"][s][2], ln_s, ln_b)
        acc = _sc_scatter(edges, ridx_s)
        wn0 = params["node_W"][s][0]
        if s < STEPS - 1:
            w0n = params["edge_W"][s + 1][0]
            wpq_next = jnp.concatenate([w0n[DH:2 * DH], w0n[2 * DH:]], axis=1)
        else:
            wpq_next = None
        nodes, t_tab = _node_call(
            nodes, acc, wn0[:dn], wn0[dn:],
            params["node_b"][s][0], params["node_W"][s][1],
            params["node_b"][s][1], params["node_W"][s][2],
            params["node_b"][s][2],
            params["ln_n_scale"][s], params["ln_n_bias"][s],
            wpq_next)

    out = _readout_call(nodes, params["ro_W"], params["ro_b"])
    return (out.reshape(1), None)

# --- scband reference (transcript-rebuilt; emitter-appended) ---
"""Pipeline reference for scband-gnn-3212635537491 (READ-ONLY COPY).

The authoritative reference and input builder live on the scoring server;
editing this copy changes nothing except your own understanding.
"""

import jax, jax.numpy as jnp
import numpy as np

jax.config.update("jax_enable_x64", True)

N = 10000
E = 160000
D_FEAT = 128
D_EDGE = 16
D_HIDDEN = 64
N_LAYERS = 3
STEPS = 3


def _mlp_params(key, dims):
    Ws, bs = [], []
    for i in range(len(dims) - 1):
        key, k1 = jax.random.split(key)
        Ws.append(jax.random.normal(k1, (dims[i], dims[i + 1]), dtype=jnp.float32) / jnp.sqrt(float(dims[i])))
        bs.append(jnp.zeros((dims[i + 1],), dtype=jnp.float32))
    return Ws, bs, key


def setup_inputs(seed: int = 0) -> dict:
    key = jax.random.key(seed)
    ks = jax.random.split(key, 4)
    x = jax.random.normal(ks[0], (N, D_FEAT), dtype=jnp.float32)
    edge_index = jax.random.randint(ks[1], (2, E), 0, N, dtype=jnp.int64)
    edge_attr = jax.random.normal(ks[2], (E, D_EDGE), dtype=jnp.float32)
    params = {"edge_W": [], "edge_b": [], "node_W": [], "node_b": [],
              "ln_n_scale": [], "ln_n_bias": [], "ln_e_scale": [], "ln_e_bias": []}
    pkey = ks[3]
    for s in range(STEPS):
        e_in = (D_EDGE + 2 * D_FEAT) if s == 0 else 3 * D_HIDDEN
        n_in = (D_FEAT + D_HIDDEN) if s == 0 else 2 * D_HIDDEN
        Ws, bs, pkey = _mlp_params(pkey, [e_in] + [D_HIDDEN] * N_LAYERS)
        params["edge_W"].append(Ws); params["edge_b"].append(bs)
        Ws, bs, pkey = _mlp_params(pkey, [n_in] + [D_HIDDEN] * N_LAYERS)
        params["node_W"].append(Ws); params["node_b"].append(bs)
        params["ln_n_scale"].append(jnp.ones((D_HIDDEN,), jnp.float32))
        params["ln_n_bias"].append(jnp.zeros((D_HIDDEN,), jnp.float32))
        params["ln_e_scale"].append(jnp.ones((D_HIDDEN,), jnp.float32))
        params["ln_e_bias"].append(jnp.zeros((D_HIDDEN,), jnp.float32))
    Ws, bs, pkey = _mlp_params(pkey, [D_HIDDEN, 8 * D_HIDDEN, 2 * D_HIDDEN, 1])
    params["ro_W"] = Ws; params["ro_b"] = bs
    return {"x": x, "edge_index": edge_index, "edge_attr": edge_attr, "params": params}


def _mlp(Ws, bs, h):
    for i in range(len(Ws)):
        h = h @ Ws[i] + bs[i]
        if i < len(Ws) - 1:
            h = jax.nn.gelu(h)
    return h


def _layer_norm(h, scale, bias, eps=1e-6):
    mu = jnp.mean(h, axis=-1, keepdims=True)
    var = jnp.var(h, axis=-1, keepdims=True)
    return (h - mu) * jax.lax.rsqrt(var + eps) * scale + bias


def _forward(x, edge_attr, params, senders, receivers):
    nodes, edges = x, edge_attr
    n = nodes.shape[0]
    for s in range(STEPS):
        # jraph.GraphNetwork: edge update first, using gathered sender/receiver node feats
        e_in = jnp.concatenate([edges, nodes[senders], nodes[receivers]], axis=1)
        edges = _mlp(params["edge_W"][s], params["edge_b"][s], e_in)
        # aggregate updated edges to receiver nodes (segment_sum)
        received = jax.ops.segment_sum(edges, receivers, num_segments=n)
        n_in = jnp.concatenate([nodes, received], axis=1)
        nodes = _mlp(params["node_W"][s], params["node_b"][s], n_in)
        nodes = _layer_norm(nodes, params["ln_n_scale"][s], params["ln_n_bias"][s])
        edges = _layer_norm(edges, params["ln_e_scale"][s], params["ln_e_bias"][s])
    agg = jnp.mean(nodes, axis=0)
    out = _mlp(params["ro_W"], params["ro_b"], agg)
    return out


def reference(x, edge_index, edge_attr, params):
    senders, receivers = edge_index[0], edge_index[1]
    out = _forward(x, edge_attr, params, senders, receivers)
    return (out, None)

if __name__ == "__main__":
    import jax
    _d = setup_inputs()
    print(jax.jit(kernel)(*tuple(_d.values())))

</pallas_src>

<mosaic_0001>
#map = affine_map<(d0, d1) -> (0, 0)>
#map1 = affine_map<(d0, d1) -> (0, 0, 0)>
module attributes {stable_mosaic.version = 14 : i64} {
  func.func @k(%arg0: i32, %arg1: i32, %arg2: memref<163840x128xf32, #tpu.memory_space<hbm>>, %arg3: memref<1280x128xi32, #tpu.memory_space<hbm>>, %arg4: memref<640x128xf32, #tpu.memory_space<hbm>>, %arg5: memref<2x10240x128xf32, #tpu.memory_space<hbm>>, %arg6: memref<128xi32, #tpu.memory_space<vmem>>, %arg7: memref<128x128xf32, #tpu.memory_space<vmem>>, %arg8: memref<10240x128xf32, #tpu.memory_space<vmem_shared>>) attributes {dimension_semantics = [#tpu.dimension_semantics<core_parallel>, #tpu.dimension_semantics<subcore_parallel>], iteration_bounds = array<i64: 2, 16>, scalar_prefetch = 0 : i64, scratch_operands = 3 : i64, tpu.core_type = #tpu.core_type<sc_vector_subcore>, window_params = [{transform_indices = #map}, {transform_indices = #map}, {transform_indices = #map}, {transform_indices = #map1}]} {
    %mul3A = arith.constant 2 : i32
    %mul3A_0 = arith.muli %arg1, %mul3A : i32
    %add3A = arith.addi %mul3A_0, %arg0 : i32
    %mul3A_1 = arith.constant 640 : i32
    %mul3A_2 = arith.muli %arg1, %mul3A_1 : i32
    "tpu.region"() ({
      %run_scoped3A = tpu.sem_alloc : memref<!tpu.dma_semaphore, #tpu.memory_space<semaphore_mem>>
      %dma_start3A = arith.constant 0 : i32
      %dma_start3A_8 = tpu.memref_slice %arg8[%mul3A_2, %dma_start3A] : memref<10240x128xf32, #tpu.memory_space<vmem_shared>> -> memref<640x128xf32, #tpu.memory_space<vmem_shared>>
      tpu.enqueue_dma source(%arg4 : memref<640x128xf32, #tpu.memory_space<hbm>>) target(%dma_start3A_8 : memref<640x128xf32, #tpu.memory_space<vmem_shared>>) target_semaphore(%run_scoped3A : memref<!tpu.dma_semaphore, #tpu.memory_space<semaphore_mem>>)
      %dma_wait3A = arith.constant 0 : i32
      %dma_wait3A_9 = tpu.memref_slice %arg8[%mul3A_2, %dma_wait3A] : memref<10240x128xf32, #tpu.memory_space<vmem_shared>> -> memref<640x128xf32, #tpu.memory_space<vmem_shared>>
      tpu.wait_dma2 semaphore(%run_scoped3A : memref<!tpu.dma_semaphore, #tpu.memory_space<semaphore_mem>>) src(%arg4 : memref<640x128xf32, #tpu.memory_space<hbm>>) dst(%dma_wait3A_9 : memref<640x128xf32, #tpu.memory_space<vmem_shared>>)
      tpu.yield
    }) : () -> ()
    %barrier3A = arith.constant 0 : index
    tpu.barrier barrier_id(%barrier3A)
    %scan3A = arith.constant 0 : i32
    %scan3A_3 = arith.constant 40 : i32
    %scan3A_4 = arith.addi %scan3A, %scan3A_3 : i32
    %scan3A_5 = arith.constant 1 : i32
    scf.for %scan3A_8 = %scan3A to %scan3A_4 step %scan3A_5  : i32 {
      %mul3A_9 = arith.constant 1 : i32
      %mul3A_10 = arith.muli %scan3A_8, %mul3A_9 : i32
      %add3A_11 = arith.constant 0 : i32
      %add3A_12 = arith.addi %add3A_11, %mul3A_10 : i32
      %mul3A_13 = arith.constant 40 : i32
      %mul3A_14 = arith.muli %add3A, %mul3A_13 : i32
      %add3A_15 = arith.addi %mul3A_14, %add3A_12 : i32
      %mul3A_16 = arith.constant 5120 : i32
      %mul3A_17 = arith.muli %add3A, %mul3A_16 : i32
      %mul3A_18 = arith.constant 128 : i32
      %mul3A_19 = arith.muli %add3A_12, %mul3A_18 : i32
      %add3A_20 = arith.addi %mul3A_17, %mul3A_19 : i32
      "tpu.region"() ({
        %run_scoped3A = tpu.sem_alloc : memref<!tpu.dma_semaphore, #tpu.memory_space<semaphore_mem>>
        %dma_start3A = arith.constant 0 : i32
        %dma_start3A_21 = tpu.memref_slice %arg3[%add3A_15, %dma_start3A] : memref<1280x128xi32, #tpu.memory_space<hbm>> -> memref<1x128xi32, #tpu.memory_space<hbm>>
        %dma_start3A_22 = tpu.memref_squeeze %dma_start3A_21 : memref<1x128xi32, #tpu.memory_space<hbm>> -> memref<128xi32, #tpu.memory_space<hbm>>
        %dma_start3A_23 = arith.constant 0 : i32
        %dma_start3A_24 = tpu.memref_slice %arg3[%add3A_15, %dma_start3A_23] : memref<1280x128xi32, #tpu.memory_space<hbm>> -> memref<1x128xi32, #tpu.memory_space<hbm>>
        %dma_start3A_25 = tpu.memref_squeeze %dma_start3A_24 : memref<1x128xi32, #tpu.memory_space<hbm>> -> memref<128xi32, #tpu.memory_space<hbm>>
        tpu.enqueue_dma source(%dma_start3A_25 : memref<128xi32, #tpu.memory_space<hbm>>) target(%arg6 : memref<128xi32, #tpu.memory_space<vmem>>) target_semaphore(%run_scoped3A : memref<!tpu.dma_semaphore, #tpu.memory_space<semaphore_mem>>)
        %dma_wait3A = arith.constant 0 : i32
        %dma_wait3A_26 = tpu.memref_slice %arg3[%add3A_15, %dma_wait3A] : memref<1280x128xi32, #tpu.memory_space<hbm>> -> memref<1x128xi32, #tpu.memory_space<hbm>>
        %dma_wait3A_27 = tpu.memref_squeeze %dma_wait3A_26 : memref<1x128xi32, #tpu.memory_space<hbm>> -> memref<128xi32, #tpu.memory_space<hbm>>
        %dma_wait3A_28 = arith.constant 0 : i32
        %dma_wait3A_29 = tpu.memref_slice %arg3[%add3A_15, %dma_wait3A_28] : memref<1280x128xi32, #tpu.memory_space<hbm>> -> memref<1x128xi32, #tpu.memory_space<hbm>>
        %dma_wait3A_30 = tpu.memref_squeeze %dma_wait3A_29 : memref<1x128xi32, #tpu.memory_space<hbm>> -> memref<128xi32, #tpu.memory_space<hbm>>
        tpu.wait_dma2 semaphore(%run_scoped3A : memref<!tpu.dma_semaphore, #tpu.memory_space<semaphore_mem>>) src(%dma_wait3A_30 : memref<128xi32, #tpu.memory_space<hbm>>) dst(%arg6 : memref<128xi32, #tpu.memory_space<vmem>>)
        tpu.yield
      }) : () -> ()
      "tpu.region"() ({
        %run_scoped3A = tpu.sem_alloc : memref<!tpu.dma_semaphore, #tpu.memory_space<semaphore_mem>>
        %dma_start3A = arith.constant 0 : i32
        %dma_start3A_21 = tpu.memref_slice %arg2[%add3A_20, %dma_start3A] : memref<163840x128xf32, #tpu.memory_space<hbm>> -> memref<128x128xf32, #tpu.memory_space<hbm>>
        %dma_start3A_22 = arith.constant 0 : i32
        %dma_start3A_23 = tpu.memref_slice %arg2[%add3A_20, %dma_start3A_22] : memref<163840x128xf32, #tpu.memory_space<hbm>> -> memref<128x128xf32, #tpu.memory_space<hbm>>
        tpu.enqueue_dma source(%dma_start3A_23 : memref<128x128xf32, #tpu.memory_space<hbm>>) target(%arg7 : memref<128x128xf32, #tpu.memory_space<vmem>>) target_semaphore(%run_scoped3A : memref<!tpu.dma_semaphore, #tpu.memory_space<semaphore_mem>>)
        %dma_wait3A = arith.constant 0 : i32
        %dma_wait3A_24 = tpu.memref_slice %arg2[%add3A_20, %dma_wait3A] : memref<163840x128xf32, #tpu.memory_space<hbm>> -> memref<128x128xf32, #tpu.memory_space<hbm>>
        %dma_wait3A_25 = arith.constant 0 : i32
        %dma_wait3A_26 = tpu.memref_slice %arg2[%add3A_20, %dma_wait3A_25] : memref<163840x128xf32, #tpu.memory_space<hbm>> -> memref<128x128xf32, #tpu.memory_space<hbm>>
        tpu.wait_dma2 semaphore(%run_scoped3A : memref<!tpu.dma_semaphore, #tpu.memory_space<semaphore_mem>>) src(%dma_wait3A_26 : memref<128x128xf32, #tpu.memory_space<hbm>>) dst(%arg7 : memref<128x128xf32, #tpu.memory_space<vmem>>)
        tpu.yield
      }) : () -> ()
      "tpu.region"() ({
        %run_scoped3A = tpu.sem_alloc : memref<!tpu.dma_semaphore, #tpu.memory_space<semaphore_mem>>
        %dma_start3A = arith.constant 0 : i32
        %dma_start3A_21 = arith.constant 0 : i32
        %dma_start3A_22 = tpu.memref_slice %arg8[%dma_start3A, %dma_start3A_21] : memref<10240x128xf32, #tpu.memory_space<vmem_shared>> -> memref<10240x128xf32, #tpu.memory_space<vmem_shared>>
        tpu.enqueue_indirect_dma source(%arg7 : memref<128x128xf32, #tpu.memory_space<vmem>>) target(%dma_start3A_22 : memref<10240x128xf32, #tpu.memory_space<vmem_shared>>) offsets(%arg6 : memref<128xi32, #tpu.memory_space<vmem>>) semaphore(%run_scoped3A : memref<!tpu.dma_semaphore, #tpu.memory_space<semaphore_mem>>) {add = true}
        %dma_wait3A = arith.constant 0 : i32
        %dma_wait3A_23 = arith.constant 0 : i32
        %dma_wait3A_24 = tpu.memref_slice %arg8[%dma_wait3A, %dma_wait3A_23] : memref<10240x128xf32, #tpu.memory_space<vmem_shared>> -> memref<10240x128xf32, #tpu.memory_space<vmem_shared>>
        tpu.wait_indirect_dma semaphore(%run_scoped3A : memref<!tpu.dma_semaphore, #tpu.memory_space<semaphore_mem>>) src(%arg7 : memref<128x128xf32, #tpu.memory_space<vmem>>) dst(%dma_wait3A_24 : memref<10240x128xf32, #tpu.memory_space<vmem_shared>>)
        tpu.yield
      }) : () -> ()
    }
    %scan3A_6 = arith.constant 40 : i32
    %barrier3A_7 = arith.constant 0 : index
    tpu.barrier barrier_id(%barrier3A_7)
    "tpu.region"() ({
      %run_scoped3A = tpu.sem_alloc : memref<!tpu.dma_semaphore, #tpu.memory_space<semaphore_mem>>
      %dma_start3A = arith.constant 0 : i32
      %dma_start3A_8 = tpu.memref_slice %arg5[%arg0, %mul3A_2, %dma_start3A] : memref<2x10240x128xf32, #tpu.memory_space<hbm>> -> memref<1x640x128xf32, #tpu.memory_space<hbm>>
      %dma_start3A_9 = tpu.memref_squeeze %dma_start3A_8 : memref<1x640x128xf32, #tpu.memory_space<hbm>> -> memref<640x128xf32, #tpu.memory_space<hbm>>
      %dma_start3A_10 = arith.constant 0 : i32
      %dma_start3A_11 = tpu.memref_slice %arg8[%mul3A_2, %dma_start3A_10] : memref<10240x128xf32, #tpu.memory_space<vmem_shared>> -> memref<640x128xf32, #tpu.memory_space<vmem_shared>>
      tpu.enqueue_dma source(%dma_start3A_11 : memref<640x128xf32, #tpu.memory_space<vmem_shared>>) target(%dma_start3A_9 : memref<640x128xf32, #tpu.memory_space<hbm>>) target_semaphore(%run_scoped3A : memref<!tpu.dma_semaphore, #tpu.memory_space<semaphore_mem>>)
      %dma_wait3A = arith.constant 0 : i32
      %dma_wait3A_12 = tpu.memref_slice %arg5[%arg0, %mul3A_2, %dma_wait3A] : memref<2x10240x128xf32, #tpu.memory_space<hbm>> -> memref<1x640x128xf32, #tpu.memory_space<hbm>>
      %dma_wait3A_13 = tpu.memref_squeeze %dma_wait3A_12 : memref<1x640x128xf32, #tpu.memory_space<hbm>> -> memref<640x128xf32, #tpu.memory_space<hbm>>
      %dma_wait3A_14 = arith.constant 0 : i32
      %dma_wait3A_15 = tpu.memref_slice %arg8[%mul3A_2, %dma_wait3A_14] : memref<10240x128xf32, #tpu.memory_space<vmem_shared>> -> memref<640x128xf32, #tpu.memory_space<vmem_shared>>
      tpu.wait_dma2 semaphore(%run_scoped3A : memref<!tpu.dma_semaphore, #tpu.memory_space<semaphore_mem>>) src(%dma_wait3A_15 : memref<640x128xf32, #tpu.memory_space<vmem_shared>>) dst(%dma_wait3A_13 : memref<640x128xf32, #tpu.memory_space<hbm>>)
      tpu.yield
    }) : () -> ()
    return
  }
}

#map = affine_map<(d0, d1) -> (0, 0)>
#map1 = affine_map<(d0, d1) -> (0)>
module attributes {stable_mosaic.version = 14 : i64} {
  func.func @k(%arg0: i32, %arg1: i32, %arg2: memref<10000x128xf32, #tpu.memory_space<hbm>>, %arg3: memref<163840xi32, #tpu.memory_space<hbm>>, %arg4: memref<163840xi32, #tpu.memory_space<hbm>>, %arg5: memref<163840x64xf32, #tpu.memory_space<hbm>>, %arg6: memref<128xi32, #tpu.memory_space<vmem>>, %arg7: memref<128xi32, #tpu.memory_space<vmem>>, %arg8: memref<128xi32, #tpu.memory_space<vmem>>, %arg9: memref<128xi32, #tpu.memory_space<vmem>>, %arg10: memref<128x128xf32, #tpu.memory_space<vmem>>, %arg11: memref<128x128xf32, #tpu.memory_space<vmem>>, %arg12: memref<128x128xf32, #tpu.memory_space<vmem>>, %arg13: memref<128x128xf32, #tpu.memory_space<vmem>>, %arg14: memref<128x64xf32, #tpu.memory_space<vmem>>, %arg15: memref<128x64xf32, #tpu.memory_space<vmem>>, %arg16: memref<!tpu.dma_semaphore, #tpu.memory_space<semaphore_mem>>, %arg17: memref<!tpu.dma_semaphore, #tpu.memory_space<semaphore_mem>>) attributes {dimension_semantics = [#tpu.dimension_semantics<core_parallel>, #tpu.dimension_semantics<subcore_parallel>], iteration_bounds = array<i64: 2, 16>, scalar_prefetch = 0 : i64, scratch_operands = 12 : i64, tpu.core_type = #tpu.core_type<sc_vector_subcore>, window_params = [{transform_indices = #map}, {transform_indices = #map1}, {transform_indices = #map1}, {transform_indices = #map}]} {
    %mul3A = arith.constant 2 : i32
    %mul3A_0 = arith.muli %arg1, %mul3A : i32
    %add3A = arith.addi %mul3A_0, %arg0 : i32
    %mul3A_1 = arith.constant 5120 : i32
    %mul3A_2 = arith.muli %add3A, %mul3A_1 : i32
    %mul3A_3 = arith.constant 0 : i32
    %mul3A_4 = arith.constant 128 : i32
    %mul3A_5 = arith.muli %mul3A_3, %mul3A_4 : i32
    %add3A_6 = arith.addi %mul3A_2, %mul3A_5 : i32
    "tpu.region"() ({
      %run_scoped3A = tpu.sem_alloc : memref<!tpu.dma_semaphore, #tpu.memory_space<semaphore_mem>>
      %dma_start3A_16 = tpu.memref_slice %arg3[%add3A_6] : memref<163840xi32, #tpu.memory_space<hbm>> -> memref<128xi32, #tpu.memory_space<hbm>>
      %dma_start3A_17 = tpu.memref_slice %arg3[%add3A_6] : memref<163840xi32, #tpu.memory_space<hbm>> -> memref<128xi32, #tpu.memory_space<hbm>>
      tpu.enqueue_dma source(%dma_start3A_17 : memref<128xi32, #tpu.memory_space<hbm>>) target(%arg6 : memref<128xi32, #tpu.memory_space<vmem>>) target_semaphore(%run_scoped3A : memref<!tpu.dma_semaphore, #tpu.memory_space<semaphore_mem>>)
      %dma_wait3A = tpu.memref_slice %arg3[%add3A_6] : memref<163840xi32, #tpu.memory_space<hbm>> -> memref<128xi32, #tpu.memory_space<hbm>>
      %dma_wait3A_18 = tpu.memref_slice %arg3[%add3A_6] : memref<163840xi32, #tpu.memory_space<hbm>> -> memref<128xi32, #tpu.memory_space<hbm>>
      tpu.wait_dma2 semaphore(%run_scoped3A : memref<!tpu.dma_semaphore, #tpu.memory_space<semaphore_mem>>) src(%dma_wait3A_18 : memref<128xi32, #tpu.memory_space<hbm>>) dst(%arg6 : memref<128xi32, #tpu.memory_space<vmem>>)
      tpu.yield
    }) : () -> ()
    "tpu.region"() ({
      %run_scoped3A = tpu.sem_alloc : memref<!tpu.dma_semaphore, #tpu.memory_space<semaphore_mem>>
      %dma_start3A_16 = tpu.memref_slice %arg4[%add3A_6] : memref<163840xi32, #tpu.memory_space<hbm>> -> memref<128xi32, #tpu.memory_space<hbm>>
      %dma_start3A_17 = tpu.memref_slice %arg4[%add3A_6] : memref<163840xi32, #tpu.memory_space<hbm>> -> memref<128xi32, #tpu.memory_space<hbm>>
      tpu.enqueue_dma source(%dma_start3A_17 : memref<128xi32, #tpu.memory_space<hbm>>) target(%arg7 : memref<128xi32, #tpu.memory_space<vmem>>) target_semaphore(%run_scoped3A : memref<!tpu.dma_semaphore, #tpu.memory_space<semaphore_mem>>)
      %dma_wait3A = tpu.memref_slice %arg4[%add3A_6] : memref<163840xi32, #tpu.memory_space<hbm>> -> memref<128xi32, #tpu.memory_space<hbm>>
      %dma_wait3A_18 = tpu.memref_slice %arg4[%add3A_6] : memref<163840xi32, #tpu.memory_space<hbm>> -> memref<128xi32, #tpu.memory_space<hbm>>
      tpu.wait_dma2 semaphore(%run_scoped3A : memref<!tpu.dma_semaphore, #tpu.memory_space<semaphore_mem>>) src(%dma_wait3A_18 : memref<128xi32, #tpu.memory_space<hbm>>) dst(%arg7 : memref<128xi32, #tpu.memory_space<vmem>>)
      tpu.yield
    }) : () -> ()
    %dma_start3A = arith.constant 0 : i32
    %dma_start3A_7 = arith.constant 0 : i32
    %dma_start3A_8 = tpu.memref_slice %arg2[%dma_start3A, %dma_start3A_7] : memref<10000x128xf32, #tpu.memory_space<hbm>> -> memref<10000x128xf32, #tpu.memory_space<hbm>>
    tpu.enqueue_indirect_dma source(%dma_start3A_8 : memref<10000x128xf32, #tpu.memory_space<hbm>>) target(%arg10 : memref<128x128xf32, #tpu.memory_space<vmem>>) offsets(%arg6 : memref<128xi32, #tpu.memory_space<vmem>>) semaphore(%arg16 : memref<!tpu.dma_semaphore, #tpu.memory_space<semaphore_mem>>)
    %dma_start3A_9 = arith.constant 0 : i32
    %dma_start3A_10 = arith.constant 0 : i32
    %dma_start3A_11 = tpu.memref_slice %arg2[%dma_start3A_9, %dma_start3A_10] : memref<10000x128xf32, #tpu.memory_space<hbm>> -> memref<10000x128xf32, #tpu.memory_space<hbm>>
    tpu.enqueue_indirect_dma source(%dma_start3A_11 : memref<10000x128xf32, #tpu.memory_space<hbm>>) target(%arg11 : memref<128x128xf32, #tpu.memory_space<vmem>>) offsets(%arg7 : memref<128xi32, #tpu.memory_space<vmem>>) semaphore(%arg16 : memref<!tpu.dma_semaphore, #tpu.memory_space<semaphore_mem>>)
    %scan3A = arith.constant 0 : i32
    %scan3A_12 = arith.constant 20 : i32
    %scan3A_13 = arith.addi %scan3A, %scan3A_12 : i32
    %scan3A_14 = arith.constant 1 : i32
    scf.for %scan3A_16 = %scan3A to %scan3A_13 step %scan3A_14  : i32 {
      %mul3A_17 = arith.constant 1 : i32
      %mul3A_18 = arith.muli %scan3A_16, %mul3A_17 : i32
      %add3A_19 = arith.constant 0 : i32
      %add3A_20 = arith.addi %add3A_19, %mul3A_18 : i32
      %mul3A_21 = arith.constant 2 : i32
      %mul3A_22 = arith.muli %add3A_20, %mul3A_21 : i32
      %add3A_23 = arith.constant 1 : i32
      %add3A_24 = arith.addi %mul3A_22, %add3A_23 : i32
      %mul3A_25 = arith.constant 128 : i32
      %mul3A_26 = arith.muli %add3A_24, %mul3A_25 : i32
      %add3A_27 = arith.addi %mul3A_2, %mul3A_26 : i32
      "tpu.region"() ({
        %run_scoped3A = tpu.sem_alloc : memref<!tpu.dma_semaphore, #tpu.memory_space<semaphore_mem>>
        %dma_start3A_77 = tpu.memref_slice %arg3[%add3A_27] : memref<163840xi32, #tpu.memory_space<hbm>> -> memref<128xi32, #tpu.memory_space<hbm>>
        %dma_start3A_78 = tpu.memref_slice %arg3[%add3A_27] : memref<163840xi32, #tpu.memory_space<hbm>> -> memref<128xi32, #tpu.memory_space<hbm>>
        tpu.enqueue_dma source(%dma_start3A_78 : memref<128xi32, #tpu.memory_space<hbm>>) target(%arg8 : memref<128xi32, #tpu.memory_space<vmem>>) target_semaphore(%run_scoped3A : memref<!tpu.dma_semaphore, #tpu.memory_space<semaphore_mem>>)
        %dma_wait3A_79 = tpu.memref_slice %arg3[%add3A_27] : memref<163840xi32, #tpu.memory_space<hbm>> -> memref<128xi32, #tpu.memory_space<hbm>>
        %dma_wait3A_80 = tpu.memref_slice %arg3[%add3A_27] : memref<163840xi32, #tpu.memory_space<hbm>> -> memref<128xi32, #tpu.memory_space<hbm>>
        tpu.wait_dma2 semaphore(%run_scoped3A : memref<!tpu.dma_semaphore, #tpu.memory_space<semaphore_mem>>) src(%dma_wait3A_80 : memref<128xi32, #tpu.memory_space<hbm>>) dst(%arg8 : memref<128xi32, #tpu.memory_space<vmem>>)
        tpu.yield
      }) : () -> ()
      "tpu.region"() ({
        %run_scoped3A = tpu.sem_alloc : memref<!tpu.dma_semaphore, #tpu.memory_space<semaphore_mem>>
        %dma_start3A_77 = tpu.memref_slice %arg4[%add3A_27] : memref<163840xi32, #tpu.memory_space<hbm>> -> memref<128xi32, #tpu.memory_space<hbm>>
        %dma_start3A_78 = tpu.memref_slice %arg4[%add3A_27] : memref<163840xi32, #tpu.memory_space<hbm>> -> memref<128xi32, #tpu.memory_space<hbm>>
        tpu.enqueue_dma source(%dma_start3A_78 : memref<128xi32, #tpu.memory_space<hbm>>) target(%arg9 : memref<128xi32, #tpu.memory_space<vmem>>) target_semaphore(%run_scoped3A : memref<!tpu.dma_semaphore, #tpu.memory_space<semaphore_mem>>)
        %dma_wait3A_79 = tpu.memref_slice %arg4[%add3A_27] : memref<163840xi32, #tpu.memory_space<hbm>> -> memref<128xi32, #tpu.memory_space<hbm>>
        %dma_wait3A_80 = tpu.memref_slice %arg4[%add3A_27] : memref<163840xi32, #tpu.memory_space<hbm>> -> memref<128xi32, #tpu.memory_space<hbm>>
        tpu.wait_dma2 semaphore(%run_scoped3A : memref<!tpu.dma_semaphore, #tpu.memory_space<semaphore_mem>>) src(%dma_wait3A_80 : memref<128xi32, #tpu.memory_space<hbm>>) dst(%arg9 : memref<128xi32, #tpu.memory_space<vmem>>)
        tpu.yield
      }) : () -> ()
      %dma_start3A_28 = arith.constant 0 : i32
      %dma_start3A_29 = arith.constant 0 : i32
      %dma_start3A_30 = tpu.memref_slice %arg2[%dma_start3A_28, %dma_start3A_29] : memref<10000x128xf32, #tpu.memory_space<hbm>> -> memref<10000x128xf32, #tpu.memory_space<hbm>>
      tpu.enqueue_indirect_dma source(%dma_start3A_30 : memref<10000x128xf32, #tpu.memory_space<hbm>>) target(%arg12 : memref<128x128xf32, #tpu.memory_space<vmem>>) offsets(%arg8 : memref<128xi32, #tpu.memory_space<vmem>>) semaphore(%arg17 : memref<!tpu.dma_semaphore, #tpu.memory_space<semaphore_mem>>)
      %dma_start3A_31 = arith.constant 0 : i32
      %dma_start3A_32 = arith.constant 0 : i32
      %dma_start3A_33 = tpu.memref_slice %arg2[%dma_start3A_31, %dma_start3A_32] : memref<10000x128xf32, #tpu.memory_space<hbm>> -> memref<10000x128xf32, #tpu.memory_space<hbm>>
      tpu.enqueue_indirect_dma source(%dma_start3A_33 : memref<10000x128xf32, #tpu.memory_space<hbm>>) target(%arg13 : memref<128x128xf32, #tpu.memory_space<vmem>>) offsets(%arg9 : memref<128xi32, #tpu.memory_space<vmem>>) semaphore(%arg17 : memref<!tpu.dma_semaphore, #tpu.memory_space<semaphore_mem>>)
      %dma_wait3A = arith.constant 0 : i32
      %dma_wait3A_34 = arith.constant 0 : i32
      %dma_wait3A_35 = tpu.memref_slice %arg2[%dma_wait3A, %dma_wait3A_34] : memref<10000x128xf32, #tpu.memory_space<hbm>> -> memref<128x128xf32, #tpu.memory_space<hbm>>
      %dma_wait3A_36 = arith.constant 0 : i32
      %dma_wait3A_37 = arith.constant 0 : i32
      %dma_wait3A_38 = tpu.memref_slice %arg2[%dma_wait3A_36, %dma_wait3A_37] : memref<10000x128xf32, #tpu.memory_space<hbm>> -> memref<128x128xf32, #tpu.memory_space<hbm>>
      tpu.wait_dma2 semaphore(%arg16 : memref<!tpu.dma_semaphore, #tpu.memory_space<semaphore_mem>>) src(%dma_wait3A_38 : memref<128x128xf32, #tpu.memory_space<hbm>>) dst(%arg10 : memref<128x128xf32, #tpu.memory_space<vmem>>)
      %dma_wait3A_39 = arith.constant 0 : i32
      %dma_wait3A_40 = arith.constant 0 : i32
      %dma_wait3A_41 = tpu.memref_slice %arg2[%dma_wait3A_39, %dma_wait3A_40] : memref<10000x128xf32, #tpu.memory_space<hbm>> -> memref<128x128xf32, #tpu.memory_space<hbm>>
      %dma_wait3A_42 = arith.constant 0 : i32
      %dma_wait3A_43 = arith.constant 0 : i32
      %dma_wait3A_44 = tpu.memref_slice %arg2[%dma_wait3A_42, %dma_wait3A_43] : memref<10000x128xf32, #tpu.memory_space<hbm>> -> memref<128x128xf32, #tpu.memory_space<hbm>>
      tpu.wait_dma2 semaphore(%arg16 : memref<!tpu.dma_semaphore, #tpu.memory_space<semaphore_mem>>) src(%dma_wait3A_44 : memref<128x128xf32, #tpu.memory_space<hbm>>) dst(%arg11 : memref<128x128xf32, #tpu.memory_space<vmem>>)
      %scan3A_45 = arith.constant 0 : i32
      %scan3A_46 = arith.constant 128 : i32
      %scan3A_47 = arith.addi %scan3A_45, %scan3A_46 : i32
      %scan3A_48 = arith.constant 1 : i32
      scf.for %scan3A_77 = %scan3A_45 to %scan3A_47 step %scan3A_48  : i32 {
        %mul3A_78 = arith.constant 1 : i32
        %mul3A_79 = arith.muli %scan3A_77, %mul3A_78 : i32
        %add3A_80 = arith.constant 0 : i32
        %add3A_81 = arith.addi %add3A_80, %mul3A_79 : i32
        %scan3A_82 = arith.constant 0 : i32
        %scan3A_83 = arith.constant 4 : i32
        %scan3A_84 = arith.addi %scan3A_82, %scan3A_83 : i32
        %scan3A_85 = arith.constant 1 : i32
        scf.for %scan3A_87 = %scan3A_82 to %scan3A_84 step %scan3A_85  : i32 {
          %mul3A_88 = arith.constant 1 : i32
          %mul3A_89 = arith.muli %scan3A_87, %mul3A_88 : i32
          %add3A_90 = arith.constant 0 : i32
          %add3A_91 = arith.addi %add3A_90, %mul3A_89 : i32
          %mul3A_92 = arith.constant 16 : i32
          %mul3A_93 = arith.muli %add3A_91, %mul3A_92 : i32
          %get3A = arith.index_cast %add3A_81 : i32 to index
          %get3A_94 = arith.index_cast %mul3A_93 : i32 to index
          %get3A_95 = tpu.vector_load %arg10[%get3A, %get3A_94] {strides = array<i32>} : memref<128x128xf32, #tpu.memory_space<vmem>>, vector<1x16xf32>,
          %get3A_96 = vector.shape_cast %get3A_95 : vector<1x16xf32> to vector<16xf32>
          %add3A_97 = arith.constant 64 : i32
          %add3A_98 = arith.addi %mul3A_93, %add3A_97 : i32
          %get3A_99 = arith.index_cast %add3A_81 : i32 to index
          %get3A_100 = arith.index_cast %add3A_98 : i32 to index
          %get3A_101 = tpu.vector_load %arg11[%get3A_99, %get3A_100] {strides = array<i32>} : memref<128x128xf32, #tpu.memory_space<vmem>>, vector<1x16xf32>,
          %get3A_102 = vector.shape_cast %get3A_101 : vector<1x16xf32> to vector<16xf32>
          %add3A_103 = arith.addf %get3A_96, %get3A_102 : vector<16xf32>
          %swap3A = arith.index_cast %add3A_81 : i32 to index
          %swap3A_104 = arith.index_cast %mul3A_93 : i32 to index
          %swap3A_105 = tpu.vector_load %arg14[%swap3A, %swap3A_104] {strides = array<i32>} : memref<128x64xf32, #tpu.memory_space<vmem>>, vector<1x16xf32>,
          %swap3A_106 = vector.shape_cast %swap3A_105 : vector<1x16xf32> to vector<16xf32>
          %swap3A_107 = vector.shape_cast %add3A_103 : vector<16xf32> to vector<1x16xf32>
          tpu.vector_store %arg14[%swap3A, %swap3A_104], %swap3A_107 {strides = array<i32>} : memref<128x64xf32, #tpu.memory_space<vmem>>, vector<1x16xf32>,
        }
        %scan3A_86 = arith.constant 4 : i32
      }
      %scan3A_49 = arith.constant 128 : i32
      %mul3A_50 = arith.constant 128 : i32
      %mul3A_51 = arith.muli %mul3A_22, %mul3A_50 : i32
      %add3A_52 = arith.addi %mul3A_2, %mul3A_51 : i32
      "tpu.region"() ({
        %run_scoped3A = tpu.sem_alloc : memref<!tpu.dma_semaphore, #tpu.memory_space<semaphore_mem>>
        %dma_start3A_77 = arith.constant 0 : i32
        %dma_start3A_78 = tpu.memref_slice %arg5[%add3A_52, %dma_start3A_77] : memref<163840x64xf32, #tpu.memory_space<hbm>> -> memref<128x64xf32, #tpu.memory_space<hbm>>
        %dma_start3A_79 = arith.constant 0 : i32
        %dma_start3A_80 = tpu.memref_slice %arg5[%add3A_52, %dma_start3A_79] : memref<163840x64xf32, #tpu.memory_space<hbm>> -> memref<128x64xf32, #tpu.memory_space<hbm>>
        tpu.enqueue_dma source(%arg14 : memref<128x64xf32, #tpu.memory_space<vmem>>) target(%dma_start3A_80 : memref<128x64xf32, #tpu.memory_space<hbm>>) target_semaphore(%run_scoped3A : memref<!tpu.dma_semaphore, #tpu.memory_space<semaphore_mem>>)
        %dma_wait3A_81 = arith.constant 0 : i32
        %dma_wait3A_82 = tpu.memref_slice %arg5[%add3A_52, %dma_wait3A_81] : memref<163840x64xf32, #tpu.memory_space<hbm>> -> memref<128x64xf32, #tpu.memory_space<hbm>>
        %dma_wait3A_83 = arith.constant 0 : i32
        %dma_wait3A_84 = tpu.memref_slice %arg5[%add3A_52, %dma_wait3A_83] : memref<163840x64xf32, #tpu.memory_space<hbm>> -> memref<128x64xf32, #tpu.memory_space<hbm>>
        tpu.wait_dma2 semaphore(%run_scoped3A : memref<!tpu.dma_semaphore, #tpu.memory_space<semaphore_mem>>) src(%arg14 : memref<128x64xf32, #tpu.memory_space<vmem>>) dst(%dma_wait3A_84 : memref<128x64xf32, #tpu.memory_space<hbm>>)
        tpu.yield
      }) : () -> ()
      %lt3A = arith.constant 19 : i32
      %lt3A_53 = arith.cmpi slt, %add3A_20, %lt3A : i32
      %convert_element_type3A = arith.extui %lt3A_53 : i1 to i32
      %cond3A = arith.constant 0 : i32
      %cond3A_54 = arith.cmpi ne, %convert_element_type3A, %cond3A : i32
      scf.if %cond3A_54 {
        %add3A_77 = arith.constant 2 : i32
        %add3A_78 = arith.addi %mul3A_22, %add3A_77 : i32
        %mul3A_79 = arith.constant 128 : i32
        %mul3A_80 = arith.muli %add3A_78, %mul3A_79 : i32
        %add3A_81 = arith.addi %mul3A_2, %mul3A_80 : i32
        "tpu.region"() ({
          %run_scoped3A = tpu.sem_alloc : memref<!tpu.dma_semaphore, #tpu.memory_space<semaphore_mem>>
          %dma_start3A_88 = tpu.memref_slice %arg3[%add3A_81] : memref<163840xi32, #tpu.memory_space<hbm>> -> memref<128xi32, #tpu.memory_space<hbm>>
          %dma_start3A_89 = tpu.memref_slice %arg3[%add3A_81] : memref<163840xi32, #tpu.memory_space<hbm>> -> memref<128xi32, #tpu.memory_space<hbm>>
          tpu.enqueue_dma source(%dma_start3A_89 : memref<128xi32, #tpu.memory_space<hbm>>) target(%arg6 : memref<128xi32, #tpu.memory_space<vmem>>) target_semaphore(%run_scoped3A : memref<!tpu.dma_semaphore, #tpu.memory_space<semaphore_mem>>)
          %dma_wait3A_90 = tpu.memref_slice %arg3[%add3A_81] : memref<163840xi32, #tpu.memory_space<hbm>> -> memref<128xi32, #tpu.memory_space<hbm>>
          %dma_wait3A_91 = tpu.memref_slice %arg3[%add3A_81] : memref<163840xi32, #tpu.memory_space<hbm>> -> memref<128xi32, #tpu.memory_space<hbm>>
          tpu.wait_dma2 semaphore(%run_scoped3A : memref<!tpu.dma_semaphore, #tpu.memory_space<semaphore_mem>>) src(%dma_wait3A_91 : memref<128xi32, #tpu.memory_space<hbm>>) dst(%arg6 : memref<128xi32, #tpu.memory_space<vmem>>)
          tpu.yield
        }) : () -> ()
        "tpu.region"() ({
          %run_scoped3A = tpu.sem_alloc : memref<!tpu.dma_semaphore, #tpu.memory_space<semaphore_mem>>
          %dma_start3A_88 = tpu.memref_slice %arg4[%add3A_81] : memref<163840xi32, #tpu.memory_space<hbm>> -> memref<128xi32, #tpu.memory_space<hbm>>
          %dma_start3A_89 = tpu.memref_slice %arg4[%add3A_81] : memref<163840xi32, #tpu.memory_space<hbm>> -> memref<128xi32, #tpu.memory_space<hbm>>
          tpu.enqueue_dma source(%dma_start3A_89 : memref<128xi32, #tpu.memory_space<hbm>>) target(%arg7 : memref<128xi32, #tpu.memory_space<vmem>>) target_semaphore(%run_scoped3A : memref<!tpu.dma_semaphore, #tpu.memory_space<semaphore_mem>>)
          %dma_wait3A_90 = tpu.memref_slice %arg4[%add3A_81] : memref<163840xi32, #tpu.memory_space<hbm>> -> memref<128xi32, #tpu.memory_space<hbm>>
          %dma_wait3A_91 = tpu.memref_slice %arg4[%add3A_81] : memref<163840xi32, #tpu.memory_space<hbm>> -> memref<128xi32, #tpu.memory_space<hbm>>
          tpu.wait_dma2 semaphore(%run_scoped3A : memref<!tpu.dma_semaphore, #tpu.memory_space<semaphore_mem>>) src(%dma_wait3A_91 : memref<128xi32, #tpu.memory_space<hbm>>) dst(%arg7 : memref<128xi32, #tpu.memory_space<vmem>>)
          tpu.yield
        }) : () -> ()
        %dma_start3A_82 = arith.constant 0 : i32
        %dma_start3A_83 = arith.constant 0 : i32
        %dma_start3A_84 = tpu.memref_slice %arg2[%dma_start3A_82, %dma_start3A_83] : memref<10000x128xf32, #tpu.memory_space<hbm>> -> memref<10000x128xf32, #tpu.memory_space<hbm>>
        tpu.enqueue_indirect_dma source(%dma_start3A_84 : memref<10000x128xf32, #tpu.memory_space<hbm>>) target(%arg10 : memref<128x128xf32, #tpu.memory_space<vmem>>) offsets(%arg6 : memref<128xi32, #tpu.memory_space<vmem>>) semaphore(%arg16 : memref<!tpu.dma_semaphore, #tpu.memory_space<semaphore_mem>>)
        %dma_start3A_85 = arith.constant 0 : i32
        %dma_start3A_86 = arith.constant 0 : i32
        %dma_start3A_87 = tpu.memref_slice %arg2[%dma_start3A_85, %dma_start3A_86] : memref<10000x128xf32, #tpu.memory_space<hbm>> -> memref<10000x128xf32, #tpu.memory_space<hbm>>
        tpu.enqueue_indirect_dma source(%dma_start3A_87 : memref<10000x128xf32, #tpu.memory_space<hbm>>) target(%arg11 : memref<128x128xf32, #tpu.memory_space<vmem>>) offsets(%arg7 : memref<128xi32, #tpu.memory_space<vmem>>) semaphore(%arg16 : memref<!tpu.dma_semaphore, #tpu.memory_space<semaphore_mem>>)
      } else {
      }
      %add3A_55 = arith.constant 1 : i32
      %add3A_56 = arith.addi %mul3A_22, %add3A_55 : i32
      %dma_wait3A_57 = arith.constant 0 : i32
      %dma_wait3A_58 = arith.constant 0 : i32
      %dma_wait3A_59 = tpu.memref_slice %arg2[%dma_wait3A_57, %dma_wait3A_58] : memref<10000x128xf32, #tpu.memory_space<hbm>> -> memref<128x128xf32, #tpu.memory_space<hbm>>
      %dma_wait3A_60 = arith.constant 0 : i32
      %dma_wait3A_61 = arith.constant 0 : i32
      %dma_wait3A_62 = tpu.memref_slice %arg2[%dma_wait3A_60, %dma_wait3A_61] : memref<10000x128xf32, #tpu.memory_space<hbm>> -> memref<128x128xf32, #tpu.memory_space<hbm>>
      tpu.wait_dma2 semaphore(%arg17 : memref<!tpu.dma_semaphore, #tpu.memory_space<semaphore_mem>>) src(%dma_wait3A_62 : memref<128x128xf32, #tpu.memory_space<hbm>>) dst(%arg12 : memref<128x128xf32, #tpu.memory_space<vmem>>)
      %dma_wait3A_63 = arith.constant 0 : i32
      %dma_wait3A_64 = arith.constant 0 : i32
      %dma_wait3A_65 = tpu.memref_slice %arg2[%dma_wait3A_63, %dma_wait3A_64] : memref<10000x128xf32, #tpu.memory_space<hbm>> -> memref<128x128xf32, #tpu.memory_space<hbm>>
      %dma_wait3A_66 = arith.constant 0 : i32
      %dma_wait3A_67 = arith.constant 0 : i32
      %dma_wait3A_68 = tpu.memref_slice %arg2[%dma_wait3A_66, %dma_wait3A_67] : memref<10000x128xf32, #tpu.memory_space<hbm>> -> memref<128x128xf32, #tpu.memory_space<hbm>>
      tpu.wait_dma2 semaphore(%arg17 : memref<!tpu.dma_semaphore, #tpu.memory_space<semaphore_mem>>) src(%dma_wait3A_68 : memref<128x128xf32, #tpu.memory_space<hbm>>) dst(%arg13 : memref<128x128xf32, #tpu.memory_space<vmem>>)
      %scan3A_69 = arith.constant 0 : i32
      %scan3A_70 = arith.constant 128 : i32
      %scan3A_71 = arith.addi %scan3A_69, %scan3A_70 : i32
      %scan3A_72 = arith.constant 1 : i32
      scf.for %scan3A_77 = %scan3A_69 to %scan3A_71 step %scan3A_72  : i32 {
        %mul3A_78 = arith.constant 1 : i32
        %mul3A_79 = arith.muli %scan3A_77, %mul3A_78 : i32
        %add3A_80 = arith.constant 0 : i32
        %add3A_81 = arith.addi %add3A_80, %mul3A_79 : i32
        %scan3A_82 = arith.constant 0 : i32
        %scan3A_83 = arith.constant 4 : i32
        %scan3A_84 = arith.addi %scan3A_82, %scan3A_83 : i32
        %scan3A_85 = arith.constant 1 : i32
        scf.for %scan3A_87 = %scan3A_82 to %scan3A_84 step %scan3A_85  : i32 {
          %mul3A_88 = arith.constant 1 : i32
          %mul3A_89 = arith.muli %scan3A_87, %mul3A_88 : i32
          %add3A_90 = arith.constant 0 : i32
          %add3A_91 = arith.addi %add3A_90, %mul3A_89 : i32
          %mul3A_92 = arith.constant 16 : i32
          %mul3A_93 = arith.muli %add3A_91, %mul3A_92 : i32
          %get3A = arith.index_cast %add3A_81 : i32 to index
          %get3A_94 = arith.index_cast %mul3A_93 : i32 to index
          %get3A_95 = tpu.vector_load %arg12[%get3A, %get3A_94] {strides = array<i32>} : memref<128x128xf32, #tpu.memory_space<vmem>>, vector<1x16xf32>,
          %get3A_96 = vector.shape_cast %get3A_95 : vector<1x16xf32> to vector<16xf32>
          %add3A_97 = arith.constant 64 : i32
          %add3A_98 = arith.addi %mul3A_93, %add3A_97 : i32
          %get3A_99 = arith.index_cast %add3A_81 : i32 to index
          %get3A_100 = arith.index_cast %add3A_98 : i32 to index
          %get3A_101 = tpu.vector_load %arg13[%get3A_99, %get3A_100] {strides = array<i32>} : memref<128x128xf32, #tpu.memory_space<vmem>>, vector<1x16xf32>,
          %get3A_102 = vector.shape_cast %get3A_101 : vector<1x16xf32> to vector<16xf32>
          %add3A_103 = arith.addf %get3A_96, %get3A_102 : vector<16xf32>
          %swap3A = arith.index_cast %add3A_81 : i32 to index
          %swap3A_104 = arith.index_cast %mul3A_93 : i32 to index
          %swap3A_105 = tpu.vector_load %arg15[%swap3A, %swap3A_104] {strides = array<i32>} : memref<128x64xf32, #tpu.memory_space<vmem>>, vector<1x16xf32>,
          %swap3A_106 = vector.shape_cast %swap3A_105 : vector<1x16xf32> to vector<16xf32>
          %swap3A_107 = vector.shape_cast %add3A_103 : vector<16xf32> to vector<1x16xf32>
          tpu.vector_store %arg15[%swap3A, %swap3A_104], %swap3A_107 {strides = array<i32>} : memref<128x64xf32, #tpu.memory_space<vmem>>, vector<1x16xf32>,
        }
        %scan3A_86 = arith.constant 4 : i32
      }
      %scan3A_73 = arith.constant 128 : i32
      %mul3A_74 = arith.constant 128 : i32
      %mul3A_75 = arith.muli %add3A_56, %mul3A_74 : i32
      %add3A_76 = arith.addi %mul3A_2, %mul3A_75 : i32
      "tpu.region"() ({
        %run_scoped3A = tpu.sem_alloc : memref<!tpu.dma_semaphore, #tpu.memory_space<semaphore_mem>>
        %dma_start3A_77 = arith.constant 0 : i32
        %dma_start3A_78 = tpu.memref_slice %arg5[%add3A_76, %dma_start3A_77] : memref<163840x64xf32, #tpu.memory_space<hbm>> -> memref<128x64xf32, #tpu.memory_space<hbm>>
        %dma_start3A_79 = arith.constant 0 : i32
        %dma_start3A_80 = tpu.memref_slice %arg5[%add3A_76, %dma_start3A_79] : memref<163840x64xf32, #tpu.memory_space<hbm>> -> memref<128x64xf32, #tpu.memory_space<hbm>>
        tpu.enqueue_dma source(%arg15 : memref<128x64xf32, #tpu.memory_space<vmem>>) target(%dma_start3A_80 : memref<128x64xf32, #tpu.memory_space<hbm>>) target_semaphore(%run_scoped3A : memref<!tpu.dma_semaphore, #tpu.memory_space<semaphore_mem>>)
        %dma_wait3A_81 = arith.constant 0 : i32
        %dma_wait3A_82 = tpu.memref_slice %arg5[%add3A_76, %dma_wait3A_81] : memref<163840x64xf32, #tpu.memory_space<hbm>> -> memref<128x64xf32, #tpu.memory_space<hbm>>
        %dma_wait3A_83 = arith.constant 0 : i32
        %dma_wait3A_84 = tpu.memref_slice %arg5[%add3A_76, %dma_wait3A_83] : memref<163840x64xf32, #tpu.memory_space<hbm>> -> memref<128x64xf32, #tpu.memory_space<hbm>>
        tpu.wait_dma2 semaphore(%run_scoped3A : memref<!tpu.dma_semaphore, #tpu.memory_space<semaphore_mem>>) src(%arg15 : memref<128x64xf32, #tpu.memory_space<vmem>>) dst(%dma_wait3A_84 : memref<128x64xf32, #tpu.memory_space<hbm>>)
        tpu.yield
      }) : () -> ()
    }
    %scan3A_15 = arith.constant 20 : i32
    return
  }
}

#map = affine_map<(d0, d1) -> (0, 0)>
#map1 = affine_map<(d0, d1) -> (0, 0, 0)>
module attributes {stable_mosaic.version = 14 : i64} {
  func.func @k(%arg0: i32, %arg1: i32, %arg2: memref<163840x128xf32, #tpu.memory_space<hbm>>, %arg3: memref<1280x128xi32, #tpu.memory_space<hbm>>, %arg4: memref<640x128xf32, #tpu.memory_space<hbm>>, %arg5: memref<2x10240x128xf32, #tpu.memory_space<hbm>>, %arg6: memref<128xi32, #tpu.memory_space<vmem>>, %arg7: memref<128x128xf32, #tpu.memory_space<vmem>>, %arg8: memref<10240x128xf32, #tpu.memory_space<vmem_shared>>) attributes {dimension_semantics = [#tpu.dimension_semantics<core_parallel>, #tpu.dimension_semantics<subcore_parallel>], iteration_bounds = array<i64: 2, 16>, scalar_prefetch = 0 : i64, scratch_operands = 3 : i64, tpu.core_type = #tpu.core_type<sc_vector_subcore>, window_params = [{transform_indices = #map}, {transform_indices = #map}, {transform_indices = #map}, {transform_indices = #map1}]} {
    %mul3A = arith.constant 2 : i32
    %mul3A_0 = arith.muli %arg1, %mul3A : i32
    %add3A = arith.addi %mul3A_0, %arg0 : i32
    %mul3A_1 = arith.constant 640 : i32
    %mul3A_2 = arith.muli %arg1, %mul3A_1 : i32
    "tpu.region"() ({
      %run_scoped3A = tpu.sem_alloc : memref<!tpu.dma_semaphore, #tpu.memory_space<semaphore_mem>>
      %dma_start3A = arith.constant 0 : i32
      %dma_start3A_8 = tpu.memref_slice %arg8[%mul3A_2, %dma_start3A] : memref<10240x128xf32, #tpu.memory_space<vmem_shared>> -> memref<640x128xf32, #tpu.memory_space<vmem_shared>>
      tpu.enqueue_dma source(%arg4 : memref<640x128xf32, #tpu.memory_space<hbm>>) target(%dma_start3A_8 : memref<640x128xf32, #tpu.memory_space<vmem_shared>>) target_semaphore(%run_scoped3A : memref<!tpu.dma_semaphore, #tpu.memory_space<semaphore_mem>>)
      %dma_wait3A = arith.constant 0 : i32
      %dma_wait3A_9 = tpu.memref_slice %arg8[%mul3A_2, %dma_wait3A] : memref<10240x128xf32, #tpu.memory_space<vmem_shared>> -> memref<640x128xf32, #tpu.memory_space<vmem_shared>>
      tpu.wait_dma2 semaphore(%run_scoped3A : memref<!tpu.dma_semaphore, #tpu.memory_space<semaphore_mem>>) src(%arg4 : memref<640x128xf32, #tpu.memory_space<hbm>>) dst(%dma_wait3A_9 : memref<640x128xf32, #tpu.memory_space<vmem_shared>>)
      tpu.yield
    }) : () -> ()
    %barrier3A = arith.constant 0 : index
    tpu.barrier barrier_id(%barrier3A)
    %scan3A = arith.constant 0 : i32
    %scan3A_3 = arith.constant 40 : i32
    %scan3A_4 = arith.addi %scan3A, %scan3A_3 : i32
    %scan3A_5 = arith.constant 1 : i32
    scf.for %scan3A_8 = %scan3A to %scan3A_4 step %scan3A_5  : i32 {
      %mul3A_9 = arith.constant 1 : i32
      %mul3A_10 = arith.muli %scan3A_8, %mul3A_9 : i32
      %add3A_11 = arith.constant 0 : i32
      %add3A_12 = arith.addi %add3A_11, %mul3A_10 : i32
      %mul3A_13 = arith.constant 40 : i32
      %mul3A_14 = arith.muli %add3A, %mul3A_13 : i32
      %add3A_15 = arith.addi %mul3A_14, %add3A_12 : i32
      %mul3A_16 = arith.constant 5120 : i32
      %mul3A_17 = arith.muli %add3A, %mul3A_16 : i32
      %mul3A_18 = arith.constant 128 : i32
      %mul3A_19 = arith.muli %add3A_12, %mul3A_18 : i32
      %add3A_20 = arith.addi %mul3A_17, %mul3A_19 : i32
      "tpu.region"() ({
        %run_scoped3A = tpu.sem_alloc : memref<!tpu.dma_semaphore, #tpu.memory_space<semaphore_mem>>
        %dma_start3A = arith.constant 0 : i32
        %dma_start3A_21 = tpu.memref_slice %arg3[%add3A_15, %dma_start3A] : memref<1280x128xi32, #tpu.memory_space<hbm>> -> memref<1x128xi32, #tpu.memory_space<hbm>>
        %dma_start3A_22 = tpu.memref_squeeze %dma_start3A_21 : memref<1x128xi32, #tpu.memory_space<hbm>> -> memref<128xi32, #tpu.memory_space<hbm>>
        %dma_start3A_23 = arith.constant 0 : i32
        %dma_start3A_24 = tpu.memref_slice %arg3[%add3A_15, %dma_start3A_23] : memref<1280x128xi32, #tpu.memory_space<hbm>> -> memref<1x128xi32, #tpu.memory_space<hbm>>
        %dma_start3A_25 = tpu.memref_squeeze %dma_start3A_24 : memref<1x128xi32, #tpu.memory_space<hbm>> -> memref<128xi32, #tpu.memory_space<hbm>>
        tpu.enqueue_dma source(%dma_start3A_25 : memref<128xi32, #tpu.memory_space<hbm>>) target(%arg6 : memref<128xi32, #tpu.memory_space<vmem>>) target_semaphore(%run_scoped3A : memref<!tpu.dma_semaphore, #tpu.memory_space<semaphore_mem>>)
        %dma_wait3A = arith.constant 0 : i32
        %dma_wait3A_26 = tpu.memref_slice %arg3[%add3A_15, %dma_wait3A] : memref<1280x128xi32, #tpu.memory_space<hbm>> -> memref<1x128xi32, #tpu.memory_space<hbm>>
        %dma_wait3A_27 = tpu.memref_squeeze %dma_wait3A_26 : memref<1x128xi32, #tpu.memory_space<hbm>> -> memref<128xi32, #tpu.memory_space<hbm>>
        %dma_wait3A_28 = arith.constant 0 : i32
        %dma_wait3A_29 = tpu.memref_slice %arg3[%add3A_15, %dma_wait3A_28] : memref<1280x128xi32, #tpu.memory_space<hbm>> -> memref<1x128xi32, #tpu.memory_space<hbm>>
        %dma_wait3A_30 = tpu.memref_squeeze %dma_wait3A_29 : memref<1x128xi32, #tpu.memory_space<hbm>> -> memref<128xi32, #tpu.memory_space<hbm>>
        tpu.wait_dma2 semaphore(%run_scoped3A : memref<!tpu.dma_semaphore, #tpu.memory_space<semaphore_mem>>) src(%dma_wait3A_30 : memref<128xi32, #tpu.memory_space<hbm>>) dst(%arg6 : memref<128xi32, #tpu.memory_space<vmem>>)
        tpu.yield
      }) : () -> ()
      "tpu.region"() ({
        %run_scoped3A = tpu.sem_alloc : memref<!tpu.dma_semaphore, #tpu.memory_space<semaphore_mem>>
        %dma_start3A = arith.constant 0 : i32
        %dma_start3A_21 = tpu.memref_slice %arg2[%add3A_20, %dma_start3A] : memref<163840x128xf32, #tpu.memory_space<hbm>> -> memref<128x128xf32, #tpu.memory_space<hbm>>
        %dma_start3A_22 = arith.constant 0 : i32
        %dma_start3A_23 = tpu.memref_slice %arg2[%add3A_20, %dma_start3A_22] : memref<163840x128xf32, #tpu.memory_space<hbm>> -> memref<128x128xf32, #tpu.memory_space<hbm>>
        tpu.enqueue_dma source(%dma_start3A_23 : memref<128x128xf32, #tpu.memory_space<hbm>>) target(%arg7 : memref<128x128xf32, #tpu.memory_space<vmem>>) target_semaphore(%run_scoped3A : memref<!tpu.dma_semaphore, #tpu.memory_space<semaphore_mem>>)
        %dma_wait3A = arith.constant 0 : i32
        %dma_wait3A_24 = tpu.memref_slice %arg2[%add3A_20, %dma_wait3A] : memref<163840x128xf32, #tpu.memory_space<hbm>> -> memref<128x128xf32, #tpu.memory_space<hbm>>
        %dma_wait3A_25 = arith.constant 0 : i32
        %dma_wait3A_26 = tpu.memref_slice %arg2[%add3A_20, %dma_wait3A_25] : memref<163840x128xf32, #tpu.memory_space<hbm>> -> memref<128x128xf32, #tpu.memory_space<hbm>>
        tpu.wait_dma2 semaphore(%run_scoped3A : memref<!tpu.dma_semaphore, #tpu.memory_space<semaphore_mem>>) src(%dma_wait3A_26 : memref<128x128xf32, #tpu.memory_space<hbm>>) dst(%arg7 : memref<128x128xf32, #tpu.memory_space<vmem>>)
        tpu.yield
      }) : () -> ()
      "tpu.region"() ({
        %run_scoped3A = tpu.sem_alloc : memref<!tpu.dma_semaphore, #tpu.memory_space<semaphore_mem>>
        %dma_start3A = arith.constant 0 : i32
        %dma_start3A_21 = arith.constant 0 : i32
        %dma_start3A_22 = tpu.memref_slice %arg8[%dma_start3A, %dma_start3A_21] : memref<10240x128xf32, #tpu.memory_space<vmem_shared>> -> memref<10240x128xf32, #tpu.memory_space<vmem_shared>>
        tpu.enqueue_indirect_dma source(%arg7 : memref<128x128xf32, #tpu.memory_space<vmem>>) target(%dma_start3A_22 : memref<10240x128xf32, #tpu.memory_space<vmem_shared>>) offsets(%arg6 : memref<128xi32, #tpu.memory_space<vmem>>) semaphore(%run_scoped3A : memref<!tpu.dma_semaphore, #tpu.memory_space<semaphore_mem>>) {add = true}
        %dma_wait3A = arith.constant 0 : i32
        %dma_wait3A_23 = arith.constant 0 : i32
        %dma_wait3A_24 = tpu.memref_slice %arg8[%dma_wait3A, %dma_wait3A_23] : memref<10240x128xf32, #tpu.memory_space<vmem_shared>> -> memref<10240x128xf32, #tpu.memory_space<vmem_shared>>
        tpu.wait_indirect_dma semaphore(%run_scoped3A : memref<!tpu.dma_semaphore, #tpu.memory_space<semaphore_mem>>) src(%arg7 : memref<128x128xf32, #tpu.memory_space<vmem>>) dst(%dma_wait3A_24 : memref<10240x128xf32, #tpu.memory_space<vmem_shared>>)
        tpu.yield
      }) : () -> ()
    }
    %scan3A_6 = arith.constant 40 : i32
    %barrier3A_7 = arith.constant 0 : index
    tpu.barrier barrier_id(%barrier3A_7)
    "tpu.region"() ({
      %run_scoped3A = tpu.sem_alloc : memref<!tpu.dma_semaphore, #tpu.memory_space<semaphore_mem>>
      %dma_start3A = arith.constant 0 : i32
      %dma_start3A_8 = tpu.memref_slice %arg5[%arg0, %mul3A_2, %dma_start3A] : memref<2x10240x128xf32, #tpu.memory_space<hbm>> -> memref<1x640x128xf32, #tpu.memory_space<hbm>>
      %dma_start3A_9 = tpu.memref_squeeze %dma_start3A_8 : memref<1x640x128xf32, #tpu.memory_space<hbm>> -> memref<640x128xf32, #tpu.memory_space<hbm>>
      %dma_start3A_10 = arith.constant 0 : i32
      %dma_start3A_11 = tpu.memref_slice %arg8[%mul3A_2, %dma_start3A_10] : memref<10240x128xf32, #tpu.memory_space<vmem_shared>> -> memref<640x128xf32, #tpu.memory_space<vmem_shared>>
      tpu.enqueue_dma source(%dma_start3A_11 : memref<640x128xf32, #tpu.memory_space<vmem_shared>>) target(%dma_start3A_9 : memref<640x128xf32, #tpu.memory_space<hbm>>) target_semaphore(%run_scoped3A : memref<!tpu.dma_semaphore, #tpu.memory_space<semaphore_mem>>)
      %dma_wait3A = arith.constant 0 : i32
      %dma_wait3A_12 = tpu.memref_slice %arg5[%arg0, %mul3A_2, %dma_wait3A] : memref<2x10240x128xf32, #tpu.memory_space<hbm>> -> memref<1x640x128xf32, #tpu.memory_space<hbm>>
      %dma_wait3A_13 = tpu.memref_squeeze %dma_wait3A_12 : memref<1x640x128xf32, #tpu.memory_space<hbm>> -> memref<640x128xf32, #tpu.memory_space<hbm>>
      %dma_wait3A_14 = arith.constant 0 : i32
      %dma_wait3A_15 = tpu.memref_slice %arg8[%mul3A_2, %dma_wait3A_14] : memref<10240x128xf32, #tpu.memory_space<vmem_shared>> -> memref<640x128xf32, #tpu.memory_space<vmem_shared>>
      tpu.wait_dma2 semaphore(%run_scoped3A : memref<!tpu.dma_semaphore, #tpu.memory_space<semaphore_mem>>) src(%dma_wait3A_15 : memref<640x128xf32, #tpu.memory_space<vmem_shared>>) dst(%dma_wait3A_13 : memref<640x128xf32, #tpu.memory_space<hbm>>)
      tpu.yield
    }) : () -> ()
    return
  }
}

#map = affine_map<(d0, d1) -> (0, 0)>
#map1 = affine_map<(d0, d1) -> (0)>
module attributes {stable_mosaic.version = 14 : i64} {
  func.func @k(%arg0: i32, %arg1: i32, %arg2: memref<10000x128xf32, #tpu.memory_space<hbm>>, %arg3: memref<163840xi32, #tpu.memory_space<hbm>>, %arg4: memref<163840xi32, #tpu.memory_space<hbm>>, %arg5: memref<163840x64xf32, #tpu.memory_space<hbm>>, %arg6: memref<128xi32, #tpu.memory_space<vmem>>, %arg7: memref<128xi32, #tpu.memory_space<vmem>>, %arg8: memref<128xi32, #tpu.memory_space<vmem>>, %arg9: memref<128xi32, #tpu.memory_space<vmem>>, %arg10: memref<128x128xf32, #tpu.memory_space<vmem>>, %arg11: memref<128x128xf32, #tpu.memory_space<vmem>>, %arg12: memref<128x128xf32, #tpu.memory_space<vmem>>, %arg13: memref<128x128xf32, #tpu.memory_space<vmem>>, %arg14: memref<128x64xf32, #tpu.memory_space<vmem>>, %arg15: memref<128x64xf32, #tpu.memory_space<vmem>>, %arg16: memref<!tpu.dma_semaphore, #tpu.memory_space<semaphore_mem>>, %arg17: memref<!tpu.dma_semaphore, #tpu.memory_space<semaphore_mem>>) attributes {dimension_semantics = [#tpu.dimension_semantics<core_parallel>, #tpu.dimension_semantics<subcore_parallel>], iteration_bounds = array<i64: 2, 16>, scalar_prefetch = 0 : i64, scratch_operands = 12 : i64, tpu.core_type = #tpu.core_type<sc_vector_subcore>, window_params = [{transform_indices = #map}, {transform_indices = #map1}, {transform_indices = #map1}, {transform_indices = #map}]} {
    %mul3A = arith.constant 2 : i32
    %mul3A_0 = arith.muli %arg1, %mul3A : i32
    %add3A = arith.addi %mul3A_0, %arg0 : i32
    %mul3A_1 = arith.constant 5120 : i32
    %mul3A_2 = arith.muli %add3A, %mul3A_1 : i32
    %mul3A_3 = arith.constant 0 : i32
    %mul3A_4 = arith.constant 128 : i32
    %mul3A_5 = arith.muli %mul3A_3, %mul3A_4 : i32
    %add3A_6 = arith.addi %mul3A_2, %mul3A_5 : i32
    "tpu.region"() ({
      %run_scoped3A = tpu.sem_alloc : memref<!tpu.dma_semaphore, #tpu.memory_space<semaphore_mem>>
      %dma_start3A_16 = tpu.memref_slice %arg3[%add3A_6] : memref<163840xi32, #tpu.memory_space<hbm>> -> memref<128xi32, #tpu.memory_space<hbm>>
      %dma_start3A_17 = tpu.memref_slice %arg3[%add3A_6] : memref<163840xi32, #tpu.memory_space<hbm>> -> memref<128xi32, #tpu.memory_space<hbm>>
      tpu.enqueue_dma source(%dma_start3A_17 : memref<128xi32, #tpu.memory_space<hbm>>) target(%arg6 : memref<128xi32, #tpu.memory_space<vmem>>) target_semaphore(%run_scoped3A : memref<!tpu.dma_semaphore, #tpu.memory_space<semaphore_mem>>)
      %dma_wait3A = tpu.memref_slice %arg3[%add3A_6] : memref<163840xi32, #tpu.memory_space<hbm>> -> memref<128xi32, #tpu.memory_space<hbm>>
      %dma_wait3A_18 = tpu.memref_slice %arg3[%add3A_6] : memref<163840xi32, #tpu.memory_space<hbm>> -> memref<128xi32, #tpu.memory_space<hbm>>
      tpu.wait_dma2 semaphore(%run_scoped3A : memref<!tpu.dma_semaphore, #tpu.memory_space<semaphore_mem>>) src(%dma_wait3A_18 : memref<128xi32, #tpu.memory_space<hbm>>) dst(%arg6 : memref<128xi32, #tpu.memory_space<vmem>>)
      tpu.yield
    }) : () -> ()
    "tpu.region"() ({
      %run_scoped3A = tpu.sem_alloc : memref<!tpu.dma_semaphore, #tpu.memory_space<semaphore_mem>>
      %dma_start3A_16 = tpu.memref_slice %arg4[%add3A_6] : memref<163840xi32, #tpu.memory_space<hbm>> -> memref<128xi32, #tpu.memory_space<hbm>>
      %dma_start3A_17 = tpu.memref_slice %arg4[%add3A_6] : memref<163840xi32, #tpu.memory_space<hbm>> -> memref<128xi32, #tpu.memory_space<hbm>>
      tpu.enqueue_dma source(%dma_start3A_17 : memref<128xi32, #tpu.memory_space<hbm>>) target(%arg7 : memref<128xi32, #tpu.memory_space<vmem>>) target_semaphore(%run_scoped3A : memref<!tpu.dma_semaphore, #tpu.memory_space<semaphore_mem>>)
      %dma_wait3A = tpu.memref_slice %arg4[%add3A_6] : memref<163840xi32, #tpu.memory_space<hbm>> -> memref<128xi32, #tpu.memory_space<hbm>>
      %dma_wait3A_18 = tpu.memref_slice %arg4[%add3A_6] : memref<163840xi32, #tpu.memory_space<hbm>> -> memref<128xi32, #tpu.memory_space<hbm>>
      tpu.wait_dma2 semaphore(%run_scoped3A : memref<!tpu.dma_semaphore, #tpu.memory_space<semaphore_mem>>) src(%dma_wait3A_18 : memref<128xi32, #tpu.memory_space<hbm>>) dst(%arg7 : memref<128xi32, #tpu.memory_space<vmem>>)
      tpu.yield
    }) : () -> ()
    %dma_start3A = arith.constant 0 : i32
    %dma_start3A_7 = arith.constant 0 : i32
    %dma_start3A_8 = tpu.memref_slice %arg2[%dma_start3A, %dma_start3A_7] : memref<10000x128xf32, #tpu.memory_space<hbm>> -> memref<10000x128xf32, #tpu.memory_space<hbm>>
    tpu.enqueue_indirect_dma source(%dma_start3A_8 : memref<10000x128xf32, #tpu.memory_space<hbm>>) target(%arg10 : memref<128x128xf32, #tpu.memory_space<vmem>>) offsets(%arg6 : memref<128xi32, #tpu.memory_space<vmem>>) semaphore(%arg16 : memref<!tpu.dma_semaphore, #tpu.memory_space<semaphore_mem>>)
    %dma_start3A_9 = arith.constant 0 : i32
    %dma_start3A_10 = arith.constant 0 : i32
    %dma_start3A_11 = tpu.memref_slice %arg2[%dma_start3A_9, %dma_start3A_10] : memref<10000x128xf32, #tpu.memory_space<hbm>> -> memref<10000x128xf32, #tpu.memory_space<hbm>>
    tpu.enqueue_indirect_dma source(%dma_start3A_11 : memref<10000x128xf32, #tpu.memory_space<hbm>>) target(%arg11 : memref<128x128xf32, #tpu.memory_space<vmem>>) offsets(%arg7 : memref<128xi32, #tpu.memory_space<vmem>>) semaphore(%arg16 : memref<!tpu.dma_semaphore, #tpu.memory_space<semaphore_mem>>)
    %scan3A = arith.constant 0 : i32
    %scan3A_12 = arith.constant 20 : i32
    %scan3A_13 = arith.addi %scan3A, %scan3A_12 : i32
    %scan3A_14 = arith.constant 1 : i32
    scf.for %scan3A_16 = %scan3A to %scan3A_13 step %scan3A_14  : i32 {
      %mul3A_17 = arith.constant 1 : i32
      %mul3A_18 = arith.muli %scan3A_16, %mul3A_17 : i32
      %add3A_19 = arith.constant 0 : i32
      %add3A_20 = arith.addi %add3A_19, %mul3A_18 : i32
      %mul3A_21 = arith.constant 2 : i32
      %mul3A_22 = arith.muli %add3A_20, %mul3A_21 : i32
      %add3A_23 = arith.constant 1 : i32
      %add3A_24 = arith.addi %mul3A_22, %add3A_23 : i32
      %mul3A_25 = arith.constant 128 : i32
      %mul3A_26 = arith.muli %add3A_24, %mul3A_25 : i32
      %add3A_27 = arith.addi %mul3A_2, %mul3A_26 : i32
      "tpu.region"() ({
        %run_scoped3A = tpu.sem_alloc : memref<!tpu.dma_semaphore, #tpu.memory_space<semaphore_mem>>
        %dma_start3A_77 = tpu.memref_slice %arg3[%add3A_27] : memref<163840xi32, #tpu.memory_space<hbm>> -> memref<128xi32, #tpu.memory_space<hbm>>
        %dma_start3A_78 = tpu.memref_slice %arg3[%add3A_27] : memref<163840xi32, #tpu.memory_space<hbm>> -> memref<128xi32, #tpu.memory_space<hbm>>
        tpu.enqueue_dma source(%dma_start3A_78 : memref<128xi32, #tpu.memory_space<hbm>>) target(%arg8 : memref<128xi32, #tpu.memory_space<vmem>>) target_semaphore(%run_scoped3A : memref<!tpu.dma_semaphore, #tpu.memory_space<semaphore_mem>>)
        %dma_wait3A_79 = tpu.memref_slice %arg3[%add3A_27] : memref<163840xi32, #tpu.memory_space<hbm>> -> memref<128xi32, #tpu.memory_space<hbm>>
        %dma_wait3A_80 = tpu.memref_slice %arg3[%add3A_27] : memref<163840xi32, #tpu.memory_space<hbm>> -> memref<128xi32, #tpu.memory_space<hbm>>
        tpu.wait_dma2 semaphore(%run_scoped3A : memref<!tpu.dma_semaphore, #tpu.memory_space<semaphore_mem>>) src(%dma_wait3A_80 : memref<128xi32, #tpu.memory_space<hbm>>) dst(%arg8 : memref<128xi32, #tpu.memory_space<vmem>>)
        tpu.yield
      }) : () -> ()
      "tpu.region"() ({
        %run_scoped3A = tpu.sem_alloc : memref<!tpu.dma_semaphore, #tpu.memory_space<semaphore_mem>>
        %dma_start3A_77 = tpu.memref_slice %arg4[%add3A_27] : memref<163840xi32, #tpu.memory_space<hbm>> -> memref<128xi32, #tpu.memory_space<hbm>>
        %dma_start3A_78 = tpu.memref_slice %arg4[%add3A_27] : memref<163840xi32, #tpu.memory_space<hbm>> -> memref<128xi32, #tpu.memory_space<hbm>>
        tpu.enqueue_dma source(%dma_start3A_78 : memref<128xi32, #tpu.memory_space<hbm>>) target(%arg9 : memref<128xi32, #tpu.memory_space<vmem>>) target_semaphore(%run_scoped3A : memref<!tpu.dma_semaphore, #tpu.memory_space<semaphore_mem>>)
        %dma_wait3A_79 = tpu.memref_slice %arg4[%add3A_27] : memref<163840xi32, #tpu.memory_space<hbm>> -> memref<128xi32, #tpu.memory_space<hbm>>
        %dma_wait3A_80 = tpu.memref_slice %arg4[%add3A_27] : memref<163840xi32, #tpu.memory_space<hbm>> -> memref<128xi32, #tpu.memory_space<hbm>>
        tpu.wait_dma2 semaphore(%run_scoped3A : memref<!tpu.dma_semaphore, #tpu.memory_space<semaphore_mem>>) src(%dma_wait3A_80 : memref<128xi32, #tpu.memory_space<hbm>>) dst(%arg9 : memref<128xi32, #tpu.memory_space<vmem>>)
        tpu.yield
      }) : () -> ()
      %dma_start3A_28 = arith.constant 0 : i32
      %dma_start3A_29 = arith.constant 0 : i32
      %dma_start3A_30 = tpu.memref_slice %arg2[%dma_start3A_28, %dma_start3A_29] : memref<10000x128xf32, #tpu.memory_space<hbm>> -> memref<10000x128xf32, #tpu.memory_space<hbm>>
      tpu.enqueue_indirect_dma source(%dma_start3A_30 : memref<10000x128xf32, #tpu.memory_space<hbm>>) target(%arg12 : memref<128x128xf32, #tpu.memory_space<vmem>>) offsets(%arg8 : memref<128xi32, #tpu.memory_space<vmem>>) semaphore(%arg17 : memref<!tpu.dma_semaphore, #tpu.memory_space<semaphore_mem>>)
      %dma_start3A_31 = arith.constant 0 : i32
      %dma_start3A_32 = arith.constant 0 : i32
      %dma_start3A_33 = tpu.memref_slice %arg2[%dma_start3A_31, %dma_start3A_32] : memref<10000x128xf32, #tpu.memory_space<hbm>> -> memref<10000x128xf32, #tpu.memory_space<hbm>>
      tpu.enqueue_indirect_dma source(%dma_start3A_33 : memref<10000x128xf32, #tpu.memory_space<hbm>>) target(%arg13 : memref<128x128xf32, #tpu.memory_space<vmem>>) offsets(%arg9 : memref<128xi32, #tpu.memory_space<vmem>>) semaphore(%arg17 : memref<!tpu.dma_semaphore, #tpu.memory_space<semaphore_mem>>)
      %dma_wait3A = arith.constant 0 : i32
      %dma_wait3A_34 = arith.constant 0 : i32
      %dma_wait3A_35 = tpu.memref_slice %arg2[%dma_wait3A, %dma_wait3A_34] : memref<10000x128xf32, #tpu.memory_space<hbm>> -> memref<128x128xf32, #tpu.memory_space<hbm>>
      %dma_wait3A_36 = arith.constant 0 : i32
      %dma_wait3A_37 = arith.constant 0 : i32
      %dma_wait3A_38 = tpu.memref_slice %arg2[%dma_wait3A_36, %dma_wait3A_37] : memref<10000x128xf32, #tpu.memory_space<hbm>> -> memref<128x128xf32, #tpu.memory_space<hbm>>
      tpu.wait_dma2 semaphore(%arg16 : memref<!tpu.dma_semaphore, #tpu.memory_space<semaphore_mem>>) src(%dma_wait3A_38 : memref<128x128xf32, #tpu.memory_space<hbm>>) dst(%arg10 : memref<128x128xf32, #tpu.memory_space<vmem>>)
      %dma_wait3A_39 = arith.constant 0 : i32
      %dma_wait3A_40 = arith.constant 0 : i32
      %dma_wait3A_41 = tpu.memref_slice %arg2[%dma_wait3A_39, %dma_wait3A_40] : memref<10000x128xf32, #tpu.memory_space<hbm>> -> memref<128x128xf32, #tpu.memory_space<hbm>>
      %dma_wait3A_42 = arith.constant 0 : i32
      %dma_wait3A_43 = arith.constant 0 : i32
      %dma_wait3A_44 = tpu.memref_slice %arg2[%dma_wait3A_42, %dma_wait3A_43] : memref<10000x128xf32, #tpu.memory_space<hbm>> -> memref<128x128xf32, #tpu.memory_space<hbm>>
      tpu.wait_dma2 semaphore(%arg16 : memref<!tpu.dma_semaphore, #tpu.memory_space<semaphore_mem>>) src(%dma_wait3A_44 : memref<128x128xf32, #tpu.memory_space<hbm>>) dst(%arg11 : memref<128x128xf32, #tpu.memory_space<vmem>>)
      %scan3A_45 = arith.constant 0 : i32
      %scan3A_46 = arith.constant 128 : i32
      %scan3A_47 = arith.addi %scan3A_45, %scan3A_46 : i32
      %scan3A_48 = arith.constant 1 : i32
      scf.for %scan3A_77 = %scan3A_45 to %scan3A_47 step %scan3A_48  : i32 {
        %mul3A_78 = arith.constant 1 : i32
        %mul3A_79 = arith.muli %scan3A_77, %mul3A_78 : i32
        %add3A_80 = arith.constant 0 : i32
        %add3A_81 = arith.addi %add3A_80, %mul3A_79 : i32
        %scan3A_82 = arith.constant 0 : i32
        %scan3A_83 = arith.constant 4 : i32
        %scan3A_84 = arith.addi %scan3A_82, %scan3A_83 : i32
        %scan3A_85 = arith.constant 1 : i32
        scf.for %scan3A_87 = %scan3A_82 to %scan3A_84 step %scan3A_85  : i32 {
          %mul3A_88 = arith.constant 1 : i32
          %mul3A_89 = arith.muli %scan3A_87, %mul3A_88 : i32
          %add3A_90 = arith.constant 0 : i32
          %add3A_91 = arith.addi %add3A_90, %mul3A_89 : i32
          %mul3A_92 = arith.constant 16 : i32
          %mul3A_93 = arith.muli %add3A_91, %mul3A_92 : i32
          %get3A = arith.index_cast %add3A_81 : i32 to index
          %get3A_94 = arith.index_cast %mul3A_93 : i32 to index
          %get3A_95 = tpu.vector_load %arg10[%get3A, %get3A_94] {strides = array<i32>} : memref<128x128xf32, #tpu.memory_space<vmem>>, vector<1x16xf32>,
          %get3A_96 = vector.shape_cast %get3A_95 : vector<1x16xf32> to vector<16xf32>
          %add3A_97 = arith.constant 64 : i32
          %add3A_98 = arith.addi %mul3A_93, %add3A_97 : i32
          %get3A_99 = arith.index_cast %add3A_81 : i32 to index
          %get3A_100 = arith.index_cast %add3A_98 : i32 to index
          %get3A_101 = tpu.vector_load %arg11[%get3A_99, %get3A_100] {strides = array<i32>} : memref<128x128xf32, #tpu.memory_space<vmem>>, vector<1x16xf32>,
          %get3A_102 = vector.shape_cast %get3A_101 : vector<1x16xf32> to vector<16xf32>
          %add3A_103 = arith.addf %get3A_96, %get3A_102 : vector<16xf32>
          %swap3A = arith.index_cast %add3A_81 : i32 to index
          %swap3A_104 = arith.index_cast %mul3A_93 : i32 to index
          %swap3A_105 = tpu.vector_load %arg14[%swap3A, %swap3A_104] {strides = array<i32>} : memref<128x64xf32, #tpu.memory_space<vmem>>, vector<1x16xf32>,
          %swap3A_106 = vector.shape_cast %swap3A_105 : vector<1x16xf32> to vector<16xf32>
          %swap3A_107 = vector.shape_cast %add3A_103 : vector<16xf32> to vector<1x16xf32>
          tpu.vector_store %arg14[%swap3A, %swap3A_104], %swap3A_107 {strides = array<i32>} : memref<128x64xf32, #tpu.memory_space<vmem>>, vector<1x16xf32>,
        }
        %scan3A_86 = arith.constant 4 : i32
      }
      %scan3A_49 = arith.constant 128 : i32
      %mul3A_50 = arith.constant 128 : i32
      %mul3A_51 = arith.muli %mul3A_22, %mul3A_50 : i32
      %add3A_52 = arith.addi %mul3A_2, %mul3A_51 : i32
      "tpu.region"() ({
        %run_scoped3A = tpu.sem_alloc : memref<!tpu.dma_semaphore, #tpu.memory_space<semaphore_mem>>
        %dma_start3A_77 = arith.constant 0 : i32
        %dma_start3A_78 = tpu.memref_slice %arg5[%add3A_52, %dma_start3A_77] : memref<163840x64xf32, #tpu.memory_space<hbm>> -> memref<128x64xf32, #tpu.memory_space<hbm>>
        %dma_start3A_79 = arith.constant 0 : i32
        %dma_start3A_80 = tpu.memref_slice %arg5[%add3A_52, %dma_start3A_79] : memref<163840x64xf32, #tpu.memory_space<hbm>> -> memref<128x64xf32, #tpu.memory_space<hbm>>
        tpu.enqueue_dma source(%arg14 : memref<128x64xf32, #tpu.memory_space<vmem>>) target(%dma_start3A_80 : memref<128x64xf32, #tpu.memory_space<hbm>>) target_semaphore(%run_scoped3A : memref<!tpu.dma_semaphore, #tpu.memory_space<semaphore_mem>>)
        %dma_wait3A_81 = arith.constant 0 : i32
        %dma_wait3A_82 = tpu.memref_slice %arg5[%add3A_52, %dma_wait3A_81] : memref<163840x64xf32, #tpu.memory_space<hbm>> -> memref<128x64xf32, #tpu.memory_space<hbm>>
        %dma_wait3A_83 = arith.constant 0 : i32
        %dma_wait3A_84 = tpu.memref_slice %arg5[%add3A_52, %dma_wait3A_83] : memref<163840x64xf32, #tpu.memory_space<hbm>> -> memref<128x64xf32, #tpu.memory_space<hbm>>
        tpu.wait_dma2 semaphore(%run_scoped3A : memref<!tpu.dma_semaphore, #tpu.memory_space<semaphore_mem>>) src(%arg14 : memref<128x64xf32, #tpu.memory_space<vmem>>) dst(%dma_wait3A_84 : memref<128x64xf32, #tpu.memory_space<hbm>>)
        tpu.yield
      }) : () -> ()
      %lt3A = arith.constant 19 : i32
      %lt3A_53 = arith.cmpi slt, %add3A_20, %lt3A : i32
      %convert_element_type3A = arith.extui %lt3A_53 : i1 to i32
      %cond3A = arith.constant 0 : i32
      %cond3A_54 = arith.cmpi ne, %convert_element_type3A, %cond3A : i32
      scf.if %cond3A_54 {
        %add3A_77 = arith.constant 2 : i32
        %add3A_78 = arith.addi %mul3A_22, %add3A_77 : i32
        %mul3A_79 = arith.constant 128 : i32
        %mul3A_80 = arith.muli %add3A_78, %mul3A_79 : i32
        %add3A_81 = arith.addi %mul3A_2, %mul3A_80 : i32
        "tpu.region"() ({
          %run_scoped3A = tpu.sem_alloc : memref<!tpu.dma_semaphore, #tpu.memory_space<semaphore_mem>>
          %dma_start3A_88 = tpu.memref_slice %arg3[%add3A_81] : memref<163840xi32, #tpu.memory_space<hbm>> -> memref<128xi32, #tpu.memory_space<hbm>>
          %dma_start3A_89 = tpu.memref_slice %arg3[%add3A_81] : memref<163840xi32, #tpu.memory_space<hbm>> -> memref<128xi32, #tpu.memory_space<hbm>>
          tpu.enqueue_dma source(%dma_start3A_89 : memref<128xi32, #tpu.memory_space<hbm>>) target(%arg6 : memref<128xi32, #tpu.memory_space<vmem>>) target_semaphore(%run_scoped3A : memref<!tpu.dma_semaphore, #tpu.memory_space<semaphore_mem>>)
          %dma_wait3A_90 = tpu.memref_slice %arg3[%add3A_81] : memref<163840xi32, #tpu.memory_space<hbm>> -> memref<128xi32, #tpu.memory_space<hbm>>
          %dma_wait3A_91 = tpu.memref_slice %arg3[%add3A_81] : memref<163840xi32, #tpu.memory_space<hbm>> -> memref<128xi32, #tpu.memory_space<hbm>>
          tpu.wait_dma2 semaphore(%run_scoped3A : memref<!tpu.dma_semaphore, #tpu.memory_space<semaphore_mem>>) src(%dma_wait3A_91 : memref<128xi32, #tpu.memory_space<hbm>>) dst(%arg6 : memref<128xi32, #tpu.memory_space<vmem>>)
          tpu.yield
        }) : () -> ()
        "tpu.region"() ({
          %run_scoped3A = tpu.sem_alloc : memref<!tpu.dma_semaphore, #tpu.memory_space<semaphore_mem>>
          %dma_start3A_88 = tpu.memref_slice %arg4[%add3A_81] : memref<163840xi32, #tpu.memory_space<hbm>> -> memref<128xi32, #tpu.memory_space<hbm>>
          %dma_start3A_89 = tpu.memref_slice %arg4[%add3A_81] : memref<163840xi32, #tpu.memory_space<hbm>> -> memref<128xi32, #tpu.memory_space<hbm>>
          tpu.enqueue_dma source(%dma_start3A_89 : memref<128xi32, #tpu.memory_space<hbm>>) target(%arg7 : memref<128xi32, #tpu.memory_space<vmem>>) target_semaphore(%run_scoped3A : memref<!tpu.dma_semaphore, #tpu.memory_space<semaphore_mem>>)
          %dma_wait3A_90 = tpu.memref_slice %arg4[%add3A_81] : memref<163840xi32, #tpu.memory_space<hbm>> -> memref<128xi32, #tpu.memory_space<hbm>>
          %dma_wait3A_91 = tpu.memref_slice %arg4[%add3A_81] : memref<163840xi32, #tpu.memory_space<hbm>> -> memref<128xi32, #tpu.memory_space<hbm>>
          tpu.wait_dma2 semaphore(%run_scoped3A : memref<!tpu.dma_semaphore, #tpu.memory_space<semaphore_mem>>) src(%dma_wait3A_91 : memref<128xi32, #tpu.memory_space<hbm>>) dst(%arg7 : memref<128xi32, #tpu.memory_space<vmem>>)
          tpu.yield
        }) : () -> ()
        %dma_start3A_82 = arith.constant 0 : i32
        %dma_start3A_83 = arith.constant 0 : i32
        %dma_start3A_84 = tpu.memref_slice %arg2[%dma_start3A_82, %dma_start3A_83] : memref<10000x128xf32, #tpu.memory_space<hbm>> -> memref<10000x128xf32, #tpu.memory_space<hbm>>
        tpu.enqueue_indirect_dma source(%dma_start3A_84 : memref<10000x128xf32, #tpu.memory_space<hbm>>) target(%arg10 : memref<128x128xf32, #tpu.memory_space<vmem>>) offsets(%arg6 : memref<128xi32, #tpu.memory_space<vmem>>) semaphore(%arg16 : memref<!tpu.dma_semaphore, #tpu.memory_space<semaphore_mem>>)
        %dma_start3A_85 = arith.constant 0 : i32
        %dma_start3A_86 = arith.constant 0 : i32
        %dma_start3A_87 = tpu.memref_slice %arg2[%dma_start3A_85, %dma_start3A_86] : memref<10000x128xf32, #tpu.memory_space<hbm>> -> memref<10000x128xf32, #tpu.memory_space<hbm>>
        tpu.enqueue_indirect_dma source(%dma_start3A_87 : memref<10000x128xf32, #tpu.memory_space<hbm>>) target(%arg11 : memref<128x128xf32, #tpu.memory_space<vmem>>) offsets(%arg7 : memref<128xi32, #tpu.memory_space<vmem>>) semaphore(%arg16 : memref<!tpu.dma_semaphore, #tpu.memory_space<semaphore_mem>>)
      } else {
      }
      %add3A_55 = arith.constant 1 : i32
      %add3A_56 = arith.addi %mul3A_22, %add3A_55 : i32
      %dma_wait3A_57 = arith.constant 0 : i32
      %dma_wait3A_58 = arith.constant 0 : i32
      %dma_wait3A_59 = tpu.memref_slice %arg2[%dma_wait3A_57, %dma_wait3A_58] : memref<10000x128xf32, #tpu.memory_space<hbm>> -> memref<128x128xf32, #tpu.memory_space<hbm>>
      %dma_wait3A_60 = arith.constant 0 : i32
      %dma_wait3A_61 = arith.constant 0 : i32
      %dma_wait3A_62 = tpu.memref_slice %arg2[%dma_wait3A_60, %dma_wait3A_61] : memref<10000x128xf32, #tpu.memory_space<hbm>> -> memref<128x128xf32, #tpu.memory_space<hbm>>
      tpu.wait_dma2 semaphore(%arg17 : memref<!tpu.dma_semaphore, #tpu.memory_space<semaphore_mem>>) src(%dma_wait3A_62 : memref<128x128xf32, #tpu.memory_space<hbm>>) dst(%arg12 : memref<128x128xf32, #tpu.memory_space<vmem>>)
      %dma_wait3A_63 = arith.constant 0 : i32
      %dma_wait3A_64 = arith.constant 0 : i32
      %dma_wait3A_65 = tpu.memref_slice %arg2[%dma_wait3A_63, %dma_wait3A_64] : memref<10000x128xf32, #tpu.memory_space<hbm>> -> memref<128x128xf32, #tpu.memory_space<hbm>>
      %dma_wait3A_66 = arith.constant 0 : i32
      %dma_wait3A_67 = arith.constant 0 : i32
      %dma_wait3A_68 = tpu.memref_slice %arg2[%dma_wait3A_66, %dma_wait3A_67] : memref<10000x128xf32, #tpu.memory_space<hbm>> -> memref<128x128xf32, #tpu.memory_space<hbm>>
      tpu.wait_dma2 semaphore(%arg17 : memref<!tpu.dma_semaphore, #tpu.memory_space<semaphore_mem>>) src(%dma_wait3A_68 : memref<128x128xf32, #tpu.memory_space<hbm>>) dst(%arg13 : memref<128x128xf32, #tpu.memory_space<vmem>>)
      %scan3A_69 = arith.constant 0 : i32
      %scan3A_70 = arith.constant 128 : i32
      %scan3A_71 = arith.addi %scan3A_69, %scan3A_70 : i32
      %scan3A_72 = arith.constant 1 : i32
      scf.for %scan3A_77 = %scan3A_69 to %scan3A_71 step %scan3A_72  : i32 {
        %mul3A_78 = arith.constant 1 : i32
        %mul3A_79 = arith.muli %scan3A_77, %mul3A_78 : i32
        %add3A_80 = arith.constant 0 : i32
        %add3A_81 = arith.addi %add3A_80, %mul3A_79 : i32
        %scan3A_82 = arith.constant 0 : i32
        %scan3A_83 = arith.constant 4 : i32
        %scan3A_84 = arith.addi %scan3A_82, %scan3A_83 : i32
        %scan3A_85 = arith.constant 1 : i32
        scf.for %scan3A_87 = %scan3A_82 to %scan3A_84 step %scan3A_85  : i32 {
          %mul3A_88 = arith.constant 1 : i32
          %mul3A_89 = arith.muli %scan3A_87, %mul3A_88 : i32
          %add3A_90 = arith.constant 0 : i32
          %add3A_91 = arith.addi %add3A_90, %mul3A_89 : i32
          %mul3A_92 = arith.constant 16 : i32
          %mul3A_93 = arith.muli %add3A_91, %mul3A_92 : i32
          %get3A = arith.index_cast %add3A_81 : i32 to index
          %get3A_94 = arith.index_cast %mul3A_93 : i32 to index
          %get3A_95 = tpu.vector_load %arg12[%get3A, %get3A_94] {strides = array<i32>} : memref<128x128xf32, #tpu.memory_space<vmem>>, vector<1x16xf32>,
          %get3A_96 = vector.shape_cast %get3A_95 : vector<1x16xf32> to vector<16xf32>
          %add3A_97 = arith.constant 64 : i32
          %add3A_98 = arith.addi %mul3A_93, %add3A_97 : i32
          %get3A_99 = arith.index_cast %add3A_81 : i32 to index
          %get3A_100 = arith.index_cast %add3A_98 : i32 to index
          %get3A_101 = tpu.vector_load %arg13[%get3A_99, %get3A_100] {strides = array<i32>} : memref<128x128xf32, #tpu.memory_space<vmem>>, vector<1x16xf32>,
          %get3A_102 = vector.shape_cast %get3A_101 : vector<1x16xf32> to vector<16xf32>
          %add3A_103 = arith.addf %get3A_96, %get3A_102 : vector<16xf32>
          %swap3A = arith.index_cast %add3A_81 : i32 to index
          %swap3A_104 = arith.index_cast %mul3A_93 : i32 to index
          %swap3A_105 = tpu.vector_load %arg15[%swap3A, %swap3A_104] {strides = array<i32>} : memref<128x64xf32, #tpu.memory_space<vmem>>, vector<1x16xf32>,
          %swap3A_106 = vector.shape_cast %swap3A_105 : vector<1x16xf32> to vector<16xf32>
          %swap3A_107 = vector.shape_cast %add3A_103 : vector<16xf32> to vector<1x16xf32>
          tpu.vector_store %arg15[%swap3A, %swap3A_104], %swap3A_107 {strides = array<i32>} : memref<128x64xf32, #tpu.memory_space<vmem>>, vector<1x16xf32>,
        }
        %scan3A_86 = arith.constant 4 : i32
      }
      %scan3A_73 = arith.constant 128 : i32
      %mul3A_74 = arith.constant 128 : i32
      %mul3A_75 = arith.muli %add3A_56, %mul3A_74 : i32
      %add3A_76 = arith.addi %mul3A_2, %mul3A_75 : i32
      "tpu.region"() ({
        %run_scoped3A = tpu.sem_alloc : memref<!tpu.dma_semaphore, #tpu.memory_space<semaphore_mem>>
        %dma_start3A_77 = arith.constant 0 : i32
        %dma_start3A_78 = tpu.memref_slice %arg5[%add3A_76, %dma_start3A_77] : memref<163840x64xf32, #tpu.memory_space<hbm>> -> memref<128x64xf32, #tpu.memory_space<hbm>>
        %dma_start3A_79 = arith.constant 0 : i32
        %dma_start3A_80 = tpu.memref_slice %arg5[%add3A_76, %dma_start3A_79] : memref<163840x64xf32, #tpu.memory_space<hbm>> -> memref<128x64xf32, #tpu.memory_space<hbm>>
        tpu.enqueue_dma source(%arg15 : memref<128x64xf32, #tpu.memory_space<vmem>>) target(%dma_start3A_80 : memref<128x64xf32, #tpu.memory_space<hbm>>) target_semaphore(%run_scoped3A : memref<!tpu.dma_semaphore, #tpu.memory_space<semaphore_mem>>)
        %dma_wait3A_81 = arith.constant 0 : i32
        %dma_wait3A_82 = tpu.memref_slice %arg5[%add3A_76, %dma_wait3A_81] : memref<163840x64xf32, #tpu.memory_space<hbm>> -> memref<128x64xf32, #tpu.memory_space<hbm>>
        %dma_wait3A_83 = arith.constant 0 : i32
        %dma_wait3A_84 = tpu.memref_slice %arg5[%add3A_76, %dma_wait3A_83] : memref<163840x64xf32, #tpu.memory_space<hbm>> -> memref<128x64xf32, #tpu.memory_space<hbm>>
        tpu.wait_dma2 semaphore(%run_scoped3A : memref<!tpu.dma_semaphore, #tpu.memory_space<semaphore_mem>>) src(%arg15 : memref<128x64xf32, #tpu.memory_space<vmem>>) dst(%dma_wait3A_84 : memref<128x64xf32, #tpu.memory_space<hbm>>)
        tpu.yield
      }) : () -> ()
    }
    %scan3A_15 = arith.constant 20 : i32
    return
  }
}

#map = affine_map<(d0, d1) -> (0, 0)>
#map1 = affine_map<(d0, d1) -> (0)>
module attributes {stable_mosaic.version = 14 : i64} {
  func.func @k(%arg0: i32, %arg1: i32, %arg2: memref<10000x128xf32, #tpu.memory_space<hbm>>, %arg3: memref<163840xi32, #tpu.memory_space<hbm>>, %arg4: memref<163840xi32, #tpu.memory_space<hbm>>, %arg5: memref<163840x64xf32, #tpu.memory_space<hbm>>, %arg6: memref<128xi32, #tpu.memory_space<vmem>>, %arg7: memref<128xi32, #tpu.memory_space<vmem>>, %arg8: memref<128xi32, #tpu.memory_space<vmem>>, %arg9: memref<128xi32, #tpu.memory_space<vmem>>, %arg10: memref<128x128xf32, #tpu.memory_space<vmem>>, %arg11: memref<128x128xf32, #tpu.memory_space<vmem>>, %arg12: memref<128x128xf32, #tpu.memory_space<vmem>>, %arg13: memref<128x128xf32, #tpu.memory_space<vmem>>, %arg14: memref<128x64xf32, #tpu.memory_space<vmem>>, %arg15: memref<128x64xf32, #tpu.memory_space<vmem>>, %arg16: memref<!tpu.dma_semaphore, #tpu.memory_space<semaphore_mem>>, %arg17: memref<!tpu.dma_semaphore, #tpu.memory_space<semaphore_mem>>) attributes {dimension_semantics = [#tpu.dimension_semantics<core_parallel>, #tpu.dimension_semantics<subcore_parallel>], iteration_bounds = array<i64: 2, 16>, scalar_prefetch = 0 : i64, scratch_operands = 12 : i64, tpu.core_type = #tpu.core_type<sc_vector_subcore>, window_params = [{transform_indices = #map}, {transform_indices = #map1}, {transform_indices = #map1}, {transform_indices = #map}]} {
    %mul3A = arith.constant 2 : i32
    %mul3A_0 = arith.muli %arg1, %mul3A : i32
    %add3A = arith.addi %mul3A_0, %arg0 : i32
    %mul3A_1 = arith.constant 5120 : i32
    %mul3A_2 = arith.muli %add3A, %mul3A_1 : i32
    %mul3A_3 = arith.constant 0 : i32
    %mul3A_4 = arith.constant 128 : i32
    %mul3A_5 = arith.muli %mul3A_3, %mul3A_4 : i32
    %add3A_6 = arith.addi %mul3A_2, %mul3A_5 : i32
    "tpu.region"() ({
      %run_scoped3A = tpu.sem_alloc : memref<!tpu.dma_semaphore, #tpu.memory_space<semaphore_mem>>
      %dma_start3A_16 = tpu.memref_slice %arg3[%add3A_6] : memref<163840xi32, #tpu.memory_space<hbm>> -> memref<128xi32, #tpu.memory_space<hbm>>
      %dma_start3A_17 = tpu.memref_slice %arg3[%add3A_6] : memref<163840xi32, #tpu.memory_space<hbm>> -> memref<128xi32, #tpu.memory_space<hbm>>
      tpu.enqueue_dma source(%dma_start3A_17 : memref<128xi32, #tpu.memory_space<hbm>>) target(%arg6 : memref<128xi32, #tpu.memory_space<vmem>>) target_semaphore(%run_scoped3A : memref<!tpu.dma_semaphore, #tpu.memory_space<semaphore_mem>>)
      %dma_wait3A = tpu.memref_slice %arg3[%add3A_6] : memref<163840xi32, #tpu.memory_space<hbm>> -> memref<128xi32, #tpu.memory_space<hbm>>
      %dma_wait3A_18 = tpu.memref_slice %arg3[%add3A_6] : memref<163840xi32, #tpu.memory_space<hbm>> -> memref<128xi32, #tpu.memory_space<hbm>>
      tpu.wait_dma2 semaphore(%run_scoped3A : memref<!tpu.dma_semaphore, #tpu.memory_space<semaphore_mem>>) src(%dma_wait3A_18 : memref<128xi32, #tpu.memory_space<hbm>>) dst(%arg6 : memref<128xi32, #tpu.memory_space<vmem>>)
      tpu.yield
    }) : () -> ()
    "tpu.region"() ({
      %run_scoped3A = tpu.sem_alloc : memref<!tpu.dma_semaphore, #tpu.memory_space<semaphore_mem>>
      %dma_start3A_16 = tpu.memref_slice %arg4[%add3A_6] : memref<163840xi32, #tpu.memory_space<hbm>> -> memref<128xi32, #tpu.memory_space<hbm>>
      %dma_start3A_17 = tpu.memref_slice %arg4[%add3A_6] : memref<163840xi32, #tpu.memory_space<hbm>> -> memref<128xi32, #tpu.memory_space<hbm>>
      tpu.enqueue_dma source(%dma_start3A_17 : memref<128xi32, #tpu.memory_space<hbm>>) target(%arg7 : memref<128xi32, #tpu.memory_space<vmem>>) target_semaphore(%run_scoped3A : memref<!tpu.dma_semaphore, #tpu.memory_space<semaphore_mem>>)
      %dma_wait3A = tpu.memref_slice %arg4[%add3A_6] : memref<163840xi32, #tpu.memory_space<hbm>> -> memref<128xi32, #tpu.memory_space<hbm>>
      %dma_wait3A_18 = tpu.memref_slice %arg4[%add3A_6] : memref<163840xi32, #tpu.memory_space<hbm>> -> memref<128xi32, #tpu.memory_space<hbm>>
      tpu.wait_dma2 semaphore(%run_scoped3A : memref<!tpu.dma_semaphore, #tpu.memory_space<semaphore_mem>>) src(%dma_wait3A_18 : memref<128xi32, #tpu.memory_space<hbm>>) dst(%arg7 : memref<128xi32, #tpu.memory_space<vmem>>)
      tpu.yield
    }) : () -> ()
    %dma_start3A = arith.constant 0 : i32
    %dma_start3A_7 = arith.constant 0 : i32
    %dma_start3A_8 = tpu.memref_slice %arg2[%dma_start3A, %dma_start3A_7] : memref<10000x128xf32, #tpu.memory_space<hbm>> -> memref<10000x128xf32, #tpu.memory_space<hbm>>
    tpu.enqueue_indirect_dma source(%dma_start3A_8 : memref<10000x128xf32, #tpu.memory_space<hbm>>) target(%arg10 : memref<128x128xf32, #tpu.memory_space<vmem>>) offsets(%arg6 : memref<128xi32, #tpu.memory_space<vmem>>) semaphore(%arg16 : memref<!tpu.dma_semaphore, #tpu.memory_space<semaphore_mem>>)
    %dma_start3A_9 = arith.constant 0 : i32
    %dma_start3A_10 = arith.constant 0 : i32
    %dma_start3A_11 = tpu.memref_slice %arg2[%dma_start3A_9, %dma_start3A_10] : memref<10000x128xf32, #tpu.memory_space<hbm>> -> memref<10000x128xf32, #tpu.memory_space<hbm>>
    tpu.enqueue_indirect_dma source(%dma_start3A_11 : memref<10000x128xf32, #tpu.memory_space<hbm>>) target(%arg11 : memref<128x128xf32, #tpu.memory_space<vmem>>) offsets(%arg7 : memref<128xi32, #tpu.memory_space<vmem>>) semaphore(%arg16 : memref<!tpu.dma_semaphore, #tpu.memory_space<semaphore_mem>>)
    %scan3A = arith.constant 0 : i32
    %scan3A_12 = arith.constant 20 : i32
    %scan3A_13 = arith.addi %scan3A, %scan3A_12 : i32
    %scan3A_14 = arith.constant 1 : i32
    scf.for %scan3A_16 = %scan3A to %scan3A_13 step %scan3A_14  : i32 {
      %mul3A_17 = arith.constant 1 : i32
      %mul3A_18 = arith.muli %scan3A_16, %mul3A_17 : i32
      %add3A_19 = arith.constant 0 : i32
      %add3A_20 = arith.addi %add3A_19, %mul3A_18 : i32
      %mul3A_21 = arith.constant 2 : i32
      %mul3A_22 = arith.muli %add3A_20, %mul3A_21 : i32
      %add3A_23 = arith.constant 1 : i32
      %add3A_24 = arith.addi %mul3A_22, %add3A_23 : i32
      %mul3A_25 = arith.constant 128 : i32
      %mul3A_26 = arith.muli %add3A_24, %mul3A_25 : i32
      %add3A_27 = arith.addi %mul3A_2, %mul3A_26 : i32
      "tpu.region"() ({
        %run_scoped3A = tpu.sem_alloc : memref<!tpu.dma_semaphore, #tpu.memory_space<semaphore_mem>>
        %dma_start3A_77 = tpu.memref_slice %arg3[%add3A_27] : memref<163840xi32, #tpu.memory_space<hbm>> -> memref<128xi32, #tpu.memory_space<hbm>>
        %dma_start3A_78 = tpu.memref_slice %arg3[%add3A_27] : memref<163840xi32, #tpu.memory_space<hbm>> -> memref<128xi32, #tpu.memory_space<hbm>>
        tpu.enqueue_dma source(%dma_start3A_78 : memref<128xi32, #tpu.memory_space<hbm>>) target(%arg8 : memref<128xi32, #tpu.memory_space<vmem>>) target_semaphore(%run_scoped3A : memref<!tpu.dma_semaphore, #tpu.memory_space<semaphore_mem>>)
        %dma_wait3A_79 = tpu.memref_slice %arg3[%add3A_27] : memref<163840xi32, #tpu.memory_space<hbm>> -> memref<128xi32, #tpu.memory_space<hbm>>
        %dma_wait3A_80 = tpu.memref_slice %arg3[%add3A_27] : memref<163840xi32, #tpu.memory_space<hbm>> -> memref<128xi32, #tpu.memory_space<hbm>>
        tpu.wait_dma2 semaphore(%run_scoped3A : memref<!tpu.dma_semaphore, #tpu.memory_space<semaphore_mem>>) src(%dma_wait3A_80 : memref<128xi32, #tpu.memory_space<hbm>>) dst(%arg8 : memref<128xi32, #tpu.memory_space<vmem>>)
        tpu.yield
      }) : () -> ()
      "tpu.region"() ({
        %run_scoped3A = tpu.sem_alloc : memref<!tpu.dma_semaphore, #tpu.memory_space<semaphore_mem>>
        %dma_start3A_77 = tpu.memref_slice %arg4[%add3A_27] : memref<163840xi32, #tpu.memory_space<hbm>> -> memref<128xi32, #tpu.memory_space<hbm>>
        %dma_start3A_78 = tpu.memref_slice %arg4[%add3A_27] : memref<163840xi32, #tpu.memory_space<hbm>> -> memref<128xi32, #tpu.memory_space<hbm>>
        tpu.enqueue_dma source(%dma_start3A_78 : memref<128xi32, #tpu.memory_space<hbm>>) target(%arg9 : memref<128xi32, #tpu.memory_space<vmem>>) target_semaphore(%run_scoped3A : memref<!tpu.dma_semaphore, #tpu.memory_space<semaphore_mem>>)
        %dma_wait3A_79 = tpu.memref_slice %arg4[%add3A_27] : memref<163840xi32, #tpu.memory_space<hbm>> -> memref<128xi32, #tpu.memory_space<hbm>>
        %dma_wait3A_80 = tpu.memref_slice %arg4[%add3A_27] : memref<163840xi32, #tpu.memory_space<hbm>> -> memref<128xi32, #tpu.memory_space<hbm>>
        tpu.wait_dma2 semaphore(%run_scoped3A : memref<!tpu.dma_semaphore, #tpu.memory_space<semaphore_mem>>) src(%dma_wait3A_80 : memref<128xi32, #tpu.memory_space<hbm>>) dst(%arg9 : memref<128xi32, #tpu.memory_space<vmem>>)
        tpu.yield
      }) : () -> ()
      %dma_start3A_28 = arith.constant 0 : i32
      %dma_start3A_29 = arith.constant 0 : i32
      %dma_start3A_30 = tpu.memref_slice %arg2[%dma_start3A_28, %dma_start3A_29] : memref<10000x128xf32, #tpu.memory_space<hbm>> -> memref<10000x128xf32, #tpu.memory_space<hbm>>
      tpu.enqueue_indirect_dma source(%dma_start3A_30 : memref<10000x128xf32, #tpu.memory_space<hbm>>) target(%arg12 : memref<128x128xf32, #tpu.memory_space<vmem>>) offsets(%arg8 : memref<128xi32, #tpu.memory_space<vmem>>) semaphore(%arg17 : memref<!tpu.dma_semaphore, #tpu.memory_space<semaphore_mem>>)
      %dma_start3A_31 = arith.constant 0 : i32
      %dma_start3A_32 = arith.constant 0 : i32
      %dma_start3A_33 = tpu.memref_slice %arg2[%dma_start3A_31, %dma_start3A_32] : memref<10000x128xf32, #tpu.memory_space<hbm>> -> memref<10000x128xf32, #tpu.memory_space<hbm>>
      tpu.enqueue_indirect_dma source(%dma_start3A_33 : memref<10000x128xf32, #tpu.memory_space<hbm>>) target(%arg13 : memref<128x128xf32, #tpu.memory_space<vmem>>) offsets(%arg9 : memref<128xi32, #tpu.memory_space<vmem>>) semaphore(%arg17 : memref<!tpu.dma_semaphore, #tpu.memory_space<semaphore_mem>>)
      %dma_wait3A = arith.constant 0 : i32
      %dma_wait3A_34 = arith.constant 0 : i32
      %dma_wait3A_35 = tpu.memref_slice %arg2[%dma_wait3A, %dma_wait3A_34] : memref<10000x128xf32, #tpu.memory_space<hbm>> -> memref<128x128xf32, #tpu.memory_space<hbm>>
      %dma_wait3A_36 = arith.constant 0 : i32
      %dma_wait3A_37 = arith.constant 0 : i32
      %dma_wait3A_38 = tpu.memref_slice %arg2[%dma_wait3A_36, %dma_wait3A_37] : memref<10000x128xf32, #tpu.memory_space<hbm>> -> memref<128x128xf32, #tpu.memory_space<hbm>>
      tpu.wait_dma2 semaphore(%arg16 : memref<!tpu.dma_semaphore, #tpu.memory_space<semaphore_mem>>) src(%dma_wait3A_38 : memref<128x128xf32, #tpu.memory_space<hbm>>) dst(%arg10 : memref<128x128xf32, #tpu.memory_space<vmem>>)
      %dma_wait3A_39 = arith.constant 0 : i32
      %dma_wait3A_40 = arith.constant 0 : i32
      %dma_wait3A_41 = tpu.memref_slice %arg2[%dma_wait3A_39, %dma_wait3A_40] : memref<10000x128xf32, #tpu.memory_space<hbm>> -> memref<128x128xf32, #tpu.memory_space<hbm>>
      %dma_wait3A_42 = arith.constant 0 : i32
      %dma_wait3A_43 = arith.constant 0 : i32
      %dma_wait3A_44 = tpu.memref_slice %arg2[%dma_wait3A_42, %dma_wait3A_43] : memref<10000x128xf32, #tpu.memory_space<hbm>> -> memref<128x128xf32, #tpu.memory_space<hbm>>
      tpu.wait_dma2 semaphore(%arg16 : memref<!tpu.dma_semaphore, #tpu.memory_space<semaphore_mem>>) src(%dma_wait3A_44 : memref<128x128xf32, #tpu.memory_space<hbm>>) dst(%arg11 : memref<128x128xf32, #tpu.memory_space<vmem>>)
      %scan3A_45 = arith.constant 0 : i32
      %scan3A_46 = arith.constant 128 : i32
      %scan3A_47 = arith.addi %scan3A_45, %scan3A_46 : i32
      %scan3A_48 = arith.constant 1 : i32
      scf.for %scan3A_77 = %scan3A_45 to %scan3A_47 step %scan3A_48  : i32 {
        %mul3A_78 = arith.constant 1 : i32
        %mul3A_79 = arith.muli %scan3A_77, %mul3A_78 : i32
        %add3A_80 = arith.constant 0 : i32
        %add3A_81 = arith.addi %add3A_80, %mul3A_79 : i32
        %scan3A_82 = arith.constant 0 : i32
        %scan3A_83 = arith.constant 4 : i32
        %scan3A_84 = arith.addi %scan3A_82, %scan3A_83 : i32
        %scan3A_85 = arith.constant 1 : i32
        scf.for %scan3A_87 = %scan3A_82 to %scan3A_84 step %scan3A_85  : i32 {
          %mul3A_88 = arith.constant 1 : i32
          %mul3A_89 = arith.muli %scan3A_87, %mul3A_88 : i32
          %add3A_90 = arith.constant 0 : i32
          %add3A_91 = arith.addi %add3A_90, %mul3A_89 : i32
          %mul3A_92 = arith.constant 16 : i32
          %mul3A_93 = arith.muli %add3A_91, %mul3A_92 : i32
          %get3A = arith.index_cast %add3A_81 : i32 to index
          %get3A_94 = arith.index_cast %mul3A_93 : i32 to index
          %get3A_95 = tpu.vector_load %arg10[%get3A, %get3A_94] {strides = array<i32>} : memref<128x128xf32, #tpu.memory_space<vmem>>, vector<1x16xf32>,
          %get3A_96 = vector.shape_cast %get3A_95 : vector<1x16xf32> to vector<16xf32>
          %add3A_97 = arith.constant 64 : i32
          %add3A_98 = arith.addi %mul3A_93, %add3A_97 : i32
          %get3A_99 = arith.index_cast %add3A_81 : i32 to index
          %get3A_100 = arith.index_cast %add3A_98 : i32 to index
          %get3A_101 = tpu.vector_load %arg11[%get3A_99, %get3A_100] {strides = array<i32>} : memref<128x128xf32, #tpu.memory_space<vmem>>, vector<1x16xf32>,
          %get3A_102 = vector.shape_cast %get3A_101 : vector<1x16xf32> to vector<16xf32>
          %add3A_103 = arith.addf %get3A_96, %get3A_102 : vector<16xf32>
          %swap3A = arith.index_cast %add3A_81 : i32 to index
          %swap3A_104 = arith.index_cast %mul3A_93 : i32 to index
          %swap3A_105 = tpu.vector_load %arg14[%swap3A, %swap3A_104] {strides = array<i32>} : memref<128x64xf32, #tpu.memory_space<vmem>>, vector<1x16xf32>,
          %swap3A_106 = vector.shape_cast %swap3A_105 : vector<1x16xf32> to vector<16xf32>
          %swap3A_107 = vector.shape_cast %add3A_103 : vector<16xf32> to vector<1x16xf32>
          tpu.vector_store %arg14[%swap3A, %swap3A_104], %swap3A_107 {strides = array<i32>} : memref<128x64xf32, #tpu.memory_space<vmem>>, vector<1x16xf32>,
        }
        %scan3A_86 = arith.constant 4 : i32
      }
      %scan3A_49 = arith.constant 128 : i32
      %mul3A_50 = arith.constant 128 : i32
      %mul3A_51 = arith.muli %mul3A_22, %mul3A_50 : i32
      %add3A_52 = arith.addi %mul3A_2, %mul3A_51 : i32
      "tpu.region"() ({
        %run_scoped3A = tpu.sem_alloc : memref<!tpu.dma_semaphore, #tpu.memory_space<semaphore_mem>>
        %dma_start3A_77 = arith.constant 0 : i32
        %dma_start3A_78 = tpu.memref_slice %arg5[%add3A_52, %dma_start3A_77] : memref<163840x64xf32, #tpu.memory_space<hbm>> -> memref<128x64xf32, #tpu.memory_space<hbm>>
        %dma_start3A_79 = arith.constant 0 : i32
        %dma_start3A_80 = tpu.memref_slice %arg5[%add3A_52, %dma_start3A_79] : memref<163840x64xf32, #tpu.memory_space<hbm>> -> memref<128x64xf32, #tpu.memory_space<hbm>>
        tpu.enqueue_dma source(%arg14 : memref<128x64xf32, #tpu.memory_space<vmem>>) target(%dma_start3A_80 : memref<128x64xf32, #tpu.memory_space<hbm>>) target_semaphore(%run_scoped3A : memref<!tpu.dma_semaphore, #tpu.memory_space<semaphore_mem>>)
        %dma_wait3A_81 = arith.constant 0 : i32
        %dma_wait3A_82 = tpu.memref_slice %arg5[%add3A_52, %dma_wait3A_81] : memref<163840x64xf32, #tpu.memory_space<hbm>> -> memref<128x64xf32, #tpu.memory_space<hbm>>
        %dma_wait3A_83 = arith.constant 0 : i32
        %dma_wait3A_84 = tpu.memref_slice %arg5[%add3A_52, %dma_wait3A_83] : memref<163840x64xf32, #tpu.memory_space<hbm>> -> memref<128x64xf32, #tpu.memory_space<hbm>>
        tpu.wait_dma2 semaphore(%run_scoped3A : memref<!tpu.dma_semaphore, #tpu.memory_space<semaphore_mem>>) src(%arg14 : memref<128x64xf32, #tpu.memory_space<vmem>>) dst(%dma_wait3A_84 : memref<128x64xf32, #tpu.memory_space<hbm>>)
        tpu.yield
      }) : () -> ()
      %lt3A = arith.constant 19 : i32
      %lt3A_53 = arith.cmpi slt, %add3A_20, %lt3A : i32
      %convert_element_type3A = arith.extui %lt3A_53 : i1 to i32
      %cond3A = arith.constant 0 : i32
      %cond3A_54 = arith.cmpi ne, %convert_element_type3A, %cond3A : i32
      scf.if %cond3A_54 {
        %add3A_77 = arith.constant 2 : i32
        %add3A_78 = arith.addi %mul3A_22, %add3A_77 : i32
        %mul3A_79 = arith.constant 128 : i32
        %mul3A_80 = arith.muli %add3A_78, %mul3A_79 : i32
        %add3A_81 = arith.addi %mul3A_2, %mul3A_80 : i32
        "tpu.region"() ({
          %run_scoped3A = tpu.sem_alloc : memref<!tpu.dma_semaphore, #tpu.memory_space<semaphore_mem>>
          %dma_start3A_88 = tpu.memref_slice %arg3[%add3A_81] : memref<163840xi32, #tpu.memory_space<hbm>> -> memref<128xi32, #tpu.memory_space<hbm>>
          %dma_start3A_89 = tpu.memref_slice %arg3[%add3A_81] : memref<163840xi32, #tpu.memory_space<hbm>> -> memref<128xi32, #tpu.memory_space<hbm>>
          tpu.enqueue_dma source(%dma_start3A_89 : memref<128xi32, #tpu.memory_space<hbm>>) target(%arg6 : memref<128xi32, #tpu.memory_space<vmem>>) target_semaphore(%run_scoped3A : memref<!tpu.dma_semaphore, #tpu.memory_space<semaphore_mem>>)
          %dma_wait3A_90 = tpu.memref_slice %arg3[%add3A_81] : memref<163840xi32, #tpu.memory_space<hbm>> -> memref<128xi32, #tpu.memory_space<hbm>>
          %dma_wait3A_91 = tpu.memref_slice %arg3[%add3A_81] : memref<163840xi32, #tpu.memory_space<hbm>> -> memref<128xi32, #tpu.memory_space<hbm>>
          tpu.wait_dma2 semaphore(%run_scoped3A : memref<!tpu.dma_semaphore, #tpu.memory_space<semaphore_mem>>) src(%dma_wait3A_91 : memref<128xi32, #tpu.memory_space<hbm>>) dst(%arg6 : memref<128xi32, #tpu.memory_space<vmem>>)
          tpu.yield
        }) : () -> ()
        "tpu.region"() ({
          %run_scoped3A = tpu.sem_alloc : memref<!tpu.dma_semaphore, #tpu.memory_space<semaphore_mem>>
          %dma_start3A_88 = tpu.memref_slice %arg4[%add3A_81] : memref<163840xi32, #tpu.memory_space<hbm>> -> memref<128xi32, #tpu.memory_space<hbm>>
          %dma_start3A_89 = tpu.memref_slice %arg4[%add3A_81] : memref<163840xi32, #tpu.memory_space<hbm>> -> memref<128xi32, #tpu.memory_space<hbm>>
          tpu.enqueue_dma source(%dma_start3A_89 : memref<128xi32, #tpu.memory_space<hbm>>) target(%arg7 : memref<128xi32, #tpu.memory_space<vmem>>) target_semaphore(%run_scoped3A : memref<!tpu.dma_semaphore, #tpu.memory_space<semaphore_mem>>)
          %dma_wait3A_90 = tpu.memref_slice %arg4[%add3A_81] : memref<163840xi32, #tpu.memory_space<hbm>> -> memref<128xi32, #tpu.memory_space<hbm>>
          %dma_wait3A_91 = tpu.memref_slice %arg4[%add3A_81] : memref<163840xi32, #tpu.memory_space<hbm>> -> memref<128xi32, #tpu.memory_space<hbm>>
          tpu.wait_dma2 semaphore(%run_scoped3A : memref<!tpu.dma_semaphore, #tpu.memory_space<semaphore_mem>>) src(%dma_wait3A_91 : memref<128xi32, #tpu.memory_space<hbm>>) dst(%arg7 : memref<128xi32, #tpu.memory_space<vmem>>)
          tpu.yield
        }) : () -> ()
        %dma_start3A_82 = arith.constant 0 : i32
        %dma_start3A_83 = arith.constant 0 : i32
        %dma_start3A_84 = tpu.memref_slice %arg2[%dma_start3A_82, %dma_start3A_83] : memref<10000x128xf32, #tpu.memory_space<hbm>> -> memref<10000x128xf32, #tpu.memory_space<hbm>>
        tpu.enqueue_indirect_dma source(%dma_start3A_84 : memref<10000x128xf32, #tpu.memory_space<hbm>>) target(%arg10 : memref<128x128xf32, #tpu.memory_space<vmem>>) offsets(%arg6 : memref<128xi32, #tpu.memory_space<vmem>>) semaphore(%arg16 : memref<!tpu.dma_semaphore, #tpu.memory_space<semaphore_mem>>)
        %dma_start3A_85 = arith.constant 0 : i32
        %dma_start3A_86 = arith.constant 0 : i32
        %dma_start3A_87 = tpu.memref_slice %arg2[%dma_start3A_85, %dma_start3A_86] : memref<10000x128xf32, #tpu.memory_space<hbm>> -> memref<10000x128xf32, #tpu.memory_space<hbm>>
        tpu.enqueue_indirect_dma source(%dma_start3A_87 : memref<10000x128xf32, #tpu.memory_space<hbm>>) target(%arg11 : memref<128x128xf32, #tpu.memory_space<vmem>>) offsets(%arg7 : memref<128xi32, #tpu.memory_space<vmem>>) semaphore(%arg16 : memref<!tpu.dma_semaphore, #tpu.memory_space<semaphore_mem>>)
      } else {
      }
      %add3A_55 = arith.constant 1 : i32
      %add3A_56 = arith.addi %mul3A_22, %add3A_55 : i32
      %dma_wait3A_57 = arith.constant 0 : i32
      %dma_wait3A_58 = arith.constant 0 : i32
      %dma_wait3A_59 = tpu.memref_slice %arg2[%dma_wait3A_57, %dma_wait3A_58] : memref<10000x128xf32, #tpu.memory_space<hbm>> -> memref<128x128xf32, #tpu.memory_space<hbm>>
      %dma_wait3A_60 = arith.constant 0 : i32
      %dma_wait3A_61 = arith.constant 0 : i32
      %dma_wait3A_62 = tpu.memref_slice %arg2[%dma_wait3A_60, %dma_wait3A_61] : memref<10000x128xf32, #tpu.memory_space<hbm>> -> memref<128x128xf32, #tpu.memory_space<hbm>>
      tpu.wait_dma2 semaphore(%arg17 : memref<!tpu.dma_semaphore, #tpu.memory_space<semaphore_mem>>) src(%dma_wait3A_62 : memref<128x128xf32, #tpu.memory_space<hbm>>) dst(%arg12 : memref<128x128xf32, #tpu.memory_space<vmem>>)
      %dma_wait3A_63 = arith.constant 0 : i32
      %dma_wait3A_64 = arith.constant 0 : i32
      %dma_wait3A_65 = tpu.memref_slice %arg2[%dma_wait3A_63, %dma_wait3A_64] : memref<10000x128xf32, #tpu.memory_space<hbm>> -> memref<128x128xf32, #tpu.memory_space<hbm>>
      %dma_wait3A_66 = arith.constant 0 : i32
      %dma_wait3A_67 = arith.constant 0 : i32
      %dma_wait3A_68 = tpu.memref_slice %arg2[%dma_wait3A_66, %dma_wait3A_67] : memref<10000x128xf32, #tpu.memory_space<hbm>> -> memref<128x128xf32, #tpu.memory_space<hbm>>
      tpu.wait_dma2 semaphore(%arg17 : memref<!tpu.dma_semaphore, #tpu.memory_space<semaphore_mem>>) src(%dma_wait3A_68 : memref<128x128xf32, #tpu.memory_space<hbm>>) dst(%arg13 : memref<128x128xf32, #tpu.memory_space<vmem>>)
      %scan3A_69 = arith.constant 0 : i32
      %scan3A_70 = arith.constant 128 : i32
      %scan3A_71 = arith.addi %scan3A_69, %scan3A_70 : i32
      %scan3A_72 = arith.constant 1 : i32
      scf.for %scan3A_77 = %scan3A_69 to %scan3A_71 step %scan3A_72  : i32 {
        %mul3A_78 = arith.constant 1 : i32
        %mul3A_79 = arith.muli %scan3A_77, %mul3A_78 : i32
        %add3A_80 = arith.constant 0 : i32
        %add3A_81 = arith.addi %add3A_80, %mul3A_79 : i32
        %scan3A_82 = arith.constant 0 : i32
        %scan3A_83 = arith.constant 4 : i32
        %scan3A_84 = arith.addi %scan3A_82, %scan3A_83 : i32
        %scan3A_85 = arith.constant 1 : i32
        scf.for %scan3A_87 = %scan3A_82 to %scan3A_84 step %scan3A_85  : i32 {
          %mul3A_88 = arith.constant 1 : i32
          %mul3A_89 = arith.muli %scan3A_87, %mul3A_88 : i32
          %add3A_90 = arith.constant 0 : i32
          %add3A_91 = arith.addi %add3A_90, %mul3A_89 : i32
          %mul3A_92 = arith.constant 16 : i32
          %mul3A_93 = arith.muli %add3A_91, %mul3A_92 : i32
          %get3A = arith.index_cast %add3A_81 : i32 to index
          %get3A_94 = arith.index_cast %mul3A_93 : i32 to index
          %get3A_95 = tpu.vector_load %arg12[%get3A, %get3A_94] {strides = array<i32>} : memref<128x128xf32, #tpu.memory_space<vmem>>, vector<1x16xf32>,
          %get3A_96 = vector.shape_cast %get3A_95 : vector<1x16xf32> to vector<16xf32>
          %add3A_97 = arith.constant 64 : i32
          %add3A_98 = arith.addi %mul3A_93, %add3A_97 : i32
          %get3A_99 = arith.index_cast %add3A_81 : i32 to index
          %get3A_100 = arith.index_cast %add3A_98 : i32 to index
          %get3A_101 = tpu.vector_load %arg13[%get3A_99, %get3A_100] {strides = array<i32>} : memref<128x128xf32, #tpu.memory_space<vmem>>, vector<1x16xf32>,
          %get3A_102 = vector.shape_cast %get3A_101 : vector<1x16xf32> to vector<16xf32>
          %add3A_103 = arith.addf %get3A_96, %get3A_102 : vector<16xf32>
          %swap3A = arith.index_cast %add3A_81 : i32 to index
          %swap3A_104 = arith.index_cast %mul3A_93 : i32 to index
          %swap3A_105 = tpu.vector_load %arg15[%swap3A, %swap3A_104] {strides = array<i32>} : memref<128x64xf32, #tpu.memory_space<vmem>>, vector<1x16xf32>,
          %swap3A_106 = vector.shape_cast %swap3A_105 : vector<1x16xf32> to vector<16xf32>
          %swap3A_107 = vector.shape_cast %add3A_103 : vector<16xf32> to vector<1x16xf32>
          tpu.vector_store %arg15[%swap3A, %swap3A_104], %swap3A_107 {strides = array<i32>} : memref<128x64xf32, #tpu.memory_space<vmem>>, vector<1x16xf32>,
        }
        %scan3A_86 = arith.constant 4 : i32
      }
      %scan3A_73 = arith.constant 128 : i32
      %mul3A_74 = arith.constant 128 : i32
      %mul3A_75 = arith.muli %add3A_56, %mul3A_74 : i32
      %add3A_76 = arith.addi %mul3A_2, %mul3A_75 : i32
      "tpu.region"() ({
        %run_scoped3A = tpu.sem_alloc : memref<!tpu.dma_semaphore, #tpu.memory_space<semaphore_mem>>
        %dma_start3A_77 = arith.constant 0 : i32
        %dma_start3A_78 = tpu.memref_slice %arg5[%add3A_76, %dma_start3A_77] : memref<163840x64xf32, #tpu.memory_space<hbm>> -> memref<128x64xf32, #tpu.memory_space<hbm>>
        %dma_start3A_79 = arith.constant 0 : i32
        %dma_start3A_80 = tpu.memref_slice %arg5[%add3A_76, %dma_start3A_79] : memref<163840x64xf32, #tpu.memory_space<hbm>> -> memref<128x64xf32, #tpu.memory_space<hbm>>
        tpu.enqueue_dma source(%arg15 : memref<128x64xf32, #tpu.memory_space<vmem>>) target(%dma_start3A_80 : memref<128x64xf32, #tpu.memory_space<hbm>>) target_semaphore(%run_scoped3A : memref<!tpu.dma_semaphore, #tpu.memory_space<semaphore_mem>>)
        %dma_wait3A_81 = arith.constant 0 : i32
        %dma_wait3A_82 = tpu.memref_slice %arg5[%add3A_76, %dma_wait3A_81] : memref<163840x64xf32, #tpu.memory_space<hbm>> -> memref<128x64xf32, #tpu.memory_space<hbm>>
        %dma_wait3A_83 = arith.constant 0 : i32
        %dma_wait3A_84 = tpu.memref_slice %arg5[%add3A_76, %dma_wait3A_83] : memref<163840x64xf32, #tpu.memory_space<hbm>> -> memref<128x64xf32, #tpu.memory_space<hbm>>
        tpu.wait_dma2 semaphore(%run_scoped3A : memref<!tpu.dma_semaphore, #tpu.memory_space<semaphore_mem>>) src(%arg15 : memref<128x64xf32, #tpu.memory_space<vmem>>) dst(%dma_wait3A_84 : memref<128x64xf32, #tpu.memory_space<hbm>>)
        tpu.yield
      }) : () -> ()
    }
    %scan3A_15 = arith.constant 20 : i32
    return
  }
}

#map = affine_map<(d0, d1) -> (0, 0)>
#map1 = affine_map<(d0, d1) -> (0, 0, 0)>
module attributes {stable_mosaic.version = 14 : i64} {
  func.func @k(%arg0: i32, %arg1: i32, %arg2: memref<163840x128xf32, #tpu.memory_space<hbm>>, %arg3: memref<1280x128xi32, #tpu.memory_space<hbm>>, %arg4: memref<640x128xf32, #tpu.memory_space<hbm>>, %arg5: memref<2x10240x128xf32, #tpu.memory_space<hbm>>, %arg6: memref<128xi32, #tpu.memory_space<vmem>>, %arg7: memref<128x128xf32, #tpu.memory_space<vmem>>, %arg8: memref<10240x128xf32, #tpu.memory_space<vmem_shared>>) attributes {dimension_semantics = [#tpu.dimension_semantics<core_parallel>, #tpu.dimension_semantics<subcore_parallel>], iteration_bounds = array<i64: 2, 16>, scalar_prefetch = 0 : i64, scratch_operands = 3 : i64, tpu.core_type = #tpu.core_type<sc_vector_subcore>, window_params = [{transform_indices = #map}, {transform_indices = #map}, {transform_indices = #map}, {transform_indices = #map1}]} {
    %mul3A = arith.constant 2 : i32
    %mul3A_0 = arith.muli %arg1, %mul3A : i32
    %add3A = arith.addi %mul3A_0, %arg0 : i32
    %mul3A_1 = arith.constant 640 : i32
    %mul3A_2 = arith.muli %arg1, %mul3A_1 : i32
    "tpu.region"() ({
      %run_scoped3A = tpu.sem_alloc : memref<!tpu.dma_semaphore, #tpu.memory_space<semaphore_mem>>
      %dma_start3A = arith.constant 0 : i32
      %dma_start3A_8 = tpu.memref_slice %arg8[%mul3A_2, %dma_start3A] : memref<10240x128xf32, #tpu.memory_space<vmem_shared>> -> memref<640x128xf32, #tpu.memory_space<vmem_shared>>
      tpu.enqueue_dma source(%arg4 : memref<640x128xf32, #tpu.memory_space<hbm>>) target(%dma_start3A_8 : memref<640x128xf32, #tpu.memory_space<vmem_shared>>) target_semaphore(%run_scoped3A : memref<!tpu.dma_semaphore, #tpu.memory_space<semaphore_mem>>)
      %dma_wait3A = arith.constant 0 : i32
      %dma_wait3A_9 = tpu.memref_slice %arg8[%mul3A_2, %dma_wait3A] : memref<10240x128xf32, #tpu.memory_space<vmem_shared>> -> memref<640x128xf32, #tpu.memory_space<vmem_shared>>
      tpu.wait_dma2 semaphore(%run_scoped3A : memref<!tpu.dma_semaphore, #tpu.memory_space<semaphore_mem>>) src(%arg4 : memref<640x128xf32, #tpu.memory_space<hbm>>) dst(%dma_wait3A_9 : memref<640x128xf32, #tpu.memory_space<vmem_shared>>)
      tpu.yield
    }) : () -> ()
    %barrier3A = arith.constant 0 : index
    tpu.barrier barrier_id(%barrier3A)
    %scan3A = arith.constant 0 : i32
    %scan3A_3 = arith.constant 40 : i32
    %scan3A_4 = arith.addi %scan3A, %scan3A_3 : i32
    %scan3A_5 = arith.constant 1 : i32
    scf.for %scan3A_8 = %scan3A to %scan3A_4 step %scan3A_5  : i32 {
      %mul3A_9 = arith.constant 1 : i32
      %mul3A_10 = arith.muli %scan3A_8, %mul3A_9 : i32
      %add3A_11 = arith.constant 0 : i32
      %add3A_12 = arith.addi %add3A_11, %mul3A_10 : i32
      %mul3A_13 = arith.constant 40 : i32
      %mul3A_14 = arith.muli %add3A, %mul3A_13 : i32
      %add3A_15 = arith.addi %mul3A_14, %add3A_12 : i32
      %mul3A_16 = arith.constant 5120 : i32
      %mul3A_17 = arith.muli %add3A, %mul3A_16 : i32
      %mul3A_18 = arith.constant 128 : i32
      %mul3A_19 = arith.muli %add3A_12, %mul3A_18 : i32
      %add3A_20 = arith.addi %mul3A_17, %mul3A_19 : i32
      "tpu.region"() ({
        %run_scoped3A = tpu.sem_alloc : memref<!tpu.dma_semaphore, #tpu.memory_space<semaphore_mem>>
        %dma_start3A = arith.constant 0 : i32
        %dma_start3A_21 = tpu.memref_slice %arg3[%add3A_15, %dma_start3A] : memref<1280x128xi32, #tpu.memory_space<hbm>> -> memref<1x128xi32, #tpu.memory_space<hbm>>
        %dma_start3A_22 = tpu.memref_squeeze %dma_start3A_21 : memref<1x128xi32, #tpu.memory_space<hbm>> -> memref<128xi32, #tpu.memory_space<hbm>>
        %dma_start3A_23 = arith.constant 0 : i32
        %dma_start3A_24 = tpu.memref_slice %arg3[%add3A_15, %dma_start3A_23] : memref<1280x128xi32, #tpu.memory_space<hbm>> -> memref<1x128xi32, #tpu.memory_space<hbm>>
        %dma_start3A_25 = tpu.memref_squeeze %dma_start3A_24 : memref<1x128xi32, #tpu.memory_space<hbm>> -> memref<128xi32, #tpu.memory_space<hbm>>
        tpu.enqueue_dma source(%dma_start3A_25 : memref<128xi32, #tpu.memory_space<hbm>>) target(%arg6 : memref<128xi32, #tpu.memory_space<vmem>>) target_semaphore(%run_scoped3A : memref<!tpu.dma_semaphore, #tpu.memory_space<semaphore_mem>>)
        %dma_wait3A = arith.constant 0 : i32
        %dma_wait3A_26 = tpu.memref_slice %arg3[%add3A_15, %dma_wait3A] : memref<1280x128xi32, #tpu.memory_space<hbm>> -> memref<1x128xi32, #tpu.memory_space<hbm>>
        %dma_wait3A_27 = tpu.memref_squeeze %dma_wait3A_26 : memref<1x128xi32, #tpu.memory_space<hbm>> -> memref<128xi32, #tpu.memory_space<hbm>>
        %dma_wait3A_28 = arith.constant 0 : i32
        %dma_wait3A_29 = tpu.memref_slice %arg3[%add3A_15, %dma_wait3A_28] : memref<1280x128xi32, #tpu.memory_space<hbm>> -> memref<1x128xi32, #tpu.memory_space<hbm>>
        %dma_wait3A_30 = tpu.memref_squeeze %dma_wait3A_29 : memref<1x128xi32, #tpu.memory_space<hbm>> -> memref<128xi32, #tpu.memory_space<hbm>>
        tpu.wait_dma2 semaphore(%run_scoped3A : memref<!tpu.dma_semaphore, #tpu.memory_space<semaphore_mem>>) src(%dma_wait3A_30 : memref<128xi32, #tpu.memory_space<hbm>>) dst(%arg6 : memref<128xi32, #tpu.memory_space<vmem>>)
        tpu.yield
      }) : () -> ()
      "tpu.region"() ({
        %run_scoped3A = tpu.sem_alloc : memref<!tpu.dma_semaphore, #tpu.memory_space<semaphore_mem>>
        %dma_start3A = arith.constant 0 : i32
        %dma_start3A_21 = tpu.memref_slice %arg2[%add3A_20, %dma_start3A] : memref<163840x128xf32, #tpu.memory_space<hbm>> -> memref<128x128xf32, #tpu.memory_space<hbm>>
        %dma_start3A_22 = arith.constant 0 : i32
        %dma_start3A_23 = tpu.memref_slice %arg2[%add3A_20, %dma_start3A_22] : memref<163840x128xf32, #tpu.memory_space<hbm>> -> memref<128x128xf32, #tpu.memory_space<hbm>>
        tpu.enqueue_dma source(%dma_start3A_23 : memref<128x128xf32, #tpu.memory_space<hbm>>) target(%arg7 : memref<128x128xf32, #tpu.memory_space<vmem>>) target_semaphore(%run_scoped3A : memref<!tpu.dma_semaphore, #tpu.memory_space<semaphore_mem>>)
        %dma_wait3A = arith.constant 0 : i32
        %dma_wait3A_24 = tpu.memref_slice %arg2[%add3A_20, %dma_wait3A] : memref<163840x128xf32, #tpu.memory_space<hbm>> -> memref<128x128xf32, #tpu.memory_space<hbm>>
        %dma_wait3A_25 = arith.constant 0 : i32
        %dma_wait3A_26 = tpu.memref_slice %arg2[%add3A_20, %dma_wait3A_25] : memref<163840x128xf32, #tpu.memory_space<hbm>> -> memref<128x128xf32, #tpu.memory_space<hbm>>
        tpu.wait_dma2 semaphore(%run_scoped3A : memref<!tpu.dma_semaphore, #tpu.memory_space<semaphore_mem>>) src(%dma_wait3A_26 : memref<128x128xf32, #tpu.memory_space<hbm>>) dst(%arg7 : memref<128x128xf32, #tpu.memory_space<vmem>>)
        tpu.yield
      }) : () -> ()
      "tpu.region"() ({
        %run_scoped3A = tpu.sem_alloc : memref<!tpu.dma_semaphore, #tpu.memory_space<semaphore_mem>>
        %dma_start3A = arith.constant 0 : i32
        %dma_start3A_21 = arith.constant 0 : i32
        %dma_start3A_22 = tpu.memref_slice %arg8[%dma_start3A, %dma_start3A_21] : memref<10240x128xf32, #tpu.memory_space<vmem_shared>> -> memref<10240x128xf32, #tpu.memory_space<vmem_shared>>
        tpu.enqueue_indirect_dma source(%arg7 : memref<128x128xf32, #tpu.memory_space<vmem>>) target(%dma_start3A_22 : memref<10240x128xf32, #tpu.memory_space<vmem_shared>>) offsets(%arg6 : memref<128xi32, #tpu.memory_space<vmem>>) semaphore(%run_scoped3A : memref<!tpu.dma_semaphore, #tpu.memory_space<semaphore_mem>>) {add = true}
        %dma_wait3A = arith.constant 0 : i32
        %dma_wait3A_23 = arith.constant 0 : i32
        %dma_wait3A_24 = tpu.memref_slice %arg8[%dma_wait3A, %dma_wait3A_23] : memref<10240x128xf32, #tpu.memory_space<vmem_shared>> -> memref<10240x128xf32, #tpu.memory_space<vmem_shared>>
        tpu.wait_indirect_dma semaphore(%run_scoped3A : memref<!tpu.dma_semaphore, #tpu.memory_space<semaphore_mem>>) src(%arg7 : memref<128x128xf32, #tpu.memory_space<vmem>>) dst(%dma_wait3A_24 : memref<10240x128xf32, #tpu.memory_space<vmem_shared>>)
        tpu.yield
      }) : () -> ()
    }
    %scan3A_6 = arith.constant 40 : i32
    %barrier3A_7 = arith.constant 0 : index
    tpu.barrier barrier_id(%barrier3A_7)
    "tpu.region"() ({
      %run_scoped3A = tpu.sem_alloc : memref<!tpu.dma_semaphore, #tpu.memory_space<semaphore_mem>>
      %dma_start3A = arith.constant 0 : i32
      %dma_start3A_8 = tpu.memref_slice %arg5[%arg0, %mul3A_2, %dma_start3A] : memref<2x10240x128xf32, #tpu.memory_space<hbm>> -> memref<1x640x128xf32, #tpu.memory_space<hbm>>
      %dma_start3A_9 = tpu.memref_squeeze %dma_start3A_8 : memref<1x640x128xf32, #tpu.memory_space<hbm>> -> memref<640x128xf32, #tpu.memory_space<hbm>>
      %dma_start3A_10 = arith.constant 0 : i32
      %dma_start3A_11 = tpu.memref_slice %arg8[%mul3A_2, %dma_start3A_10] : memref<10240x128xf32, #tpu.memory_space<vmem_shared>> -> memref<640x128xf32, #tpu.memory_space<vmem_shared>>
      tpu.enqueue_dma source(%dma_start3A_11 : memref<640x128xf32, #tpu.memory_space<vmem_shared>>) target(%dma_start3A_9 : memref<640x128xf32, #tpu.memory_space<hbm>>) target_semaphore(%run_scoped3A : memref<!tpu.dma_semaphore, #tpu.memory_space<semaphore_mem>>)
      %dma_wait3A = arith.constant 0 : i32
      %dma_wait3A_12 = tpu.memref_slice %arg5[%arg0, %mul3A_2, %dma_wait3A] : memref<2x10240x128xf32, #tpu.memory_space<hbm>> -> memref<1x640x128xf32, #tpu.memory_space<hbm>>
      %dma_wait3A_13 = tpu.memref_squeeze %dma_wait3A_12 : memref<1x640x128xf32, #tpu.memory_space<hbm>> -> memref<640x128xf32, #tpu.memory_space<hbm>>
      %dma_wait3A_14 = arith.constant 0 : i32
      %dma_wait3A_15 = tpu.memref_slice %arg8[%mul3A_2, %dma_wait3A_14] : memref<10240x128xf32, #tpu.memory_space<vmem_shared>> -> memref<640x128xf32, #tpu.memory_space<vmem_shared>>
      tpu.wait_dma2 semaphore(%run_scoped3A : memref<!tpu.dma_semaphore, #tpu.memory_space<semaphore_mem>>) src(%dma_wait3A_15 : memref<640x128xf32, #tpu.memory_space<vmem_shared>>) dst(%dma_wait3A_13 : memref<640x128xf32, #tpu.memory_space<hbm>>)
      tpu.yield
    }) : () -> ()
    return
  }
}

module attributes {stable_mosaic.version = 14 : i64} {
  func.func @body(%arg0: i32, %arg1: memref<2000x128xf32, #tpu.memory_space<vmem>>, %arg2: memref<128x128xf32, #tpu.memory_space<vmem>>, %arg3: memref<2000x128xf32, #tpu.memory_space<vmem>>) attributes {dimension_semantics = [#tpu.dimension_semantics<arbitrary>], iteration_bounds = array<i64: 5>, scalar_prefetch = 0 : i64, scratch_operands = 0 : i64, tpu.core_type = #tpu.core_type<tc>, window_params = [{transform_indices = @transform_0, window_bounds = array<i64: 2000, 128>}, {pipeline_mode = #tpu.pipeline_mode<synchronous>, transform_indices = @transform_1, window_bounds = array<i64: 128, 128>}, {transform_indices = @transform_2, window_bounds = array<i64: 2000, 128>}]} {
    %get3A = arith.constant 0 : index
    %get3A_0 = arith.constant 0 : index
    %get3A_1 = vector.load %arg1[%get3A, %get3A_0] : memref<2000x128xf32, #tpu.memory_space<vmem>>, vector<2000x128xf32>
    %get3A_2 = arith.constant 0 : index
    %get3A_3 = arith.constant 0 : index
    %get3A_4 = vector.load %arg2[%get3A_2, %get3A_3] : memref<128x128xf32, #tpu.memory_space<vmem>>, vector<128x128xf32>
    %dot_general3A = arith.constant dense<0.000000e+00> : vector<2000x128xf32>
    %dot_general3A_5 = tpu.matmul %get3A_1, %get3A_4, %dot_general3A {dimension_numbers = #tpu.dot_dimension_numbers<[1], [0], [0], [1], [0, 0, 1, 1], [], []>, transpose_lhs_hint = false} : vector<2000x128xf32>, vector<128x128xf32>, vector<2000x128xf32> -> vector<2000x128xf32>
    %swap3A = arith.constant 0 : index
    %swap3A_6 = arith.constant 0 : index
    %swap3A_7 = vector.load %arg3[%swap3A, %swap3A_6] : memref<2000x128xf32, #tpu.memory_space<vmem>>, vector<2000x128xf32>
    tpu.vector_store %arg3[%swap3A, %swap3A_6], %dot_general3A_5 {strides = array<i32>} : memref<2000x128xf32, #tpu.memory_space<vmem>>, vector<2000x128xf32>,
    return
  }
  func.func @transform_0(%arg0: i32) -> (i32, i32) {
    %c0_i32 = arith.constant 0 : i32
    %c0_i32_0 = arith.constant 0 : i32
    return %arg0, %c0_i32 : i32, i32
  }
  func.func @transform_1(%arg0: i32) -> (i32, i32) {
    %c0_i32 = arith.constant 0 : i32
    %c0_i32_0 = arith.constant 0 : i32
    %c0_i32_1 = arith.constant 0 : i32
    return %c0_i32, %c0_i32_0 : i32, i32
  }
  func.func @transform_2(%arg0: i32) -> (i32, i32) {
    %c0_i32 = arith.constant 0 : i32
    %c0_i32_0 = arith.constant 0 : i32
    return %arg0, %c0_i32 : i32, i32
  }
}

module attributes {stable_mosaic.version = 14 : i64} {
  func.func @body(%arg0: i32, %arg1: memref<4096x16xf32, #tpu.memory_space<vmem>>, %arg2: memref<4096x64xf32, #tpu.memory_space<vmem>>, %arg3: memref<16x64xf32, #tpu.memory_space<vmem>>, %arg4: memref<1x64xf32, #tpu.memory_space<vmem>>, %arg5: memref<64x64xf32, #tpu.memory_space<vmem>>, %arg6: memref<1x64xf32, #tpu.memory_space<vmem>>, %arg7: memref<64x64xf32, #tpu.memory_space<vmem>>, %arg8: memref<1x64xf32, #tpu.memory_space<vmem>>, %arg9: memref<4096x128xf32, #tpu.memory_space<vmem>>) attributes {dimension_semantics = [#tpu.dimension_semantics<arbitrary>], iteration_bounds = array<i64: 40>, scalar_prefetch = 0 : i64, scratch_operands = 0 : i64, tpu.core_type = #tpu.core_type<tc>, window_params = [{transform_indices = @transform_0, window_bounds = array<i64: 4096, 16>}, {transform_indices = @transform_1, window_bounds = array<i64: 4096, 64>}, {pipeline_mode = #tpu.pipeline_mode<synchronous>, transform_indices = @transform_2, window_bounds = array<i64: 16, 64>}, {pipeline_mode = #tpu.pipeline_mode<synchronous>, transform_indices = @transform_3, window_bounds = array<i64: 1, 64>}, {pipeline_mode = #tpu.pipeline_mode<synchronous>, transform_indices = @transform_4, window_bounds = array<i64: 64, 64>}, {pipeline_mode = #tpu.pipeline_mode<synchronous>, transform_indices = @transform_5, window_bounds = array<i64: 1, 64>}, {pipeline_mode = #tpu.pipeline_mode<synchronous>, transform_indices = @transform_6, window_bounds = array<i64: 64, 64>}, {pipeline_mode = #tpu.pipeline_mode<synchronous>, transform_indices = @transform_7, window_bounds = array<i64: 1, 64>}, {transform_indices = @transform_8, window_bounds = array<i64: 4096, 128>}]} {
    %get3A = arith.constant 0 : index
    %get3A_0 = arith.constant 0 : index
    %get3A_1 = vector.load %arg1[%get3A, %get3A_0] : memref<4096x16xf32, #tpu.memory_space<vmem>>, vector<4096x16xf32>
    %get3A_2 = arith.constant 0 : index
    %get3A_3 = arith.constant 0 : index
    %get3A_4 = vector.load %arg3[%get3A_2, %get3A_3] : memref<16x64xf32, #tpu.memory_space<vmem>>, vector<16x64xf32>
    %dot_general3A = arith.constant dense<0.000000e+00> : vector<4096x64xf32>
    %dot_general3A_5 = tpu.matmul %get3A_1, %get3A_4, %dot_general3A {dimension_numbers = #tpu.dot_dimension_numbers<[1], [0], [0], [1], [0, 0, 1, 1], [], []>, transpose_lhs_hint = false} : vector<4096x16xf32>, vector<16x64xf32>, vector<4096x64xf32> -> vector<4096x64xf32>
    %get3A_6 = arith.constant 0 : index
    %get3A_7 = arith.constant 0 : index
    %get3A_8 = vector.load %arg2[%get3A_6, %get3A_7] : memref<4096x64xf32, #tpu.memory_space<vmem>>, vector<4096x64xf32>
    %add3A = arith.addf %dot_general3A_5, %get3A_8 : vector<4096x64xf32>
    %get3A_9 = arith.constant 0 : index
    %get3A_10 = arith.constant 0 : index
    %get3A_11 = vector.load %arg4[%get3A_9, %get3A_10] : memref<1x64xf32, #tpu.memory_space<vmem>>, vector<1x64xf32>
    %add3A_12 = vector.broadcast %get3A_11 : vector<1x64xf32> to vector<4096x64xf32>
    %add3A_13 = arith.addf %add3A, %add3A_12 : vector<4096x64xf32>
    %integer_pow3A = arith.mulf %add3A_13, %add3A_13 : vector<4096x64xf32>
    %integer_pow3A_14 = arith.mulf %add3A_13, %integer_pow3A : vector<4096x64xf32>
    %mul3A = arith.constant 4.471500e-02 : f32
    %mul3A_15 = vector.broadcast %mul3A : f32 to vector<4096x64xf32>
    %mul3A_16 = arith.mulf %mul3A_15, %integer_pow3A_14 : vector<4096x64xf32>
    %add3A_17 = arith.addf %add3A_13, %mul3A_16 : vector<4096x64xf32>
    %mul3A_18 = arith.constant 0.797884583 : f32
    %mul3A_19 = vector.broadcast %mul3A_18 : f32 to vector<4096x64xf32>
    %mul3A_20 = arith.mulf %mul3A_19, %add3A_17 : vector<4096x64xf32>
    %tanh3A = math.tanh %mul3A_20 : vector<4096x64xf32>
    %add3A_21 = arith.constant 1.000000e+00 : f32
    %add3A_22 = vector.broadcast %add3A_21 : f32 to vector<4096x64xf32>
    %add3A_23 = arith.addf %add3A_22, %tanh3A : vector<4096x64xf32>
    %mul3A_24 = arith.constant 5.000000e-01 : f32
    %mul3A_25 = vector.broadcast %mul3A_24 : f32 to vector<4096x64xf32>
    %mul3A_26 = arith.mulf %mul3A_25, %add3A_23 : vector<4096x64xf32>
    %mul3A_27 = arith.mulf %add3A_13, %mul3A_26 : vector<4096x64xf32>
    %get3A_28 = arith.constant 0 : index
    %get3A_29 = arith.constant 0 : index
    %get3A_30 = vector.load %arg5[%get3A_28, %get3A_29] : memref<64x64xf32, #tpu.memory_space<vmem>>, vector<64x64xf32>
    %dot_general3A_31 = arith.constant dense<0.000000e+00> : vector<4096x64xf32>
    %dot_general3A_32 = tpu.matmul %mul3A_27, %get3A_30, %dot_general3A_31 {dimension_numbers = #tpu.dot_dimension_numbers<[1], [0], [0], [1], [0, 0, 1, 1], [], []>, transpose_lhs_hint = false} : vector<4096x64xf32>, vector<64x64xf32>, vector<4096x64xf32> -> vector<4096x64xf32>
    %get3A_33 = arith.constant 0 : index
    %get3A_34 = arith.constant 0 : index
    %get3A_35 = vector.load %arg6[%get3A_33, %get3A_34] : memref<1x64xf32, #tpu.memory_space<vmem>>, vector<1x64xf32>
    %add3A_36 = vector.broadcast %get3A_35 : vector<1x64xf32> to vector<4096x64xf32>
    %add3A_37 = arith.addf %dot_general3A_32, %add3A_36 : vector<4096x64xf32>
    %integer_pow3A_38 = arith.mulf %add3A_37, %add3A_37 : vector<4096x64xf32>
    %integer_pow3A_39 = arith.mulf %add3A_37, %integer_pow3A_38 : vector<4096x64xf32>
    %mul3A_40 = arith.constant 4.471500e-02 : f32
    %mul3A_41 = vector.broadcast %mul3A_40 : f32 to vector<4096x64xf32>
    %mul3A_42 = arith.mulf %mul3A_41, %integer_pow3A_39 : vector<4096x64xf32>
    %add3A_43 = arith.addf %add3A_37, %mul3A_42 : vector<4096x64xf32>
    %mul3A_44 = arith.constant 0.797884583 : f32
    %mul3A_45 = vector.broadcast %mul3A_44 : f32 to vector<4096x64xf32>
    %mul3A_46 = arith.mulf %mul3A_45, %add3A_43 : vector<4096x64xf32>
    %tanh3A_47 = math.tanh %mul3A_46 : vector<4096x64xf32>
    %add3A_48 = arith.constant 1.000000e+00 : f32
    %add3A_49 = vector.broadcast %add3A_48 : f32 to vector<4096x64xf32>
    %add3A_50 = arith.addf %add3A_49, %tanh3A_47 : vector<4096x64xf32>
    %mul3A_51 = arith.constant 5.000000e-01 : f32
    %mul3A_52 = vector.broadcast %mul3A_51 : f32 to vector<4096x64xf32>
    %mul3A_53 = arith.mulf %mul3A_52, %add3A_50 : vector<4096x64xf32>
    %mul3A_54 = arith.mulf %add3A_37, %mul3A_53 : vector<4096x64xf32>
    %get3A_55 = arith.constant 0 : index
    %get3A_56 = arith.constant 0 : index
    %get3A_57 = vector.load %arg7[%get3A_55, %get3A_56] : memref<64x64xf32, #tpu.memory_space<vmem>>, vector<64x64xf32>
    %dot_general3A_58 = arith.constant dense<0.000000e+00> : vector<4096x64xf32>
    %dot_general3A_59 = tpu.matmul %mul3A_54, %get3A_57, %dot_general3A_58 {dimension_numbers = #tpu.dot_dimension_numbers<[1], [0], [0], [1], [0, 0, 1, 1], [], []>, transpose_lhs_hint = false} : vector<4096x64xf32>, vector<64x64xf32>, vector<4096x64xf32> -> vector<4096x64xf32>
    %get3A_60 = arith.constant 0 : index
    %get3A_61 = arith.constant 0 : index
    %get3A_62 = vector.load %arg8[%get3A_60, %get3A_61] : memref<1x64xf32, #tpu.memory_space<vmem>>, vector<1x64xf32>
    %add3A_63 = vector.broadcast %get3A_62 : vector<1x64xf32> to vector<4096x64xf32>
    %add3A_64 = arith.addf %dot_general3A_59, %add3A_63 : vector<4096x64xf32>
    %broadcast_in_dim3A = arith.constant 0.000000e+00 : f32
    %broadcast_in_dim3A_65 = vector.broadcast %broadcast_in_dim3A : f32 to vector<4096x64xf32>
    %concatenate3A = tpu.concatenate %add3A_64, %broadcast_in_dim3A_65 in 1 : vector<4096x64xf32>, vector<4096x64xf32> -> vector<4096x128xf32>
    %swap3A = arith.constant 0 : index
    %swap3A_66 = arith.constant 0 : index
    %swap3A_67 = vector.load %arg9[%swap3A, %swap3A_66] : memref<4096x128xf32, #tpu.memory_space<vmem>>, vector<4096x128xf32>
    tpu.vector_store %arg9[%swap3A, %swap3A_66], %concatenate3A {strides = array<i32>} : memref<4096x128xf32, #tpu.memory_space<vmem>>, vector<4096x128xf32>,
    return
  }
  func.func @transform_0(%arg0: i32) -> (i32, i32) {
    %c0_i32 = arith.constant 0 : i32
    %c0_i32_0 = arith.constant 0 : i32
    return %arg0, %c0_i32 : i32, i32
  }
  func.func @transform_1(%arg0: i32) -> (i32, i32) {
    %c0_i32 = arith.constant 0 : i32
    %c0_i32_0 = arith.constant 0 : i32
    return %arg0, %c0_i32 : i32, i32
  }
  func.func @transform_2(%arg0: i32) -> (i32, i32) {
    %c0_i32 = arith.constant 0 : i32
    %c0_i32_0 = arith.constant 0 : i32
    %c0_i32_1 = arith.constant 0 : i32
    return %c0_i32, %c0_i32_0 : i32, i32
  }
  func.func @transform_3(%arg0: i32) -> (i32, i32) {
    %c0_i32 = arith.constant 0 : i32
    %c0_i32_0 = arith.constant 0 : i32
    %c0_i32_1 = arith.constant 0 : i32
    return %c0_i32, %c0_i32_0 : i32, i32
  }
  func.func @transform_4(%arg0: i32) -> (i32, i32) {
    %c0_i32 = arith.constant 0 : i32
    %c0_i32_0 = arith.constant 0 : i32
    %c0_i32_1 = arith.constant 0 : i32
    return %c0_i32, %c0_i32_0 : i32, i32
  }
  func.func @transform_5(%arg0: i32) -> (i32, i32) {
    %c0_i32 = arith.constant 0 : i32
    %c0_i32_0 = arith.constant 0 : i32
    %c0_i32_1 = arith.constant 0 : i32
    return %c0_i32, %c0_i32_0 : i32, i32
  }
  func.func @transform_6(%arg0: i32) -> (i32, i32) {
    %c0_i32 = arith.constant 0 : i32
    %c0_i32_0 = arith.constant 0 : i32
    %c0_i32_1 = arith.constant 0 : i32
    return %c0_i32, %c0_i32_0 : i32, i32
  }
  func.func @transform_7(%arg0: i32) -> (i32, i32) {
    %c0_i32 = arith.constant 0 : i32
    %c0_i32_0 = arith.constant 0 : i32
    %c0_i32_1 = arith.constant 0 : i32
    return %c0_i32, %c0_i32_0 : i32, i32
  }
  func.func @transform_8(%arg0: i32) -> (i32, i32) {
    %c0_i32 = arith.constant 0 : i32
    %c0_i32_0 = arith.constant 0 : i32
    return %arg0, %c0_i32 : i32, i32
  }
}

module attributes {stable_mosaic.version = 14 : i64} {
  func.func @body(%arg0: i32, %arg1: memref<2000x128xf32, #tpu.memory_space<vmem>>, %arg2: memref<2x2000x128xf32, #tpu.memory_space<vmem>>, %arg3: memref<128x64xf32, #tpu.memory_space<vmem>>, %arg4: memref<64x64xf32, #tpu.memory_space<vmem>>, %arg5: memref<1x64xf32, #tpu.memory_space<vmem>>, %arg6: memref<64x64xf32, #tpu.memory_space<vmem>>, %arg7: memref<1x64xf32, #tpu.memory_space<vmem>>, %arg8: memref<64x64xf32, #tpu.memory_space<vmem>>, %arg9: memref<1x64xf32, #tpu.memory_space<vmem>>, %arg10: memref<1x64xf32, #tpu.memory_space<vmem>>, %arg11: memref<1x64xf32, #tpu.memory_space<vmem>>, %arg12: memref<64x128xf32, #tpu.memory_space<vmem>>, %arg13: memref<2000x64xf32, #tpu.memory_space<vmem>>, %arg14: memref<2000x128xf32, #tpu.memory_space<vmem>>) attributes {dimension_semantics = [#tpu.dimension_semantics<arbitrary>], iteration_bounds = array<i64: 5>, scalar_prefetch = 0 : i64, scratch_operands = 0 : i64, tpu.core_type = #tpu.core_type<tc>, window_params = [{transform_indices = @transform_0, window_bounds = array<i64: 2000, 128>}, {transform_indices = @transform_1, window_bounds = array<i64: 2, 2000, 128>}, {pipeline_mode = #tpu.pipeline_mode<synchronous>, transform_indices = @transform_2, window_bounds = array<i64: 128, 64>}, {pipeline_mode = #tpu.pipeline_mode<synchronous>, transform_indices = @transform_3, window_bounds = array<i64: 64, 64>}, {pipeline_mode = #tpu.pipeline_mode<synchronous>, transform_indices = @transform_4, window_bounds = array<i64: 1, 64>}, {pipeline_mode = #tpu.pipeline_mode<synchronous>, transform_indices = @transform_5, window_bounds = array<i64: 64, 64>}, {pipeline_mode = #tpu.pipeline_mode<synchronous>, transform_indices = @transform_6, window_bounds = array<i64: 1, 64>}, {pipeline_mode = #tpu.pipeline_mode<synchronous>, transform_indices = @transform_7, window_bounds = array<i64: 64, 64>}, {pipeline_mode = #tpu.pipeline_mode<synchronous>, transform_indices = @transform_8, window_bounds = array<i64: 1, 64>}, {pipeline_mode = #tpu.pipeline_mode<synchronous>, transform_indices = @transform_9, window_bounds = array<i64: 1, 64>}, {pipeline_mode = #tpu.pipeline_mode<synchronous>, transform_indices = @transform_10, window_bounds = array<i64: 1, 64>}, {pipeline_mode = #tpu.pipeline_mode<synchronous>, transform_indices = @transform_11, window_bounds = array<i64: 64, 128>}, {transform_indices = @transform_12, window_bounds = array<i64: 2000, 64>}, {transform_indices = @transform_13, window_bounds = array<i64: 2000, 128>}]} {
    %get3A = arith.constant 0 : index
    %get3A_0 = arith.constant 0 : index
    %get3A_1 = arith.constant 0 : index
    %get3A_2 = vector.load %arg2[%get3A, %get3A_0, %get3A_1] : memref<2x2000x128xf32, #tpu.memory_space<vmem>>, vector<1x2000x128xf32>
    %get3A_3 = vector.shape_cast %get3A_2 : vector<1x2000x128xf32> to vector<2000x128xf32>
    %slice3A = vector.extract_strided_slice %get3A_3 {offsets = [0, 0], sizes = [2000, 64], strides = [1, 1]} : vector<2000x128xf32> to vector<2000x64xf32>
    %get3A_4 = arith.constant 1 : index
    %get3A_5 = arith.constant 0 : index
    %get3A_6 = arith.constant 0 : index
    %get3A_7 = vector.load %arg2[%get3A_4, %get3A_5, %get3A_6] : memref<2x2000x128xf32, #tpu.memory_space<vmem>>, vector<1x2000x128xf32>
    %get3A_8 = vector.shape_cast %get3A_7 : vector<1x2000x128xf32> to vector<2000x128xf32>
    %slice3A_9 = vector.extract_strided_slice %get3A_8 {offsets = [0, 0], sizes = [2000, 64], strides = [1, 1]} : vector<2000x128xf32> to vector<2000x64xf32>
    %add3A = arith.addf %slice3A, %slice3A_9 : vector<2000x64xf32>
    %get3A_10 = arith.constant 0 : index
    %get3A_11 = arith.constant 0 : index
    %get3A_12 = vector.load %arg1[%get3A_10, %get3A_11] : memref<2000x128xf32, #tpu.memory_space<vmem>>, vector<2000x128xf32>
    %get3A_13 = arith.constant 0 : index
    %get3A_14 = arith.constant 0 : index
    %get3A_15 = vector.load %arg3[%get3A_13, %get3A_14] : memref<128x64xf32, #tpu.memory_space<vmem>>, vector<128x64xf32>
    %dot_general3A = arith.constant dense<0.000000e+00> : vector<2000x64xf32>
    %dot_general3A_16 = tpu.matmul %get3A_12, %get3A_15, %dot_general3A {dimension_numbers = #tpu.dot_dimension_numbers<[1], [0], [0], [1], [0, 0, 1, 1], [], []>, transpose_lhs_hint = false} : vector<2000x128xf32>, vector<128x64xf32>, vector<2000x64xf32> -> vector<2000x64xf32>
    %get3A_17 = arith.constant 0 : index
    %get3A_18 = arith.constant 0 : index
    %get3A_19 = vector.load %arg4[%get3A_17, %get3A_18] : memref<64x64xf32, #tpu.memory_space<vmem>>, vector<64x64xf32>
    %dot_general3A_20 = arith.constant dense<0.000000e+00> : vector<2000x64xf32>
    %dot_general3A_21 = tpu.matmul %add3A, %get3A_19, %dot_general3A_20 {dimension_numbers = #tpu.dot_dimension_numbers<[1], [0], [0], [1], [0, 0, 1, 1], [], []>, transpose_lhs_hint = false} : vector<2000x64xf32>, vector<64x64xf32>, vector<2000x64xf32> -> vector<2000x64xf32>
    %add3A_22 = arith.addf %dot_general3A_16, %dot_general3A_21 : vector<2000x64xf32>
    %get3A_23 = arith.constant 0 : index
    %get3A_24 = arith.constant 0 : index
    %get3A_25 = vector.load %arg5[%get3A_23, %get3A_24] : memref<1x64xf32, #tpu.memory_space<vmem>>, vector<1x64xf32>
    %add3A_26 = vector.broadcast %get3A_25 : vector<1x64xf32> to vector<2000x64xf32>
    %add3A_27 = arith.addf %add3A_22, %add3A_26 : vector<2000x64xf32>
    %integer_pow3A = arith.mulf %add3A_27, %add3A_27 : vector<2000x64xf32>
    %integer_pow3A_28 = arith.mulf %add3A_27, %integer_pow3A : vector<2000x64xf32>
    %mul3A = arith.constant 4.471500e-02 : f32
    %mul3A_29 = vector.broadcast %mul3A : f32 to vector<2000x64xf32>
    %mul3A_30 = arith.mulf %mul3A_29, %integer_pow3A_28 : vector<2000x64xf32>
    %add3A_31 = arith.addf %add3A_27, %mul3A_30 : vector<2000x64xf32>
    %mul3A_32 = arith.constant 0.797884583 : f32
    %mul3A_33 = vector.broadcast %mul3A_32 : f32 to vector<2000x64xf32>
    %mul3A_34 = arith.mulf %mul3A_33, %add3A_31 : vector<2000x64xf32>
    %tanh3A = math.tanh %mul3A_34 : vector<2000x64xf32>
    %add3A_35 = arith.constant 1.000000e+00 : f32
    %add3A_36 = vector.broadcast %add3A_35 : f32 to vector<2000x64xf32>
    %add3A_37 = arith.addf %add3A_36, %tanh3A : vector<2000x64xf32>
    %mul3A_38 = arith.constant 5.000000e-01 : f32
    %mul3A_39 = vector.broadcast %mul3A_38 : f32 to vector<2000x64xf32>
    %mul3A_40 = arith.mulf %mul3A_39, %add3A_37 : vector<2000x64xf32>
    %mul3A_41 = arith.mulf %add3A_27, %mul3A_40 : vector<2000x64xf32>
    %get3A_42 = arith.constant 0 : index
    %get3A_43 = arith.constant 0 : index
    %get3A_44 = vector.load %arg6[%get3A_42, %get3A_43] : memref<64x64xf32, #tpu.memory_space<vmem>>, vector<64x64xf32>
    %dot_general3A_45 = arith.constant dense<0.000000e+00> : vector<2000x64xf32>
    %dot_general3A_46 = tpu.matmul %mul3A_41, %get3A_44, %dot_general3A_45 {dimension_numbers = #tpu.dot_dimension_numbers<[1], [0], [0], [1], [0, 0, 1, 1], [], []>, transpose_lhs_hint = false} : vector<2000x64xf32>, vector<64x64xf32>, vector<2000x64xf32> -> vector<2000x64xf32>
    %get3A_47 = arith.constant 0 : index
    %get3A_48 = arith.constant 0 : index
    %get3A_49 = vector.load %arg7[%get3A_47, %get3A_48] : memref<1x64xf32, #tpu.memory_space<vmem>>, vector<1x64xf32>
    %add3A_50 = vector.broadcast %get3A_49 : vector<1x64xf32> to vector<2000x64xf32>
    %add3A_51 = arith.addf %dot_general3A_46, %add3A_50 : vector<2000x64xf32>
    %integer_pow3A_52 = arith.mulf %add3A_51, %add3A_51 : vector<2000x64xf32>
    %integer_pow3A_53 = arith.mulf %add3A_51, %integer_pow3A_52 : vector<2000x64xf32>
    %mul3A_54 = arith.constant 4.471500e-02 : f32
    %mul3A_55 = vector.broadcast %mul3A_54 : f32 to vector<2000x64xf32>
    %mul3A_56 = arith.mulf %mul3A_55, %integer_pow3A_53 : vector<2000x64xf32>
    %add3A_57 = arith.addf %add3A_51, %mul3A_56 : vector<2000x64xf32>
    %mul3A_58 = arith.constant 0.797884583 : f32
    %mul3A_59 = vector.broadcast %mul3A_58 : f32 to vector<2000x64xf32>
    %mul3A_60 = arith.mulf %mul3A_59, %add3A_57 : vector<2000x64xf32>
    %tanh3A_61 = math.tanh %mul3A_60 : vector<2000x64xf32>
    %add3A_62 = arith.constant 1.000000e+00 : f32
    %add3A_63 = vector.broadcast %add3A_62 : f32 to vector<2000x64xf32>
    %add3A_64 = arith.addf %add3A_63, %tanh3A_61 : vector<2000x64xf32>
    %mul3A_65 = arith.constant 5.000000e-01 : f32
    %mul3A_66 = vector.broadcast %mul3A_65 : f32 to vector<2000x64xf32>
    %mul3A_67 = arith.mulf %mul3A_66, %add3A_64 : vector<2000x64xf32>
    %mul3A_68 = arith.mulf %add3A_51, %mul3A_67 : vector<2000x64xf32>
    %get3A_69 = arith.constant 0 : index
    %get3A_70 = arith.constant 0 : index
    %get3A_71 = vector.load %arg8[%get3A_69, %get3A_70] : memref<64x64xf32, #tpu.memory_space<vmem>>, vector<64x64xf32>
    %dot_general3A_72 = arith.constant dense<0.000000e+00> : vector<2000x64xf32>
    %dot_general3A_73 = tpu.matmul %mul3A_68, %get3A_71, %dot_general3A_72 {dimension_numbers = #tpu.dot_dimension_numbers<[1], [0], [0], [1], [0, 0, 1, 1], [], []>, transpose_lhs_hint = false} : vector<2000x64xf32>, vector<64x64xf32>, vector<2000x64xf32> -> vector<2000x64xf32>
    %get3A_74 = arith.constant 0 : index
    %get3A_75 = arith.constant 0 : index
    %get3A_76 = vector.load %arg9[%get3A_74, %get3A_75] : memref<1x64xf32, #tpu.memory_space<vmem>>, vector<1x64xf32>
    %add3A_77 = vector.broadcast %get3A_76 : vector<1x64xf32> to vector<2000x64xf32>
    %add3A_78 = arith.addf %dot_general3A_73, %add3A_77 : vector<2000x64xf32>
    %reduce_sum3A = arith.constant dense<0.000000e+00> : vector<2000xf32>
    %reduce_sum3A_79 = vector.multi_reduction <add>, %add3A_78, %reduce_sum3A [1] : vector<2000x64xf32> to vector<2000xf32>
    %broadcast_in_dim3A = vector.shape_cast %reduce_sum3A_79 : vector<2000xf32> to vector<2000x1xf32>
    %div3A = arith.constant 6.400000e+01 : f32
    %div3A_80 = vector.broadcast %div3A : f32 to vector<2000x1xf32>
    %div3A_81 = arith.divf %broadcast_in_dim3A, %div3A_80 : vector<2000x1xf32>
    %sub3A = vector.broadcast %div3A_81 : vector<2000x1xf32> to vector<2000x64xf32>
    %sub3A_82 = arith.subf %add3A_78, %sub3A : vector<2000x64xf32>
    %integer_pow3A_83 = arith.mulf %sub3A_82, %sub3A_82 : vector<2000x64xf32>
    %reduce_sum3A_84 = arith.constant dense<0.000000e+00> : vector<2000xf32>
    %reduce_sum3A_85 = vector.multi_reduction <add>, %integer_pow3A_83, %reduce_sum3A_84 [1] : vector<2000x64xf32> to vector<2000xf32>
    %broadcast_in_dim3A_86 = vector.shape_cast %reduce_sum3A_85 : vector<2000xf32> to vector<2000x1xf32>
    %div3A_87 = arith.constant 6.400000e+01 : f32
    %div3A_88 = vector.broadcast %div3A_87 : f32 to vector<2000x1xf32>
    %div3A_89 = arith.divf %broadcast_in_dim3A_86, %div3A_88 : vector<2000x1xf32>
    %sub3A_90 = vector.broadcast %div3A_81 : vector<2000x1xf32> to vector<2000x64xf32>
    %sub3A_91 = arith.subf %add3A_78, %sub3A_90 : vector<2000x64xf32>
    %add3A_92 = arith.constant 9.99999997E-7 : f32
    %add3A_93 = vector.broadcast %add3A_92 : f32 to vector<2000x1xf32>
    %add3A_94 = arith.addf %div3A_89, %add3A_93 : vector<2000x1xf32>
    %rsqrt3A = math.rsqrt %add3A_94 : vector<2000x1xf32>
    %mul3A_95 = vector.broadcast %rsqrt3A : vector<2000x1xf32> to vector<2000x64xf32>
    %mul3A_96 = arith.mulf %sub3A_91, %mul3A_95 : vector<2000x64xf32>
    %get3A_97 = arith.constant 0 : index
    %get3A_98 = arith.constant 0 : index
    %get3A_99 = vector.load %arg10[%get3A_97, %get3A_98] : memref<1x64xf32, #tpu.memory_space<vmem>>, vector<1x64xf32>
    %mul3A_100 = vector.broadcast %get3A_99 : vector<1x64xf32> to vector<2000x64xf32>
    %mul3A_101 = arith.mulf %mul3A_96, %mul3A_100 : vector<2000x64xf32>
    %get3A_102 = arith.constant 0 : index
    %get3A_103 = arith.constant 0 : index
    %get3A_104 = vector.load %arg11[%get3A_102, %get3A_103] : memref<1x64xf32, #tpu.memory_space<vmem>>, vector<1x64xf32>
    %add3A_105 = vector.broadcast %get3A_104 : vector<1x64xf32> to vector<2000x64xf32>
    %add3A_106 = arith.addf %mul3A_101, %add3A_105 : vector<2000x64xf32>
    %swap3A = arith.constant 0 : index
    %swap3A_107 = arith.constant 0 : index
    %swap3A_108 = vector.load %arg13[%swap3A, %swap3A_107] : memref<2000x64xf32, #tpu.memory_space<vmem>>, vector<2000x64xf32>
    tpu.vector_store %arg13[%swap3A, %swap3A_107], %add3A_106 {strides = array<i32>} : memref<2000x64xf32, #tpu.memory_space<vmem>>, vector<2000x64xf32>,
    %get3A_109 = arith.constant 0 : index
    %get3A_110 = arith.constant 0 : index
    %get3A_111 = vector.load %arg12[%get3A_109, %get3A_110] : memref<64x128xf32, #tpu.memory_space<vmem>>, vector<64x128xf32>
    %dot_general3A_112 = arith.constant dense<0.000000e+00> : vector<2000x128xf32>
    %dot_general3A_113 = tpu.matmul %add3A_106, %get3A_111, %dot_general3A_112 {dimension_numbers = #tpu.dot_dimension_numbers<[1], [0], [0], [1], [0, 0, 1, 1], [], []>, transpose_lhs_hint = false} : vector<2000x64xf32>, vector<64x128xf32>, vector<2000x128xf32> -> vector<2000x128xf32>
    %swap3A_114 = arith.constant 0 : index
    %swap3A_115 = arith.constant 0 : index
    %swap3A_116 = vector.load %arg14[%swap3A_114, %swap3A_115] : memref<2000x128xf32, #tpu.memory_space<vmem>>, vector<2000x128xf32>
    tpu.vector_store %arg14[%swap3A_114, %swap3A_115], %dot_general3A_113 {strides = array<i32>} : memref<2000x128xf32, #tpu.memory_space<vmem>>, vector<2000x128xf32>,
    return
  }
  func.func @transform_0(%arg0: i32) -> (i32, i32) {
    %c0_i32 = arith.constant 0 : i32
    %c0_i32_0 = arith.constant 0 : i32
    return %arg0, %c0_i32 : i32, i32
  }
  func.func @transform_1(%arg0: i32) -> (i32, i32, i32) {
    %c0_i32 = arith.constant 0 : i32
    %c0_i32_0 = arith.constant 0 : i32
    %c0_i32_1 = arith.constant 0 : i32
    return %c0_i32, %arg0, %c0_i32_0 : i32, i32, i32
  }
  func.func @transform_2(%arg0: i32) -> (i32, i32) {
    %c0_i32 = arith.constant 0 : i32
    %c0_i32_0 = arith.constant 0 : i32
    %c0_i32_1 = arith.constant 0 : i32
    return %c0_i32, %c0_i32_0 : i32, i32
  }
  func.func @transform_3(%arg0: i32) -> (i32, i32) {
    %c0_i32 = arith.constant 0 : i32
    %c0_i32_0 = arith.constant 0 : i32
    %c0_i32_1 = arith.constant 0 : i32
    return %c0_i32, %c0_i32_0 : i32, i32
  }
  func.func @transform_4(%arg0: i32) -> (i32, i32) {
    %c0_i32 = arith.constant 0 : i32
    %c0_i32_0 = arith.constant 0 : i32
    %c0_i32_1 = arith.constant 0 : i32
    return %c0_i32, %c0_i32_0 : i32, i32
  }
  func.func @transform_5(%arg0: i32) -> (i32, i32) {
    %c0_i32 = arith.constant 0 : i32
    %c0_i32_0 = arith.constant 0 : i32
    %c0_i32_1 = arith.constant 0 : i32
    return %c0_i32, %c0_i32_0 : i32, i32
  }
  func.func @transform_6(%arg0: i32) -> (i32, i32) {
    %c0_i32 = arith.constant 0 : i32
    %c0_i32_0 = arith.constant 0 : i32
    %c0_i32_1 = arith.constant 0 : i32
    return %c0_i32, %c0_i32_0 : i32, i32
  }
  func.func @transform_7(%arg0: i32) -> (i32, i32) {
    %c0_i32 = arith.constant 0 : i32
    %c0_i32_0 = arith.constant 0 : i32
    %c0_i32_1 = arith.constant 0 : i32
    return %c0_i32, %c0_i32_0 : i32, i32
  }
  func.func @transform_8(%arg0: i32) -> (i32, i32) {
    %c0_i32 = arith.constant 0 : i32
    %c0_i32_0 = arith.constant 0 : i32
    %c0_i32_1 = arith.constant 0 : i32
    return %c0_i32, %c0_i32_0 : i32, i32
  }
  func.func @transform_9(%arg0: i32) -> (i32, i32) {
    %c0_i32 = arith.constant 0 : i32
    %c0_i32_0 = arith.constant 0 : i32
    %c0_i32_1 = arith.constant 0 : i32
    return %c0_i32, %c0_i32_0 : i32, i32
  }
  func.func @transform_10(%arg0: i32) -> (i32, i32) {
    %c0_i32 = arith.constant 0 : i32
    %c0_i32_0 = arith.constant 0 : i32
    %c0_i32_1 = arith.constant 0 : i32
    return %c0_i32, %c0_i32_0 : i32, i32
  }
  func.func @transform_11(%arg0: i32) -> (i32, i32) {
    %c0_i32 = arith.constant 0 : i32
    %c0_i32_0 = arith.constant 0 : i32
    %c0_i32_1 = arith.constant 0 : i32
    return %c0_i32, %c0_i32_0 : i32, i32
  }
  func.func @transform_12(%arg0: i32) -> (i32, i32) {
    %c0_i32 = arith.constant 0 : i32
    %c0_i32_0 = arith.constant 0 : i32
    return %arg0, %c0_i32 : i32, i32
  }
  func.func @transform_13(%arg0: i32) -> (i32, i32) {
    %c0_i32 = arith.constant 0 : i32
    %c0_i32_0 = arith.constant 0 : i32
    return %arg0, %c0_i32 : i32, i32
  }
}

module attributes {stable_mosaic.version = 14 : i64} {
  func.func @body(%arg0: i32, %arg1: memref<4096x128xf32, #tpu.memory_space<vmem>>, %arg2: memref<4096x64xf32, #tpu.memory_space<vmem>>, %arg3: memref<64x64xf32, #tpu.memory_space<vmem>>, %arg4: memref<1x64xf32, #tpu.memory_space<vmem>>, %arg5: memref<64x64xf32, #tpu.memory_space<vmem>>, %arg6: memref<1x64xf32, #tpu.memory_space<vmem>>, %arg7: memref<64x64xf32, #tpu.memory_space<vmem>>, %arg8: memref<1x64xf32, #tpu.memory_space<vmem>>, %arg9: memref<1x64xf32, #tpu.memory_space<vmem>>, %arg10: memref<1x64xf32, #tpu.memory_space<vmem>>, %arg11: memref<4096x128xf32, #tpu.memory_space<vmem>>) attributes {dimension_semantics = [#tpu.dimension_semantics<arbitrary>], iteration_bounds = array<i64: 40>, scalar_prefetch = 0 : i64, scratch_operands = 0 : i64, tpu.core_type = #tpu.core_type<tc>, window_params = [{transform_indices = @transform_0, window_bounds = array<i64: 4096, 128>}, {transform_indices = @transform_1, window_bounds = array<i64: 4096, 64>}, {pipeline_mode = #tpu.pipeline_mode<synchronous>, transform_indices = @transform_2, window_bounds = array<i64: 64, 64>}, {pipeline_mode = #tpu.pipeline_mode<synchronous>, transform_indices = @transform_3, window_bounds = array<i64: 1, 64>}, {pipeline_mode = #tpu.pipeline_mode<synchronous>, transform_indices = @transform_4, window_bounds = array<i64: 64, 64>}, {pipeline_mode = #tpu.pipeline_mode<synchronous>, transform_indices = @transform_5, window_bounds = array<i64: 1, 64>}, {pipeline_mode = #tpu.pipeline_mode<synchronous>, transform_indices = @transform_6, window_bounds = array<i64: 64, 64>}, {pipeline_mode = #tpu.pipeline_mode<synchronous>, transform_indices = @transform_7, window_bounds = array<i64: 1, 64>}, {pipeline_mode = #tpu.pipeline_mode<synchronous>, transform_indices = @transform_8, window_bounds = array<i64: 1, 64>}, {pipeline_mode = #tpu.pipeline_mode<synchronous>, transform_indices = @transform_9, window_bounds = array<i64: 1, 64>}, {transform_indices = @transform_10, window_bounds = array<i64: 4096, 128>}]} {
    %get3A = arith.constant 0 : index
    %get3A_0 = arith.constant 0 : index
    %get3A_1 = vector.load %arg1[%get3A, %get3A_0] : memref<4096x128xf32, #tpu.memory_space<vmem>>, vector<4096x128xf32>
    %slice3A = vector.extract_strided_slice %get3A_1 {offsets = [0, 0], sizes = [4096, 64], strides = [1, 1]} : vector<4096x128xf32> to vector<4096x64xf32>
    %reduce_sum3A = arith.constant dense<0.000000e+00> : vector<4096xf32>
    %reduce_sum3A_2 = vector.multi_reduction <add>, %slice3A, %reduce_sum3A [1] : vector<4096x64xf32> to vector<4096xf32>
    %broadcast_in_dim3A = vector.shape_cast %reduce_sum3A_2 : vector<4096xf32> to vector<4096x1xf32>
    %div3A = arith.constant 6.400000e+01 : f32
    %div3A_3 = vector.broadcast %div3A : f32 to vector<4096x1xf32>
    %div3A_4 = arith.divf %broadcast_in_dim3A, %div3A_3 : vector<4096x1xf32>
    %sub3A = vector.broadcast %div3A_4 : vector<4096x1xf32> to vector<4096x64xf32>
    %sub3A_5 = arith.subf %slice3A, %sub3A : vector<4096x64xf32>
    %integer_pow3A = arith.mulf %sub3A_5, %sub3A_5 : vector<4096x64xf32>
    %reduce_sum3A_6 = arith.constant dense<0.000000e+00> : vector<4096xf32>
    %reduce_sum3A_7 = vector.multi_reduction <add>, %integer_pow3A, %reduce_sum3A_6 [1] : vector<4096x64xf32> to vector<4096xf32>
    %broadcast_in_dim3A_8 = vector.shape_cast %reduce_sum3A_7 : vector<4096xf32> to vector<4096x1xf32>
    %div3A_9 = arith.constant 6.400000e+01 : f32
    %div3A_10 = vector.broadcast %div3A_9 : f32 to vector<4096x1xf32>
    %div3A_11 = arith.divf %broadcast_in_dim3A_8, %div3A_10 : vector<4096x1xf32>
    %sub3A_12 = vector.broadcast %div3A_4 : vector<4096x1xf32> to vector<4096x64xf32>
    %sub3A_13 = arith.subf %slice3A, %sub3A_12 : vector<4096x64xf32>
    %add3A = arith.constant 9.99999997E-7 : f32
    %add3A_14 = vector.broadcast %add3A : f32 to vector<4096x1xf32>
    %add3A_15 = arith.addf %div3A_11, %add3A_14 : vector<4096x1xf32>
    %rsqrt3A = math.rsqrt %add3A_15 : vector<4096x1xf32>
    %mul3A = vector.broadcast %rsqrt3A : vector<4096x1xf32> to vector<4096x64xf32>
    %mul3A_16 = arith.mulf %sub3A_13, %mul3A : vector<4096x64xf32>
    %get3A_17 = arith.constant 0 : index
    %get3A_18 = arith.constant 0 : index
    %get3A_19 = vector.load %arg9[%get3A_17, %get3A_18] : memref<1x64xf32, #tpu.memory_space<vmem>>, vector<1x64xf32>
    %mul3A_20 = vector.broadcast %get3A_19 : vector<1x64xf32> to vector<4096x64xf32>
    %mul3A_21 = arith.mulf %mul3A_16, %mul3A_20 : vector<4096x64xf32>
    %get3A_22 = arith.constant 0 : index
    %get3A_23 = arith.constant 0 : index
    %get3A_24 = vector.load %arg10[%get3A_22, %get3A_23] : memref<1x64xf32, #tpu.memory_space<vmem>>, vector<1x64xf32>
    %add3A_25 = vector.broadcast %get3A_24 : vector<1x64xf32> to vector<4096x64xf32>
    %add3A_26 = arith.addf %mul3A_21, %add3A_25 : vector<4096x64xf32>
    %get3A_27 = arith.constant 0 : index
    %get3A_28 = arith.constant 0 : index
    %get3A_29 = vector.load %arg3[%get3A_27, %get3A_28] : memref<64x64xf32, #tpu.memory_space<vmem>>, vector<64x64xf32>
    %dot_general3A = arith.constant dense<0.000000e+00> : vector<4096x64xf32>
    %dot_general3A_30 = tpu.matmul %add3A_26, %get3A_29, %dot_general3A {dimension_numbers = #tpu.dot_dimension_numbers<[1], [0], [0], [1], [0, 0, 1, 1], [], []>, transpose_lhs_hint = false} : vector<4096x64xf32>, vector<64x64xf32>, vector<4096x64xf32> -> vector<4096x64xf32>
    %get3A_31 = arith.constant 0 : index
    %get3A_32 = arith.constant 0 : index
    %get3A_33 = vector.load %arg2[%get3A_31, %get3A_32] : memref<4096x64xf32, #tpu.memory_space<vmem>>, vector<4096x64xf32>
    %add3A_34 = arith.addf %dot_general3A_30, %get3A_33 : vector<4096x64xf32>
    %get3A_35 = arith.constant 0 : index
    %get3A_36 = arith.constant 0 : index
    %get3A_37 = vector.load %arg4[%get3A_35, %get3A_36] : memref<1x64xf32, #tpu.memory_space<vmem>>, vector<1x64xf32>
    %add3A_38 = vector.broadcast %get3A_37 : vector<1x64xf32> to vector<4096x64xf32>
    %add3A_39 = arith.addf %add3A_34, %add3A_38 : vector<4096x64xf32>
    %integer_pow3A_40 = arith.mulf %add3A_39, %add3A_39 : vector<4096x64xf32>
    %integer_pow3A_41 = arith.mulf %add3A_39, %integer_pow3A_40 : vector<4096x64xf32>
    %mul3A_42 = arith.constant 4.471500e-02 : f32
    %mul3A_43 = vector.broadcast %mul3A_42 : f32 to vector<4096x64xf32>
    %mul3A_44 = arith.mulf %mul3A_43, %integer_pow3A_41 : vector<4096x64xf32>
    %add3A_45 = arith.addf %add3A_39, %mul3A_44 : vector<4096x64xf32>
    %mul3A_46 = arith.constant 0.797884583 : f32
    %mul3A_47 = vector.broadcast %mul3A_46 : f32 to vector<4096x64xf32>
    %mul3A_48 = arith.mulf %mul3A_47, %add3A_45 : vector<4096x64xf32>
    %tanh3A = math.tanh %mul3A_48 : vector<4096x64xf32>
    %add3A_49 = arith.constant 1.000000e+00 : f32
    %add3A_50 = vector.broadcast %add3A_49 : f32 to vector<4096x64xf32>
    %add3A_51 = arith.addf %add3A_50, %tanh3A : vector<4096x64xf32>
    %mul3A_52 = arith.constant 5.000000e-01 : f32
    %mul3A_53 = vector.broadcast %mul3A_52 : f32 to vector<4096x64xf32>
    %mul3A_54 = arith.mulf %mul3A_53, %add3A_51 : vector<4096x64xf32>
    %mul3A_55 = arith.mulf %add3A_39, %mul3A_54 : vector<4096x64xf32>
    %get3A_56 = arith.constant 0 : index
    %get3A_57 = arith.constant 0 : index
    %get3A_58 = vector.load %arg5[%get3A_56, %get3A_57] : memref<64x64xf32, #tpu.memory_space<vmem>>, vector<64x64xf32>
    %dot_general3A_59 = arith.constant dense<0.000000e+00> : vector<4096x64xf32>
    %dot_general3A_60 = tpu.matmul %mul3A_55, %get3A_58, %dot_general3A_59 {dimension_numbers = #tpu.dot_dimension_numbers<[1], [0], [0], [1], [0, 0, 1, 1], [], []>, transpose_lhs_hint = false} : vector<4096x64xf32>, vector<64x64xf32>, vector<4096x64xf32> -> vector<4096x64xf32>
    %get3A_61 = arith.constant 0 : index
    %get3A_62 = arith.constant 0 : index
    %get3A_63 = vector.load %arg6[%get3A_61, %get3A_62] : memref<1x64xf32, #tpu.memory_space<vmem>>, vector<1x64xf32>
    %add3A_64 = vector.broadcast %get3A_63 : vector<1x64xf32> to vector<4096x64xf32>
    %add3A_65 = arith.addf %dot_general3A_60, %add3A_64 : vector<4096x64xf32>
    %integer_pow3A_66 = arith.mulf %add3A_65, %add3A_65 : vector<4096x64xf32>
    %integer_pow3A_67 = arith.mulf %add3A_65, %integer_pow3A_66 : vector<4096x64xf32>
    %mul3A_68 = arith.constant 4.471500e-02 : f32
    %mul3A_69 = vector.broadcast %mul3A_68 : f32 to vector<4096x64xf32>
    %mul3A_70 = arith.mulf %mul3A_69, %integer_pow3A_67 : vector<4096x64xf32>
    %add3A_71 = arith.addf %add3A_65, %mul3A_70 : vector<4096x64xf32>
    %mul3A_72 = arith.constant 0.797884583 : f32
    %mul3A_73 = vector.broadcast %mul3A_72 : f32 to vector<4096x64xf32>
    %mul3A_74 = arith.mulf %mul3A_73, %add3A_71 : vector<4096x64xf32>
    %tanh3A_75 = math.tanh %mul3A_74 : vector<4096x64xf32>
    %add3A_76 = arith.constant 1.000000e+00 : f32
    %add3A_77 = vector.broadcast %add3A_76 : f32 to vector<4096x64xf32>
    %add3A_78 = arith.addf %add3A_77, %tanh3A_75 : vector<4096x64xf32>
    %mul3A_79 = arith.constant 5.000000e-01 : f32
    %mul3A_80 = vector.broadcast %mul3A_79 : f32 to vector<4096x64xf32>
    %mul3A_81 = arith.mulf %mul3A_80, %add3A_78 : vector<4096x64xf32>
    %mul3A_82 = arith.mulf %add3A_65, %mul3A_81 : vector<4096x64xf32>
    %get3A_83 = arith.constant 0 : index
    %get3A_84 = arith.constant 0 : index
    %get3A_85 = vector.load %arg7[%get3A_83, %get3A_84] : memref<64x64xf32, #tpu.memory_space<vmem>>, vector<64x64xf32>
    %dot_general3A_86 = arith.constant dense<0.000000e+00> : vector<4096x64xf32>
    %dot_general3A_87 = tpu.matmul %mul3A_82, %get3A_85, %dot_general3A_86 {dimension_numbers = #tpu.dot_dimension_numbers<[1], [0], [0], [1], [0, 0, 1, 1], [], []>, transpose_lhs_hint = false} : vector<4096x64xf32>, vector<64x64xf32>, vector<4096x64xf32> -> vector<4096x64xf32>
    %get3A_88 = arith.constant 0 : index
    %get3A_89 = arith.constant 0 : index
    %get3A_90 = vector.load %arg8[%get3A_88, %get3A_89] : memref<1x64xf32, #tpu.memory_space<vmem>>, vector<1x64xf32>
    %add3A_91 = vector.broadcast %get3A_90 : vector<1x64xf32> to vector<4096x64xf32>
    %add3A_92 = arith.addf %dot_general3A_87, %add3A_91 : vector<4096x64xf32>
    %broadcast_in_dim3A_93 = arith.constant 0.000000e+00 : f32
    %broadcast_in_dim3A_94 = vector.broadcast %broadcast_in_dim3A_93 : f32 to vector<4096x64xf32>
    %concatenate3A = tpu.concatenate %add3A_92, %broadcast_in_dim3A_94 in 1 : vector<4096x64xf32>, vector<4096x64xf32> -> vector<4096x128xf32>
    %swap3A = arith.constant 0 : index
    %swap3A_95 = arith.constant 0 : index
    %swap3A_96 = vector.load %arg11[%swap3A, %swap3A_95] : memref<4096x128xf32, #tpu.memory_space<vmem>>, vector<4096x128xf32>
    tpu.vector_store %arg11[%swap3A, %swap3A_95], %concatenate3A {strides = array<i32>} : memref<4096x128xf32, #tpu.memory_space<vmem>>, vector<4096x128xf32>,
    return
  }
  func.func @transform_0(%arg0: i32) -> (i32, i32) {
    %c0_i32 = arith.constant 0 : i32
    %c0_i32_0 = arith.constant 0 : i32
    return %arg0, %c0_i32 : i32, i32
  }
  func.func @transform_1(%arg0: i32) -> (i32, i32) {
    %c0_i32 = arith.constant 0 : i32
    %c0_i32_0 = arith.constant 0 : i32
    return %arg0, %c0_i32 : i32, i32
  }
  func.func @transform_2(%arg0: i32) -> (i32, i32) {
    %c0_i32 = arith.constant 0 : i32
    %c0_i32_0 = arith.constant 0 : i32
    %c0_i32_1 = arith.constant 0 : i32
    return %c0_i32, %c0_i32_0 : i32, i32
  }
  func.func @transform_3(%arg0: i32) -> (i32, i32) {
    %c0_i32 = arith.constant 0 : i32
    %c0_i32_0 = arith.constant 0 : i32
    %c0_i32_1 = arith.constant 0 : i32
    return %c0_i32, %c0_i32_0 : i32, i32
  }
  func.func @transform_4(%arg0: i32) -> (i32, i32) {
    %c0_i32 = arith.constant 0 : i32
    %c0_i32_0 = arith.constant 0 : i32
    %c0_i32_1 = arith.constant 0 : i32
    return %c0_i32, %c0_i32_0 : i32, i32
  }
  func.func @transform_5(%arg0: i32) -> (i32, i32) {
    %c0_i32 = arith.constant 0 : i32
    %c0_i32_0 = arith.constant 0 : i32
    %c0_i32_1 = arith.constant 0 : i32
    return %c0_i32, %c0_i32_0 : i32, i32
  }
  func.func @transform_6(%arg0: i32) -> (i32, i32) {
    %c0_i32 = arith.constant 0 : i32
    %c0_i32_0 = arith.constant 0 : i32
    %c0_i32_1 = arith.constant 0 : i32
    return %c0_i32, %c0_i32_0 : i32, i32
  }
  func.func @transform_7(%arg0: i32) -> (i32, i32) {
    %c0_i32 = arith.constant 0 : i32
    %c0_i32_0 = arith.constant 0 : i32
    %c0_i32_1 = arith.constant 0 : i32
    return %c0_i32, %c0_i32_0 : i32, i32
  }
  func.func @transform_8(%arg0: i32) -> (i32, i32) {
    %c0_i32 = arith.constant 0 : i32
    %c0_i32_0 = arith.constant 0 : i32
    %c0_i32_1 = arith.constant 0 : i32
    return %c0_i32, %c0_i32_0 : i32, i32
  }
  func.func @transform_9(%arg0: i32) -> (i32, i32) {
    %c0_i32 = arith.constant 0 : i32
    %c0_i32_0 = arith.constant 0 : i32
    %c0_i32_1 = arith.constant 0 : i32
    return %c0_i32, %c0_i32_0 : i32, i32
  }
  func.func @transform_10(%arg0: i32) -> (i32, i32) {
    %c0_i32 = arith.constant 0 : i32
    %c0_i32_0 = arith.constant 0 : i32
    return %arg0, %c0_i32 : i32, i32
  }
}

module attributes {stable_mosaic.version = 14 : i64} {
  func.func @body(%arg0: i32, %arg1: memref<2000x64xf32, #tpu.memory_space<vmem>>, %arg2: memref<2x2000x128xf32, #tpu.memory_space<vmem>>, %arg3: memref<64x64xf32, #tpu.memory_space<vmem>>, %arg4: memref<64x64xf32, #tpu.memory_space<vmem>>, %arg5: memref<1x64xf32, #tpu.memory_space<vmem>>, %arg6: memref<64x64xf32, #tpu.memory_space<vmem>>, %arg7: memref<1x64xf32, #tpu.memory_space<vmem>>, %arg8: memref<64x64xf32, #tpu.memory_space<vmem>>, %arg9: memref<1x64xf32, #tpu.memory_space<vmem>>, %arg10: memref<1x64xf32, #tpu.memory_space<vmem>>, %arg11: memref<1x64xf32, #tpu.memory_space<vmem>>, %arg12: memref<64x128xf32, #tpu.memory_space<vmem>>, %arg13: memref<2000x64xf32, #tpu.memory_space<vmem>>, %arg14: memref<2000x128xf32, #tpu.memory_space<vmem>>) attributes {dimension_semantics = [#tpu.dimension_semantics<arbitrary>], iteration_bounds = array<i64: 5>, scalar_prefetch = 0 : i64, scratch_operands = 0 : i64, tpu.core_type = #tpu.core_type<tc>, window_params = [{transform_indices = @transform_0, window_bounds = array<i64: 2000, 64>}, {transform_indices = @transform_1, window_bounds = array<i64: 2, 2000, 128>}, {pipeline_mode = #tpu.pipeline_mode<synchronous>, transform_indices = @transform_2, window_bounds = array<i64: 64, 64>}, {pipeline_mode = #tpu.pipeline_mode<synchronous>, transform_indices = @transform_3, window_bounds = array<i64: 64, 64>}, {pipeline_mode = #tpu.pipeline_mode<synchronous>, transform_indices = @transform_4, window_bounds = array<i64: 1, 64>}, {pipeline_mode = #tpu.pipeline_mode<synchronous>, transform_indices = @transform_5, window_bounds = array<i64: 64, 64>}, {pipeline_mode = #tpu.pipeline_mode<synchronous>, transform_indices = @transform_6, window_bounds = array<i64: 1, 64>}, {pipeline_mode = #tpu.pipeline_mode<synchronous>, transform_indices = @transform_7, window_bounds = array<i64: 64, 64>}, {pipeline_mode = #tpu.pipeline_mode<synchronous>, transform_indices = @transform_8, window_bounds = array<i64: 1, 64>}, {pipeline_mode = #tpu.pipeline_mode<synchronous>, transform_indices = @transform_9, window_bounds = array<i64: 1, 64>}, {pipeline_mode = #tpu.pipeline_mode<synchronous>, transform_indices = @transform_10, window_bounds = array<i64: 1, 64>}, {pipeline_mode = #tpu.pipeline_mode<synchronous>, transform_indices = @transform_11, window_bounds = array<i64: 64, 128>}, {transform_indices = @transform_12, window_bounds = array<i64: 2000, 64>}, {transform_indices = @transform_13, window_bounds = array<i64: 2000, 128>}]} {
    %get3A = arith.constant 0 : index
    %get3A_0 = arith.constant 0 : index
    %get3A_1 = arith.constant 0 : index
    %get3A_2 = vector.load %arg2[%get3A, %get3A_0, %get3A_1] : memref<2x2000x128xf32, #tpu.memory_space<vmem>>, vector<1x2000x128xf32>
    %get3A_3 = vector.shape_cast %get3A_2 : vector<1x2000x128xf32> to vector<2000x128xf32>
    %slice3A = vector.extract_strided_slice %get3A_3 {offsets = [0, 0], sizes = [2000, 64], strides = [1, 1]} : vector<2000x128xf32> to vector<2000x64xf32>
    %get3A_4 = arith.constant 1 : index
    %get3A_5 = arith.constant 0 : index
    %get3A_6 = arith.constant 0 : index
    %get3A_7 = vector.load %arg2[%get3A_4, %get3A_5, %get3A_6] : memref<2x2000x128xf32, #tpu.memory_space<vmem>>, vector<1x2000x128xf32>
    %get3A_8 = vector.shape_cast %get3A_7 : vector<1x2000x128xf32> to vector<2000x128xf32>
    %slice3A_9 = vector.extract_strided_slice %get3A_8 {offsets = [0, 0], sizes = [2000, 64], strides = [1, 1]} : vector<2000x128xf32> to vector<2000x64xf32>
    %add3A = arith.addf %slice3A, %slice3A_9 : vector<2000x64xf32>
    %get3A_10 = arith.constant 0 : index
    %get3A_11 = arith.constant 0 : index
    %get3A_12 = vector.load %arg1[%get3A_10, %get3A_11] : memref<2000x64xf32, #tpu.memory_space<vmem>>, vector<2000x64xf32>
    %get3A_13 = arith.constant 0 : index
    %get3A_14 = arith.constant 0 : index
    %get3A_15 = vector.load %arg3[%get3A_13, %get3A_14] : memref<64x64xf32, #tpu.memory_space<vmem>>, vector<64x64xf32>
    %dot_general3A = arith.constant dense<0.000000e+00> : vector<2000x64xf32>
    %dot_general3A_16 = tpu.matmul %get3A_12, %get3A_15, %dot_general3A {dimension_numbers = #tpu.dot_dimension_numbers<[1], [0], [0], [1], [0, 0, 1, 1], [], []>, transpose_lhs_hint = false} : vector<2000x64xf32>, vector<64x64xf32>, vector<2000x64xf32> -> vector<2000x64xf32>
    %get3A_17 = arith.constant 0 : index
    %get3A_18 = arith.constant 0 : index
    %get3A_19 = vector.load %arg4[%get3A_17, %get3A_18] : memref<64x64xf32, #tpu.memory_space<vmem>>, vector<64x64xf32>
    %dot_general3A_20 = arith.constant dense<0.000000e+00> : vector<2000x64xf32>
    %dot_general3A_21 = tpu.matmul %add3A, %get3A_19, %dot_general3A_20 {dimension_numbers = #tpu.dot_dimension_numbers<[1], [0], [0], [1], [0, 0, 1, 1], [], []>, transpose_lhs_hint = false} : vector<2000x64xf32>, vector<64x64xf32>, vector<2000x64xf32> -> vector<2000x64xf32>
    %add3A_22 = arith.addf %dot_general3A_16, %dot_general3A_21 : vector<2000x64xf32>
    %get3A_23 = arith.constant 0 : index
    %get3A_24 = arith.constant 0 : index
    %get3A_25 = vector.load %arg5[%get3A_23, %get3A_24] : memref<1x64xf32, #tpu.memory_space<vmem>>, vector<1x64xf32>
    %add3A_26 = vector.broadcast %get3A_25 : vector<1x64xf32> to vector<2000x64xf32>
    %add3A_27 = arith.addf %add3A_22, %add3A_26 : vector<2000x64xf32>
    %integer_pow3A = arith.mulf %add3A_27, %add3A_27 : vector<2000x64xf32>
    %integer_pow3A_28 = arith.mulf %add3A_27, %integer_pow3A : vector<2000x64xf32>
    %mul3A = arith.constant 4.471500e-02 : f32
    %mul3A_29 = vector.broadcast %mul3A : f32 to vector<2000x64xf32>
    %mul3A_30 = arith.mulf %mul3A_29, %integer_pow3A_28 : vector<2000x64xf32>
    %add3A_31 = arith.addf %add3A_27, %mul3A_30 : vector<2000x64xf32>
    %mul3A_32 = arith.constant 0.797884583 : f32
    %mul3A_33 = vector.broadcast %mul3A_32 : f32 to vector<2000x64xf32>
    %mul3A_34 = arith.mulf %mul3A_33, %add3A_31 : vector<2000x64xf32>
    %tanh3A = math.tanh %mul3A_34 : vector<2000x64xf32>
    %add3A_35 = arith.constant 1.000000e+00 : f32
    %add3A_36 = vector.broadcast %add3A_35 : f32 to vector<2000x64xf32>
    %add3A_37 = arith.addf %add3A_36, %tanh3A : vector<2000x64xf32>
    %mul3A_38 = arith.constant 5.000000e-01 : f32
    %mul3A_39 = vector.broadcast %mul3A_38 : f32 to vector<2000x64xf32>
    %mul3A_40 = arith.mulf %mul3A_39, %add3A_37 : vector<2000x64xf32>
    %mul3A_41 = arith.mulf %add3A_27, %mul3A_40 : vector<2000x64xf32>
    %get3A_42 = arith.constant 0 : index
    %get3A_43 = arith.constant 0 : index
    %get3A_44 = vector.load %arg6[%get3A_42, %get3A_43] : memref<64x64xf32, #tpu.memory_space<vmem>>, vector<64x64xf32>
    %dot_general3A_45 = arith.constant dense<0.000000e+00> : vector<2000x64xf32>
    %dot_general3A_46 = tpu.matmul %mul3A_41, %get3A_44, %dot_general3A_45 {dimension_numbers = #tpu.dot_dimension_numbers<[1], [0], [0], [1], [0, 0, 1, 1], [], []>, transpose_lhs_hint = false} : vector<2000x64xf32>, vector<64x64xf32>, vector<2000x64xf32> -> vector<2000x64xf32>
    %get3A_47 = arith.constant 0 : index
    %get3A_48 = arith.constant 0 : index
    %get3A_49 = vector.load %arg7[%get3A_47, %get3A_48] : memref<1x64xf32, #tpu.memory_space<vmem>>, vector<1x64xf32>
    %add3A_50 = vector.broadcast %get3A_49 : vector<1x64xf32> to vector<2000x64xf32>
    %add3A_51 = arith.addf %dot_general3A_46, %add3A_50 : vector<2000x64xf32>
    %integer_pow3A_52 = arith.mulf %add3A_51, %add3A_51 : vector<2000x64xf32>
    %integer_pow3A_53 = arith.mulf %add3A_51, %integer_pow3A_52 : vector<2000x64xf32>
    %mul3A_54 = arith.constant 4.471500e-02 : f32
    %mul3A_55 = vector.broadcast %mul3A_54 : f32 to vector<2000x64xf32>
    %mul3A_56 = arith.mulf %mul3A_55, %integer_pow3A_53 : vector<2000x64xf32>
    %add3A_57 = arith.addf %add3A_51, %mul3A_56 : vector<2000x64xf32>
    %mul3A_58 = arith.constant 0.797884583 : f32
    %mul3A_59 = vector.broadcast %mul3A_58 : f32 to vector<2000x64xf32>
    %mul3A_60 = arith.mulf %mul3A_59, %add3A_57 : vector<2000x64xf32>
    %tanh3A_61 = math.tanh %mul3A_60 : vector<2000x64xf32>
    %add3A_62 = arith.constant 1.000000e+00 : f32
    %add3A_63 = vector.broadcast %add3A_62 : f32 to vector<2000x64xf32>
    %add3A_64 = arith.addf %add3A_63, %tanh3A_61 : vector<2000x64xf32>
    %mul3A_65 = arith.constant 5.000000e-01 : f32
    %mul3A_66 = vector.broadcast %mul3A_65 : f32 to vector<2000x64xf32>
    %mul3A_67 = arith.mulf %mul3A_66, %add3A_64 : vector<2000x64xf32>
    %mul3A_68 = arith.mulf %add3A_51, %mul3A_67 : vector<2000x64xf32>
    %get3A_69 = arith.constant 0 : index
    %get3A_70 = arith.constant 0 : index
    %get3A_71 = vector.load %arg8[%get3A_69, %get3A_70] : memref<64x64xf32, #tpu.memory_space<vmem>>, vector<64x64xf32>
    %dot_general3A_72 = arith.constant dense<0.000000e+00> : vector<2000x64xf32>
    %dot_general3A_73 = tpu.matmul %mul3A_68, %get3A_71, %dot_general3A_72 {dimension_numbers = #tpu.dot_dimension_numbers<[1], [0], [0], [1], [0, 0, 1, 1], [], []>, transpose_lhs_hint = false} : vector<2000x64xf32>, vector<64x64xf32>, vector<2000x64xf32> -> vector<2000x64xf32>
    %get3A_74 = arith.constant 0 : index
    %get3A_75 = arith.constant 0 : index
    %get3A_76 = vector.load %arg9[%get3A_74, %get3A_75] : memref<1x64xf32, #tpu.memory_space<vmem>>, vector<1x64xf32>
    %add3A_77 = vector.broadcast %get3A_76 : vector<1x64xf32> to vector<2000x64xf32>
    %add3A_78 = arith.addf %dot_general3A_73, %add3A_77 : vector<2000x64xf32>
    %reduce_sum3A = arith.constant dense<0.000000e+00> : vector<2000xf32>
    %reduce_sum3A_79 = vector.multi_reduction <add>, %add3A_78, %reduce_sum3A [1] : vector<2000x64xf32> to vector<2000xf32>
    %broadcast_in_dim3A = vector.shape_cast %reduce_sum3A_79 : vector<2000xf32> to vector<2000x1xf32>
    %div3A = arith.constant 6.400000e+01 : f32
    %div3A_80 = vector.broadcast %div3A : f32 to vector<2000x1xf32>
    %div3A_81 = arith.divf %broadcast_in_dim3A, %div3A_80 : vector<2000x1xf32>
    %sub3A = vector.broadcast %div3A_81 : vector<2000x1xf32> to vector<2000x64xf32>
    %sub3A_82 = arith.subf %add3A_78, %sub3A : vector<2000x64xf32>
    %integer_pow3A_83 = arith.mulf %sub3A_82, %sub3A_82 : vector<2000x64xf32>
    %reduce_sum3A_84 = arith.constant dense<0.000000e+00> : vector<2000xf32>
    %reduce_sum3A_85 = vector.multi_reduction <add>, %integer_pow3A_83, %reduce_sum3A_84 [1] : vector<2000x64xf32> to vector<2000xf32>
    %broadcast_in_dim3A_86 = vector.shape_cast %reduce_sum3A_85 : vector<2000xf32> to vector<2000x1xf32>
    %div3A_87 = arith.constant 6.400000e+01 : f32
    %div3A_88 = vector.broadcast %div3A_87 : f32 to vector<2000x1xf32>
    %div3A_89 = arith.divf %broadcast_in_dim3A_86, %div3A_88 : vector<2000x1xf32>
    %sub3A_90 = vector.broadcast %div3A_81 : vector<2000x1xf32> to vector<2000x64xf32>
    %sub3A_91 = arith.subf %add3A_78, %sub3A_90 : vector<2000x64xf32>
    %add3A_92 = arith.constant 9.99999997E-7 : f32
    %add3A_93 = vector.broadcast %add3A_92 : f32 to vector<2000x1xf32>
    %add3A_94 = arith.addf %div3A_89, %add3A_93 : vector<2000x1xf32>
    %rsqrt3A = math.rsqrt %add3A_94 : vector<2000x1xf32>
    %mul3A_95 = vector.broadcast %rsqrt3A : vector<2000x1xf32> to vector<2000x64xf32>
    %mul3A_96 = arith.mulf %sub3A_91, %mul3A_95 : vector<2000x64xf32>
    %get3A_97 = arith.constant 0 : index
    %get3A_98 = arith.constant 0 : index
    %get3A_99 = vector.load %arg10[%get3A_97, %get3A_98] : memref<1x64xf32, #tpu.memory_space<vmem>>, vector<1x64xf32>
    %mul3A_100 = vector.broadcast %get3A_99 : vector<1x64xf32> to vector<2000x64xf32>
    %mul3A_101 = arith.mulf %mul3A_96, %mul3A_100 : vector<2000x64xf32>
    %get3A_102 = arith.constant 0 : index
    %get3A_103 = arith.constant 0 : index
    %get3A_104 = vector.load %arg11[%get3A_102, %get3A_103] : memref<1x64xf32, #tpu.memory_space<vmem>>, vector<1x64xf32>
    %add3A_105 = vector.broadcast %get3A_104 : vector<1x64xf32> to vector<2000x64xf32>
    %add3A_106 = arith.addf %mul3A_101, %add3A_105 : vector<2000x64xf32>
    %swap3A = arith.constant 0 : index
    %swap3A_107 = arith.constant 0 : index
    %swap3A_108 = vector.load %arg13[%swap3A, %swap3A_107] : memref<2000x64xf32, #tpu.memory_space<vmem>>, vector<2000x64xf32>
    tpu.vector_store %arg13[%swap3A, %swap3A_107], %add3A_106 {strides = array<i32>} : memref<2000x64xf32, #tpu.memory_space<vmem>>, vector<2000x64xf32>,
    %get3A_109 = arith.constant 0 : index
    %get3A_110 = arith.constant 0 : index
    %get3A_111 = vector.load %arg12[%get3A_109, %get3A_110] : memref<64x128xf32, #tpu.memory_space<vmem>>, vector<64x128xf32>
    %dot_general3A_112 = arith.constant dense<0.000000e+00> : vector<2000x128xf32>
    %dot_general3A_113 = tpu.matmul %add3A_106, %get3A_111, %dot_general3A_112 {dimension_numbers = #tpu.dot_dimension_numbers<[1], [0], [0], [1], [0, 0, 1, 1], [], []>, transpose_lhs_hint = false} : vector<2000x64xf32>, vector<64x128xf32>, vector<2000x128xf32> -> vector<2000x128xf32>
    %swap3A_114 = arith.constant 0 : index
    %swap3A_115 = arith.constant 0 : index
    %swap3A_116 = vector.load %arg14[%swap3A_114, %swap3A_115] : memref<2000x128xf32, #tpu.memory_space<vmem>>, vector<2000x128xf32>
    tpu.vector_store %arg14[%swap3A_114, %swap3A_115], %dot_general3A_113 {strides = array<i32>} : memref<2000x128xf32, #tpu.memory_space<vmem>>, vector<2000x128xf32>,
    return
  }
  func.func @transform_0(%arg0: i32) -> (i32, i32) {
    %c0_i32 = arith.constant 0 : i32
    %c0_i32_0 = arith.constant 0 : i32
    return %arg0, %c0_i32 : i32, i32
  }
  func.func @transform_1(%arg0: i32) -> (i32, i32, i32) {
    %c0_i32 = arith.constant 0 : i32
    %c0_i32_0 = arith.constant 0 : i32
    %c0_i32_1 = arith.constant 0 : i32
    return %c0_i32, %arg0, %c0_i32_0 : i32, i32, i32
  }
  func.func @transform_2(%arg0: i32) -> (i32, i32) {
    %c0_i32 = arith.constant 0 : i32
    %c0_i32_0 = arith.constant 0 : i32
    %c0_i32_1 = arith.constant 0 : i32
    return %c0_i32, %c0_i32_0 : i32, i32
  }
  func.func @transform_3(%arg0: i32) -> (i32, i32) {
    %c0_i32 = arith.constant 0 : i32
    %c0_i32_0 = arith.constant 0 : i32
    %c0_i32_1 = arith.constant 0 : i32
    return %c0_i32, %c0_i32_0 : i32, i32
  }
  func.func @transform_4(%arg0: i32) -> (i32, i32) {
    %c0_i32 = arith.constant 0 : i32
    %c0_i32_0 = arith.constant 0 : i32
    %c0_i32_1 = arith.constant 0 : i32
    return %c0_i32, %c0_i32_0 : i32, i32
  }
  func.func @transform_5(%arg0: i32) -> (i32, i32) {
    %c0_i32 = arith.constant 0 : i32
    %c0_i32_0 = arith.constant 0 : i32
    %c0_i32_1 = arith.constant 0 : i32
    return %c0_i32, %c0_i32_0 : i32, i32
  }
  func.func @transform_6(%arg0: i32) -> (i32, i32) {
    %c0_i32 = arith.constant 0 : i32
    %c0_i32_0 = arith.constant 0 : i32
    %c0_i32_1 = arith.constant 0 : i32
    return %c0_i32, %c0_i32_0 : i32, i32
  }
  func.func @transform_7(%arg0: i32) -> (i32, i32) {
    %c0_i32 = arith.constant 0 : i32
    %c0_i32_0 = arith.constant 0 : i32
    %c0_i32_1 = arith.constant 0 : i32
    return %c0_i32, %c0_i32_0 : i32, i32
  }
  func.func @transform_8(%arg0: i32) -> (i32, i32) {
    %c0_i32 = arith.constant 0 : i32
    %c0_i32_0 = arith.constant 0 : i32
    %c0_i32_1 = arith.constant 0 : i32
    return %c0_i32, %c0_i32_0 : i32, i32
  }
  func.func @transform_9(%arg0: i32) -> (i32, i32) {
    %c0_i32 = arith.constant 0 : i32
    %c0_i32_0 = arith.constant 0 : i32
    %c0_i32_1 = arith.constant 0 : i32
    return %c0_i32, %c0_i32_0 : i32, i32
  }
  func.func @transform_10(%arg0: i32) -> (i32, i32) {
    %c0_i32 = arith.constant 0 : i32
    %c0_i32_0 = arith.constant 0 : i32
    %c0_i32_1 = arith.constant 0 : i32
    return %c0_i32, %c0_i32_0 : i32, i32
  }
  func.func @transform_11(%arg0: i32) -> (i32, i32) {
    %c0_i32 = arith.constant 0 : i32
    %c0_i32_0 = arith.constant 0 : i32
    %c0_i32_1 = arith.constant 0 : i32
    return %c0_i32, %c0_i32_0 : i32, i32
  }
  func.func @transform_12(%arg0: i32) -> (i32, i32) {
    %c0_i32 = arith.constant 0 : i32
    %c0_i32_0 = arith.constant 0 : i32
    return %arg0, %c0_i32 : i32, i32
  }
  func.func @transform_13(%arg0: i32) -> (i32, i32) {
    %c0_i32 = arith.constant 0 : i32
    %c0_i32_0 = arith.constant 0 : i32
    return %arg0, %c0_i32 : i32, i32
  }
}

module attributes {stable_mosaic.version = 14 : i64} {
  func.func @body(%arg0: i32, %arg1: memref<2000x64xf32, #tpu.memory_space<vmem>>, %arg2: memref<2x2000x128xf32, #tpu.memory_space<vmem>>, %arg3: memref<64x64xf32, #tpu.memory_space<vmem>>, %arg4: memref<64x64xf32, #tpu.memory_space<vmem>>, %arg5: memref<1x64xf32, #tpu.memory_space<vmem>>, %arg6: memref<64x64xf32, #tpu.memory_space<vmem>>, %arg7: memref<1x64xf32, #tpu.memory_space<vmem>>, %arg8: memref<64x64xf32, #tpu.memory_space<vmem>>, %arg9: memref<1x64xf32, #tpu.memory_space<vmem>>, %arg10: memref<1x64xf32, #tpu.memory_space<vmem>>, %arg11: memref<1x64xf32, #tpu.memory_space<vmem>>, %arg12: memref<2000x64xf32, #tpu.memory_space<vmem>>) attributes {dimension_semantics = [#tpu.dimension_semantics<arbitrary>], iteration_bounds = array<i64: 5>, scalar_prefetch = 0 : i64, scratch_operands = 0 : i64, tpu.core_type = #tpu.core_type<tc>, window_params = [{transform_indices = @transform_0, window_bounds = array<i64: 2000, 64>}, {transform_indices = @transform_1, window_bounds = array<i64: 2, 2000, 128>}, {pipeline_mode = #tpu.pipeline_mode<synchronous>, transform_indices = @transform_2, window_bounds = array<i64: 64, 64>}, {pipeline_mode = #tpu.pipeline_mode<synchronous>, transform_indices = @transform_3, window_bounds = array<i64: 64, 64>}, {pipeline_mode = #tpu.pipeline_mode<synchronous>, transform_indices = @transform_4, window_bounds = array<i64: 1, 64>}, {pipeline_mode = #tpu.pipeline_mode<synchronous>, transform_indices = @transform_5, window_bounds = array<i64: 64, 64>}, {pipeline_mode = #tpu.pipeline_mode<synchronous>, transform_indices = @transform_6, window_bounds = array<i64: 1, 64>}, {pipeline_mode = #tpu.pipeline_mode<synchronous>, transform_indices = @transform_7, window_bounds = array<i64: 64, 64>}, {pipeline_mode = #tpu.pipeline_mode<synchronous>, transform_indices = @transform_8, window_bounds = array<i64: 1, 64>}, {pipeline_mode = #tpu.pipeline_mode<synchronous>, transform_indices = @transform_9, window_bounds = array<i64: 1, 64>}, {pipeline_mode = #tpu.pipeline_mode<synchronous>, transform_indices = @transform_10, window_bounds = array<i64: 1, 64>}, {transform_indices = @transform_11, window_bounds = array<i64: 2000, 64>}]} {
    %get3A = arith.constant 0 : index
    %get3A_0 = arith.constant 0 : index
    %get3A_1 = arith.constant 0 : index
    %get3A_2 = vector.load %arg2[%get3A, %get3A_0, %get3A_1] : memref<2x2000x128xf32, #tpu.memory_space<vmem>>, vector<1x2000x128xf32>
    %get3A_3 = vector.shape_cast %get3A_2 : vector<1x2000x128xf32> to vector<2000x128xf32>
    %slice3A = vector.extract_strided_slice %get3A_3 {offsets = [0, 0], sizes = [2000, 64], strides = [1, 1]} : vector<2000x128xf32> to vector<2000x64xf32>
    %get3A_4 = arith.constant 1 : index
    %get3A_5 = arith.constant 0 : index
    %get3A_6 = arith.constant 0 : index
    %get3A_7 = vector.load %arg2[%get3A_4, %get3A_5, %get3A_6] : memref<2x2000x128xf32, #tpu.memory_space<vmem>>, vector<1x2000x128xf32>
    %get3A_8 = vector.shape_cast %get3A_7 : vector<1x2000x128xf32> to vector<2000x128xf32>
    %slice3A_9 = vector.extract_strided_slice %get3A_8 {offsets = [0, 0], sizes = [2000, 64], strides = [1, 1]} : vector<2000x128xf32> to vector<2000x64xf32>
    %add3A = arith.addf %slice3A, %slice3A_9 : vector<2000x64xf32>
    %get3A_10 = arith.constant 0 : index
    %get3A_11 = arith.constant 0 : index
    %get3A_12 = vector.load %arg1[%get3A_10, %get3A_11] : memref<2000x64xf32, #tpu.memory_space<vmem>>, vector<2000x64xf32>
    %get3A_13 = arith.constant 0 : index
    %get3A_14 = arith.constant 0 : index
    %get3A_15 = vector.load %arg3[%get3A_13, %get3A_14] : memref<64x64xf32, #tpu.memory_space<vmem>>, vector<64x64xf32>
    %dot_general3A = arith.constant dense<0.000000e+00> : vector<2000x64xf32>
    %dot_general3A_16 = tpu.matmul %get3A_12, %get3A_15, %dot_general3A {dimension_numbers = #tpu.dot_dimension_numbers<[1], [0], [0], [1], [0, 0, 1, 1], [], []>, transpose_lhs_hint = false} : vector<2000x64xf32>, vector<64x64xf32>, vector<2000x64xf32> -> vector<2000x64xf32>
    %get3A_17 = arith.constant 0 : index
    %get3A_18 = arith.constant 0 : index
    %get3A_19 = vector.load %arg4[%get3A_17, %get3A_18] : memref<64x64xf32, #tpu.memory_space<vmem>>, vector<64x64xf32>
    %dot_general3A_20 = arith.constant dense<0.000000e+00> : vector<2000x64xf32>
    %dot_general3A_21 = tpu.matmul %add3A, %get3A_19, %dot_general3A_20 {dimension_numbers = #tpu.dot_dimension_numbers<[1], [0], [0], [1], [0, 0, 1, 1], [], []>, transpose_lhs_hint = false} : vector<2000x64xf32>, vector<64x64xf32>, vector<2000x64xf32> -> vector<2000x64xf32>
    %add3A_22 = arith.addf %dot_general3A_16, %dot_general3A_21 : vector<2000x64xf32>
    %get3A_23 = arith.constant 0 : index
    %get3A_24 = arith.constant 0 : index
    %get3A_25 = vector.load %arg5[%get3A_23, %get3A_24] : memref<1x64xf32, #tpu.memory_space<vmem>>, vector<1x64xf32>
    %add3A_26 = vector.broadcast %get3A_25 : vector<1x64xf32> to vector<2000x64xf32>
    %add3A_27 = arith.addf %add3A_22, %add3A_26 : vector<2000x64xf32>
    %integer_pow3A = arith.mulf %add3A_27, %add3A_27 : vector<2000x64xf32>
    %integer_pow3A_28 = arith.mulf %add3A_27, %integer_pow3A : vector<2000x64xf32>
    %mul3A = arith.constant 4.471500e-02 : f32
    %mul3A_29 = vector.broadcast %mul3A : f32 to vector<2000x64xf32>
    %mul3A_30 = arith.mulf %mul3A_29, %integer_pow3A_28 : vector<2000x64xf32>
    %add3A_31 = arith.addf %add3A_27, %mul3A_30 : vector<2000x64xf32>
    %mul3A_32 = arith.constant 0.797884583 : f32
    %mul3A_33 = vector.broadcast %mul3A_32 : f32 to vector<2000x64xf32>
    %mul3A_34 = arith.mulf %mul3A_33, %add3A_31 : vector<2000x64xf32>
    %tanh3A = math.tanh %mul3A_34 : vector<2000x64xf32>
    %add3A_35 = arith.constant 1.000000e+00 : f32
    %add3A_36 = vector.broadcast %add3A_35 : f32 to vector<2000x64xf32>
    %add3A_37 = arith.addf %add3A_36, %tanh3A : vector<2000x64xf32>
    %mul3A_38 = arith.constant 5.000000e-01 : f32
    %mul3A_39 = vector.broadcast %mul3A_38 : f32 to vector<2000x64xf32>
    %mul3A_40 = arith.mulf %mul3A_39, %add3A_37 : vector<2000x64xf32>
    %mul3A_41 = arith.mulf %add3A_27, %mul3A_40 : vector<2000x64xf32>
    %get3A_42 = arith.constant 0 : index
    %get3A_43 = arith.constant 0 : index
    %get3A_44 = vector.load %arg6[%get3A_42, %get3A_43] : memref<64x64xf32, #tpu.memory_space<vmem>>, vector<64x64xf32>
    %dot_general3A_45 = arith.constant dense<0.000000e+00> : vector<2000x64xf32>
    %dot_general3A_46 = tpu.matmul %mul3A_41, %get3A_44, %dot_general3A_45 {dimension_numbers = #tpu.dot_dimension_numbers<[1], [0], [0], [1], [0, 0, 1, 1], [], []>, transpose_lhs_hint = false} : vector<2000x64xf32>, vector<64x64xf32>, vector<2000x64xf32> -> vector<2000x64xf32>
    %get3A_47 = arith.constant 0 : index
    %get3A_48 = arith.constant 0 : index
    %get3A_49 = vector.load %arg7[%get3A_47, %get3A_48] : memref<1x64xf32, #tpu.memory_space<vmem>>, vector<1x64xf32>
    %add3A_50 = vector.broadcast %get3A_49 : vector<1x64xf32> to vector<2000x64xf32>
    %add3A_51 = arith.addf %dot_general3A_46, %add3A_50 : vector<2000x64xf32>
    %integer_pow3A_52 = arith.mulf %add3A_51, %add3A_51 : vector<2000x64xf32>
    %integer_pow3A_53 = arith.mulf %add3A_51, %integer_pow3A_52 : vector<2000x64xf32>
    %mul3A_54 = arith.constant 4.471500e-02 : f32
    %mul3A_55 = vector.broadcast %mul3A_54 : f32 to vector<2000x64xf32>
    %mul3A_56 = arith.mulf %mul3A_55, %integer_pow3A_53 : vector<2000x64xf32>
    %add3A_57 = arith.addf %add3A_51, %mul3A_56 : vector<2000x64xf32>
    %mul3A_58 = arith.constant 0.797884583 : f32
    %mul3A_59 = vector.broadcast %mul3A_58 : f32 to vector<2000x64xf32>
    %mul3A_60 = arith.mulf %mul3A_59, %add3A_57 : vector<2000x64xf32>
    %tanh3A_61 = math.tanh %mul3A_60 : vector<2000x64xf32>
    %add3A_62 = arith.constant 1.000000e+00 : f32
    %add3A_63 = vector.broadcast %add3A_62 : f32 to vector<2000x64xf32>
    %add3A_64 = arith.addf %add3A_63, %tanh3A_61 : vector<2000x64xf32>
    %mul3A_65 = arith.constant 5.000000e-01 : f32
    %mul3A_66 = vector.broadcast %mul3A_65 : f32 to vector<2000x64xf32>
    %mul3A_67 = arith.mulf %mul3A_66, %add3A_64 : vector<2000x64xf32>
    %mul3A_68 = arith.mulf %add3A_51, %mul3A_67 : vector<2000x64xf32>
    %get3A_69 = arith.constant 0 : index
    %get3A_70 = arith.constant 0 : index
    %get3A_71 = vector.load %arg8[%get3A_69, %get3A_70] : memref<64x64xf32, #tpu.memory_space<vmem>>, vector<64x64xf32>
    %dot_general3A_72 = arith.constant dense<0.000000e+00> : vector<2000x64xf32>
    %dot_general3A_73 = tpu.matmul %mul3A_68, %get3A_71, %dot_general3A_72 {dimension_numbers = #tpu.dot_dimension_numbers<[1], [0], [0], [1], [0, 0, 1, 1], [], []>, transpose_lhs_hint = false} : vector<2000x64xf32>, vector<64x64xf32>, vector<2000x64xf32> -> vector<2000x64xf32>
    %get3A_74 = arith.constant 0 : index
    %get3A_75 = arith.constant 0 : index
    %get3A_76 = vector.load %arg9[%get3A_74, %get3A_75] : memref<1x64xf32, #tpu.memory_space<vmem>>, vector<1x64xf32>
    %add3A_77 = vector.broadcast %get3A_76 : vector<1x64xf32> to vector<2000x64xf32>
    %add3A_78 = arith.addf %dot_general3A_73, %add3A_77 : vector<2000x64xf32>
    %reduce_sum3A = arith.constant dense<0.000000e+00> : vector<2000xf32>
    %reduce_sum3A_79 = vector.multi_reduction <add>, %add3A_78, %reduce_sum3A [1] : vector<2000x64xf32> to vector<2000xf32>
    %broadcast_in_dim3A = vector.shape_cast %reduce_sum3A_79 : vector<2000xf32> to vector<2000x1xf32>
    %div3A = arith.constant 6.400000e+01 : f32
    %div3A_80 = vector.broadcast %div3A : f32 to vector<2000x1xf32>
    %div3A_81 = arith.divf %broadcast_in_dim3A, %div3A_80 : vector<2000x1xf32>
    %sub3A = vector.broadcast %div3A_81 : vector<2000x1xf32> to vector<2000x64xf32>
    %sub3A_82 = arith.subf %add3A_78, %sub3A : vector<2000x64xf32>
    %integer_pow3A_83 = arith.mulf %sub3A_82, %sub3A_82 : vector<2000x64xf32>
    %reduce_sum3A_84 = arith.constant dense<0.000000e+00> : vector<2000xf32>
    %reduce_sum3A_85 = vector.multi_reduction <add>, %integer_pow3A_83, %reduce_sum3A_84 [1] : vector<2000x64xf32> to vector<2000xf32>
    %broadcast_in_dim3A_86 = vector.shape_cast %reduce_sum3A_85 : vector<2000xf32> to vector<2000x1xf32>
    %div3A_87 = arith.constant 6.400000e+01 : f32
    %div3A_88 = vector.broadcast %div3A_87 : f32 to vector<2000x1xf32>
    %div3A_89 = arith.divf %broadcast_in_dim3A_86, %div3A_88 : vector<2000x1xf32>
    %sub3A_90 = vector.broadcast %div3A_81 : vector<2000x1xf32> to vector<2000x64xf32>
    %sub3A_91 = arith.subf %add3A_78, %sub3A_90 : vector<2000x64xf32>
    %add3A_92 = arith.constant 9.99999997E-7 : f32
    %add3A_93 = vector.broadcast %add3A_92 : f32 to vector<2000x1xf32>
    %add3A_94 = arith.addf %div3A_89, %add3A_93 : vector<2000x1xf32>
    %rsqrt3A = math.rsqrt %add3A_94 : vector<2000x1xf32>
    %mul3A_95 = vector.broadcast %rsqrt3A : vector<2000x1xf32> to vector<2000x64xf32>
    %mul3A_96 = arith.mulf %sub3A_91, %mul3A_95 : vector<2000x64xf32>
    %get3A_97 = arith.constant 0 : index
    %get3A_98 = arith.constant 0 : index
    %get3A_99 = vector.load %arg10[%get3A_97, %get3A_98] : memref<1x64xf32, #tpu.memory_space<vmem>>, vector<1x64xf32>
    %mul3A_100 = vector.broadcast %get3A_99 : vector<1x64xf32> to vector<2000x64xf32>
    %mul3A_101 = arith.mulf %mul3A_96, %mul3A_100 : vector<2000x64xf32>
    %get3A_102 = arith.constant 0 : index
    %get3A_103 = arith.constant 0 : index
    %get3A_104 = vector.load %arg11[%get3A_102, %get3A_103] : memref<1x64xf32, #tpu.memory_space<vmem>>, vector<1x64xf32>
    %add3A_105 = vector.broadcast %get3A_104 : vector<1x64xf32> to vector<2000x64xf32>
    %add3A_106 = arith.addf %mul3A_101, %add3A_105 : vector<2000x64xf32>
    %swap3A = arith.constant 0 : index
    %swap3A_107 = arith.constant 0 : index
    %swap3A_108 = vector.load %arg12[%swap3A, %swap3A_107] : memref<2000x64xf32, #tpu.memory_space<vmem>>, vector<2000x64xf32>
    tpu.vector_store %arg12[%swap3A, %swap3A_107], %add3A_106 {strides = array<i32>} : memref<2000x64xf32, #tpu.memory_space<vmem>>, vector<2000x64xf32>,
    return
  }
  func.func @transform_0(%arg0: i32) -> (i32, i32) {
    %c0_i32 = arith.constant 0 : i32
    %c0_i32_0 = arith.constant 0 : i32
    return %arg0, %c0_i32 : i32, i32
  }
  func.func @transform_1(%arg0: i32) -> (i32, i32, i32) {
    %c0_i32 = arith.constant 0 : i32
    %c0_i32_0 = arith.constant 0 : i32
    %c0_i32_1 = arith.constant 0 : i32
    return %c0_i32, %arg0, %c0_i32_0 : i32, i32, i32
  }
  func.func @transform_2(%arg0: i32) -> (i32, i32) {
    %c0_i32 = arith.constant 0 : i32
    %c0_i32_0 = arith.constant 0 : i32
    %c0_i32_1 = arith.constant 0 : i32
    return %c0_i32, %c0_i32_0 : i32, i32
  }
  func.func @transform_3(%arg0: i32) -> (i32, i32) {
    %c0_i32 = arith.constant 0 : i32
    %c0_i32_0 = arith.constant 0 : i32
    %c0_i32_1 = arith.constant 0 : i32
    return %c0_i32, %c0_i32_0 : i32, i32
  }
  func.func @transform_4(%arg0: i32) -> (i32, i32) {
    %c0_i32 = arith.constant 0 : i32
    %c0_i32_0 = arith.constant 0 : i32
    %c0_i32_1 = arith.constant 0 : i32
    return %c0_i32, %c0_i32_0 : i32, i32
  }
  func.func @transform_5(%arg0: i32) -> (i32, i32) {
    %c0_i32 = arith.constant 0 : i32
    %c0_i32_0 = arith.constant 0 : i32
    %c0_i32_1 = arith.constant 0 : i32
    return %c0_i32, %c0_i32_0 : i32, i32
  }
  func.func @transform_6(%arg0: i32) -> (i32, i32) {
    %c0_i32 = arith.constant 0 : i32
    %c0_i32_0 = arith.constant 0 : i32
    %c0_i32_1 = arith.constant 0 : i32
    return %c0_i32, %c0_i32_0 : i32, i32
  }
  func.func @transform_7(%arg0: i32) -> (i32, i32) {
    %c0_i32 = arith.constant 0 : i32
    %c0_i32_0 = arith.constant 0 : i32
    %c0_i32_1 = arith.constant 0 : i32
    return %c0_i32, %c0_i32_0 : i32, i32
  }
  func.func @transform_8(%arg0: i32) -> (i32, i32) {
    %c0_i32 = arith.constant 0 : i32
    %c0_i32_0 = arith.constant 0 : i32
    %c0_i32_1 = arith.constant 0 : i32
    return %c0_i32, %c0_i32_0 : i32, i32
  }
  func.func @transform_9(%arg0: i32) -> (i32, i32) {
    %c0_i32 = arith.constant 0 : i32
    %c0_i32_0 = arith.constant 0 : i32
    %c0_i32_1 = arith.constant 0 : i32
    return %c0_i32, %c0_i32_0 : i32, i32
  }
  func.func @transform_10(%arg0: i32) -> (i32, i32) {
    %c0_i32 = arith.constant 0 : i32
    %c0_i32_0 = arith.constant 0 : i32
    %c0_i32_1 = arith.constant 0 : i32
    return %c0_i32, %c0_i32_0 : i32, i32
  }
  func.func @transform_11(%arg0: i32) -> (i32, i32) {
    %c0_i32 = arith.constant 0 : i32
    %c0_i32_0 = arith.constant 0 : i32
    return %arg0, %c0_i32 : i32, i32
  }
}

module attributes {stable_mosaic.version = 14 : i64} {
  func.func @body(%arg0: memref<10000x64xf32, #tpu.memory_space<vmem>>, %arg1: memref<64x512xf32, #tpu.memory_space<vmem>>, %arg2: memref<1x512xf32, #tpu.memory_space<vmem>>, %arg3: memref<512x128xf32, #tpu.memory_space<vmem>>, %arg4: memref<1x128xf32, #tpu.memory_space<vmem>>, %arg5: memref<128x1xf32, #tpu.memory_space<vmem>>, %arg6: memref<1x1xf32, #tpu.memory_space<vmem>>, %arg7: memref<1x1xf32, #tpu.memory_space<vmem>>) attributes {dimension_semantics = [], scalar_prefetch = 0 : i64, scratch_operands = 0 : i64, tpu.core_type = #tpu.core_type<tc>} {
    %get3A = arith.constant 0 : index
    %get3A_0 = arith.constant 0 : index
    %get3A_1 = vector.load %arg0[%get3A, %get3A_0] : memref<10000x64xf32, #tpu.memory_space<vmem>>, vector<10000x64xf32>
    %reduce_sum3A = arith.constant dense<0.000000e+00> : vector<64xf32>
    %reduce_sum3A_2 = vector.multi_reduction <add>, %get3A_1, %reduce_sum3A [0] : vector<10000x64xf32> to vector<64xf32>
    %broadcast_in_dim3A = vector.shape_cast %reduce_sum3A_2 : vector<64xf32> to vector<1x64xf32>
    %mul3A = arith.constant 9.99999974E-5 : f32
    %mul3A_3 = vector.broadcast %mul3A : f32 to vector<1x64xf32>
    %mul3A_4 = arith.mulf %broadcast_in_dim3A, %mul3A_3 : vector<1x64xf32>
    %get3A_5 = arith.constant 0 : index
    %get3A_6 = arith.constant 0 : index
    %get3A_7 = vector.load %arg1[%get3A_5, %get3A_6] : memref<64x512xf32, #tpu.memory_space<vmem>>, vector<64x512xf32>
    %dot_general3A = arith.constant dense<0.000000e+00> : vector<1x512xf32>
    %dot_general3A_8 = tpu.matmul %mul3A_4, %get3A_7, %dot_general3A {dimension_numbers = #tpu.dot_dimension_numbers<[1], [0], [0], [1], [0, 0, 1, 1], [], []>, transpose_lhs_hint = false} : vector<1x64xf32>, vector<64x512xf32>, vector<1x512xf32> -> vector<1x512xf32>
    %get3A_9 = arith.constant 0 : index
    %get3A_10 = arith.constant 0 : index
    %get3A_11 = vector.load %arg2[%get3A_9, %get3A_10] : memref<1x512xf32, #tpu.memory_space<vmem>>, vector<1x512xf32>
    %add3A = arith.addf %dot_general3A_8, %get3A_11 : vector<1x512xf32>
    %integer_pow3A = arith.mulf %add3A, %add3A : vector<1x512xf32>
    %integer_pow3A_12 = arith.mulf %add3A, %integer_pow3A : vector<1x512xf32>
    %mul3A_13 = arith.constant 4.471500e-02 : f32
    %mul3A_14 = vector.broadcast %mul3A_13 : f32 to vector<1x512xf32>
    %mul3A_15 = arith.mulf %mul3A_14, %integer_pow3A_12 : vector<1x512xf32>
    %add3A_16 = arith.addf %add3A, %mul3A_15 : vector<1x512xf32>
    %mul3A_17 = arith.constant 0.797884583 : f32
    %mul3A_18 = vector.broadcast %mul3A_17 : f32 to vector<1x512xf32>
    %mul3A_19 = arith.mulf %mul3A_18, %add3A_16 : vector<1x512xf32>
    %tanh3A = math.tanh %mul3A_19 : vector<1x512xf32>
    %add3A_20 = arith.constant 1.000000e+00 : f32
    %add3A_21 = vector.broadcast %add3A_20 : f32 to vector<1x512xf32>
    %add3A_22 = arith.addf %add3A_21, %tanh3A : vector<1x512xf32>
    %mul3A_23 = arith.constant 5.000000e-01 : f32
    %mul3A_24 = vector.broadcast %mul3A_23 : f32 to vector<1x512xf32>
    %mul3A_25 = arith.mulf %mul3A_24, %add3A_22 : vector<1x512xf32>
    %mul3A_26 = arith.mulf %add3A, %mul3A_25 : vector<1x512xf32>
    %get3A_27 = arith.constant 0 : index
    %get3A_28 = arith.constant 0 : index
    %get3A_29 = vector.load %arg3[%get3A_27, %get3A_28] : memref<512x128xf32, #tpu.memory_space<vmem>>, vector<512x128xf32>
    %dot_general3A_30 = arith.constant dense<0.000000e+00> : vector<1x128xf32>
    %dot_general3A_31 = tpu.matmul %mul3A_26, %get3A_29, %dot_general3A_30 {dimension_numbers = #tpu.dot_dimension_numbers<[1], [0], [0], [1], [0, 0, 1, 1], [], []>, transpose_lhs_hint = false} : vector<1x512xf32>, vector<512x128xf32>, vector<1x128xf32> -> vector<1x128xf32>
    %get3A_32 = arith.constant 0 : index
    %get3A_33 = arith.constant 0 : index
    %get3A_34 = vector.load %arg4[%get3A_32, %get3A_33] : memref<1x128xf32, #tpu.memory_space<vmem>>, vector<1x128xf32>
    %add3A_35 = arith.addf %dot_general3A_31, %get3A_34 : vector<1x128xf32>
    %integer_pow3A_36 = arith.mulf %add3A_35, %add3A_35 : vector<1x128xf32>
    %integer_pow3A_37 = arith.mulf %add3A_35, %integer_pow3A_36 : vector<1x128xf32>
    %mul3A_38 = arith.constant 4.471500e-02 : f32
    %mul3A_39 = vector.broadcast %mul3A_38 : f32 to vector<1x128xf32>
    %mul3A_40 = arith.mulf %mul3A_39, %integer_pow3A_37 : vector<1x128xf32>
    %add3A_41 = arith.addf %add3A_35, %mul3A_40 : vector<1x128xf32>
    %mul3A_42 = arith.constant 0.797884583 : f32
    %mul3A_43 = vector.broadcast %mul3A_42 : f32 to vector<1x128xf32>
    %mul3A_44 = arith.mulf %mul3A_43, %add3A_41 : vector<1x128xf32>
    %tanh3A_45 = math.tanh %mul3A_44 : vector<1x128xf32>
    %add3A_46 = arith.constant 1.000000e+00 : f32
    %add3A_47 = vector.broadcast %add3A_46 : f32 to vector<1x128xf32>
    %add3A_48 = arith.addf %add3A_47, %tanh3A_45 : vector<1x128xf32>
    %mul3A_49 = arith.constant 5.000000e-01 : f32
    %mul3A_50 = vector.broadcast %mul3A_49 : f32 to vector<1x128xf32>
    %mul3A_51 = arith.mulf %mul3A_50, %add3A_48 : vector<1x128xf32>
    %mul3A_52 = arith.mulf %add3A_35, %mul3A_51 : vector<1x128xf32>
    %get3A_53 = arith.constant 0 : index
    %get3A_54 = arith.constant 0 : index
    %get3A_55 = vector.load %arg5[%get3A_53, %get3A_54] : memref<128x1xf32, #tpu.memory_space<vmem>>, vector<128x1xf32>
    %dot_general3A_56 = arith.constant dense<0.000000e+00> : vector<1x1xf32>
    %dot_general3A_57 = tpu.matmul %mul3A_52, %get3A_55, %dot_general3A_56 {dimension_numbers = #tpu.dot_dimension_numbers<[1], [0], [0], [1], [0, 0, 1, 1], [], []>, transpose_lhs_hint = false} : vector<1x128xf32>, vector<128x1xf32>, vector<1x1xf32> -> vector<1x1xf32>
    %get3A_58 = arith.constant 0 : index
    %get3A_59 = arith.constant 0 : index
    %get3A_60 = vector.load %arg6[%get3A_58, %get3A_59] : memref<1x1xf32, #tpu.memory_space<vmem>>, vector<1x1xf32>
    %add3A_61 = arith.addf %dot_general3A_57, %get3A_60 : vector<1x1xf32>
    %swap3A = arith.constant 0 : index
    %swap3A_62 = arith.constant 0 : index
    %swap3A_63 = vector.load %arg7[%swap3A, %swap3A_62] : memref<1x1xf32, #tpu.memory_space<vmem>>, vector<1x1xf32>
    tpu.vector_store %arg7[%swap3A, %swap3A_62], %add3A_61 {strides = array<i32>} : memref<1x1xf32, #tpu.memory_space<vmem>>, vector<1x1xf32>,
    return
  }
}

</mosaic_0001>

<sc_bundles>
// kernel: kernel.16.cloned.1.call-start
scs
__scs_entry_jumppad:
0x0: {  	(pc) =	sbr.rel $0x88, $3  }
0x1: {  	(tag) =	ssettag $0x0;
	lr =	simm.s32 $0x1  }
0x2: {  	[smem:$0x3F6A] =	sst lr;
	_ =	strace $0xD0000000  }
0x3: {  	_ = 	snop  }
0x4: {  	_ = 	snop  }
0x5: {  	_ = 	snop  }
0x6: {  	_ = 	snop  }
0x7: {  	_ = 	snop  }
__scs_overlays_trampoline_lowered:
0x8: {  	[smem:$0x3F79] =	sst s0  }
0x9: {  	[smem:$0x3F7A] =	sst s1  }
0xa: {  	[smem:$0x3F7B] =	sst s2  }
0xb: {  	[smem:$0x3F7C] =	sst s3  }
0xc: {  	[smem:$0x3F7D] =	sst s4  }
0xd: {  	[smem:$0x3F7E] =	sst s5  }
0xe: {  	[smem:$0x3F7F] =	sst s6  }
0xf: {  	[smem:$0x3F80] =	sst s7  }
0x10: {  	[smem:$0x3F81] =	sst s8  }
0x11: {  	[smem:$0x3F82] =	sst s9;
	s0 =	simm.s32 @!p0 $0x0  }
0x12: {  	s1 =	sld [smem:$0x3F68];
	s0 =	simm.s32 @p0 $0x1  }
0x13: {  	[smem:$0x3F83] =	sst s0;
	s0 =	simm.s32 @!p1 $0x0  }
0x14: {  	s2 =	sld [smem:$0x3F67];
	s0 =	simm.s32 @p1 $0x1  }
0x15: {  	[smem:$0x3F84] =	sst s0;
	s0 =	simm.s32 @!p2 $0x0  }
0x16: {  	s3 =	sld [smem:$0x3FDB];
	s0 =	simm.s32 @p2 $0x1  }
0x17: {  	s4 =	simm.s32 $0x1BF5;
	[smem:$0x3F86] =	sst s0  }
0x18: {  	s0 =	sld [smem:$0x3F69];
	_ =	swait.ge [sflag:s4], $0x0  }
0x19: {  	s7 =	sld [smem:$0x3F6A]  }
0x1a: {  	s8 =	sadd.s32 $0xFFFFE003, lr  }
0x1b: {  	s9 =	sadd.s32 $0xFFFFFEF7, lr;
	s5 =	simm.s32 $0xFFFFFFFF;
	p2 =	slt.u32 s8, $0xFFFFF086  }
0x1c: {  	p1 =	slt.u32 s9, $0xF7A;
	s5 =	simm.s32 @!p2 $0x0  }
0x1d: {  	s5 =	simm.s32 @p1 $0x1;
	p0 =	seq.s32 s7, s2  }
0x1e: {  	s7 =	smul.u32 @!p0 $0xF7A, s2;
	p2 =	seq.s32 @!p0 s5, $0x0  }
0x1f: {  	s9 =	smul.u32 $0xF7A, s1;
	s8 =	simm.s32 @!p0 $0x1BF5;
	p2 =	por !p2, p0  }
0x20: {  	[sflag:s8] =	ssyncset.s32 @!p0 $0xFFFFF086;
	s6 =	sadd.s32 @!p0 s3, s7;
	s7 =	simm.s32 @!p0 $0x108  }
0x21: {  	s3 =	sadd.s32 s3, s9;
	s6 =	sadd.s32 @!p0 $0x88, s6;
	s7 =	simm.s32 @p2 $0x1082  }
0x22: {  	[simem:s7], [sflag:s8] =	dma.local @!p0 [hbm:s6], $0xF7A  }
0x23: {  	s9 =	sor.u32 $0xD0000000, s2;
	s6 =	simm.s32 $0x108;
	_ =	swait.ge @!p0 [sflag:s8], $0x0  }
0x24: {  	s3 =	sadd.s32 $0x88, s3;
	s6 =	simm.s32 @!p1 $0x1082;
	[sflag:s4] =	ssyncset.s32 $0xFFFFF086  }
0x25: {  	[simem:s6], [sflag:s4] =	dma.local [hbm:s3], $0xF7A  }
0x26: {  	[smem:$0x3F6A] =	sst s1;
	(tag) =	ssettag s2;
	_ =	strace s9  }
0x27: {  	s1 =	sld [smem:$0x3F7A]  }
0x28: {  	s2 =	sld [smem:$0x3F7B]  }
0x29: {  	s4 =	sld [smem:$0x3F7D]  }
0x2a: {  	p0 =	seq.s32 s5, $0x0;
	s5 =	sld [smem:$0x3F7E]  }
0x2b: {  	s6 =	sld [smem:$0x3F7F]  }
0x2c: {  	s7 =	sld [smem:$0x3F80]  }
0x2d: {  	s3 =	simm.s32 $0x108;
	s8 =	sld [smem:$0x3F81]  }
0x2e: {  	s3 =	simm.s32 @!p0 $0x1082;
	s9 =	sld [smem:$0x3F82]  }
0x2f: {  	lr =	sadd.s32 s0, s3;
	s0 =	sld [smem:$0x3F79]  }
0x30: {  	s3 =	sld [smem:$0x3F7C]  }
0x31: {  	[smem:$0x3F85] =	sst s10  }
0x32: {  	s10 =	sld [smem:$0x3F83];
	_ =	sdelay $0x3  }
0x33: {  	p0 =	seq.s32 s10, $0x1;
	s10 =	sld [smem:$0x3F85];
	_ =	sdelay $0x3  }
0x34: {  	[smem:$0x3F85] =	sst s10  }
0x35: {  	s10 =	sld [smem:$0x3F84];
	_ =	sdelay $0x3  }
0x36: {  	p1 =	seq.s32 s10, $0x1;
	s10 =	sld [smem:$0x3F85];
	_ =	sdelay $0x3  }
0x37: {  	[smem:$0x3F85] =	sst s10  }
0x38: {  	s10 =	sld [smem:$0x3F86]  }
0x39: {  	_ = 	snop;
	(pc) =	sbr.ind lr, $3  }
0x3a: {  	_ = 	snop  }
0x3b: {  	_ = 	snop  }
0x3c: {  	p2 =	seq.s32 s10, $0x1;
	s10 =	sld [smem:$0x3F85]  }
0x3d: {  	_ =	shalt  }
0x3e: {  	_ =	shalt  }
0x3f: {  	_ =	shalt  }
0x40: {  	_ =	shalt  }
0x41: {  	_ =	shalt  }
0x42: {  	_ =	shalt  }
0x43: {  	_ =	shalt  }
0x44: {  	_ =	shalt  }
0x45: {  	_ =	shalt  }
0x46: {  	_ =	shalt  }
0x47: {  	_ =	shalt  }
0x48: {  	_ =	shalt  }
0x49: {  	_ =	shalt  }
0x4a: {  	_ =	shalt  }
0x4b: {  	_ =	shalt  }
0x4c: {  	_ =	shalt  }
0x4d: {  	_ =	shalt  }
0x4e: {  	_ =	shalt  }
0x4f: {  	_ =	shalt  }
0x50: {  	_ =	shalt  }
0x51: {  	_ =	shalt  }
0x52: {  	_ =	shalt  }
0x53: {  	_ =	shalt  }
0x54: {  	_ =	shalt  }
0x55: {  	_ =	shalt  }
0x56: {  	_ =	shalt  }
0x57: {  	_ =	shalt  }
0x58: {  	_ =	shalt  }
0x59: {  	_ =	shalt  }
0x5a: {  	_ =	shalt  }
0x5b: {  	_ =	shalt  }
0x5c: {  	_ =	shalt  }
0x5d: {  	_ =	shalt  }
0x5e: {  	_ =	shalt  }
0x5f: {  	_ =	shalt  }
0x60: {  	_ =	shalt  }
0x61: {  	_ =	shalt  }
0x62: {  	_ =	shalt  }
0x63: {  	_ =	shalt  }
0x64: {  	_ =	shalt  }
0x65: {  	_ =	shalt  }
0x66: {  	_ =	shalt  }
0x67: {  	_ =	shalt  }
0x68: {  	_ =	shalt  }
0x69: {  	_ =	shalt  }
0x6a: {  	_ =	shalt  }
0x6b: {  	_ =	shalt  }
0x6c: {  	_ =	shalt  }
0x6d: {  	_ =	shalt  }
0x6e: {  	_ =	shalt  }
0x6f: {  	_ =	shalt  }
0x70: {  	_ =	shalt  }
0x71: {  	_ =	shalt  }
0x72: {  	_ =	shalt  }
0x73: {  	_ =	shalt  }
0x74: {  	_ =	shalt  }
0x75: {  	_ =	shalt  }
0x76: {  	_ =	shalt  }
0x77: {  	_ =	shalt  }
0x78: {  	_ =	shalt  }
0x79: {  	_ =	shalt  }
0x7a: {  	_ =	shalt  }
0x7b: {  	_ =	shalt  }
0x7c: {  	_ =	shalt  }
0x7d: {  	_ =	shalt  }
0x7e: {  	_ =	shalt  }
0x7f: {  	_ =	shalt  }
0x80: {  	_ =	shalt  }
0x81: {  	_ =	shalt  }
0x82: {  	_ =	shalt  }
0x83: {  	_ =	shalt  }
0x84: {  	_ =	shalt  }
0x85: {  	_ =	shalt  }
0x86: {  	_ =	shalt  }
0x87: {  	_ =	shalt  }
.Lfunc_end0:
.L_simem_size_0:
called_computation_lowered:
.L_overlay_start_0:
0x88: {  	s2 =	sld [smem:$0x3FD9]  }
0x89: {  	s3 =	sld [smem:$0x3FFE];
	_ =	sdelay $0x1  }
0x8a: {  	s1 =	srdreg.scid  }
0x8b: {  	s0 =	sand.u32 $0x1, s1  }
0x8c: {  	s16 =	sshll.u32 s0, $0xA;
	s2 =	sadd.s32 s3, s2  }
0x8d: {  	s2 =	sadd.s32 s2, s16  }
0x8e: {  	[smem:$0x3F91] =	sst s2  }
0x8f: {  	_ = 	snop  }
0x90: {  	(tm) =	ssettm $0x1  }
0x91: {  	s17 =	sld [smem:$0x3FFB];
	_ =	sdelay $0x3  }
0x92: {  	_ =	strace s17  }
0x93: {  	s2 =	sld [smem:$0x3FFC];
	_ =	sdelay $0x3  }
0x94: {  	_ =	strace s2  }
0x95: {  	s2 =	sld [smem:$0x3FFD];
	_ =	sdelay $0x3  }
0x96: {  	_ =	strace s2  }
0x97: {  	_ =	strace $0x8FFFFFFF  }
0x98: {  	s18 =	sld [smem:$0x3FDB];
	_ =	sdelay $0x1  }
0x99: {  	s19 =	simm.s32 $_scs_section_size  }
0x9a: {  	s4 =	simm.s32 $_size__tile_overlayer_lowered;
	s5 =	simm.s32 $_tile_overlayer_lowered  }
0x9b: {  	s22 =	simm.s32 $0x1BFF;
	s21 =	sshll.u32 s5, $0x1;
	s2 =	sadd.s32 s19, s18  }
0x9c: {  	s6 =	simm.s32 $0x0;
	s20 =	sshll.u32 s4, $0x1;
	s4 =	sadd.s32 s21, s2  }
0x9d: {  	[timem:s6], [sflag:s22] =	dma.local [hbm:s4], s20  }
0x9e: {  	_ =	swait.ge [sflag:s22], s20  }
0x9f: {  	s3 =	ssub.s32 $0x0, s20;
	[sflag:s22] =	ssyncset.done $0x0  }
0xa0: {  	[sflag:s22] =	ssyncadd.s32 s3;
	_ =	sdelay $0x1  }
0xa1: {  	s23 =	simm.s32 $0x1B8B  }
0xa2: {  	_ =	swait.ge [sflag:s23], $0x1  }
0xa3: {  	[sflag:s23] =	ssyncset.done $0x0  }
0xa4: {  	s25 =	simm.s32 $0x1B8E;
	s24 =	sld [smem:$0x3FFE];
	[sflag:s23] =	ssyncadd.s32 $0xFFFFFFFF  }
0xa5: {  	s26 =	simm.s32 $execute0_lowered;
	[smem:$0x3FD2] =	sst s25  }
0xa6: {  	s4 =	sshll.u32 s26, $0x1;
	_ =	strace $0x80000046;
	[dreg:$0x1] =	wrdreg $0xFFFFFFFF  }
0xa7: {  	s28 =	simm.s32 $_size_execute0_lowered;
	s2 =	sadd.s32 s2, s4;
	[dreg:$0x0] =	wrdreg $0x0  }
0xa8: {  	s4 =	sshll.u32 s28, $0x1;
	[dreg:$0x2] =	wrdreg s2  }
0xa9: {  	[dreg:$0x3] =	wrdreg s4  }
0xaa: {  	[dreg:$0x4] =	wrdreg $0xC0  }
0xab: {  	_ =	task [dreg:s6], $0x5FFFF  }
0xac: {  	[dreg:$0x1] =	wrdreg $0xFFFFFFFF  }
0xad: {  	[dreg:$0x0] =	wrdreg $0x60  }
0xae: {  	[dreg:$0x2] =	wrdreg s24  }
0xaf: {  	[dreg:$0x3] =	wrdreg $0x9  }
0xb0: {  	_ =	task.clear_ibuf [dreg:s6], $0x4FFFF;
	_ =	strace $0x90000046  }
0xb1: {  	s29 =	simm.s32 $0x9;
	_ =	strace $0x80000048  }
0xb2: {  	_ =	swait.ge [sflag:s29], $0x1  }
0xb3: {  	[sflag:s29] =	ssyncadd.s32 $0xFFFFFFFF  }
0xb4: {  	_ =	strace $0x90000048  }
0xb5: {  	_ =	sfence  }
0xb6: {  	s30 =	sld [smem:$0x0];
	_ =	sdelay $0x2  }
0xb7: {  	s31 =	sshll.u32 s1, $0xD;
	s1 =	sshrl.u32 s1, $0x2  }
0xb8: {  	s3 =	sand.u32 $0x4000, s31;
	s1 =	sadd.s32 s1, s30  }
0xb9: {  	s0 =	sor.u32 s3, s0;
	s1 =	sshll.u32 s1, $0x11  }
0xba: {  	s0 =	sor.u32 s1, s0  }
0xbb: {  	s0 =	sadd.s32 $0x8F2B, s0  }
0xbc: {  	[sflag:s0] =	ssyncadd.remote.s32 $0x1  }
0xbd: {  	_ =	sfence.sel $0xFFFF  }
0xbe: {  	[dreg:$0x0] =	wrdreg $0xFFFFFFFF;
	(pc) =	sbr.abs _section_cstart, $3  }
0xbf: {  	[dreg:$0x1] =	wrdreg $0xFFFFFFFF  }
0xc0: {  	_ =	task.clear_ibuf [dreg:s6], $0x2FFFF;
	_ =	strace $0x9FFFFFFF  }
0xc1: {  	(tm) =	ssettm $0x7FFFFFFF  }
tec
execute0_lowered:
.L_overlay_start_1:
0x0: {  	(tag) =	ssettag $0x1  }
0x1: {  	s0 =	rddreg [dreg:$0x0];
	s2 =	simm.s32 $0x0;
	s3 =	srdreg.scid  }
0x2: {  	s1 =	stileid.u32;
	s13 =	simm.s32 $0x3;
	s14 =	simm.s32 $0x80  }
0x3: {  	s15 =	simm.s32 $0x200;
	s16 =	simm.s32 $0x4200;
	s17 =	simm.s32 $0x100  }
0x4: {  	s18 =	simm.s32 $0x180;
	s19 =	simm.s32 $0x8200;
	s20 =	simm.s32 $0xC200  }
0x5: {  	s21 =	simm.s32 $0x1;
	s22 =	simm.s32 $0x10200;
	s23 =	simm.s32 $0x2  }
0x6: {  	s24 =	simm.s32 $0x14200;
	s25 =	simm.s32 $0x0;
	[smem:$0x7FF] =	sst s2  }
0x7: {  	s4 =	sand.u32 $0x1, s3;
	s29 =	sshll.u32 s1, $0x1;
	s3 =	sadd.s32 $0x14E00, s0  }
0x8: {  	s5 =	sadd.s32 $0x3C000, s0;
	s6 =	sadd.s32 $0xAE00, s0;
	s10 =	sor.u32 s4, s29  }
0x9: {  	s7 =	sadd.s32 $0x41000, s0;
	s8 =	ssub.s32 $0x2, s4;
	s4 =	smul.u32 $0x1400, s10  }
0xa: {  	_ =	strace $0x80000047;
	s9 =	sshrl.u32 s8, $0x1;
	s10 =	smul.u32 $0xA0000, s10  }
0xb: {  	s30 =	ssub.s32 s8, s9;
	s31 =	sshrl.u32 s4, $0x3;
	s11 =	sor.u32 $0x100, s4  }
0xc: {  	s12 =	smax.u32 s30, $0x1;
	s8 =	sadd.s32 s5, s31;
	s9 =	sadd.s32 s6, s31  }
.LBB2_1:
0xd: {  	[tilespmem:s2], [sflag:$0x3] =	stream.linear.gather [hbm4b:s8+s2], $0x80, $0x38;
	[tilespmem:$0x18200] =	vst v63  }
0xe: {  	_ =	swait.ge [sflag:s13], $0x80  }
0xf: {  	[sflag:s13] =	ssyncset.done $0x0  }
0x10: {  	[sflag:s13] =	ssyncadd.s32 $0xFFFFFF80  }
0x11: {  	[tilespmem:s14], [sflag:$0x3] =	stream.linear.gather [hbm4b:s9+s2], $0x80, $0x38;
	[tilespmem:$0x18200] =	vst v63  }
0x12: {  	_ =	swait.ge [sflag:s13], $0x80  }
0x13: {  	[sflag:s13] =	ssyncset.done $0x0  }
0x14: {  	[sflag:s13] =	ssyncadd.s32 $0xFFFFFF80  }
0x15: {  	[tilespmem:s15], [sflag:$0x1] =	stream.indirect.gather [hbm4b:s3+s14], $0x80, s2, s14, $0xb8;
	[tilespmem:$0x18200] =	vst v63  }
0x16: {  	s26 =	simm.s32 $0x0  }
0x17: {  	[tilespmem:s16], [sflag:$0x1] =	stream.indirect.gather [hbm4b:s3+s14], $0x80, s14, s14, $0xb8;
	[tilespmem:$0x18200] =	vst v63  }
.LBB2_2:
0x18: {  	s29 =	sshll.u32 s26, $0x8  }
0x19: {  	s0 =	sadd.s32 s29, s4  }
0x1a: {  	s28 =	sadd.s32 $0x80, s0  }
0x1b: {  	s0 =	sshrl.u32 s28, $0x3  }
0x1c: {  	s31 =	simm.s32 $0x0;
	s30 =	sadd.s32 s5, s0  }
0x1d: {  	[tilespmem:s17], [sflag:$0x3] =	stream.linear.gather [hbm4b:s30+s31], $0x80, $0x38;
	[tilespmem:$0x18200] =	vst v63  }
0x1e: {  	_ =	swait.ge [sflag:s13], $0x80  }
0x1f: {  	[sflag:s13] =	ssyncset.done $0x0  }
0x20: {  	s0 =	sadd.s32 s6, s0;
	[sflag:s13] =	ssyncadd.s32 $0xFFFFFF80  }
0x21: {  	[tilespmem:s18], [sflag:$0x3] =	stream.linear.gather [hbm4b:s0+s31], $0x80, $0x38;
	[tilespmem:$0x18200] =	vst v63  }
0x22: {  	_ =	swait.ge [sflag:s13], $0x80  }
0x23: {  	[sflag:s13] =	ssyncset.done $0x0  }
0x24: {  	[sflag:s13] =	ssyncadd.s32 $0xFFFFFF80  }
0x25: {  	[tilespmem:s19], [sflag:$0x2] =	stream.indirect.gather [hbm4b:s3+s14], $0x80, s17, s14, $0xb8;
	[tilespmem:$0x18200] =	vst v63  }
0x26: {  	_ = 	snop  }
0x27: {  	[tilespmem:s20], [sflag:$0x2] =	stream.indirect.gather [hbm4b:s3+s14], $0x80, s18, s14, $0xb8;
	[tilespmem:$0x18200] =	vst v63  }
0x28: {  	_ =	swait.ge [sflag:s21], $0x4000  }
0x29: {  	[sflag:s21] =	ssyncset.done $0x0  }
0x2a: {  	[sflag:s21] =	ssyncadd.s32 $0xFFFFC000  }
0x2b: {  	_ =	swait.ge [sflag:s21], $0x4000  }
0x2c: {  	[sflag:s21] =	ssyncset.done $0x0  }
0x2d: {  	s31 =	simm.s32 $0x0;
	[sflag:s21] =	ssyncadd.s32 $0xFFFFC000  }
0x2e: {  	v2 =	vld [tilespmem:s31+$0x230]  }
0x2f: {  	v4 =	vld [tilespmem:s31+$0x4270]  }
0x30: {  	v5 =	vld [tilespmem:s31+$0x200]  }
0x31: {  	v6 =	vld [tilespmem:s31+$0x4240]  }
0x32: {  	v1 =	vld [tilespmem:s31+$0x210]  }
0x33: {  	v3 =	vld [tilespmem:s31+$0x4250]  }
0x34: {  	v0 =	vld [tilespmem:s31+$0x220];
	v7 =	vadd.f32 v4, v2  }
0x35: {  	s30 =	simm.s32 $0x80;
	v4 =	vld [tilespmem:s31+$0x4260]  }
0x36: {  	s0 =	simm.s32 $0x400;
	v2 =	vld [tilespmem:s30+$0x230];
	v5 =	vadd.f32 v6, v5;
	[tilespmem:s31+$0x10230] =	vst v7  }
.LBB2_3:
0x37: {  	p0 =	sne.s32 s0, $0xFE00;
	v6 =	vld [tilespmem:s30+$0x4270]  }
0x38: {  	v7 =	vld [tilespmem:s30+$0x200];
	[tilespmem:s31+$0x10200] =	vst v5;
	v3 =	vadd.f32 v3, v1  }
0x39: {  	v5 =	vld [tilespmem:s30+$0x4240]  }
.Ltmp0:
0x3a: {  	v1 =	vld [tilespmem:s30+$0x210];
	[tilespmem:s31+$0x10210] =	vst v3;
	v4 =	vadd.f32 v4, v0;
	(pc) =	sbr.rel @p0 .LBB2_3-.Ltmp0, $4  }
0x3b: {  	v3 =	vld [tilespmem:s30+$0x4250]  }
0x3c: {  	v0 =	vld [tilespmem:s30+$0x220];
	v6 =	vadd.f32 v6, v2;
	[tilespmem:s31+$0x10220] =	vst v4;
	s31 =	smov.u32 s30  }
0x3d: {  	s30 =	sshra.s32 s0, $0x2;
	v4 =	vld [tilespmem:s31+$0x4260]  }
0x3e: {  	s0 =	sadd.s32 $0x200, s0;
	v2 =	vld [tilespmem:s30+$0x230];
	v5 =	vadd.f32 v5, v7;
	[tilespmem:s31+$0x10230] =	vst v6  }
0x3f: {  	v6 =	vld [tilespmem:s30+$0x4270]  }
0x40: {  	v7 =	vld [tilespmem:s30+$0x200];
	[tilespmem:s31+$0x10200] =	vst v5;
	v1 =	vadd.f32 v3, v1  }
0x41: {  	v3 =	vld [tilespmem:s30+$0x4240]  }
0x42: {  	v5 =	vld [tilespmem:s30+$0x210];
	[tilespmem:s31+$0x10210] =	vst v1;
	v0 =	vadd.f32 v4, v0  }
0x43: {  	v1 =	vld [tilespmem:s30+$0x4250]  }
0x44: {  	v4 =	vld [tilespmem:s30+$0x220];
	[tilespmem:s31+$0x10220] =	vst v0  }
0x45: {  	v0 =	vld [tilespmem:s30+$0x4260];
	_ =	sdelay $0x1  }
0x46: {  	v2 =	vadd.f32 v6, v2  }
0x47: {  	v3 =	vadd.f32 v3, v7  }
0x48: {  	s0 =	sshll.u32 s26, $0xF;
	[tilespmem:s30+$0x10230] =	vst v2;
	v1 =	vadd.f32 v1, v5  }
0x49: {  	s0 =	sadd.s32 s10, s0;
	[tilespmem:s30+$0x10200] =	vst v3;
	v0 =	vadd.f32 v0, v4  }
0x4a: {  	s0 =	sshrl.u32 s0, $0x3;
	[tilespmem:s30+$0x10210] =	vst v1  }
0x4b: {  	p0 =	seq.s32 s26, $0x13;
	s0 =	sadd.s32 s7, s0;
	[tilespmem:s30+$0x10220] =	vst v0  }
0x4c: {  	[hbm4b:s0+s2] =	stream.linear.scatter [tilespmem:s22], [sflag:$0x3], $0x4000, $0x38;
	[tilespmem:$0x18200] =	vst v63  }
0x4d: {  	s0 =	sadd.s32 @!p0 s29, s11;
	_ =	swait.ge [sflag:s13], $0x4000  }
0x4e: {  	s0 =	sshrl.u32 @!p0 s0, $0x3;
	[sflag:s13] =	ssyncset.done $0x0  }
0x4f: {  	s30 =	simm.s32 @!p0 $0x0;
	s29 =	sadd.s32 @!p0 s5, s0;
	[sflag:s13] =	ssyncadd.s32 $0xFFFFC000  }
0x50: {  	[tilespmem:s30], [sflag:$0x3] =	stream.linear.gather @!p0 [hbm4b:s29+s30], $0x80, $0x38;
	[tilespmem:$0x18200] =	vst v63  }
0x51: {  	s29 =	simm.s32 @!p0 $0x3  }
0x52: {  	_ =	swait.ge @!p0 [sflag:s29], $0x80  }
0x53: {  	[sflag:s29] =	ssyncset.done @!p0 $0x0  }
0x54: {  	s31 =	simm.s32 @!p0 $0x80;
	s0 =	sadd.s32 @!p0 s6, s0;
	[sflag:s29] =	ssyncadd.s32 @!p0 $0xFFFFFF80  }
0x55: {  	[tilespmem:s31], [sflag:$0x3] =	stream.linear.gather @!p0 [hbm4b:s0+s30], $0x80, $0x38;
	[tilespmem:$0x18200] =	vst v63  }
0x56: {  	_ =	swait.ge @!p0 [sflag:s29], $0x80  }
0x57: {  	[sflag:s29] =	ssyncset.done @!p0 $0x0  }
0x58: {  	s0 =	simm.s32 @!p0 $0x200;
	[sflag:s29] =	ssyncadd.s32 @!p0 $0xFFFFFF80  }
0x59: {  	[tilespmem:s0], [sflag:$0x1] =	stream.indirect.gather @!p0 [hbm4b:s3+s31], $0x80, s30, s31, $0xb8;
	[tilespmem:$0x18200] =	vst v63  }
0x5a: {  	s0 =	simm.s32 @!p0 $0x4200  }
0x5b: {  	[tilespmem:s0], [sflag:$0x1] =	stream.indirect.gather @!p0 [hbm4b:s3+s31], $0x80, s31, s31, $0xb8;
	[tilespmem:$0x18200] =	vst v63  }
0x5c: {  	_ =	swait.ge [sflag:s23], $0x4000  }
0x5d: {  	[sflag:s23] =	ssyncset.done $0x0  }
0x5e: {  	[sflag:s23] =	ssyncadd.s32 $0xFFFFC000  }
0x5f: {  	_ =	swait.ge [sflag:s23], $0x4000  }
0x60: {  	[sflag:s23] =	ssyncset.done $0x0  }
0x61: {  	s29 =	simm.s32 $0x0;
	[sflag:s23] =	ssyncadd.s32 $0xFFFFC000  }
0x62: {  	v2 =	vld [tilespmem:s29+$0x8230]  }
0x63: {  	v4 =	vld [tilespmem:s29+$0xC270]  }
0x64: {  	v5 =	vld [tilespmem:s29+$0x8200]  }
0x65: {  	v6 =	vld [tilespmem:s29+$0xC240]  }
0x66: {  	v1 =	vld [tilespmem:s29+$0x8210]  }
0x67: {  	v3 =	vld [tilespmem:s29+$0xC250]  }
0x68: {  	v0 =	vld [tilespmem:s29+$0x8220];
	v7 =	vadd.f32 v4, v2  }
0x69: {  	s30 =	simm.s32 $0x80;
	v4 =	vld [tilespmem:s29+$0xC260]  }
0x6a: {  	s0 =	simm.s32 $0x400;
	v2 =	vld [tilespmem:s30+$0x8230];
	v5 =	vadd.f32 v6, v5;
	[tilespmem:s29+$0x14230] =	vst v7  }
.LBB2_5:
0x6b: {  	p0 =	sne.s32 s0, $0xFE00;
	v6 =	vld [tilespmem:s30+$0xC270]  }
0x6c: {  	v7 =	vld [tilespmem:s30+$0x8200];
	[tilespmem:s29+$0x14200] =	vst v5;
	v3 =	vadd.f32 v3, v1  }
0x6d: {  	v5 =	vld [tilespmem:s30+$0xC240]  }
.Ltmp1:
0x6e: {  	v1 =	vld [tilespmem:s30+$0x8210];
	[tilespmem:s29+$0x14210] =	vst v3;
	v4 =	vadd.f32 v4, v0;
	(pc) =	sbr.rel @p0 .LBB2_5-.Ltmp1, $4  }
0x6f: {  	v3 =	vld [tilespmem:s30+$0xC250]  }
0x70: {  	v0 =	vld [tilespmem:s30+$0x8220];
	v6 =	vadd.f32 v6, v2;
	[tilespmem:s29+$0x14220] =	vst v4;
	s29 =	smov.u32 s30  }
0x71: {  	s30 =	sshra.s32 s0, $0x2;
	v4 =	vld [tilespmem:s29+$0xC260]  }
0x72: {  	s0 =	sadd.s32 $0x200, s0;
	v2 =	vld [tilespmem:s30+$0x8230];
	v5 =	vadd.f32 v5, v7;
	[tilespmem:s29+$0x14230] =	vst v6  }
0x73: {  	v6 =	vld [tilespmem:s30+$0xC270]  }
0x74: {  	v7 =	vld [tilespmem:s30+$0x8200];
	[tilespmem:s29+$0x14200] =	vst v5;
	v1 =	vadd.f32 v3, v1  }
0x75: {  	v62 =	vld [tilespmem:s30+$0xC240]  }
0x76: {  	v5 =	vld [tilespmem:s30+$0x8210];
	[tilespmem:s29+$0x14210] =	vst v1;
	v0 =	vadd.f32 v4, v0  }
0x77: {  	v1 =	vld [tilespmem:s30+$0xC250]  }
0x78: {  	v63 =	vld [tilespmem:s30+$0x8220];
	[tilespmem:s29+$0x14220] =	vst v0  }
0x79: {  	v0 =	vld [tilespmem:s30+$0xC260];
	_ =	sdelay $0x1  }
0x7a: {  	v2 =	vadd.f32 v6, v2  }
0x7b: {  	v3 =	vadd.f32 v62, v7  }
0x7c: {  	[tilespmem:s30+$0x14230] =	vst v2;
	v1 =	vadd.f32 v1, v5  }
0x7d: {  	s26 =	sadd.s32 $0x1, s26;
	[tilespmem:s30+$0x14200] =	vst v3;
	v0 =	vadd.f32 v0, v63  }
0x7e: {  	s0 =	sshll.u32 s28, $0x4;
	p0 =	sne.s32 s26, $0x14;
	[tilespmem:s30+$0x14210] =	vst v1  }
.Ltmp2:
0x7f: {  	s0 =	sadd.s32 s7, s0;
	[tilespmem:s30+$0x14220] =	vst v0;
	(pc) =	sbr.rel @p0 .LBB2_2-.Ltmp2, $4  }
0x80: {  	[hbm4b:s0+s2] =	stream.linear.scatter [tilespmem:s24], [sflag:$0x3], $0x4000, $0x38;
	[tilespmem:$0x18200] =	vst v63  }
0x81: {  	_ =	swait.ge [sflag:s13], $0x4000  }
0x82: {  	[sflag:s13] =	ssyncset.done $0x0  }
0x83: {  	[sflag:s13] =	ssyncadd.s32 $0xFFFFC000  }
0x84: {  	s25 =	sadd.s32 $0x1, s25  }
0x85: {  	p0 =	sne.s32 s25, s12  }
.Ltmp3:
0x86: {  	_ = 	snop;
	(pc) =	sbr.rel @p0 .LBB2_1-.Ltmp3, $1  }
0x87: {  	_ =	sdelay $0x3  }
0x88: {  	_ =	sfence.sel $0x180000  }
0x89: {  	[bflag:$0x0] =	sbarrier.arrive $0xFFFF  }
0x8a: {  	_ =	strace $0x90000047  }
0x8b: {  	[bflag:$0x2] =	sbarrier.arrive $0xFFFF  }
0x8c: {  	p0 =	sne.s32 s1, $0x0;
	s0 =	rddreg [dreg:$0x1]  }
0x8d: {  	s0 =	sadd.s32 @!p0 $0x100000, s0  }
0x8e: {  	[sflag:s0] =	ssyncadd.tile.s32 @!p0 $0x1;
	_ =	shalt  }
.Lfunc_end2:
_tile_overlayer_lowered:
.L_overlay_start_2:
0x8f: {  	(tag) =	ssettag $0x2  }
0x90: {  	s0 =	rddreg [dreg:$0x0];
	s2 =	stileid.u32  }
0x91: {  	s1 =	rddreg [dreg:$0x1];
	p0 =	sne.s32 s2, $0x0  }
0x92: {  	s3 =	rddreg [dreg:$0x2];
	[bflag:$0x3] =	sbarrier.arrive $0xFFFF;
	s2 =	simm.s32 @!p0 $0x1C03  }
0x93: {  	[timem:s3], [sflag:s2] =	dma.local @!p0 [hbm:s0], s1  }
0x94: {  	s0 =	simm.s32 @!p0 $0x3  }
0x95: {  	_ =	swait.ge @!p0 [sflag:s0], s1  }
0x96: {  	s1 =	ssub.s32 @!p0 $0x0, s1;
	[sflag:s0] =	ssyncset.done @!p0 $0x0  }
0x97: {  	[sflag:s0] =	ssyncadd.s32 @!p0 s1  }
0x98: {  	[bflag:$0x3] =	sbarrier.arrive $0xFFFF  }
0x99: {  	_ =	shalt  }

// kernel: kernel.19.cloned.1.call-start
scs
__scs_entry_jumppad:
0x0: {  	(pc) =	sbr.rel $0x88, $3  }
0x1: {  	(tag) =	ssettag $0x0;
	lr =	simm.s32 $0x1  }
0x2: {  	[smem:$0x3F6A] =	sst lr;
	_ =	strace $0xD0000000  }
0x3: {  	_ = 	snop  }
0x4: {  	_ = 	snop  }
0x5: {  	_ = 	snop  }
0x6: {  	_ = 	snop  }
0x7: {  	_ = 	snop  }
__scs_overlays_trampoline_lowered:
0x8: {  	[smem:$0x3F79] =	sst s0  }
0x9: {  	[smem:$0x3F7A] =	sst s1  }
0xa: {  	[smem:$0x3F7B] =	sst s2  }
0xb: {  	[smem:$0x3F7C] =	sst s3  }
0xc: {  	[smem:$0x3F7D] =	sst s4  }
0xd: {  	[smem:$0x3F7E] =	sst s5  }
0xe: {  	[smem:$0x3F7F] =	sst s6  }
0xf: {  	[smem:$0x3F80] =	sst s7  }
0x10: {  	[smem:$0x3F81] =	sst s8  }
0x11: {  	[smem:$0x3F82] =	sst s9;
	s0 =	simm.s32 @!p0 $0x0  }
0x12: {  	s1 =	sld [smem:$0x3F68];
	s0 =	simm.s32 @p0 $0x1  }
0x13: {  	[smem:$0x3F83] =	sst s0;
	s0 =	simm.s32 @!p1 $0x0  }
0x14: {  	s2 =	sld [smem:$0x3F67];
	s0 =	simm.s32 @p1 $0x1  }
0x15: {  	[smem:$0x3F84] =	sst s0;
	s0 =	simm.s32 @!p2 $0x0  }
0x16: {  	s3 =	sld [smem:$0x3FDB];
	s0 =	simm.s32 @p2 $0x1  }
0x17: {  	s4 =	simm.s32 $0x1BF5;
	[smem:$0x3F86] =	sst s0  }
0x18: {  	s0 =	sld [smem:$0x3F69];
	_ =	swait.ge [sflag:s4], $0x0  }
0x19: {  	s7 =	sld [smem:$0x3F6A]  }
0x1a: {  	s8 =	sadd.s32 $0xFFFFE003, lr  }
0x1b: {  	s9 =	sadd.s32 $0xFFFFFEF7, lr;
	s5 =	simm.s32 $0xFFFFFFFF;
	p2 =	slt.u32 s8, $0xFFFFF086  }
0x1c: {  	p1 =	slt.u32 s9, $0xF7A;
	s5 =	simm.s32 @!p2 $0x0  }
0x1d: {  	s5 =	simm.s32 @p1 $0x1;
	p0 =	seq.s32 s7, s2  }
0x1e: {  	s7 =	smul.u32 @!p0 $0xF7A, s2;
	p2 =	seq.s32 @!p0 s5, $0x0  }
0x1f: {  	s9 =	smul.u32 $0xF7A, s1;
	s8 =	simm.s32 @!p0 $0x1BF5;
	p2 =	por !p2, p0  }
0x20: {  	[sflag:s8] =	ssyncset.s32 @!p0 $0xFFFFF086;
	s6 =	sadd.s32 @!p0 s3, s7;
	s7 =	simm.s32 @!p0 $0x108  }
0x21: {  	s3 =	sadd.s32 s3, s9;
	s6 =	sadd.s32 @!p0 $0x88, s6;
	s7 =	simm.s32 @p2 $0x1082  }
0x22: {  	[simem:s7], [sflag:s8] =	dma.local @!p0 [hbm:s6], $0xF7A  }
0x23: {  	s9 =	sor.u32 $0xD0000000, s2;
	s6 =	simm.s32 $0x108;
	_ =	swait.ge @!p0 [sflag:s8], $0x0  }
0x24: {  	s3 =	sadd.s32 $0x88, s3;
	s6 =	simm.s32 @!p1 $0x1082;
	[sflag:s4] =	ssyncset.s32 $0xFFFFF086  }
0x25: {  	[simem:s6], [sflag:s4] =	dma.local [hbm:s3], $0xF7A  }
0x26: {  	[smem:$0x3F6A] =	sst s1;
	(tag) =	ssettag s2;
	_ =	strace s9  }
0x27: {  	s1 =	sld [smem:$0x3F7A]  }
0x28: {  	s2 =	sld [smem:$0x3F7B]  }
0x29: {  	s4 =	sld [smem:$0x3F7D]  }
0x2a: {  	p0 =	seq.s32 s5, $0x0;
	s5 =	sld [smem:$0x3F7E]  }
0x2b: {  	s6 =	sld [smem:$0x3F7F]  }
0x2c: {  	s7 =	sld [smem:$0x3F80]  }
0x2d: {  	s3 =	simm.s32 $0x108;
	s8 =	sld [smem:$0x3F81]  }
0x2e: {  	s3 =	simm.s32 @!p0 $0x1082;
	s9 =	sld [smem:$0x3F82]  }
0x2f: {  	lr =	sadd.s32 s0, s3;
	s0 =	sld [smem:$0x3F79]  }
0x30: {  	s3 =	sld [smem:$0x3F7C]  }
0x31: {  	[smem:$0x3F85] =	sst s10  }
0x32: {  	s10 =	sld [smem:$0x3F83];
	_ =	sdelay $0x3  }
0x33: {  	p0 =	seq.s32 s10, $0x1;
	s10 =	sld [smem:$0x3F85];
	_ =	sdelay $0x3  }
0x34: {  	[smem:$0x3F85] =	sst s10  }
0x35: {  	s10 =	sld [smem:$0x3F84];
	_ =	sdelay $0x3  }
0x36: {  	p1 =	seq.s32 s10, $0x1;
	s10 =	sld [smem:$0x3F85];
	_ =	sdelay $0x3  }
0x37: {  	[smem:$0x3F85] =	sst s10  }
0x38: {  	s10 =	sld [smem:$0x3F86]  }
0x39: {  	_ = 	snop;
	(pc) =	sbr.ind lr, $3  }
0x3a: {  	_ = 	snop  }
0x3b: {  	_ = 	snop  }
0x3c: {  	p2 =	seq.s32 s10, $0x1;
	s10 =	sld [smem:$0x3F85]  }
0x3d: {  	_ =	shalt  }
0x3e: {  	_ =	shalt  }
0x3f: {  	_ =	shalt  }
0x40: {  	_ =	shalt  }
0x41: {  	_ =	shalt  }
0x42: {  	_ =	shalt  }
0x43: {  	_ =	shalt  }
0x44: {  	_ =	shalt  }
0x45: {  	_ =	shalt  }
0x46: {  	_ =	shalt  }
0x47: {  	_ =	shalt  }
0x48: {  	_ =	shalt  }
0x49: {  	_ =	shalt  }
0x4a: {  	_ =	shalt  }
0x4b: {  	_ =	shalt  }
0x4c: {  	_ =	shalt  }
0x4d: {  	_ =	shalt  }
0x4e: {  	_ =	shalt  }
0x4f: {  	_ =	shalt  }
0x50: {  	_ =	shalt  }
0x51: {  	_ =	shalt  }
0x52: {  	_ =	shalt  }
0x53: {  	_ =	shalt  }
0x54: {  	_ =	shalt  }
0x55: {  	_ =	shalt  }
0x56: {  	_ =	shalt  }
0x57: {  	_ =	shalt  }
0x58: {  	_ =	shalt  }
0x59: {  	_ =	shalt  }
0x5a: {  	_ =	shalt  }
0x5b: {  	_ =	shalt  }
0x5c: {  	_ =	shalt  }
0x5d: {  	_ =	shalt  }
0x5e: {  	_ =	shalt  }
0x5f: {  	_ =	shalt  }
0x60: {  	_ =	shalt  }
0x61: {  	_ =	shalt  }
0x62: {  	_ =	shalt  }
0x63: {  	_ =	shalt  }
0x64: {  	_ =	shalt  }
0x65: {  	_ =	shalt  }
0x66: {  	_ =	shalt  }
0x67: {  	_ =	shalt  }
0x68: {  	_ =	shalt  }
0x69: {  	_ =	shalt  }
0x6a: {  	_ =	shalt  }
0x6b: {  	_ =	shalt  }
0x6c: {  	_ =	shalt  }
0x6d: {  	_ =	shalt  }
0x6e: {  	_ =	shalt  }
0x6f: {  	_ =	shalt  }
0x70: {  	_ =	shalt  }
0x71: {  	_ =	shalt  }
0x72: {  	_ =	shalt  }
0x73: {  	_ =	shalt  }
0x74: {  	_ =	shalt  }
0x75: {  	_ =	shalt  }
0x76: {  	_ =	shalt  }
0x77: {  	_ =	shalt  }
0x78: {  	_ =	shalt  }
0x79: {  	_ =	shalt  }
0x7a: {  	_ =	shalt  }
0x7b: {  	_ =	shalt  }
0x7c: {  	_ =	shalt  }
0x7d: {  	_ =	shalt  }
0x7e: {  	_ =	shalt  }
0x7f: {  	_ =	shalt  }
0x80: {  	_ =	shalt  }
0x81: {  	_ =	shalt  }
0x82: {  	_ =	shalt  }
0x83: {  	_ =	shalt  }
0x84: {  	_ =	shalt  }
0x85: {  	_ =	shalt  }
0x86: {  	_ =	shalt  }
0x87: {  	_ =	shalt  }
.Lfunc_end0:
.L_simem_size_0:
called_computation.1_lowered:
.L_overlay_start_0:
0x88: {  	s2 =	sld [smem:$0x3FD9]  }
0x89: {  	s3 =	sld [smem:$0x3FFE];
	_ =	sdelay $0x1  }
0x8a: {  	s1 =	srdreg.scid  }
0x8b: {  	s0 =	sand.u32 $0x1, s1  }
0x8c: {  	s16 =	sshll.u32 s0, $0xA;
	s2 =	sadd.s32 s3, s2  }
0x8d: {  	s2 =	sadd.s32 s2, s16  }
0x8e: {  	[smem:$0x3F91] =	sst s2  }
0x8f: {  	_ = 	snop  }
0x90: {  	(tm) =	ssettm $0x1  }
0x91: {  	s17 =	sld [smem:$0x3FFB];
	_ =	sdelay $0x3  }
0x92: {  	_ =	strace s17  }
0x93: {  	s2 =	sld [smem:$0x3FFC];
	_ =	sdelay $0x3  }
0x94: {  	_ =	strace s2  }
0x95: {  	s2 =	sld [smem:$0x3FFD];
	_ =	sdelay $0x3  }
0x96: {  	_ =	strace s2  }
0x97: {  	_ =	strace $0x8FFFFFFF  }
0x98: {  	s18 =	sld [smem:$0x3FDB];
	_ =	sdelay $0x1  }
0x99: {  	s19 =	simm.s32 $_scs_section_size  }
0x9a: {  	s4 =	simm.s32 $_size__tile_overlayer_lowered;
	s5 =	simm.s32 $_tile_overlayer_lowered  }
0x9b: {  	s22 =	simm.s32 $0x1BFF;
	s21 =	sshll.u32 s5, $0x1;
	s2 =	sadd.s32 s19, s18  }
0x9c: {  	s6 =	simm.s32 $0x0;
	s20 =	sshll.u32 s4, $0x1;
	s4 =	sadd.s32 s21, s2  }
0x9d: {  	[timem:s6], [sflag:s22] =	dma.local [hbm:s4], s20  }
0x9e: {  	_ =	swait.ge [sflag:s22], s20  }
0x9f: {  	s3 =	ssub.s32 $0x0, s20;
	[sflag:s22] =	ssyncset.done $0x0  }
0xa0: {  	[sflag:s22] =	ssyncadd.s32 s3;
	_ =	sdelay $0x1  }
0xa1: {  	s23 =	simm.s32 $0x1B8B  }
0xa2: {  	_ =	swait.ge [sflag:s23], $0x1  }
0xa3: {  	[sflag:s23] =	ssyncset.done $0x0  }
0xa4: {  	s25 =	simm.s32 $0x1B8E;
	s24 =	sld [smem:$0x3FFE];
	[sflag:s23] =	ssyncadd.s32 $0xFFFFFFFF  }
0xa5: {  	s26 =	simm.s32 $execute0_lowered;
	[smem:$0x3FD2] =	sst s25  }
0xa6: {  	s4 =	sshll.u32 s26, $0x1;
	_ =	strace $0x80000049;
	[dreg:$0x1] =	wrdreg $0xFFFFFFFF  }
0xa7: {  	s28 =	simm.s32 $_size_execute0_lowered;
	s2 =	sadd.s32 s2, s4;
	[dreg:$0x0] =	wrdreg $0x0  }
0xa8: {  	s4 =	sshll.u32 s28, $0x1;
	[dreg:$0x2] =	wrdreg s2  }
0xa9: {  	[dreg:$0x3] =	wrdreg s4  }
0xaa: {  	[dreg:$0x4] =	wrdreg $0xC0  }
0xab: {  	_ =	task [dreg:s6], $0x5FFFF  }
0xac: {  	[dreg:$0x1] =	wrdreg $0xFFFFFFFF  }
0xad: {  	[dreg:$0x0] =	wrdreg $0x60  }
0xae: {  	[dreg:$0x2] =	wrdreg s24  }
0xaf: {  	[dreg:$0x3] =	wrdreg $0x40800  }
0xb0: {  	[dreg:$0x4] =	wrdreg $0x9  }
0xb1: {  	_ =	task.clear_ibuf [dreg:s6], $0x5FFFF;
	_ =	strace $0x90000049  }
0xb2: {  	s29 =	simm.s32 $0x9;
	_ =	strace $0x8000004B  }
0xb3: {  	_ =	swait.ge [sflag:s29], $0x1  }
0xb4: {  	[sflag:s29] =	ssyncadd.s32 $0xFFFFFFFF  }
0xb5: {  	_ =	strace $0x9000004B  }
0xb6: {  	_ =	sfence  }
0xb7: {  	s30 =	sld [smem:$0x0];
	_ =	sdelay $0x2  }
0xb8: {  	s31 =	sshll.u32 s1, $0xD;
	s1 =	sshrl.u32 s1, $0x2  }
0xb9: {  	s3 =	sand.u32 $0x4000, s31;
	s1 =	sadd.s32 s1, s30  }
0xba: {  	s0 =	sor.u32 s3, s0;
	s1 =	sshll.u32 s1, $0x11  }
0xbb: {  	s0 =	sor.u32 s1, s0  }
0xbc: {  	s0 =	sadd.s32 $0x8F2B, s0  }
0xbd: {  	[sflag:s0] =	ssyncadd.remote.s32 $0x1  }
0xbe: {  	_ =	sfence.sel $0xFFFF  }
0xbf: {  	[dreg:$0x0] =	wrdreg $0xFFFFFFFF;
	(pc) =	sbr.abs _section_cstart, $3  }
0xc0: {  	[dreg:$0x1] =	wrdreg $0xFFFFFFFF  }
0xc1: {  	_ =	task.clear_ibuf [dreg:s6], $0x2FFFF;
	_ =	strace $0x9FFFFFFF  }
0xc2: {  	(tm) =	ssettm $0x7FFFFFFF  }
0xc3: {  	_ =	shalt  }
tec
execute0_lowered:
.L_overlay_start_1:
0x0: {  	(tag) =	ssettag $0x1  }
0x1: {  	s1 =	srdreg.scid;
	s0 =	stileid.u32  }
0x2: {  	s6 =	rddreg [dreg:$0x0];
	s4 =	smul.u32 $0x140000, s0  }
0x3: {  	s2 =	rddreg [dreg:$0x1];
	s26 =	smul.u32 $0x14000, s0  }
0x4: {  	s3 =	simm.s32 $0x0;
	s14 =	simm.s32 $0x0;
	s11 =	smul.u32 $0x50000, s0  }
0x5: {  	s7 =	sand.u32 $0x1, s1;
	s1 =	rddreg [dreg:$0x2];
	s30 =	smul.u32 $0x500, s0  }
0x6: {  	[smem:$0x7FF] =	sst s3;
	s31 =	sshll.u32 s0, $0x6;
	s5 =	smul.u32 $0xA0000, s7  }
0x7: {  	s8 =	smul.u32 $0x140000, s7;
	_ =	strace $0x8000004A;
	s10 =	ssub.s32 $0x2, s7  }
0x8: {  	s13 =	smul.u32 $0x280, s7;
	s28 =	sshrl.u32 s10, $0x1;
	s29 =	sshrl.u32 s11, $0x2  }
0x9: {  	s4 =	sadd.s32 s5, s4;
	s5 =	sadd.s32 s26, s8;
	s10 =	ssub.s32 s10, s28  }
0xa: {  	s12 =	sadd.s32 s29, s2;
	s4 =	sshrl.u32 s4, $0x3;
	s8 =	sshrl.u32 s5, $0x3  }
0xb: {  	s5 =	sadd.s32 $0x14E00, s6;
	s11 =	sshrl.u32 s12, $0x3;
	s12 =	simm.s32 $0x1  }
0xc: {  	s9 =	sadd.s32 s4, s6;
	s4 =	sadd.s32 $0xFE00, s6;
	s8 =	sadd.s32 s8, s6  }
0xd: {  	s6 =	sor.u32 $0x1C01, s31;
	s7 =	sadd.s32 $0x41000, s8;
	s8 =	smax.u32 s10, $0x1  }
0xe: {  	s9 =	sadd.s32 $0x7B2000, s9;
	s10 =	sadd.s32 s13, s30;
	s13 =	simm.s32 $0x80  }
.LBB2_1:
0xf: {  	[spmem:s11], [sflag:s6] =	dma.local [hbm:s5], $0x2800  }
0x10: {  	_ =	swait.ge [sflag:s12], $0x2800  }
0x11: {  	s15 =	sadd.s32 $0x0, s10;
	s16 =	sand.u32 $0x70, s3;
	[sflag:s12] =	ssyncset.done $0x0  }
0x12: {  	s15 =	sand.u32 $0xFFFFF80, s15;
	s16 =	sadd.s32 s4, s16;
	[sflag:s12] =	ssyncadd.s32 $0xFFFFD800  }
0x13: {  	s15 =	sadd.s32 s15, s16;
	[bflag:$0x0] =	sbarrier.arrive $0xFFFF  }
0x14: {  	[tilespmem:s3], [sflag:$0x1] =	stream.linear.gather [hbm4b:s15+s3], $0x80, $0x38;
	[tilespmem:$0x18080] =	vst v63  }
0x15: {  	_ =	swait.ge [sflag:s12], $0x80  }
0x16: {  	[sflag:s12] =	ssyncset.done $0x0  }
0x17: {  	[sflag:s12] =	ssyncadd.s32 $0xFFFFFF80  }
0x18: {  	[tilespmem:s13], [sflag:$0x1] =	stream.linear.gather [hbm4b:s9+s3], $0x4000, $0x38;
	[tilespmem:$0x18080] =	vst v63  }
0x19: {  	_ =	swait.ge [sflag:s12], $0x4000  }
0x1a: {  	s17 =	simm.s32 $0x10;
	[sflag:s12] =	ssyncset.done $0x0  }
0x1b: {  	s18 =	sadd.s32 $0x10, s10;
	s19 =	sand.u32 $0x70, s17;
	[sflag:s12] =	ssyncadd.s32 $0xFFFFC000  }
0x1c: {  	[spmem:s2] =	stream.indirect.scatter.add.f32 [tilespmem:s13], [sflag:$0x1], $0x80, s3, s13, $0xb8;
	[tilespmem:$0x18080] =	vst v63  }
0x1d: {  	s17 =	sand.u32 $0xFFFFF80, s18;
	s16 =	simm.s32 $0x20;
	_ =	swait.ge [sflag:s12], $0x4000  }
0x1e: {  	s18 =	sadd.s32 s4, s19;
	s15 =	sadd.s32 $0x800, s9;
	[sflag:s12] =	ssyncset.done $0x0  }
.LBB2_2:
0x1f: {  	s17 =	sadd.s32 s17, s18  }
0x20: {  	[sflag:s12] =	ssyncadd.s32 $0xFFFFC000;
	s18 =	smov.u32 s16;
	s19 =	sadd.s32 $0x10, s16  }
0x21: {  	[tilespmem:s3], [sflag:$0x1] =	stream.linear.gather [hbm4b:s17+s3], $0x80, $0x38;
	[tilespmem:$0x18080] =	vst v63  }
0x22: {  	p0 =	sne.s32 s16, $0x270;
	_ =	swait.ge [sflag:s12], $0x80  }
0x23: {  	[sflag:s12] =	ssyncset.done $0x0  }
0x24: {  	[sflag:s12] =	ssyncadd.s32 $0xFFFFFF80  }
0x25: {  	[tilespmem:s13], [sflag:$0x1] =	stream.linear.gather [hbm4b:s15+s3], $0x4000, $0x38;
	[tilespmem:$0x18080] =	vst v63  }
0x26: {  	_ =	swait.ge [sflag:s12], $0x4000  }
.Ltmp0:
0x27: {  	[sflag:s12] =	ssyncset.done $0x0;
	(pc) =	sbr.rel @p0 .LBB2_2-.Ltmp0, $4  }
0x28: {  	s16 =	sadd.s32 s18, s10;
	s15 =	sadd.s32 $0x800, s15;
	[sflag:s12] =	ssyncadd.s32 $0xFFFFC000  }
0x29: {  	[spmem:s2] =	stream.indirect.scatter.add.f32 [tilespmem:s13], [sflag:$0x1], $0x80, s3, s13, $0xb8;
	[tilespmem:$0x18080] =	vst v63  }
0x2a: {  	s18 =	sand.u32 $0x70, s18;
	s17 =	sand.u32 $0xFFFFF80, s16;
	_ =	swait.ge [sflag:s12], $0x4000  }
0x2b: {  	s18 =	sadd.s32 s4, s18;
	s16 =	smov.u32 s19;
	[sflag:s12] =	ssyncset.done $0x0  }
0x2c: {  	s16 =	sadd.s32 s17, s18;
	[sflag:s12] =	ssyncadd.s32 $0xFFFFC000  }
0x2d: {  	[tilespmem:s3], [sflag:$0x1] =	stream.linear.gather [hbm4b:s16+s3], $0x80, $0x38;
	[tilespmem:$0x18080] =	vst v63  }
0x2e: {  	_ =	swait.ge [sflag:s12], $0x80  }
0x2f: {  	[sflag:s12] =	ssyncset.done $0x0  }
0x30: {  	[sflag:s12] =	ssyncadd.s32 $0xFFFFFF80  }
0x31: {  	[tilespmem:s13], [sflag:$0x1] =	stream.linear.gather [hbm4b:s15+s3], $0x4000, $0x38;
	[tilespmem:$0x18080] =	vst v63  }
0x32: {  	_ =	swait.ge [sflag:s12], $0x4000  }
0x33: {  	[sflag:s12] =	ssyncset.done $0x0  }
0x34: {  	[sflag:s12] =	ssyncadd.s32 $0xFFFFC000  }
0x35: {  	[spmem:s2] =	stream.indirect.scatter.add.f32 [tilespmem:s13], [sflag:$0x1], $0x80, s3, s13, $0xb8;
	[tilespmem:$0x18080] =	vst v63  }
0x36: {  	_ =	swait.ge [sflag:s12], $0x4000  }
0x37: {  	s14 =	sadd.s32 $0x1, s14;
	[sflag:s12] =	ssyncset.done $0x0  }
0x38: {  	p0 =	sne.s32 s14, s8;
	[sflag:s12] =	ssyncadd.s32 $0xFFFFC000  }
.Ltmp1:
0x39: {  	[bflag:$0x0] =	sbarrier.arrive $0xFFFF;
	(pc) =	sbr.rel @p0 .LBB2_1-.Ltmp1, $4  }
0x3a: {  	[hbm:s7], [sflag:s6] =	dma.local [spmem:s11], $0x2800  }
0x3b: {  	_ =	swait.ge [sflag:s12], $0x2800  }
0x3c: {  	[sflag:s12] =	ssyncset.done $0x0  }
0x3d: {  	[sflag:s12] =	ssyncadd.s32 $0xFFFFD800  }
0x3e: {  	_ =	sfence.sel $0x180000  }
0x3f: {  	[bflag:$0x0] =	sbarrier.arrive $0xFFFF  }
0x40: {  	p0 =	sne.s32 s0, $0x0;
	_ =	strace $0x9000004A  }
0x41: {  	s0 =	sadd.s32 @!p0 $0x100000, s1;
	[bflag:$0x2] =	sbarrier.arrive $0xFFFF  }
0x42: {  	[sflag:s0] =	ssyncadd.tile.s32 @!p0 $0x1;
	_ =	shalt  }
.Lfunc_end2:
_tile_overlayer_lowered:
.L_overlay_start_2:
0x43: {  	(tag) =	ssettag $0x2  }
0x44: {  	s0 =	rddreg [dreg:$0x0];
	s2 =	stileid.u32  }
0x45: {  	s1 =	rddreg [dreg:$0x1];
	p0 =	sne.s32 s2, $0x0  }
0x46: {  	s3 =	rddreg [dreg:$0x2];
	[bflag:$0x3] =	sbarrier.arrive $0xFFFF;
	s2 =	simm.s32 @!p0 $0x1C01  }
0x47: {  	[timem:s3], [sflag:s2] =	dma.local @!p0 [hbm:s0], s1  }
0x48: {  	s0 =	simm.s32 @!p0 $0x1  }
0x49: {  	_ =	swait.ge @!p0 [sflag:s0], s1  }
0x4a: {  	s1 =	ssub.s32 @!p0 $0x0, s1;
	[sflag:s0] =	ssyncset.done @!p0 $0x0  }
0x4b: {  	[sflag:s0] =	ssyncadd.s32 @!p0 s1  }
0x4c: {  	[bflag:$0x3] =	sbarrier.arrive $0xFFFF  }
0x4d: {  	_ =	shalt  }

// kernel: kernel.22.cloned.1.call-start
scs
__scs_entry_jumppad:
0x0: {  	(pc) =	sbr.rel $0x88, $3  }
0x1: {  	(tag) =	ssettag $0x0;
	lr =	simm.s32 $0x1  }
0x2: {  	[smem:$0x3F6A] =	sst lr;
	_ =	strace $0xD0000000  }
0x3: {  	_ = 	snop  }
0x4: {  	_ = 	snop  }
0x5: {  	_ = 	snop  }
0x6: {  	_ = 	snop  }
0x7: {  	_ = 	snop  }
__scs_overlays_trampoline_lowered:
0x8: {  	[smem:$0x3F79] =	sst s0  }
0x9: {  	[smem:$0x3F7A] =	sst s1  }
0xa: {  	[smem:$0x3F7B] =	sst s2  }
0xb: {  	[smem:$0x3F7C] =	sst s3  }
0xc: {  	[smem:$0x3F7D] =	sst s4  }
0xd: {  	[smem:$0x3F7E] =	sst s5  }
0xe: {  	[smem:$0x3F7F] =	sst s6  }
0xf: {  	[smem:$0x3F80] =	sst s7  }
0x10: {  	[smem:$0x3F81] =	sst s8  }
0x11: {  	[smem:$0x3F82] =	sst s9;
	s0 =	simm.s32 @!p0 $0x0  }
0x12: {  	s1 =	sld [smem:$0x3F68];
	s0 =	simm.s32 @p0 $0x1  }
0x13: {  	[smem:$0x3F83] =	sst s0;
	s0 =	simm.s32 @!p1 $0x0  }
0x14: {  	s2 =	sld [smem:$0x3F67];
	s0 =	simm.s32 @p1 $0x1  }
0x15: {  	[smem:$0x3F84] =	sst s0;
	s0 =	simm.s32 @!p2 $0x0  }
0x16: {  	s3 =	sld [smem:$0x3FDB];
	s0 =	simm.s32 @p2 $0x1  }
0x17: {  	s4 =	simm.s32 $0x1BF5;
	[smem:$0x3F86] =	sst s0  }
0x18: {  	s0 =	sld [smem:$0x3F69];
	_ =	swait.ge [sflag:s4], $0x0  }
0x19: {  	s7 =	sld [smem:$0x3F6A]  }
0x1a: {  	s8 =	sadd.s32 $0xFFFFE003, lr  }
0x1b: {  	s9 =	sadd.s32 $0xFFFFFEF7, lr;
	s5 =	simm.s32 $0xFFFFFFFF;
	p2 =	slt.u32 s8, $0xFFFFF086  }
0x1c: {  	p1 =	slt.u32 s9, $0xF7A;
	s5 =	simm.s32 @!p2 $0x0  }
0x1d: {  	s5 =	simm.s32 @p1 $0x1;
	p0 =	seq.s32 s7, s2  }
0x1e: {  	s7 =	smul.u32 @!p0 $0xF7A, s2;
	p2 =	seq.s32 @!p0 s5, $0x0  }
0x1f: {  	s9 =	smul.u32 $0xF7A, s1;
	s8 =	simm.s32 @!p0 $0x1BF5;
	p2 =	por !p2, p0  }
0x20: {  	[sflag:s8] =	ssyncset.s32 @!p0 $0xFFFFF086;
	s6 =	sadd.s32 @!p0 s3, s7;
	s7 =	simm.s32 @!p0 $0x108  }
0x21: {  	s3 =	sadd.s32 s3, s9;
	s6 =	sadd.s32 @!p0 $0x88, s6;
	s7 =	simm.s32 @p2 $0x1082  }
0x22: {  	[simem:s7], [sflag:s8] =	dma.local @!p0 [hbm:s6], $0xF7A  }
0x23: {  	s9 =	sor.u32 $0xD0000000, s2;
	s6 =	simm.s32 $0x108;
	_ =	swait.ge @!p0 [sflag:s8], $0x0  }
0x24: {  	s3 =	sadd.s32 $0x88, s3;
	s6 =	simm.s32 @!p1 $0x1082;
	[sflag:s4] =	ssyncset.s32 $0xFFFFF086  }
0x25: {  	[simem:s6], [sflag:s4] =	dma.local [hbm:s3], $0xF7A  }
0x26: {  	[smem:$0x3F6A] =	sst s1;
	(tag) =	ssettag s2;
	_ =	strace s9  }
0x27: {  	s1 =	sld [smem:$0x3F7A]  }
0x28: {  	s2 =	sld [smem:$0x3F7B]  }
0x29: {  	s4 =	sld [smem:$0x3F7D]  }
0x2a: {  	p0 =	seq.s32 s5, $0x0;
	s5 =	sld [smem:$0x3F7E]  }
0x2b: {  	s6 =	sld [smem:$0x3F7F]  }
0x2c: {  	s7 =	sld [smem:$0x3F80]  }
0x2d: {  	s3 =	simm.s32 $0x108;
	s8 =	sld [smem:$0x3F81]  }
0x2e: {  	s3 =	simm.s32 @!p0 $0x1082;
	s9 =	sld [smem:$0x3F82]  }
0x2f: {  	lr =	sadd.s32 s0, s3;
	s0 =	sld [smem:$0x3F79]  }
0x30: {  	s3 =	sld [smem:$0x3F7C]  }
0x31: {  	[smem:$0x3F85] =	sst s10  }
0x32: {  	s10 =	sld [smem:$0x3F83];
	_ =	sdelay $0x3  }
0x33: {  	p0 =	seq.s32 s10, $0x1;
	s10 =	sld [smem:$0x3F85];
	_ =	sdelay $0x3  }
0x34: {  	[smem:$0x3F85] =	sst s10  }
0x35: {  	s10 =	sld [smem:$0x3F84];
	_ =	sdelay $0x3  }
0x36: {  	p1 =	seq.s32 s10, $0x1;
	s10 =	sld [smem:$0x3F85];
	_ =	sdelay $0x3  }
0x37: {  	[smem:$0x3F85] =	sst s10  }
0x38: {  	s10 =	sld [smem:$0x3F86]  }
0x39: {  	_ = 	snop;
	(pc) =	sbr.ind lr, $3  }
0x3a: {  	_ = 	snop  }
0x3b: {  	_ = 	snop  }
0x3c: {  	p2 =	seq.s32 s10, $0x1;
	s10 =	sld [smem:$0x3F85]  }
0x3d: {  	_ =	shalt  }
0x3e: {  	_ =	shalt  }
0x3f: {  	_ =	shalt  }
0x40: {  	_ =	shalt  }
0x41: {  	_ =	shalt  }
0x42: {  	_ =	shalt  }
0x43: {  	_ =	shalt  }
0x44: {  	_ =	shalt  }
0x45: {  	_ =	shalt  }
0x46: {  	_ =	shalt  }
0x47: {  	_ =	shalt  }
0x48: {  	_ =	shalt  }
0x49: {  	_ =	shalt  }
0x4a: {  	_ =	shalt  }
0x4b: {  	_ =	shalt  }
0x4c: {  	_ =	shalt  }
0x4d: {  	_ =	shalt  }
0x4e: {  	_ =	shalt  }
0x4f: {  	_ =	shalt  }
0x50: {  	_ =	shalt  }
0x51: {  	_ =	shalt  }
0x52: {  	_ =	shalt  }
0x53: {  	_ =	shalt  }
0x54: {  	_ =	shalt  }
0x55: {  	_ =	shalt  }
0x56: {  	_ =	shalt  }
0x57: {  	_ =	shalt  }
0x58: {  	_ =	shalt  }
0x59: {  	_ =	shalt  }
0x5a: {  	_ =	shalt  }
0x5b: {  	_ =	shalt  }
0x5c: {  	_ =	shalt  }
0x5d: {  	_ =	shalt  }
0x5e: {  	_ =	shalt  }
0x5f: {  	_ =	shalt  }
0x60: {  	_ =	shalt  }
0x61: {  	_ =	shalt  }
0x62: {  	_ =	shalt  }
0x63: {  	_ =	shalt  }
0x64: {  	_ =	shalt  }
0x65: {  	_ =	shalt  }
0x66: {  	_ =	shalt  }
0x67: {  	_ =	shalt  }
0x68: {  	_ =	shalt  }
0x69: {  	_ =	shalt  }
0x6a: {  	_ =	shalt  }
0x6b: {  	_ =	shalt  }
0x6c: {  	_ =	shalt  }
0x6d: {  	_ =	shalt  }
0x6e: {  	_ =	shalt  }
0x6f: {  	_ =	shalt  }
0x70: {  	_ =	shalt  }
0x71: {  	_ =	shalt  }
0x72: {  	_ =	shalt  }
0x73: {  	_ =	shalt  }
0x74: {  	_ =	shalt  }
0x75: {  	_ =	shalt  }
0x76: {  	_ =	shalt  }
0x77: {  	_ =	shalt  }
0x78: {  	_ =	shalt  }
0x79: {  	_ =	shalt  }
0x7a: {  	_ =	shalt  }
0x7b: {  	_ =	shalt  }
0x7c: {  	_ =	shalt  }
0x7d: {  	_ =	shalt  }
0x7e: {  	_ =	shalt  }
0x7f: {  	_ =	shalt  }
0x80: {  	_ =	shalt  }
0x81: {  	_ =	shalt  }
0x82: {  	_ =	shalt  }
0x83: {  	_ =	shalt  }
0x84: {  	_ =	shalt  }
0x85: {  	_ =	shalt  }
0x86: {  	_ =	shalt  }
0x87: {  	_ =	shalt  }
.Lfunc_end0:
.L_simem_size_0:
called_computation.2_lowered:
.L_overlay_start_0:
0x88: {  	s2 =	sld [smem:$0x3FD9]  }
0x89: {  	s3 =	sld [smem:$0x3FFE];
	_ =	sdelay $0x1  }
0x8a: {  	s1 =	srdreg.scid  }
0x8b: {  	s0 =	sand.u32 $0x1, s1  }
0x8c: {  	s16 =	sshll.u32 s0, $0xA;
	s2 =	sadd.s32 s3, s2  }
0x8d: {  	s2 =	sadd.s32 s2, s16  }
0x8e: {  	[smem:$0x3F91] =	sst s2  }
0x8f: {  	_ = 	snop  }
0x90: {  	(tm) =	ssettm $0x1  }
0x91: {  	s17 =	sld [smem:$0x3FFB];
	_ =	sdelay $0x3  }
0x92: {  	_ =	strace s17  }
0x93: {  	s2 =	sld [smem:$0x3FFC];
	_ =	sdelay $0x3  }
0x94: {  	_ =	strace s2  }
0x95: {  	s2 =	sld [smem:$0x3FFD];
	_ =	sdelay $0x3  }
0x96: {  	_ =	strace s2  }
0x97: {  	_ =	strace $0x8FFFFFFF  }
0x98: {  	s18 =	sld [smem:$0x3FDB];
	_ =	sdelay $0x1  }
0x99: {  	s19 =	simm.s32 $_scs_section_size  }
0x9a: {  	s4 =	simm.s32 $_size__tile_overlayer_lowered;
	s5 =	simm.s32 $_tile_overlayer_lowered  }
0x9b: {  	s22 =	simm.s32 $0x1BFF;
	s21 =	sshll.u32 s5, $0x1;
	s2 =	sadd.s32 s19, s18  }
0x9c: {  	s6 =	simm.s32 $0x0;
	s20 =	sshll.u32 s4, $0x1;
	s4 =	sadd.s32 s21, s2  }
0x9d: {  	[timem:s6], [sflag:s22] =	dma.local [hbm:s4], s20  }
0x9e: {  	_ =	swait.ge [sflag:s22], s20  }
0x9f: {  	s3 =	ssub.s32 $0x0, s20;
	[sflag:s22] =	ssyncset.done $0x0  }
0xa0: {  	[sflag:s22] =	ssyncadd.s32 s3;
	_ =	sdelay $0x1  }
0xa1: {  	s23 =	simm.s32 $0x1B8B  }
0xa2: {  	_ =	swait.ge [sflag:s23], $0x1  }
0xa3: {  	[sflag:s23] =	ssyncset.done $0x0  }
0xa4: {  	s25 =	simm.s32 $0x1B8E;
	s24 =	sld [smem:$0x3FFE];
	[sflag:s23] =	ssyncadd.s32 $0xFFFFFFFF  }
0xa5: {  	s26 =	simm.s32 $execute0_lowered;
	[smem:$0x3FD2] =	sst s25  }
0xa6: {  	s4 =	sshll.u32 s26, $0x1;
	_ =	strace $0x8000004C;
	[dreg:$0x1] =	wrdreg $0xFFFFFFFF  }
0xa7: {  	s28 =	simm.s32 $_size_execute0_lowered;
	s2 =	sadd.s32 s2, s4;
	[dreg:$0x0] =	wrdreg $0x0  }
0xa8: {  	s4 =	sshll.u32 s28, $0x1;
	[dreg:$0x2] =	wrdreg s2  }
0xa9: {  	[dreg:$0x3] =	wrdreg s4  }
0xaa: {  	[dreg:$0x4] =	wrdreg $0xC0  }
0xab: {  	_ =	task [dreg:s6], $0x5FFFF  }
0xac: {  	[dreg:$0x1] =	wrdreg $0xFFFFFFFF  }
0xad: {  	[dreg:$0x0] =	wrdreg $0x60  }
0xae: {  	[dreg:$0x2] =	wrdreg s24  }
0xaf: {  	[dreg:$0x3] =	wrdreg $0x9  }
0xb0: {  	_ =	task.clear_ibuf [dreg:s6], $0x4FFFF;
	_ =	strace $0x9000004C  }
0xb1: {  	s29 =	simm.s32 $0x9;
	_ =	strace $0x8000004E  }
0xb2: {  	_ =	swait.ge [sflag:s29], $0x1  }
0xb3: {  	[sflag:s29] =	ssyncadd.s32 $0xFFFFFFFF  }
0xb4: {  	_ =	strace $0x9000004E  }
0xb5: {  	_ =	sfence  }
0xb6: {  	s30 =	sld [smem:$0x0];
	_ =	sdelay $0x2  }
0xb7: {  	s31 =	sshll.u32 s1, $0xD;
	s1 =	sshrl.u32 s1, $0x2  }
0xb8: {  	s3 =	sand.u32 $0x4000, s31;
	s1 =	sadd.s32 s1, s30  }
0xb9: {  	s0 =	sor.u32 s3, s0;
	s1 =	sshll.u32 s1, $0x11  }
0xba: {  	s0 =	sor.u32 s1, s0  }
0xbb: {  	s0 =	sadd.s32 $0x8F2B, s0  }
0xbc: {  	[sflag:s0] =	ssyncadd.remote.s32 $0x1  }
0xbd: {  	_ =	sfence.sel $0xFFFF  }
0xbe: {  	[dreg:$0x0] =	wrdreg $0xFFFFFFFF;
	(pc) =	sbr.abs _section_cstart, $3  }
0xbf: {  	[dreg:$0x1] =	wrdreg $0xFFFFFFFF  }
0xc0: {  	_ =	task.clear_ibuf [dreg:s6], $0x2FFFF;
	_ =	strace $0x9FFFFFFF  }
0xc1: {  	(tm) =	ssettm $0x7FFFFFFF  }
tec
execute0_lowered:
.L_overlay_start_1:
0x0: {  	(tag) =	ssettag $0x1  }
0x1: {  	s0 =	rddreg [dreg:$0x0];
	s2 =	simm.s32 $0x0;
	s3 =	srdreg.scid  }
0x2: {  	s1 =	stileid.u32;
	s13 =	simm.s32 $0x3;
	s14 =	simm.s32 $0x80  }
0x3: {  	s15 =	simm.s32 $0x200;
	s16 =	simm.s32 $0x4200;
	s17 =	simm.s32 $0x100  }
0x4: {  	s18 =	simm.s32 $0x180;
	s19 =	simm.s32 $0x8200;
	s20 =	simm.s32 $0xC200  }
0x5: {  	s21 =	simm.s32 $0x1;
	s22 =	simm.s32 $0x10200;
	s23 =	simm.s32 $0x2  }
0x6: {  	s24 =	simm.s32 $0x14200;
	s25 =	simm.s32 $0x0;
	[smem:$0x7FF] =	sst s2  }
0x7: {  	s4 =	sand.u32 $0x1, s3;
	s29 =	sshll.u32 s1, $0x1;
	s3 =	sadd.s32 $0x41000, s0  }
0x8: {  	s5 =	sadd.s32 $0x3C000, s0;
	s6 =	sadd.s32 $0xAE00, s0;
	s10 =	sor.u32 s4, s29  }
0x9: {  	s7 =	sadd.s32 $0x8F400, s0;
	s8 =	ssub.s32 $0x2, s4;
	s4 =	smul.u32 $0x1400, s10  }
0xa: {  	_ =	strace $0x8000004D;
	s9 =	sshrl.u32 s8, $0x1;
	s10 =	smul.u32 $0xA0000, s10  }
0xb: {  	s30 =	ssub.s32 s8, s9;
	s31 =	sshrl.u32 s4, $0x3;
	s11 =	sor.u32 $0x100, s4  }
0xc: {  	s12 =	smax.u32 s30, $0x1;
	s8 =	sadd.s32 s5, s31;
	s9 =	sadd.s32 s6, s31  }
.LBB2_1:
0xd: {  	[tilespmem:s2], [sflag:$0x3] =	stream.linear.gather [hbm4b:s8+s2], $0x80, $0x38;
	[tilespmem:$0x18200] =	vst v63  }
0xe: {  	_ =	swait.ge [sflag:s13], $0x80  }
0xf: {  	[sflag:s13] =	ssyncset.done $0x0  }
0x10: {  	[sflag:s13] =	ssyncadd.s32 $0xFFFFFF80  }
0x11: {  	[tilespmem:s14], [sflag:$0x3] =	stream.linear.gather [hbm4b:s9+s2], $0x80, $0x38;
	[tilespmem:$0x18200] =	vst v63  }
0x12: {  	_ =	swait.ge [sflag:s13], $0x80  }
0x13: {  	[sflag:s13] =	ssyncset.done $0x0  }
0x14: {  	[sflag:s13] =	ssyncadd.s32 $0xFFFFFF80  }
0x15: {  	[tilespmem:s15], [sflag:$0x1] =	stream.indirect.gather [hbm4b:s3+s14], $0x80, s2, s14, $0xb8;
	[tilespmem:$0x18200] =	vst v63  }
0x16: {  	s26 =	simm.s32 $0x0  }
0x17: {  	[tilespmem:s16], [sflag:$0x1] =	stream.indirect.gather [hbm4b:s3+s14], $0x80, s14, s14, $0xb8;
	[tilespmem:$0x18200] =	vst v63  }
.LBB2_2:
0x18: {  	s29 =	sshll.u32 s26, $0x8  }
0x19: {  	s0 =	sadd.s32 s29, s4  }
0x1a: {  	s28 =	sadd.s32 $0x80, s0  }
0x1b: {  	s0 =	sshrl.u32 s28, $0x3  }
0x1c: {  	s31 =	simm.s32 $0x0;
	s30 =	sadd.s32 s5, s0  }
0x1d: {  	[tilespmem:s17], [sflag:$0x3] =	stream.linear.gather [hbm4b:s30+s31], $0x80, $0x38;
	[tilespmem:$0x18200] =	vst v63  }
0x1e: {  	_ =	swait.ge [sflag:s13], $0x80  }
0x1f: {  	[sflag:s13] =	ssyncset.done $0x0  }
0x20: {  	s0 =	sadd.s32 s6, s0;
	[sflag:s13] =	ssyncadd.s32 $0xFFFFFF80  }
0x21: {  	[tilespmem:s18], [sflag:$0x3] =	stream.linear.gather [hbm4b:s0+s31], $0x80, $0x38;
	[tilespmem:$0x18200] =	vst v63  }
0x22: {  	_ =	swait.ge [sflag:s13], $0x80  }
0x23: {  	[sflag:s13] =	ssyncset.done $0x0  }
0x24: {  	[sflag:s13] =	ssyncadd.s32 $0xFFFFFF80  }
0x25: {  	[tilespmem:s19], [sflag:$0x2] =	stream.indirect.gather [hbm4b:s3+s14], $0x80, s17, s14, $0xb8;
	[tilespmem:$0x18200] =	vst v63  }
0x26: {  	_ = 	snop  }
0x27: {  	[tilespmem:s20], [sflag:$0x2] =	stream.indirect.gather [hbm4b:s3+s14], $0x80, s18, s14, $0xb8;
	[tilespmem:$0x18200] =	vst v63  }
0x28: {  	_ =	swait.ge [sflag:s21], $0x4000  }
0x29: {  	[sflag:s21] =	ssyncset.done $0x0  }
0x2a: {  	[sflag:s21] =	ssyncadd.s32 $0xFFFFC000  }
0x2b: {  	_ =	swait.ge [sflag:s21], $0x4000  }
0x2c: {  	[sflag:s21] =	ssyncset.done $0x0  }
0x2d: {  	s31 =	simm.s32 $0x0;
	[sflag:s21] =	ssyncadd.s32 $0xFFFFC000  }
0x2e: {  	v2 =	vld [tilespmem:s31+$0x230]  }
0x2f: {  	v4 =	vld [tilespmem:s31+$0x4270]  }
0x30: {  	v5 =	vld [tilespmem:s31+$0x200]  }
0x31: {  	v6 =	vld [tilespmem:s31+$0x4240]  }
0x32: {  	v1 =	vld [tilespmem:s31+$0x210]  }
0x33: {  	v3 =	vld [tilespmem:s31+$0x4250]  }
0x34: {  	v0 =	vld [tilespmem:s31+$0x220];
	v7 =	vadd.f32 v4, v2  }
0x35: {  	s30 =	simm.s32 $0x80;
	v4 =	vld [tilespmem:s31+$0x4260]  }
0x36: {  	s0 =	simm.s32 $0x400;
	v2 =	vld [tilespmem:s30+$0x230];
	v5 =	vadd.f32 v6, v5;
	[tilespmem:s31+$0x10230] =	vst v7  }
.LBB2_3:
0x37: {  	p0 =	sne.s32 s0, $0xFE00;
	v6 =	vld [tilespmem:s30+$0x4270]  }
0x38: {  	v7 =	vld [tilespmem:s30+$0x200];
	[tilespmem:s31+$0x10200] =	vst v5;
	v3 =	vadd.f32 v3, v1  }
0x39: {  	v5 =	vld [tilespmem:s30+$0x4240]  }
.Ltmp0:
0x3a: {  	v1 =	vld [tilespmem:s30+$0x210];
	[tilespmem:s31+$0x10210] =	vst v3;
	v4 =	vadd.f32 v4, v0;
	(pc) =	sbr.rel @p0 .LBB2_3-.Ltmp0, $4  }
0x3b: {  	v3 =	vld [tilespmem:s30+$0x4250]  }
0x3c: {  	v0 =	vld [tilespmem:s30+$0x220];
	v6 =	vadd.f32 v6, v2;
	[tilespmem:s31+$0x10220] =	vst v4;
	s31 =	smov.u32 s30  }
0x3d: {  	s30 =	sshra.s32 s0, $0x2;
	v4 =	vld [tilespmem:s31+$0x4260]  }
0x3e: {  	s0 =	sadd.s32 $0x200, s0;
	v2 =	vld [tilespmem:s30+$0x230];
	v5 =	vadd.f32 v5, v7;
	[tilespmem:s31+$0x10230] =	vst v6  }
0x3f: {  	v6 =	vld [tilespmem:s30+$0x4270]  }
0x40: {  	v7 =	vld [tilespmem:s30+$0x200];
	[tilespmem:s31+$0x10200] =	vst v5;
	v1 =	vadd.f32 v3, v1  }
0x41: {  	v3 =	vld [tilespmem:s30+$0x4240]  }
0x42: {  	v5 =	vld [tilespmem:s30+$0x210];
	[tilespmem:s31+$0x10210] =	vst v1;
	v0 =	vadd.f32 v4, v0  }
0x43: {  	v1 =	vld [tilespmem:s30+$0x4250]  }
0x44: {  	v4 =	vld [tilespmem:s30+$0x220];
	[tilespmem:s31+$0x10220] =	vst v0  }
0x45: {  	v0 =	vld [tilespmem:s30+$0x4260];
	_ =	sdelay $0x1  }
0x46: {  	v2 =	vadd.f32 v6, v2  }
0x47: {  	v3 =	vadd.f32 v3, v7  }
0x48: {  	s0 =	sshll.u32 s26, $0xF;
	[tilespmem:s30+$0x10230] =	vst v2;
	v1 =	vadd.f32 v1, v5  }
0x49: {  	s0 =	sadd.s32 s10, s0;
	[tilespmem:s30+$0x10200] =	vst v3;
	v0 =	vadd.f32 v0, v4  }
0x4a: {  	s0 =	sshrl.u32 s0, $0x3;
	[tilespmem:s30+$0x10210] =	vst v1  }
0x4b: {  	p0 =	seq.s32 s26, $0x13;
	s0 =	sadd.s32 s7, s0;
	[tilespmem:s30+$0x10220] =	vst v0  }
0x4c: {  	[hbm4b:s0+s2] =	stream.linear.scatter [tilespmem:s22], [sflag:$0x3], $0x4000, $0x38;
	[tilespmem:$0x18200] =	vst v63  }
0x4d: {  	s0 =	sadd.s32 @!p0 s29, s11;
	_ =	swait.ge [sflag:s13], $0x4000  }
0x4e: {  	s0 =	sshrl.u32 @!p0 s0, $0x3;
	[sflag:s13] =	ssyncset.done $0x0  }
0x4f: {  	s30 =	simm.s32 @!p0 $0x0;
	s29 =	sadd.s32 @!p0 s5, s0;
	[sflag:s13] =	ssyncadd.s32 $0xFFFFC000  }
0x50: {  	[tilespmem:s30], [sflag:$0x3] =	stream.linear.gather @!p0 [hbm4b:s29+s30], $0x80, $0x38;
	[tilespmem:$0x18200] =	vst v63  }
0x51: {  	s29 =	simm.s32 @!p0 $0x3  }
0x52: {  	_ =	swait.ge @!p0 [sflag:s29], $0x80  }
0x53: {  	[sflag:s29] =	ssyncset.done @!p0 $0x0  }
0x54: {  	s31 =	simm.s32 @!p0 $0x80;
	s0 =	sadd.s32 @!p0 s6, s0;
	[sflag:s29] =	ssyncadd.s32 @!p0 $0xFFFFFF80  }
0x55: {  	[tilespmem:s31], [sflag:$0x3] =	stream.linear.gather @!p0 [hbm4b:s0+s30], $0x80, $0x38;
	[tilespmem:$0x18200] =	vst v63  }
0x56: {  	_ =	swait.ge @!p0 [sflag:s29], $0x80  }
0x57: {  	[sflag:s29] =	ssyncset.done @!p0 $0x0  }
0x58: {  	s0 =	simm.s32 @!p0 $0x200;
	[sflag:s29] =	ssyncadd.s32 @!p0 $0xFFFFFF80  }
0x59: {  	[tilespmem:s0], [sflag:$0x1] =	stream.indirect.gather @!p0 [hbm4b:s3+s31], $0x80, s30, s31, $0xb8;
	[tilespmem:$0x18200] =	vst v63  }
0x5a: {  	s0 =	simm.s32 @!p0 $0x4200  }
0x5b: {  	[tilespmem:s0], [sflag:$0x1] =	stream.indirect.gather @!p0 [hbm4b:s3+s31], $0x80, s31, s31, $0xb8;
	[tilespmem:$0x18200] =	vst v63  }
0x5c: {  	_ =	swait.ge [sflag:s23], $0x4000  }
0x5d: {  	[sflag:s23] =	ssyncset.done $0x0  }
0x5e: {  	[sflag:s23] =	ssyncadd.s32 $0xFFFFC000  }
0x5f: {  	_ =	swait.ge [sflag:s23], $0x4000  }
0x60: {  	[sflag:s23] =	ssyncset.done $0x0  }
0x61: {  	s29 =	simm.s32 $0x0;
	[sflag:s23] =	ssyncadd.s32 $0xFFFFC000  }
0x62: {  	v2 =	vld [tilespmem:s29+$0x8230]  }
0x63: {  	v4 =	vld [tilespmem:s29+$0xC270]  }
0x64: {  	v5 =	vld [tilespmem:s29+$0x8200]  }
0x65: {  	v6 =	vld [tilespmem:s29+$0xC240]  }
0x66: {  	v1 =	vld [tilespmem:s29+$0x8210]  }
0x67: {  	v3 =	vld [tilespmem:s29+$0xC250]  }
0x68: {  	v0 =	vld [tilespmem:s29+$0x8220];
	v7 =	vadd.f32 v4, v2  }
0x69: {  	s30 =	simm.s32 $0x80;
	v4 =	vld [tilespmem:s29+$0xC260]  }
0x6a: {  	s0 =	simm.s32 $0x400;
	v2 =	vld [tilespmem:s30+$0x8230];
	v5 =	vadd.f32 v6, v5;
	[tilespmem:s29+$0x14230] =	vst v7  }
.LBB2_5:
0x6b: {  	p0 =	sne.s32 s0, $0xFE00;
	v6 =	vld [tilespmem:s30+$0xC270]  }
0x6c: {  	v7 =	vld [tilespmem:s30+$0x8200];
	[tilespmem:s29+$0x14200] =	vst v5;
	v3 =	vadd.f32 v3, v1  }
0x6d: {  	v5 =	vld [tilespmem:s30+$0xC240]  }
.Ltmp1:
0x6e: {  	v1 =	vld [tilespmem:s30+$0x8210];
	[tilespmem:s29+$0x14210] =	vst v3;
	v4 =	vadd.f32 v4, v0;
	(pc) =	sbr.rel @p0 .LBB2_5-.Ltmp1, $4  }
0x6f: {  	v3 =	vld [tilespmem:s30+$0xC250]  }
0x70: {  	v0 =	vld [tilespmem:s30+$0x8220];
	v6 =	vadd.f32 v6, v2;
	[tilespmem:s29+$0x14220] =	vst v4;
	s29 =	smov.u32 s30  }
0x71: {  	s30 =	sshra.s32 s0, $0x2;
	v4 =	vld [tilespmem:s29+$0xC260]  }
0x72: {  	s0 =	sadd.s32 $0x200, s0;
	v2 =	vld [tilespmem:s30+$0x8230];
	v5 =	vadd.f32 v5, v7;
	[tilespmem:s29+$0x14230] =	vst v6  }
0x73: {  	v6 =	vld [tilespmem:s30+$0xC270]  }
0x74: {  	v7 =	vld [tilespmem:s30+$0x8200];
	[tilespmem:s29+$0x14200] =	vst v5;
	v1 =	vadd.f32 v3, v1  }
0x75: {  	v62 =	vld [tilespmem:s30+$0xC240]  }
0x76: {  	v5 =	vld [tilespmem:s30+$0x8210];
	[tilespmem:s29+$0x14210] =	vst v1;
	v0 =	vadd.f32 v4, v0  }
0x77: {  	v1 =	vld [tilespmem:s30+$0xC250]  }
0x78: {  	v63 =	vld [tilespmem:s30+$0x8220];
	[tilespmem:s29+$0x14220] =	vst v0  }
0x79: {  	v0 =	vld [tilespmem:s30+$0xC260];
	_ =	sdelay $0x1  }
0x7a: {  	v2 =	vadd.f32 v6, v2  }
0x7b: {  	v3 =	vadd.f32 v62, v7  }
0x7c: {  	[tilespmem:s30+$0x14230] =	vst v2;
	v1 =	vadd.f32 v1, v5  }
0x7d: {  	s26 =	sadd.s32 $0x1, s26;
	[tilespmem:s30+$0x14200] =	vst v3;
	v0 =	vadd.f32 v0, v63  }
0x7e: {  	s0 =	sshll.u32 s28, $0x4;
	p0 =	sne.s32 s26, $0x14;
	[tilespmem:s30+$0x14210] =	vst v1  }
.Ltmp2:
0x7f: {  	s0 =	sadd.s32 s7, s0;
	[tilespmem:s30+$0x14220] =	vst v0;
	(pc) =	sbr.rel @p0 .LBB2_2-.Ltmp2, $4  }
0x80: {  	[hbm4b:s0+s2] =	stream.linear.scatter [tilespmem:s24], [sflag:$0x3], $0x4000, $0x38;
	[tilespmem:$0x18200] =	vst v63  }
0x81: {  	_ =	swait.ge [sflag:s13], $0x4000  }
0x82: {  	[sflag:s13] =	ssyncset.done $0x0  }
0x83: {  	[sflag:s13] =	ssyncadd.s32 $0xFFFFC000  }
0x84: {  	s25 =	sadd.s32 $0x1, s25  }
0x85: {  	p0 =	sne.s32 s25, s12  }
.Ltmp3:
0x86: {  	_ = 	snop;
	(pc) =	sbr.rel @p0 .LBB2_1-.Ltmp3, $1  }
0x87: {  	_ =	sdelay $0x3  }
0x88: {  	_ =	sfence.sel $0x180000  }
0x89: {  	[bflag:$0x0] =	sbarrier.arrive $0xFFFF  }
0x8a: {  	_ =	strace $0x9000004D  }
0x8b: {  	[bflag:$0x2] =	sbarrier.arrive $0xFFFF  }
0x8c: {  	p0 =	sne.s32 s1, $0x0;
	s0 =	rddreg [dreg:$0x1]  }
0x8d: {  	s0 =	sadd.s32 @!p0 $0x100000, s0  }
0x8e: {  	[sflag:s0] =	ssyncadd.tile.s32 @!p0 $0x1;
	_ =	shalt  }
.Lfunc_end2:
_tile_overlayer_lowered:
.L_overlay_start_2:
0x8f: {  	(tag) =	ssettag $0x2  }
0x90: {  	s0 =	rddreg [dreg:$0x0];
	s2 =	stileid.u32  }
0x91: {  	s1 =	rddreg [dreg:$0x1];
	p0 =	sne.s32 s2, $0x0  }
0x92: {  	s3 =	rddreg [dreg:$0x2];
	[bflag:$0x3] =	sbarrier.arrive $0xFFFF;
	s2 =	simm.s32 @!p0 $0x1C03  }
0x93: {  	[timem:s3], [sflag:s2] =	dma.local @!p0 [hbm:s0], s1  }
0x94: {  	s0 =	simm.s32 @!p0 $0x3  }
0x95: {  	_ =	swait.ge @!p0 [sflag:s0], s1  }
0x96: {  	s1 =	ssub.s32 @!p0 $0x0, s1;
	[sflag:s0] =	ssyncset.done @!p0 $0x0  }
0x97: {  	[sflag:s0] =	ssyncadd.s32 @!p0 s1  }
0x98: {  	[bflag:$0x3] =	sbarrier.arrive $0xFFFF  }
0x99: {  	_ =	shalt  }

// kernel: kernel.25.cloned.1.call-start
scs
__scs_entry_jumppad:
0x0: {  	(pc) =	sbr.rel $0x88, $3  }
0x1: {  	(tag) =	ssettag $0x0;
	lr =	simm.s32 $0x1  }
0x2: {  	[smem:$0x3F6A] =	sst lr;
	_ =	strace $0xD0000000  }
0x3: {  	_ = 	snop  }
0x4: {  	_ = 	snop  }
0x5: {  	_ = 	snop  }
0x6: {  	_ = 	snop  }
0x7: {  	_ = 	snop  }
__scs_overlays_trampoline_lowered:
0x8: {  	[smem:$0x3F79] =	sst s0  }
0x9: {  	[smem:$0x3F7A] =	sst s1  }
0xa: {  	[smem:$0x3F7B] =	sst s2  }
0xb: {  	[smem:$0x3F7C] =	sst s3  }
0xc: {  	[smem:$0x3F7D] =	sst s4  }
0xd: {  	[smem:$0x3F7E] =	sst s5  }
0xe: {  	[smem:$0x3F7F] =	sst s6  }
0xf: {  	[smem:$0x3F80] =	sst s7  }
0x10: {  	[smem:$0x3F81] =	sst s8  }
0x11: {  	[smem:$0x3F82] =	sst s9;
	s0 =	simm.s32 @!p0 $0x0  }
0x12: {  	s1 =	sld [smem:$0x3F68];
	s0 =	simm.s32 @p0 $0x1  }
0x13: {  	[smem:$0x3F83] =	sst s0;
	s0 =	simm.s32 @!p1 $0x0  }
0x14: {  	s2 =	sld [smem:$0x3F67];
	s0 =	simm.s32 @p1 $0x1  }
0x15: {  	[smem:$0x3F84] =	sst s0;
	s0 =	simm.s32 @!p2 $0x0  }
0x16: {  	s3 =	sld [smem:$0x3FDB];
	s0 =	simm.s32 @p2 $0x1  }
0x17: {  	s4 =	simm.s32 $0x1BF5;
	[smem:$0x3F86] =	sst s0  }
0x18: {  	s0 =	sld [smem:$0x3F69];
	_ =	swait.ge [sflag:s4], $0x0  }
0x19: {  	s7 =	sld [smem:$0x3F6A]  }
0x1a: {  	s8 =	sadd.s32 $0xFFFFE003, lr  }
0x1b: {  	s9 =	sadd.s32 $0xFFFFFEF7, lr;
	s5 =	simm.s32 $0xFFFFFFFF;
	p2 =	slt.u32 s8, $0xFFFFF086  }
0x1c: {  	p1 =	slt.u32 s9, $0xF7A;
	s5 =	simm.s32 @!p2 $0x0  }
0x1d: {  	s5 =	simm.s32 @p1 $0x1;
	p0 =	seq.s32 s7, s2  }
0x1e: {  	s7 =	smul.u32 @!p0 $0xF7A, s2;
	p2 =	seq.s32 @!p0 s5, $0x0  }
0x1f: {  	s9 =	smul.u32 $0xF7A, s1;
	s8 =	simm.s32 @!p0 $0x1BF5;
	p2 =	por !p2, p0  }
0x20: {  	[sflag:s8] =	ssyncset.s32 @!p0 $0xFFFFF086;
	s6 =	sadd.s32 @!p0 s3, s7;
	s7 =	simm.s32 @!p0 $0x108  }
0x21: {  	s3 =	sadd.s32 s3, s9;
	s6 =	sadd.s32 @!p0 $0x88, s6;
	s7 =	simm.s32 @p2 $0x1082  }
0x22: {  	[simem:s7], [sflag:s8] =	dma.local @!p0 [hbm:s6], $0xF7A  }
0x23: {  	s9 =	sor.u32 $0xD0000000, s2;
	s6 =	simm.s32 $0x108;
	_ =	swait.ge @!p0 [sflag:s8], $0x0  }
0x24: {  	s3 =	sadd.s32 $0x88, s3;
	s6 =	simm.s32 @!p1 $0x1082;
	[sflag:s4] =	ssyncset.s32 $0xFFFFF086  }
0x25: {  	[simem:s6], [sflag:s4] =	dma.local [hbm:s3], $0xF7A  }
0x26: {  	[smem:$0x3F6A] =	sst s1;
	(tag) =	ssettag s2;
	_ =	strace s9  }
0x27: {  	s1 =	sld [smem:$0x3F7A]  }
0x28: {  	s2 =	sld [smem:$0x3F7B]  }
0x29: {  	s4 =	sld [smem:$0x3F7D]  }
0x2a: {  	p0 =	seq.s32 s5, $0x0;
	s5 =	sld [smem:$0x3F7E]  }
0x2b: {  	s6 =	sld [smem:$0x3F7F]  }
0x2c: {  	s7 =	sld [smem:$0x3F80]  }
0x2d: {  	s3 =	simm.s32 $0x108;
	s8 =	sld [smem:$0x3F81]  }
0x2e: {  	s3 =	simm.s32 @!p0 $0x1082;
	s9 =	sld [smem:$0x3F82]  }
0x2f: {  	lr =	sadd.s32 s0, s3;
	s0 =	sld [smem:$0x3F79]  }
0x30: {  	s3 =	sld [smem:$0x3F7C]  }
0x31: {  	[smem:$0x3F85] =	sst s10  }
0x32: {  	s10 =	sld [smem:$0x3F83];
	_ =	sdelay $0x3  }
0x33: {  	p0 =	seq.s32 s10, $0x1;
	s10 =	sld [smem:$0x3F85];
	_ =	sdelay $0x3  }
0x34: {  	[smem:$0x3F85] =	sst s10  }
0x35: {  	s10 =	sld [smem:$0x3F84];
	_ =	sdelay $0x3  }
0x36: {  	p1 =	seq.s32 s10, $0x1;
	s10 =	sld [smem:$0x3F85];
	_ =	sdelay $0x3  }
0x37: {  	[smem:$0x3F85] =	sst s10  }
0x38: {  	s10 =	sld [smem:$0x3F86]  }
0x39: {  	_ = 	snop;
	(pc) =	sbr.ind lr, $3  }
0x3a: {  	_ = 	snop  }
0x3b: {  	_ = 	snop  }
0x3c: {  	p2 =	seq.s32 s10, $0x1;
	s10 =	sld [smem:$0x3F85]  }
0x3d: {  	_ =	shalt  }
0x3e: {  	_ =	shalt  }
0x3f: {  	_ =	shalt  }
0x40: {  	_ =	shalt  }
0x41: {  	_ =	shalt  }
0x42: {  	_ =	shalt  }
0x43: {  	_ =	shalt  }
0x44: {  	_ =	shalt  }
0x45: {  	_ =	shalt  }
0x46: {  	_ =	shalt  }
0x47: {  	_ =	shalt  }
0x48: {  	_ =	shalt  }
0x49: {  	_ =	shalt  }
0x4a: {  	_ =	shalt  }
0x4b: {  	_ =	shalt  }
0x4c: {  	_ =	shalt  }
0x4d: {  	_ =	shalt  }
0x4e: {  	_ =	shalt  }
0x4f: {  	_ =	shalt  }
0x50: {  	_ =	shalt  }
0x51: {  	_ =	shalt  }
0x52: {  	_ =	shalt  }
0x53: {  	_ =	shalt  }
0x54: {  	_ =	shalt  }
0x55: {  	_ =	shalt  }
0x56: {  	_ =	shalt  }
0x57: {  	_ =	shalt  }
0x58: {  	_ =	shalt  }
0x59: {  	_ =	shalt  }
0x5a: {  	_ =	shalt  }
0x5b: {  	_ =	shalt  }
0x5c: {  	_ =	shalt  }
0x5d: {  	_ =	shalt  }
0x5e: {  	_ =	shalt  }
0x5f: {  	_ =	shalt  }
0x60: {  	_ =	shalt  }
0x61: {  	_ =	shalt  }
0x62: {  	_ =	shalt  }
0x63: {  	_ =	shalt  }
0x64: {  	_ =	shalt  }
0x65: {  	_ =	shalt  }
0x66: {  	_ =	shalt  }
0x67: {  	_ =	shalt  }
0x68: {  	_ =	shalt  }
0x69: {  	_ =	shalt  }
0x6a: {  	_ =	shalt  }
0x6b: {  	_ =	shalt  }
0x6c: {  	_ =	shalt  }
0x6d: {  	_ =	shalt  }
0x6e: {  	_ =	shalt  }
0x6f: {  	_ =	shalt  }
0x70: {  	_ =	shalt  }
0x71: {  	_ =	shalt  }
0x72: {  	_ =	shalt  }
0x73: {  	_ =	shalt  }
0x74: {  	_ =	shalt  }
0x75: {  	_ =	shalt  }
0x76: {  	_ =	shalt  }
0x77: {  	_ =	shalt  }
0x78: {  	_ =	shalt  }
0x79: {  	_ =	shalt  }
0x7a: {  	_ =	shalt  }
0x7b: {  	_ =	shalt  }
0x7c: {  	_ =	shalt  }
0x7d: {  	_ =	shalt  }
0x7e: {  	_ =	shalt  }
0x7f: {  	_ =	shalt  }
0x80: {  	_ =	shalt  }
0x81: {  	_ =	shalt  }
0x82: {  	_ =	shalt  }
0x83: {  	_ =	shalt  }
0x84: {  	_ =	shalt  }
0x85: {  	_ =	shalt  }
0x86: {  	_ =	shalt  }
0x87: {  	_ =	shalt  }
.Lfunc_end0:
.L_simem_size_0:
called_computation.3_lowered:
.L_overlay_start_0:
0x88: {  	s2 =	sld [smem:$0x3FD9]  }
0x89: {  	s3 =	sld [smem:$0x3FFE];
	_ =	sdelay $0x1  }
0x8a: {  	s1 =	srdreg.scid  }
0x8b: {  	s0 =	sand.u32 $0x1, s1  }
0x8c: {  	s16 =	sshll.u32 s0, $0xA;
	s2 =	sadd.s32 s3, s2  }
0x8d: {  	s2 =	sadd.s32 s2, s16  }
0x8e: {  	[smem:$0x3F91] =	sst s2  }
0x8f: {  	_ = 	snop  }
0x90: {  	(tm) =	ssettm $0x1  }
0x91: {  	s17 =	sld [smem:$0x3FFB];
	_ =	sdelay $0x3  }
0x92: {  	_ =	strace s17  }
0x93: {  	s2 =	sld [smem:$0x3FFC];
	_ =	sdelay $0x3  }
0x94: {  	_ =	strace s2  }
0x95: {  	s2 =	sld [smem:$0x3FFD];
	_ =	sdelay $0x3  }
0x96: {  	_ =	strace s2  }
0x97: {  	_ =	strace $0x8FFFFFFF  }
0x98: {  	s18 =	sld [smem:$0x3FDB];
	_ =	sdelay $0x1  }
0x99: {  	s19 =	simm.s32 $_scs_section_size  }
0x9a: {  	s4 =	simm.s32 $_size__tile_overlayer_lowered;
	s5 =	simm.s32 $_tile_overlayer_lowered  }
0x9b: {  	s22 =	simm.s32 $0x1BFF;
	s21 =	sshll.u32 s5, $0x1;
	s2 =	sadd.s32 s19, s18  }
0x9c: {  	s6 =	simm.s32 $0x0;
	s20 =	sshll.u32 s4, $0x1;
	s4 =	sadd.s32 s21, s2  }
0x9d: {  	[timem:s6], [sflag:s22] =	dma.local [hbm:s4], s20  }
0x9e: {  	_ =	swait.ge [sflag:s22], s20  }
0x9f: {  	s3 =	ssub.s32 $0x0, s20;
	[sflag:s22] =	ssyncset.done $0x0  }
0xa0: {  	[sflag:s22] =	ssyncadd.s32 s3;
	_ =	sdelay $0x1  }
0xa1: {  	s23 =	simm.s32 $0x1B8B  }
0xa2: {  	_ =	swait.ge [sflag:s23], $0x1  }
0xa3: {  	[sflag:s23] =	ssyncset.done $0x0  }
0xa4: {  	s25 =	simm.s32 $0x1B8E;
	s24 =	sld [smem:$0x3FFE];
	[sflag:s23] =	ssyncadd.s32 $0xFFFFFFFF  }
0xa5: {  	s26 =	simm.s32 $execute0_lowered;
	[smem:$0x3FD2] =	sst s25  }
0xa6: {  	s4 =	sshll.u32 s26, $0x1;
	_ =	strace $0x8000004F;
	[dreg:$0x1] =	wrdreg $0xFFFFFFFF  }
0xa7: {  	s28 =	simm.s32 $_size_execute0_lowered;
	s2 =	sadd.s32 s2, s4;
	[dreg:$0x0] =	wrdreg $0x0  }
0xa8: {  	s4 =	sshll.u32 s28, $0x1;
	[dreg:$0x2] =	wrdreg s2  }
0xa9: {  	[dreg:$0x3] =	wrdreg s4  }
0xaa: {  	[dreg:$0x4] =	wrdreg $0xC0  }
0xab: {  	_ =	task [dreg:s6], $0x5FFFF  }
0xac: {  	[dreg:$0x1] =	wrdreg $0xFFFFFFFF  }
0xad: {  	[dreg:$0x0] =	wrdreg $0x60  }
0xae: {  	[dreg:$0x2] =	wrdreg s24  }
0xaf: {  	[dreg:$0x3] =	wrdreg $0x40800  }
0xb0: {  	[dreg:$0x4] =	wrdreg $0x9  }
0xb1: {  	_ =	task.clear_ibuf [dreg:s6], $0x5FFFF;
	_ =	strace $0x9000004F  }
0xb2: {  	s29 =	simm.s32 $0x9;
	_ =	strace $0x80000051  }
0xb3: {  	_ =	swait.ge [sflag:s29], $0x1  }
0xb4: {  	[sflag:s29] =	ssyncadd.s32 $0xFFFFFFFF  }
0xb5: {  	_ =	strace $0x90000051  }
0xb6: {  	_ =	sfence  }
0xb7: {  	s30 =	sld [smem:$0x0];
	_ =	sdelay $0x2  }
0xb8: {  	s31 =	sshll.u32 s1, $0xD;
	s1 =	sshrl.u32 s1, $0x2  }
0xb9: {  	s3 =	sand.u32 $0x4000, s31;
	s1 =	sadd.s32 s1, s30  }
0xba: {  	s0 =	sor.u32 s3, s0;
	s1 =	sshll.u32 s1, $0x11  }
0xbb: {  	s0 =	sor.u32 s1, s0  }
0xbc: {  	s0 =	sadd.s32 $0x8F2B, s0  }
0xbd: {  	[sflag:s0] =	ssyncadd.remote.s32 $0x1  }
0xbe: {  	_ =	sfence.sel $0xFFFF  }
0xbf: {  	[dreg:$0x0] =	wrdreg $0xFFFFFFFF;
	(pc) =	sbr.abs _section_cstart, $3  }
0xc0: {  	[dreg:$0x1] =	wrdreg $0xFFFFFFFF  }
0xc1: {  	_ =	task.clear_ibuf [dreg:s6], $0x2FFFF;
	_ =	strace $0x9FFFFFFF  }
0xc2: {  	(tm) =	ssettm $0x7FFFFFFF  }
0xc3: {  	_ =	shalt  }
tec
execute0_lowered:
.L_overlay_start_1:
0x0: {  	(tag) =	ssettag $0x1  }
0x1: {  	s1 =	srdreg.scid;
	s0 =	stileid.u32  }
0x2: {  	s6 =	rddreg [dreg:$0x0];
	s4 =	smul.u32 $0x140000, s0  }
0x3: {  	s2 =	rddreg [dreg:$0x1];
	s26 =	smul.u32 $0x14000, s0  }
0x4: {  	s3 =	simm.s32 $0x0;
	s14 =	simm.s32 $0x0;
	s11 =	smul.u32 $0x50000, s0  }
0x5: {  	s7 =	sand.u32 $0x1, s1;
	s1 =	rddreg [dreg:$0x2];
	s30 =	smul.u32 $0x500, s0  }
0x6: {  	[smem:$0x7FF] =	sst s3;
	s31 =	sshll.u32 s0, $0x6;
	s5 =	smul.u32 $0xA0000, s7  }
0x7: {  	s8 =	smul.u32 $0x140000, s7;
	_ =	strace $0x80000050;
	s10 =	ssub.s32 $0x2, s7  }
0x8: {  	s13 =	smul.u32 $0x280, s7;
	s28 =	sshrl.u32 s10, $0x1;
	s29 =	sshrl.u32 s11, $0x2  }
0x9: {  	s4 =	sadd.s32 s5, s4;
	s5 =	sadd.s32 s26, s8;
	s10 =	ssub.s32 s10, s28  }
0xa: {  	s12 =	sadd.s32 s29, s2;
	s4 =	sshrl.u32 s4, $0x3;
	s8 =	sshrl.u32 s5, $0x3  }
0xb: {  	s5 =	sadd.s32 $0x14E00, s6;
	s11 =	sshrl.u32 s12, $0x3;
	s12 =	simm.s32 $0x1  }
0xc: {  	s9 =	sadd.s32 s4, s6;
	s4 =	sadd.s32 $0xFE00, s6;
	s8 =	sadd.s32 s8, s6  }
0xd: {  	s6 =	sor.u32 $0x1C01, s31;
	s7 =	sadd.s32 $0x8F400, s8;
	s8 =	smax.u32 s10, $0x1  }
0xe: {  	s9 =	sadd.s32 $0x30F400, s9;
	s10 =	sadd.s32 s13, s30;
	s13 =	simm.s32 $0x80  }
.LBB2_1:
0xf: {  	[spmem:s11], [sflag:s6] =	dma.local [hbm:s5], $0x2800  }
0x10: {  	_ =	swait.ge [sflag:s12], $0x2800  }
0x11: {  	s15 =	sadd.s32 $0x0, s10;
	s16 =	sand.u32 $0x70, s3;
	[sflag:s12] =	ssyncset.done $0x0  }
0x12: {  	s15 =	sand.u32 $0xFFFFF80, s15;
	s16 =	sadd.s32 s4, s16;
	[sflag:s12] =	ssyncadd.s32 $0xFFFFD800  }
0x13: {  	s15 =	sadd.s32 s15, s16;
	[bflag:$0x0] =	sbarrier.arrive $0xFFFF  }
0x14: {  	[tilespmem:s3], [sflag:$0x1] =	stream.linear.gather [hbm4b:s15+s3], $0x80, $0x38;
	[tilespmem:$0x18080] =	vst v63  }
0x15: {  	_ =	swait.ge [sflag:s12], $0x80  }
0x16: {  	[sflag:s12] =	ssyncset.done $0x0  }
0x17: {  	[sflag:s12] =	ssyncadd.s32 $0xFFFFFF80  }
0x18: {  	[tilespmem:s13], [sflag:$0x1] =	stream.linear.gather [hbm4b:s9+s3], $0x4000, $0x38;
	[tilespmem:$0x18080] =	vst v63  }
0x19: {  	_ =	swait.ge [sflag:s12], $0x4000  }
0x1a: {  	s17 =	simm.s32 $0x10;
	[sflag:s12] =	ssyncset.done $0x0  }
0x1b: {  	s18 =	sadd.s32 $0x10, s10;
	s19 =	sand.u32 $0x70, s17;
	[sflag:s12] =	ssyncadd.s32 $0xFFFFC000  }
0x1c: {  	[spmem:s2] =	stream.indirect.scatter.add.f32 [tilespmem:s13], [sflag:$0x1], $0x80, s3, s13, $0xb8;
	[tilespmem:$0x18080] =	vst v63  }
0x1d: {  	s17 =	sand.u32 $0xFFFFF80, s18;
	s16 =	simm.s32 $0x20;
	_ =	swait.ge [sflag:s12], $0x4000  }
0x1e: {  	s18 =	sadd.s32 s4, s19;
	s15 =	sadd.s32 $0x800, s9;
	[sflag:s12] =	ssyncset.done $0x0  }
.LBB2_2:
0x1f: {  	s17 =	sadd.s32 s17, s18  }
0x20: {  	[sflag:s12] =	ssyncadd.s32 $0xFFFFC000;
	s18 =	smov.u32 s16;
	s19 =	sadd.s32 $0x10, s16  }
0x21: {  	[tilespmem:s3], [sflag:$0x1] =	stream.linear.gather [hbm4b:s17+s3], $0x80, $0x38;
	[tilespmem:$0x18080] =	vst v63  }
0x22: {  	p0 =	sne.s32 s16, $0x270;
	_ =	swait.ge [sflag:s12], $0x80  }
0x23: {  	[sflag:s12] =	ssyncset.done $0x0  }
0x24: {  	[sflag:s12] =	ssyncadd.s32 $0xFFFFFF80  }
0x25: {  	[tilespmem:s13], [sflag:$0x1] =	stream.linear.gather [hbm4b:s15+s3], $0x4000, $0x38;
	[tilespmem:$0x18080] =	vst v63  }
0x26: {  	_ =	swait.ge [sflag:s12], $0x4000  }
.Ltmp0:
0x27: {  	[sflag:s12] =	ssyncset.done $0x0;
	(pc) =	sbr.rel @p0 .LBB2_2-.Ltmp0, $4  }
0x28: {  	s16 =	sadd.s32 s18, s10;
	s15 =	sadd.s32 $0x800, s15;
	[sflag:s12] =	ssyncadd.s32 $0xFFFFC000  }
0x29: {  	[spmem:s2] =	stream.indirect.scatter.add.f32 [tilespmem:s13], [sflag:$0x1], $0x80, s3, s13, $0xb8;
	[tilespmem:$0x18080] =	vst v63  }
0x2a: {  	s18 =	sand.u32 $0x70, s18;
	s17 =	sand.u32 $0xFFFFF80, s16;
	_ =	swait.ge [sflag:s12], $0x4000  }
0x2b: {  	s18 =	sadd.s32 s4, s18;
	s16 =	smov.u32 s19;
	[sflag:s12] =	ssyncset.done $0x0  }
0x2c: {  	s16 =	sadd.s32 s17, s18;
	[sflag:s12] =	ssyncadd.s32 $0xFFFFC000  }
0x2d: {  	[tilespmem:s3], [sflag:$0x1] =	stream.linear.gather [hbm4b:s16+s3], $0x80, $0x38;
	[tilespmem:$0x18080] =	vst v63  }
0x2e: {  	_ =	swait.ge [sflag:s12], $0x80  }
0x2f: {  	[sflag:s12] =	ssyncset.done $0x0  }
0x30: {  	[sflag:s12] =	ssyncadd.s32 $0xFFFFFF80  }
0x31: {  	[tilespmem:s13], [sflag:$0x1] =	stream.linear.gather [hbm4b:s15+s3], $0x4000, $0x38;
	[tilespmem:$0x18080] =	vst v63  }
0x32: {  	_ =	swait.ge [sflag:s12], $0x4000  }
0x33: {  	[sflag:s12] =	ssyncset.done $0x0  }
0x34: {  	[sflag:s12] =	ssyncadd.s32 $0xFFFFC000  }
0x35: {  	[spmem:s2] =	stream.indirect.scatter.add.f32 [tilespmem:s13], [sflag:$0x1], $0x80, s3, s13, $0xb8;
	[tilespmem:$0x18080] =	vst v63  }
0x36: {  	_ =	swait.ge [sflag:s12], $0x4000  }
0x37: {  	s14 =	sadd.s32 $0x1, s14;
	[sflag:s12] =	ssyncset.done $0x0  }
0x38: {  	p0 =	sne.s32 s14, s8;
	[sflag:s12] =	ssyncadd.s32 $0xFFFFC000  }
.Ltmp1:
0x39: {  	[bflag:$0x0] =	sbarrier.arrive $0xFFFF;
	(pc) =	sbr.rel @p0 .LBB2_1-.Ltmp1, $4  }
0x3a: {  	[hbm:s7], [sflag:s6] =	dma.local [spmem:s11], $0x2800  }
0x3b: {  	_ =	swait.ge [sflag:s12], $0x2800  }
0x3c: {  	[sflag:s12] =	ssyncset.done $0x0  }
0x3d: {  	[sflag:s12] =	ssyncadd.s32 $0xFFFFD800  }
0x3e: {  	_ =	sfence.sel $0x180000  }
0x3f: {  	[bflag:$0x0] =	sbarrier.arrive $0xFFFF  }
0x40: {  	p0 =	sne.s32 s0, $0x0;
	_ =	strace $0x90000050  }
0x41: {  	s0 =	sadd.s32 @!p0 $0x100000, s1;
	[bflag:$0x2] =	sbarrier.arrive $0xFFFF  }
0x42: {  	[sflag:s0] =	ssyncadd.tile.s32 @!p0 $0x1;
	_ =	shalt  }
.Lfunc_end2:
_tile_overlayer_lowered:
.L_overlay_start_2:
0x43: {  	(tag) =	ssettag $0x2  }
0x44: {  	s0 =	rddreg [dreg:$0x0];
	s2 =	stileid.u32  }
0x45: {  	s1 =	rddreg [dreg:$0x1];
	p0 =	sne.s32 s2, $0x0  }
0x46: {  	s3 =	rddreg [dreg:$0x2];
	[bflag:$0x3] =	sbarrier.arrive $0xFFFF;
	s2 =	simm.s32 @!p0 $0x1C01  }
0x47: {  	[timem:s3], [sflag:s2] =	dma.local @!p0 [hbm:s0], s1  }
0x48: {  	s0 =	simm.s32 @!p0 $0x1  }
0x49: {  	_ =	swait.ge @!p0 [sflag:s0], s1  }
0x4a: {  	s1 =	ssub.s32 @!p0 $0x0, s1;
	[sflag:s0] =	ssyncset.done @!p0 $0x0  }
0x4b: {  	[sflag:s0] =	ssyncadd.s32 @!p0 s1  }
0x4c: {  	[bflag:$0x3] =	sbarrier.arrive $0xFFFF  }
0x4d: {  	_ =	shalt  }

// kernel: kernel.28.cloned.1.call-start
scs
__scs_entry_jumppad:
0x0: {  	(pc) =	sbr.rel $0x88, $3  }
0x1: {  	(tag) =	ssettag $0x0;
	lr =	simm.s32 $0x1  }
0x2: {  	[smem:$0x3F6A] =	sst lr;
	_ =	strace $0xD0000000  }
0x3: {  	_ = 	snop  }
0x4: {  	_ = 	snop  }
0x5: {  	_ = 	snop  }
0x6: {  	_ = 	snop  }
0x7: {  	_ = 	snop  }
__scs_overlays_trampoline_lowered:
0x8: {  	[smem:$0x3F79] =	sst s0  }
0x9: {  	[smem:$0x3F7A] =	sst s1  }
0xa: {  	[smem:$0x3F7B] =	sst s2  }
0xb: {  	[smem:$0x3F7C] =	sst s3  }
0xc: {  	[smem:$0x3F7D] =	sst s4  }
0xd: {  	[smem:$0x3F7E] =	sst s5  }
0xe: {  	[smem:$0x3F7F] =	sst s6  }
0xf: {  	[smem:$0x3F80] =	sst s7  }
0x10: {  	[smem:$0x3F81] =	sst s8  }
0x11: {  	[smem:$0x3F82] =	sst s9;
	s0 =	simm.s32 @!p0 $0x0  }
0x12: {  	s1 =	sld [smem:$0x3F68];
	s0 =	simm.s32 @p0 $0x1  }
0x13: {  	[smem:$0x3F83] =	sst s0;
	s0 =	simm.s32 @!p1 $0x0  }
0x14: {  	s2 =	sld [smem:$0x3F67];
	s0 =	simm.s32 @p1 $0x1  }
0x15: {  	[smem:$0x3F84] =	sst s0;
	s0 =	simm.s32 @!p2 $0x0  }
0x16: {  	s3 =	sld [smem:$0x3FDB];
	s0 =	simm.s32 @p2 $0x1  }
0x17: {  	s4 =	simm.s32 $0x1BF5;
	[smem:$0x3F86] =	sst s0  }
0x18: {  	s0 =	sld [smem:$0x3F69];
	_ =	swait.ge [sflag:s4], $0x0  }
0x19: {  	s7 =	sld [smem:$0x3F6A]  }
0x1a: {  	s8 =	sadd.s32 $0xFFFFE003, lr  }
0x1b: {  	s9 =	sadd.s32 $0xFFFFFEF7, lr;
	s5 =	simm.s32 $0xFFFFFFFF;
	p2 =	slt.u32 s8, $0xFFFFF086  }
0x1c: {  	p1 =	slt.u32 s9, $0xF7A;
	s5 =	simm.s32 @!p2 $0x0  }
0x1d: {  	s5 =	simm.s32 @p1 $0x1;
	p0 =	seq.s32 s7, s2  }
0x1e: {  	s7 =	smul.u32 @!p0 $0xF7A, s2;
	p2 =	seq.s32 @!p0 s5, $0x0  }
0x1f: {  	s9 =	smul.u32 $0xF7A, s1;
	s8 =	simm.s32 @!p0 $0x1BF5;
	p2 =	por !p2, p0  }
0x20: {  	[sflag:s8] =	ssyncset.s32 @!p0 $0xFFFFF086;
	s6 =	sadd.s32 @!p0 s3, s7;
	s7 =	simm.s32 @!p0 $0x108  }
0x21: {  	s3 =	sadd.s32 s3, s9;
	s6 =	sadd.s32 @!p0 $0x88, s6;
	s7 =	simm.s32 @p2 $0x1082  }
0x22: {  	[simem:s7], [sflag:s8] =	dma.local @!p0 [hbm:s6], $0xF7A  }
0x23: {  	s9 =	sor.u32 $0xD0000000, s2;
	s6 =	simm.s32 $0x108;
	_ =	swait.ge @!p0 [sflag:s8], $0x0  }
0x24: {  	s3 =	sadd.s32 $0x88, s3;
	s6 =	simm.s32 @!p1 $0x1082;
	[sflag:s4] =	ssyncset.s32 $0xFFFFF086  }
0x25: {  	[simem:s6], [sflag:s4] =	dma.local [hbm:s3], $0xF7A  }
0x26: {  	[smem:$0x3F6A] =	sst s1;
	(tag) =	ssettag s2;
	_ =	strace s9  }
0x27: {  	s1 =	sld [smem:$0x3F7A]  }
0x28: {  	s2 =	sld [smem:$0x3F7B]  }
0x29: {  	s4 =	sld [smem:$0x3F7D]  }
0x2a: {  	p0 =	seq.s32 s5, $0x0;
	s5 =	sld [smem:$0x3F7E]  }
0x2b: {  	s6 =	sld [smem:$0x3F7F]  }
0x2c: {  	s7 =	sld [smem:$0x3F80]  }
0x2d: {  	s3 =	simm.s32 $0x108;
	s8 =	sld [smem:$0x3F81]  }
0x2e: {  	s3 =	simm.s32 @!p0 $0x1082;
	s9 =	sld [smem:$0x3F82]  }
0x2f: {  	lr =	sadd.s32 s0, s3;
	s0 =	sld [smem:$0x3F79]  }
0x30: {  	s3 =	sld [smem:$0x3F7C]  }
0x31: {  	[smem:$0x3F85] =	sst s10  }
0x32: {  	s10 =	sld [smem:$0x3F83];
	_ =	sdelay $0x3  }
0x33: {  	p0 =	seq.s32 s10, $0x1;
	s10 =	sld [smem:$0x3F85];
	_ =	sdelay $0x3  }
0x34: {  	[smem:$0x3F85] =	sst s10  }
0x35: {  	s10 =	sld [smem:$0x3F84];
	_ =	sdelay $0x3  }
0x36: {  	p1 =	seq.s32 s10, $0x1;
	s10 =	sld [smem:$0x3F85];
	_ =	sdelay $0x3  }
0x37: {  	[smem:$0x3F85] =	sst s10  }
0x38: {  	s10 =	sld [smem:$0x3F86]  }
0x39: {  	_ = 	snop;
	(pc) =	sbr.ind lr, $3  }
0x3a: {  	_ = 	snop  }
0x3b: {  	_ = 	snop  }
0x3c: {  	p2 =	seq.s32 s10, $0x1;
	s10 =	sld [smem:$0x3F85]  }
0x3d: {  	_ =	shalt  }
0x3e: {  	_ =	shalt  }
0x3f: {  	_ =	shalt  }
0x40: {  	_ =	shalt  }
0x41: {  	_ =	shalt  }
0x42: {  	_ =	shalt  }
0x43: {  	_ =	shalt  }
0x44: {  	_ =	shalt  }
0x45: {  	_ =	shalt  }
0x46: {  	_ =	shalt  }
0x47: {  	_ =	shalt  }
0x48: {  	_ =	shalt  }
0x49: {  	_ =	shalt  }
0x4a: {  	_ =	shalt  }
0x4b: {  	_ =	shalt  }
0x4c: {  	_ =	shalt  }
0x4d: {  	_ =	shalt  }
0x4e: {  	_ =	shalt  }
0x4f: {  	_ =	shalt  }
0x50: {  	_ =	shalt  }
0x51: {  	_ =	shalt  }
0x52: {  	_ =	shalt  }
0x53: {  	_ =	shalt  }
0x54: {  	_ =	shalt  }
0x55: {  	_ =	shalt  }
0x56: {  	_ =	shalt  }
0x57: {  	_ =	shalt  }
0x58: {  	_ =	shalt  }
0x59: {  	_ =	shalt  }
0x5a: {  	_ =	shalt  }
0x5b: {  	_ =	shalt  }
0x5c: {  	_ =	shalt  }
0x5d: {  	_ =	shalt  }
0x5e: {  	_ =	shalt  }
0x5f: {  	_ =	shalt  }
0x60: {  	_ =	shalt  }
0x61: {  	_ =	shalt  }
0x62: {  	_ =	shalt  }
0x63: {  	_ =	shalt  }
0x64: {  	_ =	shalt  }
0x65: {  	_ =	shalt  }
0x66: {  	_ =	shalt  }
0x67: {  	_ =	shalt  }
0x68: {  	_ =	shalt  }
0x69: {  	_ =	shalt  }
0x6a: {  	_ =	shalt  }
0x6b: {  	_ =	shalt  }
0x6c: {  	_ =	shalt  }
0x6d: {  	_ =	shalt  }
0x6e: {  	_ =	shalt  }
0x6f: {  	_ =	shalt  }
0x70: {  	_ =	shalt  }
0x71: {  	_ =	shalt  }
0x72: {  	_ =	shalt  }
0x73: {  	_ =	shalt  }
0x74: {  	_ =	shalt  }
0x75: {  	_ =	shalt  }
0x76: {  	_ =	shalt  }
0x77: {  	_ =	shalt  }
0x78: {  	_ =	shalt  }
0x79: {  	_ =	shalt  }
0x7a: {  	_ =	shalt  }
0x7b: {  	_ =	shalt  }
0x7c: {  	_ =	shalt  }
0x7d: {  	_ =	shalt  }
0x7e: {  	_ =	shalt  }
0x7f: {  	_ =	shalt  }
0x80: {  	_ =	shalt  }
0x81: {  	_ =	shalt  }
0x82: {  	_ =	shalt  }
0x83: {  	_ =	shalt  }
0x84: {  	_ =	shalt  }
0x85: {  	_ =	shalt  }
0x86: {  	_ =	shalt  }
0x87: {  	_ =	shalt  }
.Lfunc_end0:
.L_simem_size_0:
called_computation.4_lowered:
.L_overlay_start_0:
0x88: {  	s2 =	sld [smem:$0x3FD9]  }
0x89: {  	s3 =	sld [smem:$0x3FFE];
	_ =	sdelay $0x1  }
0x8a: {  	s1 =	srdreg.scid  }
0x8b: {  	s0 =	sand.u32 $0x1, s1  }
0x8c: {  	s16 =	sshll.u32 s0, $0xA;
	s2 =	sadd.s32 s3, s2  }
0x8d: {  	s2 =	sadd.s32 s2, s16  }
0x8e: {  	[smem:$0x3F91] =	sst s2  }
0x8f: {  	_ = 	snop  }
0x90: {  	(tm) =	ssettm $0x1  }
0x91: {  	s17 =	sld [smem:$0x3FFB];
	_ =	sdelay $0x3  }
0x92: {  	_ =	strace s17  }
0x93: {  	s2 =	sld [smem:$0x3FFC];
	_ =	sdelay $0x3  }
0x94: {  	_ =	strace s2  }
0x95: {  	s2 =	sld [smem:$0x3FFD];
	_ =	sdelay $0x3  }
0x96: {  	_ =	strace s2  }
0x97: {  	_ =	strace $0x8FFFFFFF  }
0x98: {  	s18 =	sld [smem:$0x3FDB];
	_ =	sdelay $0x1  }
0x99: {  	s19 =	simm.s32 $_scs_section_size  }
0x9a: {  	s4 =	simm.s32 $_size__tile_overlayer_lowered;
	s5 =	simm.s32 $_tile_overlayer_lowered  }
0x9b: {  	s22 =	simm.s32 $0x1BFF;
	s21 =	sshll.u32 s5, $0x1;
	s2 =	sadd.s32 s19, s18  }
0x9c: {  	s6 =	simm.s32 $0x0;
	s20 =	sshll.u32 s4, $0x1;
	s4 =	sadd.s32 s21, s2  }
0x9d: {  	[timem:s6], [sflag:s22] =	dma.local [hbm:s4], s20  }
0x9e: {  	_ =	swait.ge [sflag:s22], s20  }
0x9f: {  	s3 =	ssub.s32 $0x0, s20;
	[sflag:s22] =	ssyncset.done $0x0  }
0xa0: {  	[sflag:s22] =	ssyncadd.s32 s3;
	_ =	sdelay $0x1  }
0xa1: {  	s23 =	simm.s32 $0x1B8B  }
0xa2: {  	_ =	swait.ge [sflag:s23], $0x1  }
0xa3: {  	[sflag:s23] =	ssyncset.done $0x0  }
0xa4: {  	s25 =	simm.s32 $0x1B8E;
	s24 =	sld [smem:$0x3FFE];
	[sflag:s23] =	ssyncadd.s32 $0xFFFFFFFF  }
0xa5: {  	s26 =	simm.s32 $execute0_lowered;
	[smem:$0x3FD2] =	sst s25  }
0xa6: {  	s4 =	sshll.u32 s26, $0x1;
	_ =	strace $0x80000052;
	[dreg:$0x1] =	wrdreg $0xFFFFFFFF  }
0xa7: {  	s28 =	simm.s32 $_size_execute0_lowered;
	s2 =	sadd.s32 s2, s4;
	[dreg:$0x0] =	wrdreg $0x0  }
0xa8: {  	s4 =	sshll.u32 s28, $0x1;
	[dreg:$0x2] =	wrdreg s2  }
0xa9: {  	[dreg:$0x3] =	wrdreg s4  }
0xaa: {  	[dreg:$0x4] =	wrdreg $0xC0  }
0xab: {  	_ =	task [dreg:s6], $0x5FFFF  }
0xac: {  	[dreg:$0x1] =	wrdreg $0xFFFFFFFF  }
0xad: {  	[dreg:$0x0] =	wrdreg $0x60  }
0xae: {  	[dreg:$0x2] =	wrdreg s24  }
0xaf: {  	[dreg:$0x3] =	wrdreg $0x9  }
0xb0: {  	_ =	task.clear_ibuf [dreg:s6], $0x4FFFF;
	_ =	strace $0x90000052  }
0xb1: {  	s29 =	simm.s32 $0x9;
	_ =	strace $0x80000054  }
0xb2: {  	_ =	swait.ge [sflag:s29], $0x1  }
0xb3: {  	[sflag:s29] =	ssyncadd.s32 $0xFFFFFFFF  }
0xb4: {  	_ =	strace $0x90000054  }
0xb5: {  	_ =	sfence  }
0xb6: {  	s30 =	sld [smem:$0x0];
	_ =	sdelay $0x2  }
0xb7: {  	s31 =	sshll.u32 s1, $0xD;
	s1 =	sshrl.u32 s1, $0x2  }
0xb8: {  	s3 =	sand.u32 $0x4000, s31;
	s1 =	sadd.s32 s1, s30  }
0xb9: {  	s0 =	sor.u32 s3, s0;
	s1 =	sshll.u32 s1, $0x11  }
0xba: {  	s0 =	sor.u32 s1, s0  }
0xbb: {  	s0 =	sadd.s32 $0x8F2B, s0  }
0xbc: {  	[sflag:s0] =	ssyncadd.remote.s32 $0x1  }
0xbd: {  	_ =	sfence.sel $0xFFFF  }
0xbe: {  	[dreg:$0x0] =	wrdreg $0xFFFFFFFF;
	(pc) =	sbr.abs _section_cstart, $3  }
0xbf: {  	[dreg:$0x1] =	wrdreg $0xFFFFFFFF  }
0xc0: {  	_ =	task.clear_ibuf [dreg:s6], $0x2FFFF;
	_ =	strace $0x9FFFFFFF  }
0xc1: {  	(tm) =	ssettm $0x7FFFFFFF  }
tec
execute0_lowered:
.L_overlay_start_1:
0x0: {  	(tag) =	ssettag $0x1  }
0x1: {  	s0 =	rddreg [dreg:$0x0];
	s2 =	simm.s32 $0x0;
	s3 =	srdreg.scid  }
0x2: {  	s1 =	stileid.u32;
	s13 =	simm.s32 $0x3;
	s14 =	simm.s32 $0x80  }
0x3: {  	s15 =	simm.s32 $0x200;
	s16 =	simm.s32 $0x4200;
	s17 =	simm.s32 $0x100  }
0x4: {  	s18 =	simm.s32 $0x180;
	s19 =	simm.s32 $0x8200;
	s20 =	simm.s32 $0xC200  }
0x5: {  	s21 =	simm.s32 $0x1;
	s22 =	simm.s32 $0x10200;
	s23 =	simm.s32 $0x2  }
0x6: {  	s24 =	simm.s32 $0x14200;
	s25 =	simm.s32 $0x0;
	[smem:$0x7FF] =	sst s2  }
0x7: {  	s4 =	sand.u32 $0x1, s3;
	s29 =	sshll.u32 s1, $0x1;
	s3 =	sadd.s32 $0x41000, s0  }
0x8: {  	s5 =	sadd.s32 $0x3C000, s0;
	s6 =	sadd.s32 $0xAE00, s0;
	s10 =	sor.u32 s4, s29  }
0x9: {  	s7 =	sadd.s32 $0x8F400, s0;
	s8 =	ssub.s32 $0x2, s4;
	s4 =	smul.u32 $0x1400, s10  }
0xa: {  	_ =	strace $0x80000053;
	s9 =	sshrl.u32 s8, $0x1;
	s10 =	smul.u32 $0xA0000, s10  }
0xb: {  	s30 =	ssub.s32 s8, s9;
	s31 =	sshrl.u32 s4, $0x3;
	s11 =	sor.u32 $0x100, s4  }
0xc: {  	s12 =	smax.u32 s30, $0x1;
	s8 =	sadd.s32 s5, s31;
	s9 =	sadd.s32 s6, s31  }
.LBB2_1:
0xd: {  	[tilespmem:s2], [sflag:$0x3] =	stream.linear.gather [hbm4b:s8+s2], $0x80, $0x38;
	[tilespmem:$0x18200] =	vst v63  }
0xe: {  	_ =	swait.ge [sflag:s13], $0x80  }
0xf: {  	[sflag:s13] =	ssyncset.done $0x0  }
0x10: {  	[sflag:s13] =	ssyncadd.s32 $0xFFFFFF80  }
0x11: {  	[tilespmem:s14], [sflag:$0x3] =	stream.linear.gather [hbm4b:s9+s2], $0x80, $0x38;
	[tilespmem:$0x18200] =	vst v63  }
0x12: {  	_ =	swait.ge [sflag:s13], $0x80  }
0x13: {  	[sflag:s13] =	ssyncset.done $0x0  }
0x14: {  	[sflag:s13] =	ssyncadd.s32 $0xFFFFFF80  }
0x15: {  	[tilespmem:s15], [sflag:$0x1] =	stream.indirect.gather [hbm4b:s3+s14], $0x80, s2, s14, $0xb8;
	[tilespmem:$0x18200] =	vst v63  }
0x16: {  	s26 =	simm.s32 $0x0  }
0x17: {  	[tilespmem:s16], [sflag:$0x1] =	stream.indirect.gather [hbm4b:s3+s14], $0x80, s14, s14, $0xb8;
	[tilespmem:$0x18200] =	vst v63  }
.LBB2_2:
0x18: {  	s29 =	sshll.u32 s26, $0x8  }
0x19: {  	s0 =	sadd.s32 s29, s4  }
0x1a: {  	s28 =	sadd.s32 $0x80, s0  }
0x1b: {  	s0 =	sshrl.u32 s28, $0x3  }
0x1c: {  	s31 =	simm.s32 $0x0;
	s30 =	sadd.s32 s5, s0  }
0x1d: {  	[tilespmem:s17], [sflag:$0x3] =	stream.linear.gather [hbm4b:s30+s31], $0x80, $0x38;
	[tilespmem:$0x18200] =	vst v63  }
0x1e: {  	_ =	swait.ge [sflag:s13], $0x80  }
0x1f: {  	[sflag:s13] =	ssyncset.done $0x0  }
0x20: {  	s0 =	sadd.s32 s6, s0;
	[sflag:s13] =	ssyncadd.s32 $0xFFFFFF80  }
0x21: {  	[tilespmem:s18], [sflag:$0x3] =	stream.linear.gather [hbm4b:s0+s31], $0x80, $0x38;
	[tilespmem:$0x18200] =	vst v63  }
0x22: {  	_ =	swait.ge [sflag:s13], $0x80  }
0x23: {  	[sflag:s13] =	ssyncset.done $0x0  }
0x24: {  	[sflag:s13] =	ssyncadd.s32 $0xFFFFFF80  }
0x25: {  	[tilespmem:s19], [sflag:$0x2] =	stream.indirect.gather [hbm4b:s3+s14], $0x80, s17, s14, $0xb8;
	[tilespmem:$0x18200] =	vst v63  }
0x26: {  	_ = 	snop  }
0x27: {  	[tilespmem:s20], [sflag:$0x2] =	stream.indirect.gather [hbm4b:s3+s14], $0x80, s18, s14, $0xb8;
	[tilespmem:$0x18200] =	vst v63  }
0x28: {  	_ =	swait.ge [sflag:s21], $0x4000  }
0x29: {  	[sflag:s21] =	ssyncset.done $0x0  }
0x2a: {  	[sflag:s21] =	ssyncadd.s32 $0xFFFFC000  }
0x2b: {  	_ =	swait.ge [sflag:s21], $0x4000  }
0x2c: {  	[sflag:s21] =	ssyncset.done $0x0  }
0x2d: {  	s31 =	simm.s32 $0x0;
	[sflag:s21] =	ssyncadd.s32 $0xFFFFC000  }
0x2e: {  	v2 =	vld [tilespmem:s31+$0x230]  }
0x2f: {  	v4 =	vld [tilespmem:s31+$0x4270]  }
0x30: {  	v5 =	vld [tilespmem:s31+$0x200]  }
0x31: {  	v6 =	vld [tilespmem:s31+$0x4240]  }
0x32: {  	v1 =	vld [tilespmem:s31+$0x210]  }
0x33: {  	v3 =	vld [tilespmem:s31+$0x4250]  }
0x34: {  	v0 =	vld [tilespmem:s31+$0x220];
	v7 =	vadd.f32 v4, v2  }
0x35: {  	s30 =	simm.s32 $0x80;
	v4 =	vld [tilespmem:s31+$0x4260]  }
0x36: {  	s0 =	simm.s32 $0x400;
	v2 =	vld [tilespmem:s30+$0x230];
	v5 =	vadd.f32 v6, v5;
	[tilespmem:s31+$0x10230] =	vst v7  }
.LBB2_3:
0x37: {  	p0 =	sne.s32 s0, $0xFE00;
	v6 =	vld [tilespmem:s30+$0x4270]  }
0x38: {  	v7 =	vld [tilespmem:s30+$0x200];
	[tilespmem:s31+$0x10200] =	vst v5;
	v3 =	vadd.f32 v3, v1  }
0x39: {  	v5 =	vld [tilespmem:s30+$0x4240]  }
.Ltmp0:
0x3a: {  	v1 =	vld [tilespmem:s30+$0x210];
	[tilespmem:s31+$0x10210] =	vst v3;
	v4 =	vadd.f32 v4, v0;
	(pc) =	sbr.rel @p0 .LBB2_3-.Ltmp0, $4  }
0x3b: {  	v3 =	vld [tilespmem:s30+$0x4250]  }
0x3c: {  	v0 =	vld [tilespmem:s30+$0x220];
	v6 =	vadd.f32 v6, v2;
	[tilespmem:s31+$0x10220] =	vst v4;
	s31 =	smov.u32 s30  }
0x3d: {  	s30 =	sshra.s32 s0, $0x2;
	v4 =	vld [tilespmem:s31+$0x4260]  }
0x3e: {  	s0 =	sadd.s32 $0x200, s0;
	v2 =	vld [tilespmem:s30+$0x230];
	v5 =	vadd.f32 v5, v7;
	[tilespmem:s31+$0x10230] =	vst v6  }
0x3f: {  	v6 =	vld [tilespmem:s30+$0x4270]  }
0x40: {  	v7 =	vld [tilespmem:s30+$0x200];
	[tilespmem:s31+$0x10200] =	vst v5;
	v1 =	vadd.f32 v3, v1  }
0x41: {  	v3 =	vld [tilespmem:s30+$0x4240]  }
0x42: {  	v5 =	vld [tilespmem:s30+$0x210];
	[tilespmem:s31+$0x10210] =	vst v1;
	v0 =	vadd.f32 v4, v0  }
0x43: {  	v1 =	vld [tilespmem:s30+$0x4250]  }
0x44: {  	v4 =	vld [tilespmem:s30+$0x220];
	[tilespmem:s31+$0x10220] =	vst v0  }
0x45: {  	v0 =	vld [tilespmem:s30+$0x4260];
	_ =	sdelay $0x1  }
0x46: {  	v2 =	vadd.f32 v6, v2  }
0x47: {  	v3 =	vadd.f32 v3, v7  }
0x48: {  	s0 =	sshll.u32 s26, $0xF;
	[tilespmem:s30+$0x10230] =	vst v2;
	v1 =	vadd.f32 v1, v5  }
0x49: {  	s0 =	sadd.s32 s10, s0;
	[tilespmem:s30+$0x10200] =	vst v3;
	v0 =	vadd.f32 v0, v4  }
0x4a: {  	s0 =	sshrl.u32 s0, $0x3;
	[tilespmem:s30+$0x10210] =	vst v1  }
0x4b: {  	p0 =	seq.s32 s26, $0x13;
	s0 =	sadd.s32 s7, s0;
	[tilespmem:s30+$0x10220] =	vst v0  }
0x4c: {  	[hbm4b:s0+s2] =	stream.linear.scatter [tilespmem:s22], [sflag:$0x3], $0x4000, $0x38;
	[tilespmem:$0x18200] =	vst v63  }
0x4d: {  	s0 =	sadd.s32 @!p0 s29, s11;
	_ =	swait.ge [sflag:s13], $0x4000  }
0x4e: {  	s0 =	sshrl.u32 @!p0 s0, $0x3;
	[sflag:s13] =	ssyncset.done $0x0  }
0x4f: {  	s30 =	simm.s32 @!p0 $0x0;
	s29 =	sadd.s32 @!p0 s5, s0;
	[sflag:s13] =	ssyncadd.s32 $0xFFFFC000  }
0x50: {  	[tilespmem:s30], [sflag:$0x3] =	stream.linear.gather @!p0 [hbm4b:s29+s30], $0x80, $0x38;
	[tilespmem:$0x18200] =	vst v63  }
0x51: {  	s29 =	simm.s32 @!p0 $0x3  }
0x52: {  	_ =	swait.ge @!p0 [sflag:s29], $0x80  }
0x53: {  	[sflag:s29] =	ssyncset.done @!p0 $0x0  }
0x54: {  	s31 =	simm.s32 @!p0 $0x80;
	s0 =	sadd.s32 @!p0 s6, s0;
	[sflag:s29] =	ssyncadd.s32 @!p0 $0xFFFFFF80  }
0x55: {  	[tilespmem:s31], [sflag:$0x3] =	stream.linear.gather @!p0 [hbm4b:s0+s30], $0x80, $0x38;
	[tilespmem:$0x18200] =	vst v63  }
0x56: {  	_ =	swait.ge @!p0 [sflag:s29], $0x80  }
0x57: {  	[sflag:s29] =	ssyncset.done @!p0 $0x0  }
0x58: {  	s0 =	simm.s32 @!p0 $0x200;
	[sflag:s29] =	ssyncadd.s32 @!p0 $0xFFFFFF80  }
0x59: {  	[tilespmem:s0], [sflag:$0x1] =	stream.indirect.gather @!p0 [hbm4b:s3+s31], $0x80, s30, s31, $0xb8;
	[tilespmem:$0x18200] =	vst v63  }
0x5a: {  	s0 =	simm.s32 @!p0 $0x4200  }
0x5b: {  	[tilespmem:s0], [sflag:$0x1] =	stream.indirect.gather @!p0 [hbm4b:s3+s31], $0x80, s31, s31, $0xb8;
	[tilespmem:$0x18200] =	vst v63  }
0x5c: {  	_ =	swait.ge [sflag:s23], $0x4000  }
0x5d: {  	[sflag:s23] =	ssyncset.done $0x0  }
0x5e: {  	[sflag:s23] =	ssyncadd.s32 $0xFFFFC000  }
0x5f: {  	_ =	swait.ge [sflag:s23], $0x4000  }
0x60: {  	[sflag:s23] =	ssyncset.done $0x0  }
0x61: {  	s29 =	simm.s32 $0x0;
	[sflag:s23] =	ssyncadd.s32 $0xFFFFC000  }
0x62: {  	v2 =	vld [tilespmem:s29+$0x8230]  }
0x63: {  	v4 =	vld [tilespmem:s29+$0xC270]  }
0x64: {  	v5 =	vld [tilespmem:s29+$0x8200]  }
0x65: {  	v6 =	vld [tilespmem:s29+$0xC240]  }
0x66: {  	v1 =	vld [tilespmem:s29+$0x8210]  }
0x67: {  	v3 =	vld [tilespmem:s29+$0xC250]  }
0x68: {  	v0 =	vld [tilespmem:s29+$0x8220];
	v7 =	vadd.f32 v4, v2  }
0x69: {  	s30 =	simm.s32 $0x80;
	v4 =	vld [tilespmem:s29+$0xC260]  }
0x6a: {  	s0 =	simm.s32 $0x400;
	v2 =	vld [tilespmem:s30+$0x8230];
	v5 =	vadd.f32 v6, v5;
	[tilespmem:s29+$0x14230] =	vst v7  }
.LBB2_5:
0x6b: {  	p0 =	sne.s32 s0, $0xFE00;
	v6 =	vld [tilespmem:s30+$0xC270]  }
0x6c: {  	v7 =	vld [tilespmem:s30+$0x8200];
	[tilespmem:s29+$0x14200] =	vst v5;
	v3 =	vadd.f32 v3, v1  }
0x6d: {  	v5 =	vld [tilespmem:s30+$0xC240]  }
.Ltmp1:
0x6e: {  	v1 =	vld [tilespmem:s30+$0x8210];
	[tilespmem:s29+$0x14210] =	vst v3;
	v4 =	vadd.f32 v4, v0;
	(pc) =	sbr.rel @p0 .LBB2_5-.Ltmp1, $4  }
0x6f: {  	v3 =	vld [tilespmem:s30+$0xC250]  }
0x70: {  	v0 =	vld [tilespmem:s30+$0x8220];
	v6 =	vadd.f32 v6, v2;
	[tilespmem:s29+$0x14220] =	vst v4;
	s29 =	smov.u32 s30  }
0x71: {  	s30 =	sshra.s32 s0, $0x2;
	v4 =	vld [tilespmem:s29+$0xC260]  }
0x72: {  	s0 =	sadd.s32 $0x200, s0;
	v2 =	vld [tilespmem:s30+$0x8230];
	v5 =	vadd.f32 v5, v7;
	[tilespmem:s29+$0x14230] =	vst v6  }
0x73: {  	v6 =	vld [tilespmem:s30+$0xC270]  }
0x74: {  	v7 =	vld [tilespmem:s30+$0x8200];
	[tilespmem:s29+$0x14200] =	vst v5;
	v1 =	vadd.f32 v3, v1  }
0x75: {  	v62 =	vld [tilespmem:s30+$0xC240]  }
0x76: {  	v5 =	vld [tilespmem:s30+$0x8210];
	[tilespmem:s29+$0x14210] =	vst v1;
	v0 =	vadd.f32 v4, v0  }
0x77: {  	v1 =	vld [tilespmem:s30+$0xC250]  }
0x78: {  	v63 =	vld [tilespmem:s30+$0x8220];
	[tilespmem:s29+$0x14220] =	vst v0  }
0x79: {  	v0 =	vld [tilespmem:s30+$0xC260];
	_ =	sdelay $0x1  }
0x7a: {  	v2 =	vadd.f32 v6, v2  }
0x7b: {  	v3 =	vadd.f32 v62, v7  }
0x7c: {  	[tilespmem:s30+$0x14230] =	vst v2;
	v1 =	vadd.f32 v1, v5  }
0x7d: {  	s26 =	sadd.s32 $0x1, s26;
	[tilespmem:s30+$0x14200] =	vst v3;
	v0 =	vadd.f32 v0, v63  }
0x7e: {  	s0 =	sshll.u32 s28, $0x4;
	p0 =	sne.s32 s26, $0x14;
	[tilespmem:s30+$0x14210] =	vst v1  }
.Ltmp2:
0x7f: {  	s0 =	sadd.s32 s7, s0;
	[tilespmem:s30+$0x14220] =	vst v0;
	(pc) =	sbr.rel @p0 .LBB2_2-.Ltmp2, $4  }
0x80: {  	[hbm4b:s0+s2] =	stream.linear.scatter [tilespmem:s24], [sflag:$0x3], $0x4000, $0x38;
	[tilespmem:$0x18200] =	vst v63  }
0x81: {  	_ =	swait.ge [sflag:s13], $0x4000  }
0x82: {  	[sflag:s13] =	ssyncset.done $0x0  }
0x83: {  	[sflag:s13] =	ssyncadd.s32 $0xFFFFC000  }
0x84: {  	s25 =	sadd.s32 $0x1, s25  }
0x85: {  	p0 =	sne.s32 s25, s12  }
.Ltmp3:
0x86: {  	_ = 	snop;
	(pc) =	sbr.rel @p0 .LBB2_1-.Ltmp3, $1  }
0x87: {  	_ =	sdelay $0x3  }
0x88: {  	_ =	sfence.sel $0x180000  }
0x89: {  	[bflag:$0x0] =	sbarrier.arrive $0xFFFF  }
0x8a: {  	_ =	strace $0x90000053  }
0x8b: {  	[bflag:$0x2] =	sbarrier.arrive $0xFFFF  }
0x8c: {  	p0 =	sne.s32 s1, $0x0;
	s0 =	rddreg [dreg:$0x1]  }
0x8d: {  	s0 =	sadd.s32 @!p0 $0x100000, s0  }
0x8e: {  	[sflag:s0] =	ssyncadd.tile.s32 @!p0 $0x1;
	_ =	shalt  }
.Lfunc_end2:
_tile_overlayer_lowered:
.L_overlay_start_2:
0x8f: {  	(tag) =	ssettag $0x2  }
0x90: {  	s0 =	rddreg [dreg:$0x0];
	s2 =	stileid.u32  }
0x91: {  	s1 =	rddreg [dreg:$0x1];
	p0 =	sne.s32 s2, $0x0  }
0x92: {  	s3 =	rddreg [dreg:$0x2];
	[bflag:$0x3] =	sbarrier.arrive $0xFFFF;
	s2 =	simm.s32 @!p0 $0x1C03  }
0x93: {  	[timem:s3], [sflag:s2] =	dma.local @!p0 [hbm:s0], s1  }
0x94: {  	s0 =	simm.s32 @!p0 $0x3  }
0x95: {  	_ =	swait.ge @!p0 [sflag:s0], s1  }
0x96: {  	s1 =	ssub.s32 @!p0 $0x0, s1;
	[sflag:s0] =	ssyncset.done @!p0 $0x0  }
0x97: {  	[sflag:s0] =	ssyncadd.s32 @!p0 s1  }
0x98: {  	[bflag:$0x3] =	sbarrier.arrive $0xFFFF  }
0x99: {  	_ =	shalt  }

// kernel: kernel.31.cloned.1.call-start
scs
__scs_entry_jumppad:
0x0: {  	(pc) =	sbr.rel $0x88, $3  }
0x1: {  	(tag) =	ssettag $0x0;
	lr =	simm.s32 $0x1  }
0x2: {  	[smem:$0x3F6A] =	sst lr;
	_ =	strace $0xD0000000  }
0x3: {  	_ = 	snop  }
0x4: {  	_ = 	snop  }
0x5: {  	_ = 	snop  }
0x6: {  	_ = 	snop  }
0x7: {  	_ = 	snop  }
__scs_overlays_trampoline_lowered:
0x8: {  	[smem:$0x3F79] =	sst s0  }
0x9: {  	[smem:$0x3F7A] =	sst s1  }
0xa: {  	[smem:$0x3F7B] =	sst s2  }
0xb: {  	[smem:$0x3F7C] =	sst s3  }
0xc: {  	[smem:$0x3F7D] =	sst s4  }
0xd: {  	[smem:$0x3F7E] =	sst s5  }
0xe: {  	[smem:$0x3F7F] =	sst s6  }
0xf: {  	[smem:$0x3F80] =	sst s7  }
0x10: {  	[smem:$0x3F81] =	sst s8  }
0x11: {  	[smem:$0x3F82] =	sst s9;
	s0 =	simm.s32 @!p0 $0x0  }
0x12: {  	s1 =	sld [smem:$0x3F68];
	s0 =	simm.s32 @p0 $0x1  }
0x13: {  	[smem:$0x3F83] =	sst s0;
	s0 =	simm.s32 @!p1 $0x0  }
0x14: {  	s2 =	sld [smem:$0x3F67];
	s0 =	simm.s32 @p1 $0x1  }
0x15: {  	[smem:$0x3F84] =	sst s0;
	s0 =	simm.s32 @!p2 $0x0  }
0x16: {  	s3 =	sld [smem:$0x3FDB];
	s0 =	simm.s32 @p2 $0x1  }
0x17: {  	s4 =	simm.s32 $0x1BF5;
	[smem:$0x3F86] =	sst s0  }
0x18: {  	s0 =	sld [smem:$0x3F69];
	_ =	swait.ge [sflag:s4], $0x0  }
0x19: {  	s7 =	sld [smem:$0x3F6A]  }
0x1a: {  	s8 =	sadd.s32 $0xFFFFE003, lr  }
0x1b: {  	s9 =	sadd.s32 $0xFFFFFEF7, lr;
	s5 =	simm.s32 $0xFFFFFFFF;
	p2 =	slt.u32 s8, $0xFFFFF086  }
0x1c: {  	p1 =	slt.u32 s9, $0xF7A;
	s5 =	simm.s32 @!p2 $0x0  }
0x1d: {  	s5 =	simm.s32 @p1 $0x1;
	p0 =	seq.s32 s7, s2  }
0x1e: {  	s7 =	smul.u32 @!p0 $0xF7A, s2;
	p2 =	seq.s32 @!p0 s5, $0x0  }
0x1f: {  	s9 =	smul.u32 $0xF7A, s1;
	s8 =	simm.s32 @!p0 $0x1BF5;
	p2 =	por !p2, p0  }
0x20: {  	[sflag:s8] =	ssyncset.s32 @!p0 $0xFFFFF086;
	s6 =	sadd.s32 @!p0 s3, s7;
	s7 =	simm.s32 @!p0 $0x108  }
0x21: {  	s3 =	sadd.s32 s3, s9;
	s6 =	sadd.s32 @!p0 $0x88, s6;
	s7 =	simm.s32 @p2 $0x1082  }
0x22: {  	[simem:s7], [sflag:s8] =	dma.local @!p0 [hbm:s6], $0xF7A  }
0x23: {  	s9 =	sor.u32 $0xD0000000, s2;
	s6 =	simm.s32 $0x108;
	_ =	swait.ge @!p0 [sflag:s8], $0x0  }
0x24: {  	s3 =	sadd.s32 $0x88, s3;
	s6 =	simm.s32 @!p1 $0x1082;
	[sflag:s4] =	ssyncset.s32 $0xFFFFF086  }
0x25: {  	[simem:s6], [sflag:s4] =	dma.local [hbm:s3], $0xF7A  }
0x26: {  	[smem:$0x3F6A] =	sst s1;
	(tag) =	ssettag s2;
	_ =	strace s9  }
0x27: {  	s1 =	sld [smem:$0x3F7A]  }
0x28: {  	s2 =	sld [smem:$0x3F7B]  }
0x29: {  	s4 =	sld [smem:$0x3F7D]  }
0x2a: {  	p0 =	seq.s32 s5, $0x0;
	s5 =	sld [smem:$0x3F7E]  }
0x2b: {  	s6 =	sld [smem:$0x3F7F]  }
0x2c: {  	s7 =	sld [smem:$0x3F80]  }
0x2d: {  	s3 =	simm.s32 $0x108;
	s8 =	sld [smem:$0x3F81]  }
0x2e: {  	s3 =	simm.s32 @!p0 $0x1082;
	s9 =	sld [smem:$0x3F82]  }
0x2f: {  	lr =	sadd.s32 s0, s3;
	s0 =	sld [smem:$0x3F79]  }
0x30: {  	s3 =	sld [smem:$0x3F7C]  }
0x31: {  	[smem:$0x3F85] =	sst s10  }
0x32: {  	s10 =	sld [smem:$0x3F83];
	_ =	sdelay $0x3  }
0x33: {  	p0 =	seq.s32 s10, $0x1;
	s10 =	sld [smem:$0x3F85];
	_ =	sdelay $0x3  }
0x34: {  	[smem:$0x3F85] =	sst s10  }
0x35: {  	s10 =	sld [smem:$0x3F84];
	_ =	sdelay $0x3  }
0x36: {  	p1 =	seq.s32 s10, $0x1;
	s10 =	sld [smem:$0x3F85];
	_ =	sdelay $0x3  }
0x37: {  	[smem:$0x3F85] =	sst s10  }
0x38: {  	s10 =	sld [smem:$0x3F86]  }
0x39: {  	_ = 	snop;
	(pc) =	sbr.ind lr, $3  }
0x3a: {  	_ = 	snop  }
0x3b: {  	_ = 	snop  }
0x3c: {  	p2 =	seq.s32 s10, $0x1;
	s10 =	sld [smem:$0x3F85]  }
0x3d: {  	_ =	shalt  }
0x3e: {  	_ =	shalt  }
0x3f: {  	_ =	shalt  }
0x40: {  	_ =	shalt  }
0x41: {  	_ =	shalt  }
0x42: {  	_ =	shalt  }
0x43: {  	_ =	shalt  }
0x44: {  	_ =	shalt  }
0x45: {  	_ =	shalt  }
0x46: {  	_ =	shalt  }
0x47: {  	_ =	shalt  }
0x48: {  	_ =	shalt  }
0x49: {  	_ =	shalt  }
0x4a: {  	_ =	shalt  }
0x4b: {  	_ =	shalt  }
0x4c: {  	_ =	shalt  }
0x4d: {  	_ =	shalt  }
0x4e: {  	_ =	shalt  }
0x4f: {  	_ =	shalt  }
0x50: {  	_ =	shalt  }
0x51: {  	_ =	shalt  }
0x52: {  	_ =	shalt  }
0x53: {  	_ =	shalt  }
0x54: {  	_ =	shalt  }
0x55: {  	_ =	shalt  }
0x56: {  	_ =	shalt  }
0x57: {  	_ =	shalt  }
0x58: {  	_ =	shalt  }
0x59: {  	_ =	shalt  }
0x5a: {  	_ =	shalt  }
0x5b: {  	_ =	shalt  }
0x5c: {  	_ =	shalt  }
0x5d: {  	_ =	shalt  }
0x5e: {  	_ =	shalt  }
0x5f: {  	_ =	shalt  }
0x60: {  	_ =	shalt  }
0x61: {  	_ =	shalt  }
0x62: {  	_ =	shalt  }
0x63: {  	_ =	shalt  }
0x64: {  	_ =	shalt  }
0x65: {  	_ =	shalt  }
0x66: {  	_ =	shalt  }
0x67: {  	_ =	shalt  }
0x68: {  	_ =	shalt  }
0x69: {  	_ =	shalt  }
0x6a: {  	_ =	shalt  }
0x6b: {  	_ =	shalt  }
0x6c: {  	_ =	shalt  }
0x6d: {  	_ =	shalt  }
0x6e: {  	_ =	shalt  }
0x6f: {  	_ =	shalt  }
0x70: {  	_ =	shalt  }
0x71: {  	_ =	shalt  }
0x72: {  	_ =	shalt  }
0x73: {  	_ =	shalt  }
0x74: {  	_ =	shalt  }
0x75: {  	_ =	shalt  }
0x76: {  	_ =	shalt  }
0x77: {  	_ =	shalt  }
0x78: {  	_ =	shalt  }
0x79: {  	_ =	shalt  }
0x7a: {  	_ =	shalt  }
0x7b: {  	_ =	shalt  }
0x7c: {  	_ =	shalt  }
0x7d: {  	_ =	shalt  }
0x7e: {  	_ =	shalt  }
0x7f: {  	_ =	shalt  }
0x80: {  	_ =	shalt  }
0x81: {  	_ =	shalt  }
0x82: {  	_ =	shalt  }
0x83: {  	_ =	shalt  }
0x84: {  	_ =	shalt  }
0x85: {  	_ =	shalt  }
0x86: {  	_ =	shalt  }
0x87: {  	_ =	shalt  }
.Lfunc_end0:
.L_simem_size_0:
called_computation.5_lowered:
.L_overlay_start_0:
0x88: {  	s2 =	sld [smem:$0x3FD9]  }
0x89: {  	s3 =	sld [smem:$0x3FFE];
	_ =	sdelay $0x1  }
0x8a: {  	s1 =	srdreg.scid  }
0x8b: {  	s0 =	sand.u32 $0x1, s1  }
0x8c: {  	s16 =	sshll.u32 s0, $0xA;
	s2 =	sadd.s32 s3, s2  }
0x8d: {  	s2 =	sadd.s32 s2, s16  }
0x8e: {  	[smem:$0x3F91] =	sst s2  }
0x8f: {  	_ = 	snop  }
0x90: {  	(tm) =	ssettm $0x1  }
0x91: {  	s17 =	sld [smem:$0x3FFB];
	_ =	sdelay $0x3  }
0x92: {  	_ =	strace s17  }
0x93: {  	s2 =	sld [smem:$0x3FFC];
	_ =	sdelay $0x3  }
0x94: {  	_ =	strace s2  }
0x95: {  	s2 =	sld [smem:$0x3FFD];
	_ =	sdelay $0x3  }
0x96: {  	_ =	strace s2  }
0x97: {  	_ =	strace $0x8FFFFFFF  }
0x98: {  	s18 =	sld [smem:$0x3FDB];
	_ =	sdelay $0x1  }
0x99: {  	s19 =	simm.s32 $_scs_section_size  }
0x9a: {  	s4 =	simm.s32 $_size__tile_overlayer_lowered;
	s5 =	simm.s32 $_tile_overlayer_lowered  }
0x9b: {  	s22 =	simm.s32 $0x1BFF;
	s21 =	sshll.u32 s5, $0x1;
	s2 =	sadd.s32 s19, s18  }
0x9c: {  	s6 =	simm.s32 $0x0;
	s20 =	sshll.u32 s4, $0x1;
	s4 =	sadd.s32 s21, s2  }
0x9d: {  	[timem:s6], [sflag:s22] =	dma.local [hbm:s4], s20  }
0x9e: {  	_ =	swait.ge [sflag:s22], s20  }
0x9f: {  	s3 =	ssub.s32 $0x0, s20;
	[sflag:s22] =	ssyncset.done $0x0  }
0xa0: {  	[sflag:s22] =	ssyncadd.s32 s3;
	_ =	sdelay $0x1  }
0xa1: {  	s23 =	simm.s32 $0x1B8B  }
0xa2: {  	_ =	swait.ge [sflag:s23], $0x1  }
0xa3: {  	[sflag:s23] =	ssyncset.done $0x0  }
0xa4: {  	s25 =	simm.s32 $0x1B8E;
	s24 =	sld [smem:$0x3FFE];
	[sflag:s23] =	ssyncadd.s32 $0xFFFFFFFF  }
0xa5: {  	s26 =	simm.s32 $execute0_lowered;
	[smem:$0x3FD2] =	sst s25  }
0xa6: {  	s4 =	sshll.u32 s26, $0x1;
	_ =	strace $0x80000055;
	[dreg:$0x1] =	wrdreg $0xFFFFFFFF  }
0xa7: {  	s28 =	simm.s32 $_size_execute0_lowered;
	s2 =	sadd.s32 s2, s4;
	[dreg:$0x0] =	wrdreg $0x0  }
0xa8: {  	s4 =	sshll.u32 s28, $0x1;
	[dreg:$0x2] =	wrdreg s2  }
0xa9: {  	[dreg:$0x3] =	wrdreg s4  }
0xaa: {  	[dreg:$0x4] =	wrdreg $0xC0  }
0xab: {  	_ =	task [dreg:s6], $0x5FFFF  }
0xac: {  	[dreg:$0x1] =	wrdreg $0xFFFFFFFF  }
0xad: {  	[dreg:$0x0] =	wrdreg $0x60  }
0xae: {  	[dreg:$0x2] =	wrdreg s24  }
0xaf: {  	[dreg:$0x3] =	wrdreg $0x40800  }
0xb0: {  	[dreg:$0x4] =	wrdreg $0x9  }
0xb1: {  	_ =	task.clear_ibuf [dreg:s6], $0x5FFFF;
	_ =	strace $0x90000055  }
0xb2: {  	s29 =	simm.s32 $0x9;
	_ =	strace $0x80000057  }
0xb3: {  	_ =	swait.ge [sflag:s29], $0x1  }
0xb4: {  	[sflag:s29] =	ssyncadd.s32 $0xFFFFFFFF  }
0xb5: {  	_ =	strace $0x90000057  }
0xb6: {  	_ =	sfence  }
0xb7: {  	s30 =	sld [smem:$0x0];
	_ =	sdelay $0x2  }
0xb8: {  	s31 =	sshll.u32 s1, $0xD;
	s1 =	sshrl.u32 s1, $0x2  }
0xb9: {  	s3 =	sand.u32 $0x4000, s31;
	s1 =	sadd.s32 s1, s30  }
0xba: {  	s0 =	sor.u32 s3, s0;
	s1 =	sshll.u32 s1, $0x11  }
0xbb: {  	s0 =	sor.u32 s1, s0  }
0xbc: {  	s0 =	sadd.s32 $0x8F2B, s0  }
0xbd: {  	[sflag:s0] =	ssyncadd.remote.s32 $0x1  }
0xbe: {  	_ =	sfence.sel $0xFFFF  }
0xbf: {  	[dreg:$0x0] =	wrdreg $0xFFFFFFFF;
	(pc) =	sbr.abs _section_cstart, $3  }
0xc0: {  	[dreg:$0x1] =	wrdreg $0xFFFFFFFF  }
0xc1: {  	_ =	task.clear_ibuf [dreg:s6], $0x2FFFF;
	_ =	strace $0x9FFFFFFF  }
0xc2: {  	(tm) =	ssettm $0x7FFFFFFF  }
0xc3: {  	_ =	shalt  }
tec
execute0_lowered:
.L_overlay_start_1:
0x0: {  	(tag) =	ssettag $0x1  }
0x1: {  	s1 =	srdreg.scid;
	s0 =	stileid.u32  }
0x2: {  	s6 =	rddreg [dreg:$0x0];
	s4 =	smul.u32 $0x140000, s0  }
0x3: {  	s2 =	rddreg [dreg:$0x1];
	s26 =	smul.u32 $0x14000, s0  }
0x4: {  	s3 =	simm.s32 $0x0;
	s14 =	simm.s32 $0x0;
	s11 =	smul.u32 $0x50000, s0  }
0x5: {  	s7 =	sand.u32 $0x1, s1;
	s1 =	rddreg [dreg:$0x2];
	s30 =	smul.u32 $0x500, s0  }
0x6: {  	[smem:$0x7FF] =	sst s3;
	s31 =	sshll.u32 s0, $0x6;
	s5 =	smul.u32 $0xA0000, s7  }
0x7: {  	s8 =	smul.u32 $0x140000, s7;
	_ =	strace $0x80000056;
	s10 =	ssub.s32 $0x2, s7  }
0x8: {  	s13 =	smul.u32 $0x280, s7;
	s28 =	sshrl.u32 s10, $0x1;
	s29 =	sshrl.u32 s11, $0x2  }
0x9: {  	s4 =	sadd.s32 s5, s4;
	s5 =	sadd.s32 s26, s8;
	s10 =	ssub.s32 s10, s28  }
0xa: {  	s12 =	sadd.s32 s29, s2;
	s4 =	sshrl.u32 s4, $0x3;
	s8 =	sshrl.u32 s5, $0x3  }
0xb: {  	s5 =	sadd.s32 $0x14E00, s6;
	s11 =	sshrl.u32 s12, $0x3;
	s12 =	simm.s32 $0x1  }
0xc: {  	s9 =	sadd.s32 s4, s6;
	s4 =	sadd.s32 $0xFE00, s6;
	s8 =	sadd.s32 s8, s6  }
0xd: {  	s6 =	sor.u32 $0x1C01, s31;
	s7 =	sadd.s32 $0x17600, s8;
	s8 =	smax.u32 s10, $0x1  }
0xe: {  	s9 =	sadd.s32 $0x58F400, s9;
	s10 =	sadd.s32 s13, s30;
	s13 =	simm.s32 $0x80  }
.LBB2_1:
0xf: {  	[spmem:s11], [sflag:s6] =	dma.local [hbm:s5], $0x2800  }
0x10: {  	_ =	swait.ge [sflag:s12], $0x2800  }
0x11: {  	s15 =	sadd.s32 $0x0, s10;
	s16 =	sand.u32 $0x70, s3;
	[sflag:s12] =	ssyncset.done $0x0  }
0x12: {  	s15 =	sand.u32 $0xFFFFF80, s15;
	s16 =	sadd.s32 s4, s16;
	[sflag:s12] =	ssyncadd.s32 $0xFFFFD800  }
0x13: {  	s15 =	sadd.s32 s15, s16;
	[bflag:$0x0] =	sbarrier.arrive $0xFFFF  }
0x14: {  	[tilespmem:s3], [sflag:$0x1] =	stream.linear.gather [hbm4b:s15+s3], $0x80, $0x38;
	[tilespmem:$0x18080] =	vst v63  }
0x15: {  	_ =	swait.ge [sflag:s12], $0x80  }
0x16: {  	[sflag:s12] =	ssyncset.done $0x0  }
0x17: {  	[sflag:s12] =	ssyncadd.s32 $0xFFFFFF80  }
0x18: {  	[tilespmem:s13], [sflag:$0x1] =	stream.linear.gather [hbm4b:s9+s3], $0x4000, $0x38;
	[tilespmem:$0x18080] =	vst v63  }
0x19: {  	_ =	swait.ge [sflag:s12], $0x4000  }
0x1a: {  	s17 =	simm.s32 $0x10;
	[sflag:s12] =	ssyncset.done $0x0  }
0x1b: {  	s18 =	sadd.s32 $0x10, s10;
	s19 =	sand.u32 $0x70, s17;
	[sflag:s12] =	ssyncadd.s32 $0xFFFFC000  }
0x1c: {  	[spmem:s2] =	stream.indirect.scatter.add.f32 [tilespmem:s13], [sflag:$0x1], $0x80, s3, s13, $0xb8;
	[tilespmem:$0x18080] =	vst v63  }
0x1d: {  	s17 =	sand.u32 $0xFFFFF80, s18;
	s16 =	simm.s32 $0x20;
	_ =	swait.ge [sflag:s12], $0x4000  }
0x1e: {  	s18 =	sadd.s32 s4, s19;
	s15 =	sadd.s32 $0x800, s9;
	[sflag:s12] =	ssyncset.done $0x0  }
.LBB2_2:
0x1f: {  	s17 =	sadd.s32 s17, s18  }
0x20: {  	[sflag:s12] =	ssyncadd.s32 $0xFFFFC000;
	s18 =	smov.u32 s16;
	s19 =	sadd.s32 $0x10, s16  }
0x21: {  	[tilespmem:s3], [sflag:$0x1] =	stream.linear.gather [hbm4b:s17+s3], $0x80, $0x38;
	[tilespmem:$0x18080] =	vst v63  }
0x22: {  	p0 =	sne.s32 s16, $0x270;
	_ =	swait.ge [sflag:s12], $0x80  }
0x23: {  	[sflag:s12] =	ssyncset.done $0x0  }
0x24: {  	[sflag:s12] =	ssyncadd.s32 $0xFFFFFF80  }
0x25: {  	[tilespmem:s13], [sflag:$0x1] =	stream.linear.gather [hbm4b:s15+s3], $0x4000, $0x38;
	[tilespmem:$0x18080] =	vst v63  }
0x26: {  	_ =	swait.ge [sflag:s12], $0x4000  }
.Ltmp0:
0x27: {  	[sflag:s12] =	ssyncset.done $0x0;
	(pc) =	sbr.rel @p0 .LBB2_2-.Ltmp0, $4  }
0x28: {  	s16 =	sadd.s32 s18, s10;
	s15 =	sadd.s32 $0x800, s15;
	[sflag:s12] =	ssyncadd.s32 $0xFFFFC000  }
0x29: {  	[spmem:s2] =	stream.indirect.scatter.add.f32 [tilespmem:s13], [sflag:$0x1], $0x80, s3, s13, $0xb8;
	[tilespmem:$0x18080] =	vst v63  }
0x2a: {  	s18 =	sand.u32 $0x70, s18;
	s17 =	sand.u32 $0xFFFFF80, s16;
	_ =	swait.ge [sflag:s12], $0x4000  }
0x2b: {  	s18 =	sadd.s32 s4, s18;
	s16 =	smov.u32 s19;
	[sflag:s12] =	ssyncset.done $0x0  }
0x2c: {  	s16 =	sadd.s32 s17, s18;
	[sflag:s12] =	ssyncadd.s32 $0xFFFFC000  }
0x2d: {  	[tilespmem:s3], [sflag:$0x1] =	stream.linear.gather [hbm4b:s16+s3], $0x80, $0x38;
	[tilespmem:$0x18080] =	vst v63  }
0x2e: {  	_ =	swait.ge [sflag:s12], $0x80  }
0x2f: {  	[sflag:s12] =	ssyncset.done $0x0  }
0x30: {  	[sflag:s12] =	ssyncadd.s32 $0xFFFFFF80  }
0x31: {  	[tilespmem:s13], [sflag:$0x1] =	stream.linear.gather [hbm4b:s15+s3], $0x4000, $0x38;
	[tilespmem:$0x18080] =	vst v63  }
0x32: {  	_ =	swait.ge [sflag:s12], $0x4000  }
0x33: {  	[sflag:s12] =	ssyncset.done $0x0  }
0x34: {  	[sflag:s12] =	ssyncadd.s32 $0xFFFFC000  }
0x35: {  	[spmem:s2] =	stream.indirect.scatter.add.f32 [tilespmem:s13], [sflag:$0x1], $0x80, s3, s13, $0xb8;
	[tilespmem:$0x18080] =	vst v63  }
0x36: {  	_ =	swait.ge [sflag:s12], $0x4000  }
0x37: {  	s14 =	sadd.s32 $0x1, s14;
	[sflag:s12] =	ssyncset.done $0x0  }
0x38: {  	p0 =	sne.s32 s14, s8;
	[sflag:s12] =	ssyncadd.s32 $0xFFFFC000  }
.Ltmp1:
0x39: {  	[bflag:$0x0] =	sbarrier.arrive $0xFFFF;
	(pc) =	sbr.rel @p0 .LBB2_1-.Ltmp1, $4  }
0x3a: {  	[hbm:s7], [sflag:s6] =	dma.local [spmem:s11], $0x2800  }
0x3b: {  	_ =	swait.ge [sflag:s12], $0x2800  }
0x3c: {  	[sflag:s12] =	ssyncset.done $0x0  }
0x3d: {  	[sflag:s12] =	ssyncadd.s32 $0xFFFFD800  }
0x3e: {  	_ =	sfence.sel $0x180000  }
0x3f: {  	[bflag:$0x0] =	sbarrier.arrive $0xFFFF  }
0x40: {  	p0 =	sne.s32 s0, $0x0;
	_ =	strace $0x90000056  }
0x41: {  	s0 =	sadd.s32 @!p0 $0x100000, s1;
	[bflag:$0x2] =	sbarrier.arrive $0xFFFF  }
0x42: {  	[sflag:s0] =	ssyncadd.tile.s32 @!p0 $0x1;
	_ =	shalt  }
.Lfunc_end2:
_tile_overlayer_lowered:
.L_overlay_start_2:
0x43: {  	(tag) =	ssettag $0x2  }
0x44: {  	s0 =	rddreg [dreg:$0x0];
	s2 =	stileid.u32  }
0x45: {  	s1 =	rddreg [dreg:$0x1];
	p0 =	sne.s32 s2, $0x0  }
0x46: {  	s3 =	rddreg [dreg:$0x2];
	[bflag:$0x3] =	sbarrier.arrive $0xFFFF;
	s2 =	simm.s32 @!p0 $0x1C01  }
0x47: {  	[timem:s3], [sflag:s2] =	dma.local @!p0 [hbm:s0], s1  }
0x48: {  	s0 =	simm.s32 @!p0 $0x1  }
0x49: {  	_ =	swait.ge @!p0 [sflag:s0], s1  }
0x4a: {  	s1 =	ssub.s32 @!p0 $0x0, s1;
	[sflag:s0] =	ssyncset.done @!p0 $0x0  }
0x4b: {  	[sflag:s0] =	ssyncadd.s32 @!p0 s1  }
0x4c: {  	[bflag:$0x3] =	sbarrier.arrive $0xFFFF  }
0x4d: {  	_ =	shalt  }

</sc_bundles>
